<compile_context>
chip_gen: v7x
topology: tpu7x:2x2x1
jax: 0.10.2.dev20260603
libtpu: 0.0.44.dev20260713+nightly
codegen_flags: <defaults>
</compile_context>

<pallas_src>
import functools

import jax
import jax.numpy as jnp
from jax import lax
from jax.experimental import pallas as pl
from jax.experimental.pallas import tpu as pltpu
from jax.experimental.pallas import tpu_sc as plsc

N_CLS = 1000
N_CTX = 16
D = 512
VOCAB = 49408
M = N_CLS * N_CTX
M_PAD = 16384
V_PAD = 50176
TM = 2048
TV = 1024
NM = M_PAD // TM
NV = V_PAD // TV

SC_NC = 2
SC_NS = 16
SC_NW = SC_NC * SC_NS
B_PER_W = M_PAD // SC_NW
CHUNK = 128
NCHUNK = B_PER_W // CHUNK


CR = 128
CC = 128
LANE_BITS = 1023


def _c2_body(b_ref, o_ref):
    b = b_ref[...]
    ones = jnp.ones((1, D), dtype=b.dtype)
    b2 = lax.dot_general(ones, b * b, (((1,), (1,)), ((), ())),
                         preferred_element_type=jnp.float32)
    o_ref[0] = 0.5 * b2 + 1.0


def _c2_rows(b_pad):
    return pl.pallas_call(
        _c2_body,
        grid=(NV,),
        in_specs=[pl.BlockSpec((TV, D), lambda v: (v, 0))],
        out_specs=pl.BlockSpec((1, 1, TV), lambda v: (v, 0, 0)),
        out_shape=jax.ShapeDtypeStruct((NV, 1, TV), jnp.float32),
    )(b_pad)


def _phase(v, a_ref, b_ref, c2_ref, o_ref, sw_ref, sr_ref,
           best_ref, bidx_ref):
    a = a_ref[...]
    b = b_ref[...]
    u = v - 1
    u0 = u == 0
    lanes = [
        lax.broadcasted_iota(jnp.int32, (CR, CC), 1) + c * CC
        for c in range(TV // CC)
    ]
    locals_ = []
    nsplit = 8
    nw = TV // nsplit
    rper = (TM // CR) // nsplit
    for half in range(nsplit):
        cs = slice(half * nw, (half + 1) * nw)
        sw_ref[:, cs] = lax.dot_general(
            a, b[cs, :], (((1,), (1,)), ((), ())),
            preferred_element_type=jnp.float32)
        for r in range(half * rper, (half + 1) * rper):
            rs = slice(r * CR, (r + 1) * CR)
            ks = []
            for c in range(TV // CC):
                y = sr_ref[rs, c * CC:(c + 1) * CC] \
                    + c2_ref[0, :, c * CC:(c + 1) * CC]
                bits = jax.lax.bitcast_convert_type(y, jnp.int32)
                ks.append(jax.lax.bitcast_convert_type(
                    (bits & ~LANE_BITS) | lanes[c], jnp.float32))
            while len(ks) > 1:
                ks = [jnp.minimum(ks[i], ks[i + 1])
                      for i in range(0, len(ks), 2)]
            locals_.append(jnp.min(ks[0], axis=1))

    local = jnp.stack(locals_)
    lbits = jax.lax.bitcast_convert_type(local, jnp.int32)
    gidx = (lbits & LANE_BITS) + u * TV

    @pl.when(v > 0)
    def _():
        better = jnp.logical_or(local < best_ref[...], u0)
        bidx_ref[...] = jnp.where(better, gidx, bidx_ref[...])
        best_ref[...] = jnp.where(better, local, best_ref[...])

    @pl.when(v == NV)
    def _():
        o_ref[0] = bidx_ref[...]


def _argmin_body(a_ref, b_ref, c2_ref, o_ref, s0_ref, s1_ref,
                 best_ref, bidx_ref):
    v = pl.program_id(1)
    p = lax.rem(v, 2)

    @pl.when(p == 0)
    def _():
        _phase(v, a_ref, b_ref, c2_ref, o_ref, s0_ref, s1_ref,
               best_ref, bidx_ref)

    @pl.when(p == 1)
    def _():
        _phase(v, a_ref, b_ref, c2_ref, o_ref, s1_ref, s0_ref,
               best_ref, bidx_ref)


def _nearest_indices(a_pad, b_pad):
    c2_all = _c2_rows(b_pad)
    out = pl.pallas_call(
        _argmin_body,
        grid=(NM, NV + 1),
        in_specs=[
            pl.BlockSpec((TM, D), lambda m, v: (m, 0)),
            pl.BlockSpec((TV, D), lambda m, v: (jnp.minimum(v, NV - 1), 0)),
            pl.BlockSpec((1, 1, TV),
                         lambda m, v: (jnp.maximum(v - 1, 0), 0, 0)),
        ],
        out_specs=pl.BlockSpec((1, TM // CR, CR), lambda m, v: (m, 0, 0)),
        out_shape=jax.ShapeDtypeStruct((NM, TM // CR, CR), jnp.int32),
        scratch_shapes=[
            pltpu.VMEM((TM, TV), jnp.float32),
            pltpu.VMEM((TM, TV), jnp.float32),
            pltpu.VMEM((TM // CR, CR), jnp.float32),
            pltpu.VMEM((TM // CR, CR), jnp.int32),
        ],
        compiler_params=pltpu.CompilerParams(
            dimension_semantics=("parallel", "arbitrary"),
        ),
    )(a_pad, b_pad, c2_all)
    return out


def _sc_gather_body(table_hbm, idx_hbm, out_hbm, idx_v, rows_v, sem):
    wid = lax.axis_index("s") * SC_NC + lax.axis_index("c")
    for c in range(NCHUNK):
        base = wid * B_PER_W + c * CHUNK
        pltpu.sync_copy(idx_hbm.at[pl.ds(base, CHUNK)], idx_v)
        pltpu.async_copy(table_hbm.at[idx_v], rows_v, sem).wait()
        pltpu.sync_copy(rows_v, out_hbm.at[pl.ds(base, CHUNK)])


@functools.cache
def _sc_gather():
    return pl.kernel(
        _sc_gather_body,
        out_type=jax.ShapeDtypeStruct((M_PAD, D), jnp.float32),
        mesh=plsc.VectorSubcoreMesh(core_axis_name="c", subcore_axis_name="s"),
        scratch_types=[
            pltpu.VMEM((CHUNK,), jnp.int32),
            pltpu.VMEM((CHUNK, D), jnp.float32),
            pltpu.SemaphoreType.DMA,
        ],
    )


def kernel(ctx, token_embedding, token_prefix, token_suffix):
    a = ctx.reshape(M, D)
    a_pad = jnp.pad(-a, ((0, M_PAD - M), (0, 0))).astype(jnp.bfloat16)
    b_pad = jnp.pad(token_embedding, ((0, V_PAD - VOCAB), (0, 0)),
                    constant_values=100.0).astype(jnp.bfloat16)
    idx = _nearest_indices(a_pad, b_pad).reshape(M_PAD)
    projected_flat = _sc_gather()(token_embedding, idx)
    projected = projected_flat[:M].reshape(N_CLS, N_CTX, D)
    return jnp.concatenate([token_prefix, projected, token_suffix], axis=1)

# --- scband reference (transcript-rebuilt; emitter-appended) ---
"""Pipeline reference for scband-prompt-learner-79070347919546 (READ-ONLY COPY).

The authoritative reference and input builder live on the scoring server;
editing this copy changes nothing except your own understanding.
"""

import jax, jax.numpy as jnp
import numpy as np

N_CLS = 1000
N_CTX = 16
CTX_DIM = 512
VOCAB = 49408
SUFFIX_LEN = 60


def setup_inputs(seed: int = 0) -> dict:
    key = jax.random.key(seed)
    k1, k2, k3, k4 = jax.random.split(key, 4)
    ctx = jax.random.normal(k1, (N_CLS, N_CTX, CTX_DIM), dtype=jnp.float32) * 0.02
    token_embedding = jax.random.normal(k2, (VOCAB, CTX_DIM), dtype=jnp.float32) * 0.02
    token_prefix = jax.random.normal(k3, (N_CLS, 1, CTX_DIM), dtype=jnp.float32)
    token_suffix = jax.random.normal(k4, (N_CLS, SUFFIX_LEN, CTX_DIM), dtype=jnp.float32)
    return {
        'ctx': ctx,
        'token_embedding': token_embedding,
        'token_prefix': token_prefix,
        'token_suffix': token_suffix,
    }


def _cdist2(a, b):
    # Euclidean distance matrix, p=2, matching torch.cdist
    a2 = jnp.sum(a * a, axis=1, keepdims=True)          # [M, 1]
    b2 = jnp.sum(b * b, axis=1)[None, :]                # [1, K]
    d2 = a2 - 2.0 * (a @ b.T) + b2                      # [M, K]
    return jnp.sqrt(jnp.maximum(d2, 0.0))


def reference(ctx, token_embedding, token_prefix, token_suffix):
    # project_to_vocabulary (PEZ Proj_E) with straight-through estimator
    flat_continuous = ctx.reshape(-1, ctx.shape[-1])                 # [n_cls*n_ctx, d]
    distances = _cdist2(flat_continuous, token_embedding)            # [n_cls*n_ctx, vocab]
    nearest_indices = jnp.argmin(distances, axis=1)                  # [n_cls*n_ctx]
    projected_flat = jnp.take(token_embedding, nearest_indices, axis=0)
    projected = projected_flat.reshape(ctx.shape)
    projected_ctx = ctx + jax.lax.stop_gradient(projected - ctx)     # STE
    # assemble prompts: [prefix(1), ctx(n_ctx), suffix] along seq dim
    prompts = jnp.concatenate([token_prefix, projected_ctx, token_suffix], axis=1)
    return prompts

if __name__ == "__main__":
    import jax
    _d = setup_inputs()
    print(jax.jit(kernel)(*tuple(_d.values())))

</pallas_src>

<mosaic_0001>
#map = affine_map<(d0, d1) -> (0, 0)>
#map1 = affine_map<(d0, d1) -> (0)>
module attributes {stable_mosaic.version = 14 : i64} {
  func.func @_sc_gather_body(%arg0: i32, %arg1: i32, %arg2: memref<49408x512xf32, #tpu.memory_space<hbm>>, %arg3: memref<16384xi32, #tpu.memory_space<hbm>>, %arg4: memref<16384x512xf32, #tpu.memory_space<hbm>>, %arg5: memref<128xi32, #tpu.memory_space<vmem>>, %arg6: memref<128x512xf32, #tpu.memory_space<vmem>>, %arg7: memref<!tpu.dma_semaphore, #tpu.memory_space<semaphore_mem>>) attributes {dimension_semantics = [#tpu.dimension_semantics<core_parallel>, #tpu.dimension_semantics<subcore_parallel>], iteration_bounds = array<i64: 2, 16>, scalar_prefetch = 0 : i64, scratch_operands = 3 : i64, tpu.core_type = #tpu.core_type<sc_vector_subcore>, window_params = [{transform_indices = #map}, {transform_indices = #map1}, {transform_indices = #map}]} {
    %mul3A = arith.constant 2 : i32
    %mul3A_0 = arith.muli %arg1, %mul3A : i32
    %add3A = arith.addi %mul3A_0, %arg0 : i32
    %mul3A_1 = arith.constant 512 : i32
    %mul3A_2 = arith.muli %add3A, %mul3A_1 : i32
    %add3A_3 = arith.constant 0 : i32
    %add3A_4 = arith.addi %mul3A_2, %add3A_3 : i32
    "tpu.region"() ({
      %run_scoped3A = tpu.sem_alloc : memref<!tpu.dma_semaphore, #tpu.memory_space<semaphore_mem>>
      %dma_start3A_39 = tpu.memref_slice %arg3[%add3A_4] : memref<16384xi32, #tpu.memory_space<hbm>> -> memref<128xi32, #tpu.memory_space<hbm>>
      %dma_start3A_40 = tpu.memref_slice %arg3[%add3A_4] : memref<16384xi32, #tpu.memory_space<hbm>> -> memref<128xi32, #tpu.memory_space<hbm>>
      tpu.enqueue_dma source(%dma_start3A_40 : memref<128xi32, #tpu.memory_space<hbm>>) target(%arg5 : memref<128xi32, #tpu.memory_space<vmem>>) target_semaphore(%run_scoped3A : memref<!tpu.dma_semaphore, #tpu.memory_space<semaphore_mem>>)
      %dma_wait3A_41 = tpu.memref_slice %arg3[%add3A_4] : memref<16384xi32, #tpu.memory_space<hbm>> -> memref<128xi32, #tpu.memory_space<hbm>>
      %dma_wait3A_42 = tpu.memref_slice %arg3[%add3A_4] : memref<16384xi32, #tpu.memory_space<hbm>> -> memref<128xi32, #tpu.memory_space<hbm>>
      tpu.wait_dma2 semaphore(%run_scoped3A : memref<!tpu.dma_semaphore, #tpu.memory_space<semaphore_mem>>) src(%dma_wait3A_42 : memref<128xi32, #tpu.memory_space<hbm>>) dst(%arg5 : memref<128xi32, #tpu.memory_space<vmem>>)
      tpu.yield
    }) : () -> ()
    %dma_start3A = arith.constant 0 : i32
    %dma_start3A_5 = arith.constant 0 : i32
    %dma_start3A_6 = tpu.memref_slice %arg2[%dma_start3A, %dma_start3A_5] : memref<49408x512xf32, #tpu.memory_space<hbm>> -> memref<49408x512xf32, #tpu.memory_space<hbm>>
    tpu.enqueue_indirect_dma source(%dma_start3A_6 : memref<49408x512xf32, #tpu.memory_space<hbm>>) target(%arg6 : memref<128x512xf32, #tpu.memory_space<vmem>>) offsets(%arg5 : memref<128xi32, #tpu.memory_space<vmem>>) semaphore(%arg7 : memref<!tpu.dma_semaphore, #tpu.memory_space<semaphore_mem>>)
    %dma_wait3A = arith.constant 0 : i32
    %dma_wait3A_7 = arith.constant 0 : i32
    %dma_wait3A_8 = tpu.memref_slice %arg2[%dma_wait3A, %dma_wait3A_7] : memref<49408x512xf32, #tpu.memory_space<hbm>> -> memref<49408x512xf32, #tpu.memory_space<hbm>>
    tpu.wait_indirect_dma semaphore(%arg7 : memref<!tpu.dma_semaphore, #tpu.memory_space<semaphore_mem>>) src(%dma_wait3A_8 : memref<49408x512xf32, #tpu.memory_space<hbm>>) dst(%arg6 : memref<128x512xf32, #tpu.memory_space<vmem>>)
    "tpu.region"() ({
      %run_scoped3A = tpu.sem_alloc : memref<!tpu.dma_semaphore, #tpu.memory_space<semaphore_mem>>
      %dma_start3A_39 = arith.constant 0 : i32
      %dma_start3A_40 = tpu.memref_slice %arg4[%add3A_4, %dma_start3A_39] : memref<16384x512xf32, #tpu.memory_space<hbm>> -> memref<128x512xf32, #tpu.memory_space<hbm>>
      %dma_start3A_41 = arith.constant 0 : i32
      %dma_start3A_42 = tpu.memref_slice %arg4[%add3A_4, %dma_start3A_41] : memref<16384x512xf32, #tpu.memory_space<hbm>> -> memref<128x512xf32, #tpu.memory_space<hbm>>
      tpu.enqueue_dma source(%arg6 : memref<128x512xf32, #tpu.memory_space<vmem>>) target(%dma_start3A_42 : memref<128x512xf32, #tpu.memory_space<hbm>>) target_semaphore(%run_scoped3A : memref<!tpu.dma_semaphore, #tpu.memory_space<semaphore_mem>>)
      %dma_wait3A_43 = arith.constant 0 : i32
      %dma_wait3A_44 = tpu.memref_slice %arg4[%add3A_4, %dma_wait3A_43] : memref<16384x512xf32, #tpu.memory_space<hbm>> -> memref<128x512xf32, #tpu.memory_space<hbm>>
      %dma_wait3A_45 = arith.constant 0 : i32
      %dma_wait3A_46 = tpu.memref_slice %arg4[%add3A_4, %dma_wait3A_45] : memref<16384x512xf32, #tpu.memory_space<hbm>> -> memref<128x512xf32, #tpu.memory_space<hbm>>
      tpu.wait_dma2 semaphore(%run_scoped3A : memref<!tpu.dma_semaphore, #tpu.memory_space<semaphore_mem>>) src(%arg6 : memref<128x512xf32, #tpu.memory_space<vmem>>) dst(%dma_wait3A_46 : memref<128x512xf32, #tpu.memory_space<hbm>>)
      tpu.yield
    }) : () -> ()
    %mul3A_9 = arith.constant 512 : i32
    %mul3A_10 = arith.muli %add3A, %mul3A_9 : i32
    %add3A_11 = arith.constant 128 : i32
    %add3A_12 = arith.addi %mul3A_10, %add3A_11 : i32
    "tpu.region"() ({
      %run_scoped3A = tpu.sem_alloc : memref<!tpu.dma_semaphore, #tpu.memory_space<semaphore_mem>>
      %dma_start3A_39 = tpu.memref_slice %arg3[%add3A_12] : memref<16384xi32, #tpu.memory_space<hbm>> -> memref<128xi32, #tpu.memory_space<hbm>>
      %dma_start3A_40 = tpu.memref_slice %arg3[%add3A_12] : memref<16384xi32, #tpu.memory_space<hbm>> -> memref<128xi32, #tpu.memory_space<hbm>>
      tpu.enqueue_dma source(%dma_start3A_40 : memref<128xi32, #tpu.memory_space<hbm>>) target(%arg5 : memref<128xi32, #tpu.memory_space<vmem>>) target_semaphore(%run_scoped3A : memref<!tpu.dma_semaphore, #tpu.memory_space<semaphore_mem>>)
      %dma_wait3A_41 = tpu.memref_slice %arg3[%add3A_12] : memref<16384xi32, #tpu.memory_space<hbm>> -> memref<128xi32, #tpu.memory_space<hbm>>
      %dma_wait3A_42 = tpu.memref_slice %arg3[%add3A_12] : memref<16384xi32, #tpu.memory_space<hbm>> -> memref<128xi32, #tpu.memory_space<hbm>>
      tpu.wait_dma2 semaphore(%run_scoped3A : memref<!tpu.dma_semaphore, #tpu.memory_space<semaphore_mem>>) src(%dma_wait3A_42 : memref<128xi32, #tpu.memory_space<hbm>>) dst(%arg5 : memref<128xi32, #tpu.memory_space<vmem>>)
      tpu.yield
    }) : () -> ()
    %dma_start3A_13 = arith.constant 0 : i32
    %dma_start3A_14 = arith.constant 0 : i32
    %dma_start3A_15 = tpu.memref_slice %arg2[%dma_start3A_13, %dma_start3A_14] : memref<49408x512xf32, #tpu.memory_space<hbm>> -> memref<49408x512xf32, #tpu.memory_space<hbm>>
    tpu.enqueue_indirect_dma source(%dma_start3A_15 : memref<49408x512xf32, #tpu.memory_space<hbm>>) target(%arg6 : memref<128x512xf32, #tpu.memory_space<vmem>>) offsets(%arg5 : memref<128xi32, #tpu.memory_space<vmem>>) semaphore(%arg7 : memref<!tpu.dma_semaphore, #tpu.memory_space<semaphore_mem>>)
    %dma_wait3A_16 = arith.constant 0 : i32
    %dma_wait3A_17 = arith.constant 0 : i32
    %dma_wait3A_18 = tpu.memref_slice %arg2[%dma_wait3A_16, %dma_wait3A_17] : memref<49408x512xf32, #tpu.memory_space<hbm>> -> memref<49408x512xf32, #tpu.memory_space<hbm>>
    tpu.wait_indirect_dma semaphore(%arg7 : memref<!tpu.dma_semaphore, #tpu.memory_space<semaphore_mem>>) src(%dma_wait3A_18 : memref<49408x512xf32, #tpu.memory_space<hbm>>) dst(%arg6 : memref<128x512xf32, #tpu.memory_space<vmem>>)
    "tpu.region"() ({
      %run_scoped3A = tpu.sem_alloc : memref<!tpu.dma_semaphore, #tpu.memory_space<semaphore_mem>>
      %dma_start3A_39 = arith.constant 0 : i32
      %dma_start3A_40 = tpu.memref_slice %arg4[%add3A_12, %dma_start3A_39] : memref<16384x512xf32, #tpu.memory_space<hbm>> -> memref<128x512xf32, #tpu.memory_space<hbm>>
      %dma_start3A_41 = arith.constant 0 : i32
      %dma_start3A_42 = tpu.memref_slice %arg4[%add3A_12, %dma_start3A_41] : memref<16384x512xf32, #tpu.memory_space<hbm>> -> memref<128x512xf32, #tpu.memory_space<hbm>>
      tpu.enqueue_dma source(%arg6 : memref<128x512xf32, #tpu.memory_space<vmem>>) target(%dma_start3A_42 : memref<128x512xf32, #tpu.memory_space<hbm>>) target_semaphore(%run_scoped3A : memref<!tpu.dma_semaphore, #tpu.memory_space<semaphore_mem>>)
      %dma_wait3A_43 = arith.constant 0 : i32
      %dma_wait3A_44 = tpu.memref_slice %arg4[%add3A_12, %dma_wait3A_43] : memref<16384x512xf32, #tpu.memory_space<hbm>> -> memref<128x512xf32, #tpu.memory_space<hbm>>
      %dma_wait3A_45 = arith.constant 0 : i32
      %dma_wait3A_46 = tpu.memref_slice %arg4[%add3A_12, %dma_wait3A_45] : memref<16384x512xf32, #tpu.memory_space<hbm>> -> memref<128x512xf32, #tpu.memory_space<hbm>>
      tpu.wait_dma2 semaphore(%run_scoped3A : memref<!tpu.dma_semaphore, #tpu.memory_space<semaphore_mem>>) src(%arg6 : memref<128x512xf32, #tpu.memory_space<vmem>>) dst(%dma_wait3A_46 : memref<128x512xf32, #tpu.memory_space<hbm>>)
      tpu.yield
    }) : () -> ()
    %mul3A_19 = arith.constant 512 : i32
    %mul3A_20 = arith.muli %add3A, %mul3A_19 : i32
    %add3A_21 = arith.constant 256 : i32
    %add3A_22 = arith.addi %mul3A_20, %add3A_21 : i32
    "tpu.region"() ({
      %run_scoped3A = tpu.sem_alloc : memref<!tpu.dma_semaphore, #tpu.memory_space<semaphore_mem>>
      %dma_start3A_39 = tpu.memref_slice %arg3[%add3A_22] : memref<16384xi32, #tpu.memory_space<hbm>> -> memref<128xi32, #tpu.memory_space<hbm>>
      %dma_start3A_40 = tpu.memref_slice %arg3[%add3A_22] : memref<16384xi32, #tpu.memory_space<hbm>> -> memref<128xi32, #tpu.memory_space<hbm>>
      tpu.enqueue_dma source(%dma_start3A_40 : memref<128xi32, #tpu.memory_space<hbm>>) target(%arg5 : memref<128xi32, #tpu.memory_space<vmem>>) target_semaphore(%run_scoped3A : memref<!tpu.dma_semaphore, #tpu.memory_space<semaphore_mem>>)
      %dma_wait3A_41 = tpu.memref_slice %arg3[%add3A_22] : memref<16384xi32, #tpu.memory_space<hbm>> -> memref<128xi32, #tpu.memory_space<hbm>>
      %dma_wait3A_42 = tpu.memref_slice %arg3[%add3A_22] : memref<16384xi32, #tpu.memory_space<hbm>> -> memref<128xi32, #tpu.memory_space<hbm>>
      tpu.wait_dma2 semaphore(%run_scoped3A : memref<!tpu.dma_semaphore, #tpu.memory_space<semaphore_mem>>) src(%dma_wait3A_42 : memref<128xi32, #tpu.memory_space<hbm>>) dst(%arg5 : memref<128xi32, #tpu.memory_space<vmem>>)
      tpu.yield
    }) : () -> ()
    %dma_start3A_23 = arith.constant 0 : i32
    %dma_start3A_24 = arith.constant 0 : i32
    %dma_start3A_25 = tpu.memref_slice %arg2[%dma_start3A_23, %dma_start3A_24] : memref<49408x512xf32, #tpu.memory_space<hbm>> -> memref<49408x512xf32, #tpu.memory_space<hbm>>
    tpu.enqueue_indirect_dma source(%dma_start3A_25 : memref<49408x512xf32, #tpu.memory_space<hbm>>) target(%arg6 : memref<128x512xf32, #tpu.memory_space<vmem>>) offsets(%arg5 : memref<128xi32, #tpu.memory_space<vmem>>) semaphore(%arg7 : memref<!tpu.dma_semaphore, #tpu.memory_space<semaphore_mem>>)
    %dma_wait3A_26 = arith.constant 0 : i32
    %dma_wait3A_27 = arith.constant 0 : i32
    %dma_wait3A_28 = tpu.memref_slice %arg2[%dma_wait3A_26, %dma_wait3A_27] : memref<49408x512xf32, #tpu.memory_space<hbm>> -> memref<49408x512xf32, #tpu.memory_space<hbm>>
    tpu.wait_indirect_dma semaphore(%arg7 : memref<!tpu.dma_semaphore, #tpu.memory_space<semaphore_mem>>) src(%dma_wait3A_28 : memref<49408x512xf32, #tpu.memory_space<hbm>>) dst(%arg6 : memref<128x512xf32, #tpu.memory_space<vmem>>)
    "tpu.region"() ({
      %run_scoped3A = tpu.sem_alloc : memref<!tpu.dma_semaphore, #tpu.memory_space<semaphore_mem>>
      %dma_start3A_39 = arith.constant 0 : i32
      %dma_start3A_40 = tpu.memref_slice %arg4[%add3A_22, %dma_start3A_39] : memref<16384x512xf32, #tpu.memory_space<hbm>> -> memref<128x512xf32, #tpu.memory_space<hbm>>
      %dma_start3A_41 = arith.constant 0 : i32
      %dma_start3A_42 = tpu.memref_slice %arg4[%add3A_22, %dma_start3A_41] : memref<16384x512xf32, #tpu.memory_space<hbm>> -> memref<128x512xf32, #tpu.memory_space<hbm>>
      tpu.enqueue_dma source(%arg6 : memref<128x512xf32, #tpu.memory_space<vmem>>) target(%dma_start3A_42 : memref<128x512xf32, #tpu.memory_space<hbm>>) target_semaphore(%run_scoped3A : memref<!tpu.dma_semaphore, #tpu.memory_space<semaphore_mem>>)
      %dma_wait3A_43 = arith.constant 0 : i32
      %dma_wait3A_44 = tpu.memref_slice %arg4[%add3A_22, %dma_wait3A_43] : memref<16384x512xf32, #tpu.memory_space<hbm>> -> memref<128x512xf32, #tpu.memory_space<hbm>>
      %dma_wait3A_45 = arith.constant 0 : i32
      %dma_wait3A_46 = tpu.memref_slice %arg4[%add3A_22, %dma_wait3A_45] : memref<16384x512xf32, #tpu.memory_space<hbm>> -> memref<128x512xf32, #tpu.memory_space<hbm>>
      tpu.wait_dma2 semaphore(%run_scoped3A : memref<!tpu.dma_semaphore, #tpu.memory_space<semaphore_mem>>) src(%arg6 : memref<128x512xf32, #tpu.memory_space<vmem>>) dst(%dma_wait3A_46 : memref<128x512xf32, #tpu.memory_space<hbm>>)
      tpu.yield
    }) : () -> ()
    %mul3A_29 = arith.constant 512 : i32
    %mul3A_30 = arith.muli %add3A, %mul3A_29 : i32
    %add3A_31 = arith.constant 384 : i32
    %add3A_32 = arith.addi %mul3A_30, %add3A_31 : i32
    "tpu.region"() ({
      %run_scoped3A = tpu.sem_alloc : memref<!tpu.dma_semaphore, #tpu.memory_space<semaphore_mem>>
      %dma_start3A_39 = tpu.memref_slice %arg3[%add3A_32] : memref<16384xi32, #tpu.memory_space<hbm>> -> memref<128xi32, #tpu.memory_space<hbm>>
      %dma_start3A_40 = tpu.memref_slice %arg3[%add3A_32] : memref<16384xi32, #tpu.memory_space<hbm>> -> memref<128xi32, #tpu.memory_space<hbm>>
      tpu.enqueue_dma source(%dma_start3A_40 : memref<128xi32, #tpu.memory_space<hbm>>) target(%arg5 : memref<128xi32, #tpu.memory_space<vmem>>) target_semaphore(%run_scoped3A : memref<!tpu.dma_semaphore, #tpu.memory_space<semaphore_mem>>)
      %dma_wait3A_41 = tpu.memref_slice %arg3[%add3A_32] : memref<16384xi32, #tpu.memory_space<hbm>> -> memref<128xi32, #tpu.memory_space<hbm>>
      %dma_wait3A_42 = tpu.memref_slice %arg3[%add3A_32] : memref<16384xi32, #tpu.memory_space<hbm>> -> memref<128xi32, #tpu.memory_space<hbm>>
      tpu.wait_dma2 semaphore(%run_scoped3A : memref<!tpu.dma_semaphore, #tpu.memory_space<semaphore_mem>>) src(%dma_wait3A_42 : memref<128xi32, #tpu.memory_space<hbm>>) dst(%arg5 : memref<128xi32, #tpu.memory_space<vmem>>)
      tpu.yield
    }) : () -> ()
    %dma_start3A_33 = arith.constant 0 : i32
    %dma_start3A_34 = arith.constant 0 : i32
    %dma_start3A_35 = tpu.memref_slice %arg2[%dma_start3A_33, %dma_start3A_34] : memref<49408x512xf32, #tpu.memory_space<hbm>> -> memref<49408x512xf32, #tpu.memory_space<hbm>>
    tpu.enqueue_indirect_dma source(%dma_start3A_35 : memref<49408x512xf32, #tpu.memory_space<hbm>>) target(%arg6 : memref<128x512xf32, #tpu.memory_space<vmem>>) offsets(%arg5 : memref<128xi32, #tpu.memory_space<vmem>>) semaphore(%arg7 : memref<!tpu.dma_semaphore, #tpu.memory_space<semaphore_mem>>)
    %dma_wait3A_36 = arith.constant 0 : i32
    %dma_wait3A_37 = arith.constant 0 : i32
    %dma_wait3A_38 = tpu.memref_slice %arg2[%dma_wait3A_36, %dma_wait3A_37] : memref<49408x512xf32, #tpu.memory_space<hbm>> -> memref<49408x512xf32, #tpu.memory_space<hbm>>
    tpu.wait_indirect_dma semaphore(%arg7 : memref<!tpu.dma_semaphore, #tpu.memory_space<semaphore_mem>>) src(%dma_wait3A_38 : memref<49408x512xf32, #tpu.memory_space<hbm>>) dst(%arg6 : memref<128x512xf32, #tpu.memory_space<vmem>>)
    "tpu.region"() ({
      %run_scoped3A = tpu.sem_alloc : memref<!tpu.dma_semaphore, #tpu.memory_space<semaphore_mem>>
      %dma_start3A_39 = arith.constant 0 : i32
      %dma_start3A_40 = tpu.memref_slice %arg4[%add3A_32, %dma_start3A_39] : memref<16384x512xf32, #tpu.memory_space<hbm>> -> memref<128x512xf32, #tpu.memory_space<hbm>>
      %dma_start3A_41 = arith.constant 0 : i32
      %dma_start3A_42 = tpu.memref_slice %arg4[%add3A_32, %dma_start3A_41] : memref<16384x512xf32, #tpu.memory_space<hbm>> -> memref<128x512xf32, #tpu.memory_space<hbm>>
      tpu.enqueue_dma source(%arg6 : memref<128x512xf32, #tpu.memory_space<vmem>>) target(%dma_start3A_42 : memref<128x512xf32, #tpu.memory_space<hbm>>) target_semaphore(%run_scoped3A : memref<!tpu.dma_semaphore, #tpu.memory_space<semaphore_mem>>)
      %dma_wait3A_43 = arith.constant 0 : i32
      %dma_wait3A_44 = tpu.memref_slice %arg4[%add3A_32, %dma_wait3A_43] : memref<16384x512xf32, #tpu.memory_space<hbm>> -> memref<128x512xf32, #tpu.memory_space<hbm>>
      %dma_wait3A_45 = arith.constant 0 : i32
      %dma_wait3A_46 = tpu.memref_slice %arg4[%add3A_32, %dma_wait3A_45] : memref<16384x512xf32, #tpu.memory_space<hbm>> -> memref<128x512xf32, #tpu.memory_space<hbm>>
      tpu.wait_dma2 semaphore(%run_scoped3A : memref<!tpu.dma_semaphore, #tpu.memory_space<semaphore_mem>>) src(%arg6 : memref<128x512xf32, #tpu.memory_space<vmem>>) dst(%dma_wait3A_46 : memref<128x512xf32, #tpu.memory_space<hbm>>)
      tpu.yield
    }) : () -> ()
    return
  }
}

module attributes {stable_mosaic.version = 14 : i64} {
  func.func @_c2_body(%arg0: i32, %arg1: memref<1024x512xbf16, #tpu.memory_space<vmem>>, %arg2: memref<1x1x1024xf32, #tpu.memory_space<vmem>>) attributes {dimension_semantics = [#tpu.dimension_semantics<arbitrary>], iteration_bounds = array<i64: 49>, scalar_prefetch = 0 : i64, scratch_operands = 0 : i64, tpu.core_type = #tpu.core_type<tc>, window_params = [{transform_indices = @transform_0, window_bounds = array<i64: 1024, 512>}, {transform_indices = @transform_1, window_bounds = array<i64: 1, 1, 1024>}]} {
    %get3A = arith.constant 0 : index
    %get3A_0 = arith.constant 0 : index
    %get3A_1 = vector.load %arg1[%get3A, %get3A_0] : memref<1024x512xbf16, #tpu.memory_space<vmem>>, vector<1024x512xbf16>
    %broadcast_in_dim3A = arith.constant 1.000000e+00 : bf16
    %broadcast_in_dim3A_2 = vector.broadcast %broadcast_in_dim3A : bf16 to vector<1x512xbf16>
    %mul3A = arith.mulf %get3A_1, %get3A_1 : vector<1024x512xbf16>
    %dot_general3A = arith.constant dense<0.000000e+00> : vector<1x1024xf32>
    %dot_general3A_3 = tpu.matmul %broadcast_in_dim3A_2, %mul3A, %dot_general3A {dimension_numbers = #tpu.dot_dimension_numbers<[1], [1], [0], [0], [0, 0, 1, 0], [], []>, transpose_lhs_hint = false} : vector<1x512xbf16>, vector<1024x512xbf16>, vector<1x1024xf32> -> vector<1x1024xf32>
    %mul3A_4 = arith.constant 5.000000e-01 : f32
    %mul3A_5 = vector.broadcast %mul3A_4 : f32 to vector<1x1024xf32>
    %mul3A_6 = arith.mulf %mul3A_5, %dot_general3A_3 : vector<1x1024xf32>
    %add3A = arith.constant 1.000000e+00 : f32
    %add3A_7 = vector.broadcast %add3A : f32 to vector<1x1024xf32>
    %add3A_8 = arith.addf %mul3A_6, %add3A_7 : vector<1x1024xf32>
    %swap3A = arith.constant 0 : index
    %swap3A_9 = arith.constant 0 : index
    %swap3A_10 = arith.constant 0 : index
    %swap3A_11 = vector.load %arg2[%swap3A, %swap3A_9, %swap3A_10] : memref<1x1x1024xf32, #tpu.memory_space<vmem>>, vector<1x1x1024xf32>
    %swap3A_12 = vector.shape_cast %swap3A_11 : vector<1x1x1024xf32> to vector<1x1024xf32>
    %swap3A_13 = vector.shape_cast %add3A_8 : vector<1x1024xf32> to vector<1x1x1024xf32>
    tpu.vector_store %arg2[%swap3A, %swap3A_9, %swap3A_10], %swap3A_13 {strides = array<i32>} : memref<1x1x1024xf32, #tpu.memory_space<vmem>>, vector<1x1x1024xf32>,
    return
  }
  func.func @transform_0(%arg0: i32) -> (i32, i32) {
    %c0_i32 = arith.constant 0 : i32
    %c0_i32_0 = arith.constant 0 : i32
    return %arg0, %c0_i32 : i32, i32
  }
  func.func @transform_1(%arg0: i32) -> (i32, i32, i32) {
    %c0_i32 = arith.constant 0 : i32
    %c0_i32_0 = arith.constant 0 : i32
    %c0_i32_1 = arith.constant 0 : i32
    return %arg0, %c0_i32, %c0_i32_0 : i32, i32, i32
  }
}

module attributes {stable_mosaic.version = 14 : i64} {
  func.func @_argmin_body(%arg0: i32, %arg1: i32, %arg2: memref<2048x512xbf16, #tpu.memory_space<vmem>>, %arg3: memref<1024x512xbf16, #tpu.memory_space<vmem>>, %arg4: memref<1x1x1024xf32, #tpu.memory_space<vmem>>, %arg5: memref<1x16x128xi32, #tpu.memory_space<vmem>>, %arg6: memref<2048x1024xf32, #tpu.memory_space<vmem>>, %arg7: memref<2048x1024xf32, #tpu.memory_space<vmem>>, %arg8: memref<16x128xf32, #tpu.memory_space<vmem>>, %arg9: memref<16x128xi32, #tpu.memory_space<vmem>>) attributes {dimension_semantics = [#tpu.dimension_semantics<parallel>, #tpu.dimension_semantics<arbitrary>], iteration_bounds = array<i64: 8, 50>, scalar_prefetch = 0 : i64, scratch_operands = 4 : i64, tpu.core_type = #tpu.core_type<tc>, window_params = [{transform_indices = @transform_0, window_bounds = array<i64: 2048, 512>}, {transform_indices = @transform_1, window_bounds = array<i64: 1024, 512>}, {transform_indices = @transform_2, window_bounds = array<i64: 1, 1, 1024>}, {transform_indices = @transform_3, window_bounds = array<i64: 1, 16, 128>}]} {
    %rem3A = arith.constant 2 : i32
    %rem3A_0 = arith.remsi %arg1, %rem3A : i32
    %eq3A = arith.constant 0 : i32
    %eq3A_1 = arith.cmpi eq, %rem3A_0, %eq3A : i32
    %convert_element_type3A = arith.extui %eq3A_1 : i1 to i32
    %cond3A = arith.constant 0 : i32
    %cond3A_2 = arith.cmpi ne, %convert_element_type3A, %cond3A : i32
    scf.if %cond3A_2 {
      %get3A = arith.constant 0 : index
      %get3A_8 = arith.constant 0 : index
      %get3A_9 = vector.load %arg2[%get3A, %get3A_8] : memref<2048x512xbf16, #tpu.memory_space<vmem>>, vector<2048x512xbf16>
      %get3A_10 = arith.constant 0 : index
      %get3A_11 = arith.constant 0 : index
      %get3A_12 = vector.load %arg3[%get3A_10, %get3A_11] : memref<1024x512xbf16, #tpu.memory_space<vmem>>, vector<1024x512xbf16>
      %sub3A = arith.constant 1 : i32
      %sub3A_13 = arith.subi %arg1, %sub3A : i32
      %eq3A_14 = arith.constant 0 : i32
      %eq3A_15 = arith.cmpi eq, %sub3A_13, %eq3A_14 : i32
      %iota3A = tpu.iota {dimensions = array<i32: 1>} : vector<128x128xi32>
      %add3A = arith.constant 0 : i32
      %add3A_16 = vector.broadcast %add3A : i32 to vector<128x128xi32>
      %add3A_17 = arith.addi %iota3A, %add3A_16 : vector<128x128xi32>
      %iota3A_18 = tpu.iota {dimensions = array<i32: 1>} : vector<128x128xi32>
      %add3A_19 = arith.constant 128 : i32
      %add3A_20 = vector.broadcast %add3A_19 : i32 to vector<128x128xi32>
      %add3A_21 = arith.addi %iota3A_18, %add3A_20 : vector<128x128xi32>
      %iota3A_22 = tpu.iota {dimensions = array<i32: 1>} : vector<128x128xi32>
      %add3A_23 = arith.constant 256 : i32
      %add3A_24 = vector.broadcast %add3A_23 : i32 to vector<128x128xi32>
      %add3A_25 = arith.addi %iota3A_22, %add3A_24 : vector<128x128xi32>
      %iota3A_26 = tpu.iota {dimensions = array<i32: 1>} : vector<128x128xi32>
      %add3A_27 = arith.constant 384 : i32
      %add3A_28 = vector.broadcast %add3A_27 : i32 to vector<128x128xi32>
      %add3A_29 = arith.addi %iota3A_26, %add3A_28 : vector<128x128xi32>
      %iota3A_30 = tpu.iota {dimensions = array<i32: 1>} : vector<128x128xi32>
      %add3A_31 = arith.constant 512 : i32
      %add3A_32 = vector.broadcast %add3A_31 : i32 to vector<128x128xi32>
      %add3A_33 = arith.addi %iota3A_30, %add3A_32 : vector<128x128xi32>
      %iota3A_34 = tpu.iota {dimensions = array<i32: 1>} : vector<128x128xi32>
      %add3A_35 = arith.constant 640 : i32
      %add3A_36 = vector.broadcast %add3A_35 : i32 to vector<128x128xi32>
      %add3A_37 = arith.addi %iota3A_34, %add3A_36 : vector<128x128xi32>
      %iota3A_38 = tpu.iota {dimensions = array<i32: 1>} : vector<128x128xi32>
      %add3A_39 = arith.constant 768 : i32
      %add3A_40 = vector.broadcast %add3A_39 : i32 to vector<128x128xi32>
      %add3A_41 = arith.addi %iota3A_38, %add3A_40 : vector<128x128xi32>
      %iota3A_42 = tpu.iota {dimensions = array<i32: 1>} : vector<128x128xi32>
      %add3A_43 = arith.constant 896 : i32
      %add3A_44 = vector.broadcast %add3A_43 : i32 to vector<128x128xi32>
      %add3A_45 = arith.addi %iota3A_42, %add3A_44 : vector<128x128xi32>
      %slice3A = vector.extract_strided_slice %get3A_12 {offsets = [0, 0], sizes = [128, 512], strides = [1, 1]} : vector<1024x512xbf16> to vector<128x512xbf16>
      %dot_general3A = arith.constant dense<0.000000e+00> : vector<2048x128xf32>
      %dot_general3A_46 = tpu.matmul %get3A_9, %slice3A, %dot_general3A {dimension_numbers = #tpu.dot_dimension_numbers<[1], [1], [0], [0], [0, 0, 1, 0], [], []>, transpose_lhs_hint = false} : vector<2048x512xbf16>, vector<128x512xbf16>, vector<2048x128xf32> -> vector<2048x128xf32>
      %swap3A = arith.constant 0 : index
      %swap3A_47 = arith.constant 0 : index
      %swap3A_48 = vector.load %arg6[%swap3A, %swap3A_47] : memref<2048x1024xf32, #tpu.memory_space<vmem>>, vector<2048x128xf32>
      tpu.vector_store %arg6[%swap3A, %swap3A_47], %dot_general3A_46 {strides = array<i32>} : memref<2048x1024xf32, #tpu.memory_space<vmem>>, vector<2048x128xf32>,
      %get3A_49 = arith.constant 0 : index
      %get3A_50 = arith.constant 0 : index
      %get3A_51 = vector.load %arg7[%get3A_49, %get3A_50] : memref<2048x1024xf32, #tpu.memory_space<vmem>>, vector<128x128xf32>
      %get3A_52 = arith.constant 0 : index
      %get3A_53 = arith.constant 0 : index
      %get3A_54 = arith.constant 0 : index
      %get3A_55 = vector.load %arg4[%get3A_52, %get3A_53, %get3A_54] : memref<1x1x1024xf32, #tpu.memory_space<vmem>>, vector<1x1x128xf32>
      %get3A_56 = vector.shape_cast %get3A_55 : vector<1x1x128xf32> to vector<1x128xf32>
      %add3A_57 = vector.broadcast %get3A_56 : vector<1x128xf32> to vector<128x128xf32>
      %add3A_58 = arith.addf %get3A_51, %add3A_57 : vector<128x128xf32>
      %bitcast_convert_type3A = tpu.bitcast %add3A_58 : vector<128x128xf32> -> vector<128x128xi32>
      %and3A = arith.constant -1024 : i32
      %and3A_59 = vector.broadcast %and3A : i32 to vector<128x128xi32>
      %and3A_60 = arith.andi %bitcast_convert_type3A, %and3A_59 : vector<128x128xi32>
      %or3A = arith.ori %and3A_60, %add3A_17 : vector<128x128xi32>
      %bitcast_convert_type3A_61 = tpu.bitcast %or3A : vector<128x128xi32> -> vector<128x128xf32>
      %get3A_62 = arith.constant 0 : index
      %get3A_63 = arith.constant 128 : index
      %get3A_64 = vector.load %arg7[%get3A_62, %get3A_63] : memref<2048x1024xf32, #tpu.memory_space<vmem>>, vector<128x128xf32>
      %get3A_65 = arith.constant 0 : index
      %get3A_66 = arith.constant 0 : index
      %get3A_67 = arith.constant 128 : index
      %get3A_68 = vector.load %arg4[%get3A_65, %get3A_66, %get3A_67] : memref<1x1x1024xf32, #tpu.memory_space<vmem>>, vector<1x1x128xf32>
      %get3A_69 = vector.shape_cast %get3A_68 : vector<1x1x128xf32> to vector<1x128xf32>
      %add3A_70 = vector.broadcast %get3A_69 : vector<1x128xf32> to vector<128x128xf32>
      %add3A_71 = arith.addf %get3A_64, %add3A_70 : vector<128x128xf32>
      %bitcast_convert_type3A_72 = tpu.bitcast %add3A_71 : vector<128x128xf32> -> vector<128x128xi32>
      %and3A_73 = arith.constant -1024 : i32
      %and3A_74 = vector.broadcast %and3A_73 : i32 to vector<128x128xi32>
      %and3A_75 = arith.andi %bitcast_convert_type3A_72, %and3A_74 : vector<128x128xi32>
      %or3A_76 = arith.ori %and3A_75, %add3A_21 : vector<128x128xi32>
      %bitcast_convert_type3A_77 = tpu.bitcast %or3A_76 : vector<128x128xi32> -> vector<128x128xf32>
      %get3A_78 = arith.constant 0 : index
      %get3A_79 = arith.constant 256 : index
      %get3A_80 = vector.load %arg7[%get3A_78, %get3A_79] : memref<2048x1024xf32, #tpu.memory_space<vmem>>, vector<128x128xf32>
      %get3A_81 = arith.constant 0 : index
      %get3A_82 = arith.constant 0 : index
      %get3A_83 = arith.constant 256 : index
      %get3A_84 = vector.load %arg4[%get3A_81, %get3A_82, %get3A_83] : memref<1x1x1024xf32, #tpu.memory_space<vmem>>, vector<1x1x128xf32>
      %get3A_85 = vector.shape_cast %get3A_84 : vector<1x1x128xf32> to vector<1x128xf32>
      %add3A_86 = vector.broadcast %get3A_85 : vector<1x128xf32> to vector<128x128xf32>
      %add3A_87 = arith.addf %get3A_80, %add3A_86 : vector<128x128xf32>
      %bitcast_convert_type3A_88 = tpu.bitcast %add3A_87 : vector<128x128xf32> -> vector<128x128xi32>
      %and3A_89 = arith.constant -1024 : i32
      %and3A_90 = vector.broadcast %and3A_89 : i32 to vector<128x128xi32>
      %and3A_91 = arith.andi %bitcast_convert_type3A_88, %and3A_90 : vector<128x128xi32>
      %or3A_92 = arith.ori %and3A_91, %add3A_25 : vector<128x128xi32>
      %bitcast_convert_type3A_93 = tpu.bitcast %or3A_92 : vector<128x128xi32> -> vector<128x128xf32>
      %get3A_94 = arith.constant 0 : index
      %get3A_95 = arith.constant 384 : index
      %get3A_96 = vector.load %arg7[%get3A_94, %get3A_95] : memref<2048x1024xf32, #tpu.memory_space<vmem>>, vector<128x128xf32>
      %get3A_97 = arith.constant 0 : index
      %get3A_98 = arith.constant 0 : index
      %get3A_99 = arith.constant 384 : index
      %get3A_100 = vector.load %arg4[%get3A_97, %get3A_98, %get3A_99] : memref<1x1x1024xf32, #tpu.memory_space<vmem>>, vector<1x1x128xf32>
      %get3A_101 = vector.shape_cast %get3A_100 : vector<1x1x128xf32> to vector<1x128xf32>
      %add3A_102 = vector.broadcast %get3A_101 : vector<1x128xf32> to vector<128x128xf32>
      %add3A_103 = arith.addf %get3A_96, %add3A_102 : vector<128x128xf32>
      %bitcast_convert_type3A_104 = tpu.bitcast %add3A_103 : vector<128x128xf32> -> vector<128x128xi32>
      %and3A_105 = arith.constant -1024 : i32
      %and3A_106 = vector.broadcast %and3A_105 : i32 to vector<128x128xi32>
      %and3A_107 = arith.andi %bitcast_convert_type3A_104, %and3A_106 : vector<128x128xi32>
      %or3A_108 = arith.ori %and3A_107, %add3A_29 : vector<128x128xi32>
      %bitcast_convert_type3A_109 = tpu.bitcast %or3A_108 : vector<128x128xi32> -> vector<128x128xf32>
      %get3A_110 = arith.constant 0 : index
      %get3A_111 = arith.constant 512 : index
      %get3A_112 = vector.load %arg7[%get3A_110, %get3A_111] : memref<2048x1024xf32, #tpu.memory_space<vmem>>, vector<128x128xf32>
      %get3A_113 = arith.constant 0 : index
      %get3A_114 = arith.constant 0 : index
      %get3A_115 = arith.constant 512 : index
      %get3A_116 = vector.load %arg4[%get3A_113, %get3A_114, %get3A_115] : memref<1x1x1024xf32, #tpu.memory_space<vmem>>, vector<1x1x128xf32>
      %get3A_117 = vector.shape_cast %get3A_116 : vector<1x1x128xf32> to vector<1x128xf32>
      %add3A_118 = vector.broadcast %get3A_117 : vector<1x128xf32> to vector<128x128xf32>
      %add3A_119 = arith.addf %get3A_112, %add3A_118 : vector<128x128xf32>
      %bitcast_convert_type3A_120 = tpu.bitcast %add3A_119 : vector<128x128xf32> -> vector<128x128xi32>
      %and3A_121 = arith.constant -1024 : i32
      %and3A_122 = vector.broadcast %and3A_121 : i32 to vector<128x128xi32>
      %and3A_123 = arith.andi %bitcast_convert_type3A_120, %and3A_122 : vector<128x128xi32>
      %or3A_124 = arith.ori %and3A_123, %add3A_33 : vector<128x128xi32>
      %bitcast_convert_type3A_125 = tpu.bitcast %or3A_124 : vector<128x128xi32> -> vector<128x128xf32>
      %get3A_126 = arith.constant 0 : index
      %get3A_127 = arith.constant 640 : index
      %get3A_128 = vector.load %arg7[%get3A_126, %get3A_127] : memref<2048x1024xf32, #tpu.memory_space<vmem>>, vector<128x128xf32>
      %get3A_129 = arith.constant 0 : index
      %get3A_130 = arith.constant 0 : index
      %get3A_131 = arith.constant 640 : index
      %get3A_132 = vector.load %arg4[%get3A_129, %get3A_130, %get3A_131] : memref<1x1x1024xf32, #tpu.memory_space<vmem>>, vector<1x1x128xf32>
      %get3A_133 = vector.shape_cast %get3A_132 : vector<1x1x128xf32> to vector<1x128xf32>
      %add3A_134 = vector.broadcast %get3A_133 : vector<1x128xf32> to vector<128x128xf32>
      %add3A_135 = arith.addf %get3A_128, %add3A_134 : vector<128x128xf32>
      %bitcast_convert_type3A_136 = tpu.bitcast %add3A_135 : vector<128x128xf32> -> vector<128x128xi32>
      %and3A_137 = arith.constant -1024 : i32
      %and3A_138 = vector.broadcast %and3A_137 : i32 to vector<128x128xi32>
      %and3A_139 = arith.andi %bitcast_convert_type3A_136, %and3A_138 : vector<128x128xi32>
      %or3A_140 = arith.ori %and3A_139, %add3A_37 : vector<128x128xi32>
      %bitcast_convert_type3A_141 = tpu.bitcast %or3A_140 : vector<128x128xi32> -> vector<128x128xf32>
      %get3A_142 = arith.constant 0 : index
      %get3A_143 = arith.constant 768 : index
      %get3A_144 = vector.load %arg7[%get3A_142, %get3A_143] : memref<2048x1024xf32, #tpu.memory_space<vmem>>, vector<128x128xf32>
      %get3A_145 = arith.constant 0 : index
      %get3A_146 = arith.constant 0 : index
      %get3A_147 = arith.constant 768 : index
      %get3A_148 = vector.load %arg4[%get3A_145, %get3A_146, %get3A_147] : memref<1x1x1024xf32, #tpu.memory_space<vmem>>, vector<1x1x128xf32>
      %get3A_149 = vector.shape_cast %get3A_148 : vector<1x1x128xf32> to vector<1x128xf32>
      %add3A_150 = vector.broadcast %get3A_149 : vector<1x128xf32> to vector<128x128xf32>
      %add3A_151 = arith.addf %get3A_144, %add3A_150 : vector<128x128xf32>
      %bitcast_convert_type3A_152 = tpu.bitcast %add3A_151 : vector<128x128xf32> -> vector<128x128xi32>
      %and3A_153 = arith.constant -1024 : i32
      %and3A_154 = vector.broadcast %and3A_153 : i32 to vector<128x128xi32>
      %and3A_155 = arith.andi %bitcast_convert_type3A_152, %and3A_154 : vector<128x128xi32>
      %or3A_156 = arith.ori %and3A_155, %add3A_41 : vector<128x128xi32>
      %bitcast_convert_type3A_157 = tpu.bitcast %or3A_156 : vector<128x128xi32> -> vector<128x128xf32>
      %get3A_158 = arith.constant 0 : index
      %get3A_159 = arith.constant 896 : index
      %get3A_160 = vector.load %arg7[%get3A_158, %get3A_159] : memref<2048x1024xf32, #tpu.memory_space<vmem>>, vector<128x128xf32>
      %get3A_161 = arith.constant 0 : index
      %get3A_162 = arith.constant 0 : index
      %get3A_163 = arith.constant 896 : index
      %get3A_164 = vector.load %arg4[%get3A_161, %get3A_162, %get3A_163] : memref<1x1x1024xf32, #tpu.memory_space<vmem>>, vector<1x1x128xf32>
      %get3A_165 = vector.shape_cast %get3A_164 : vector<1x1x128xf32> to vector<1x128xf32>
      %add3A_166 = vector.broadcast %get3A_165 : vector<1x128xf32> to vector<128x128xf32>
      %add3A_167 = arith.addf %get3A_160, %add3A_166 : vector<128x128xf32>
      %bitcast_convert_type3A_168 = tpu.bitcast %add3A_167 : vector<128x128xf32> -> vector<128x128xi32>
      %and3A_169 = arith.constant -1024 : i32
      %and3A_170 = vector.broadcast %and3A_169 : i32 to vector<128x128xi32>
      %and3A_171 = arith.andi %bitcast_convert_type3A_168, %and3A_170 : vector<128x128xi32>
      %or3A_172 = arith.ori %and3A_171, %add3A_45 : vector<128x128xi32>
      %bitcast_convert_type3A_173 = tpu.bitcast %or3A_172 : vector<128x128xi32> -> vector<128x128xf32>
      %min3A = arith.minimumf %bitcast_convert_type3A_61, %bitcast_convert_type3A_77 : vector<128x128xf32>
      %min3A_174 = arith.minimumf %bitcast_convert_type3A_93, %bitcast_convert_type3A_109 : vector<128x128xf32>
      %min3A_175 = arith.minimumf %bitcast_convert_type3A_125, %bitcast_convert_type3A_141 : vector<128x128xf32>
      %min3A_176 = arith.minimumf %bitcast_convert_type3A_157, %bitcast_convert_type3A_173 : vector<128x128xf32>
      %min3A_177 = arith.minimumf %min3A, %min3A_174 : vector<128x128xf32>
      %min3A_178 = arith.minimumf %min3A_175, %min3A_176 : vector<128x128xf32>
      %min3A_179 = arith.minimumf %min3A_177, %min3A_178 : vector<128x128xf32>
      %reduce_min3A = arith.constant dense<0x7F800000> : vector<128xf32>
      %reduce_min3A_180 = vector.multi_reduction <minimumf>, %min3A_179, %reduce_min3A [1] : vector<128x128xf32> to vector<128xf32>
      %get3A_181 = arith.constant 128 : index
      %get3A_182 = arith.constant 0 : index
      %get3A_183 = vector.load %arg7[%get3A_181, %get3A_182] : memref<2048x1024xf32, #tpu.memory_space<vmem>>, vector<128x128xf32>
      %get3A_184 = arith.constant 0 : index
      %get3A_185 = arith.constant 0 : index
      %get3A_186 = arith.constant 0 : index
      %get3A_187 = vector.load %arg4[%get3A_184, %get3A_185, %get3A_186] : memref<1x1x1024xf32, #tpu.memory_space<vmem>>, vector<1x1x128xf32>
      %get3A_188 = vector.shape_cast %get3A_187 : vector<1x1x128xf32> to vector<1x128xf32>
      %add3A_189 = vector.broadcast %get3A_188 : vector<1x128xf32> to vector<128x128xf32>
      %add3A_190 = arith.addf %get3A_183, %add3A_189 : vector<128x128xf32>
      %bitcast_convert_type3A_191 = tpu.bitcast %add3A_190 : vector<128x128xf32> -> vector<128x128xi32>
      %and3A_192 = arith.constant -1024 : i32
      %and3A_193 = vector.broadcast %and3A_192 : i32 to vector<128x128xi32>
      %and3A_194 = arith.andi %bitcast_convert_type3A_191, %and3A_193 : vector<128x128xi32>
      %or3A_195 = arith.ori %and3A_194, %add3A_17 : vector<128x128xi32>
      %bitcast_convert_type3A_196 = tpu.bitcast %or3A_195 : vector<128x128xi32> -> vector<128x128xf32>
      %get3A_197 = arith.constant 128 : index
      %get3A_198 = arith.constant 128 : index
      %get3A_199 = vector.load %arg7[%get3A_197, %get3A_198] : memref<2048x1024xf32, #tpu.memory_space<vmem>>, vector<128x128xf32>
      %get3A_200 = arith.constant 0 : index
      %get3A_201 = arith.constant 0 : index
      %get3A_202 = arith.constant 128 : index
      %get3A_203 = vector.load %arg4[%get3A_200, %get3A_201, %get3A_202] : memref<1x1x1024xf32, #tpu.memory_space<vmem>>, vector<1x1x128xf32>
      %get3A_204 = vector.shape_cast %get3A_203 : vector<1x1x128xf32> to vector<1x128xf32>
      %add3A_205 = vector.broadcast %get3A_204 : vector<1x128xf32> to vector<128x128xf32>
      %add3A_206 = arith.addf %get3A_199, %add3A_205 : vector<128x128xf32>
      %bitcast_convert_type3A_207 = tpu.bitcast %add3A_206 : vector<128x128xf32> -> vector<128x128xi32>
      %and3A_208 = arith.constant -1024 : i32
      %and3A_209 = vector.broadcast %and3A_208 : i32 to vector<128x128xi32>
      %and3A_210 = arith.andi %bitcast_convert_type3A_207, %and3A_209 : vector<128x128xi32>
      %or3A_211 = arith.ori %and3A_210, %add3A_21 : vector<128x128xi32>
      %bitcast_convert_type3A_212 = tpu.bitcast %or3A_211 : vector<128x128xi32> -> vector<128x128xf32>
      %get3A_213 = arith.constant 128 : index
      %get3A_214 = arith.constant 256 : index
      %get3A_215 = vector.load %arg7[%get3A_213, %get3A_214] : memref<2048x1024xf32, #tpu.memory_space<vmem>>, vector<128x128xf32>
      %get3A_216 = arith.constant 0 : index
      %get3A_217 = arith.constant 0 : index
      %get3A_218 = arith.constant 256 : index
      %get3A_219 = vector.load %arg4[%get3A_216, %get3A_217, %get3A_218] : memref<1x1x1024xf32, #tpu.memory_space<vmem>>, vector<1x1x128xf32>
      %get3A_220 = vector.shape_cast %get3A_219 : vector<1x1x128xf32> to vector<1x128xf32>
      %add3A_221 = vector.broadcast %get3A_220 : vector<1x128xf32> to vector<128x128xf32>
      %add3A_222 = arith.addf %get3A_215, %add3A_221 : vector<128x128xf32>
      %bitcast_convert_type3A_223 = tpu.bitcast %add3A_222 : vector<128x128xf32> -> vector<128x128xi32>
      %and3A_224 = arith.constant -1024 : i32
      %and3A_225 = vector.broadcast %and3A_224 : i32 to vector<128x128xi32>
      %and3A_226 = arith.andi %bitcast_convert_type3A_223, %and3A_225 : vector<128x128xi32>
      %or3A_227 = arith.ori %and3A_226, %add3A_25 : vector<128x128xi32>
      %bitcast_convert_type3A_228 = tpu.bitcast %or3A_227 : vector<128x128xi32> -> vector<128x128xf32>
      %get3A_229 = arith.constant 128 : index
      %get3A_230 = arith.constant 384 : index
      %get3A_231 = vector.load %arg7[%get3A_229, %get3A_230] : memref<2048x1024xf32, #tpu.memory_space<vmem>>, vector<128x128xf32>
      %get3A_232 = arith.constant 0 : index
      %get3A_233 = arith.constant 0 : index
      %get3A_234 = arith.constant 384 : index
      %get3A_235 = vector.load %arg4[%get3A_232, %get3A_233, %get3A_234] : memref<1x1x1024xf32, #tpu.memory_space<vmem>>, vector<1x1x128xf32>
      %get3A_236 = vector.shape_cast %get3A_235 : vector<1x1x128xf32> to vector<1x128xf32>
      %add3A_237 = vector.broadcast %get3A_236 : vector<1x128xf32> to vector<128x128xf32>
      %add3A_238 = arith.addf %get3A_231, %add3A_237 : vector<128x128xf32>
      %bitcast_convert_type3A_239 = tpu.bitcast %add3A_238 : vector<128x128xf32> -> vector<128x128xi32>
      %and3A_240 = arith.constant -1024 : i32
      %and3A_241 = vector.broadcast %and3A_240 : i32 to vector<128x128xi32>
      %and3A_242 = arith.andi %bitcast_convert_type3A_239, %and3A_241 : vector<128x128xi32>
      %or3A_243 = arith.ori %and3A_242, %add3A_29 : vector<128x128xi32>
      %bitcast_convert_type3A_244 = tpu.bitcast %or3A_243 : vector<128x128xi32> -> vector<128x128xf32>
      %get3A_245 = arith.constant 128 : index
      %get3A_246 = arith.constant 512 : index
      %get3A_247 = vector.load %arg7[%get3A_245, %get3A_246] : memref<2048x1024xf32, #tpu.memory_space<vmem>>, vector<128x128xf32>
      %get3A_248 = arith.constant 0 : index
      %get3A_249 = arith.constant 0 : index
      %get3A_250 = arith.constant 512 : index
      %get3A_251 = vector.load %arg4[%get3A_248, %get3A_249, %get3A_250] : memref<1x1x1024xf32, #tpu.memory_space<vmem>>, vector<1x1x128xf32>
      %get3A_252 = vector.shape_cast %get3A_251 : vector<1x1x128xf32> to vector<1x128xf32>
      %add3A_253 = vector.broadcast %get3A_252 : vector<1x128xf32> to vector<128x128xf32>
      %add3A_254 = arith.addf %get3A_247, %add3A_253 : vector<128x128xf32>
      %bitcast_convert_type3A_255 = tpu.bitcast %add3A_254 : vector<128x128xf32> -> vector<128x128xi32>
      %and3A_256 = arith.constant -1024 : i32
      %and3A_257 = vector.broadcast %and3A_256 : i32 to vector<128x128xi32>
      %and3A_258 = arith.andi %bitcast_convert_type3A_255, %and3A_257 : vector<128x128xi32>
      %or3A_259 = arith.ori %and3A_258, %add3A_33 : vector<128x128xi32>
      %bitcast_convert_type3A_260 = tpu.bitcast %or3A_259 : vector<128x128xi32> -> vector<128x128xf32>
      %get3A_261 = arith.constant 128 : index
      %get3A_262 = arith.constant 640 : index
      %get3A_263 = vector.load %arg7[%get3A_261, %get3A_262] : memref<2048x1024xf32, #tpu.memory_space<vmem>>, vector<128x128xf32>
      %get3A_264 = arith.constant 0 : index
      %get3A_265 = arith.constant 0 : index
      %get3A_266 = arith.constant 640 : index
      %get3A_267 = vector.load %arg4[%get3A_264, %get3A_265, %get3A_266] : memref<1x1x1024xf32, #tpu.memory_space<vmem>>, vector<1x1x128xf32>
      %get3A_268 = vector.shape_cast %get3A_267 : vector<1x1x128xf32> to vector<1x128xf32>
      %add3A_269 = vector.broadcast %get3A_268 : vector<1x128xf32> to vector<128x128xf32>
      %add3A_270 = arith.addf %get3A_263, %add3A_269 : vector<128x128xf32>
      %bitcast_convert_type3A_271 = tpu.bitcast %add3A_270 : vector<128x128xf32> -> vector<128x128xi32>
      %and3A_272 = arith.constant -1024 : i32
      %and3A_273 = vector.broadcast %and3A_272 : i32 to vector<128x128xi32>
      %and3A_274 = arith.andi %bitcast_convert_type3A_271, %and3A_273 : vector<128x128xi32>
      %or3A_275 = arith.ori %and3A_274, %add3A_37 : vector<128x128xi32>
      %bitcast_convert_type3A_276 = tpu.bitcast %or3A_275 : vector<128x128xi32> -> vector<128x128xf32>
      %get3A_277 = arith.constant 128 : index
      %get3A_278 = arith.constant 768 : index
      %get3A_279 = vector.load %arg7[%get3A_277, %get3A_278] : memref<2048x1024xf32, #tpu.memory_space<vmem>>, vector<128x128xf32>
      %get3A_280 = arith.constant 0 : index
      %get3A_281 = arith.constant 0 : index
      %get3A_282 = arith.constant 768 : index
      %get3A_283 = vector.load %arg4[%get3A_280, %get3A_281, %get3A_282] : memref<1x1x1024xf32, #tpu.memory_space<vmem>>, vector<1x1x128xf32>
      %get3A_284 = vector.shape_cast %get3A_283 : vector<1x1x128xf32> to vector<1x128xf32>
      %add3A_285 = vector.broadcast %get3A_284 : vector<1x128xf32> to vector<128x128xf32>
      %add3A_286 = arith.addf %get3A_279, %add3A_285 : vector<128x128xf32>
      %bitcast_convert_type3A_287 = tpu.bitcast %add3A_286 : vector<128x128xf32> -> vector<128x128xi32>
      %and3A_288 = arith.constant -1024 : i32
      %and3A_289 = vector.broadcast %and3A_288 : i32 to vector<128x128xi32>
      %and3A_290 = arith.andi %bitcast_convert_type3A_287, %and3A_289 : vector<128x128xi32>
      %or3A_291 = arith.ori %and3A_290, %add3A_41 : vector<128x128xi32>
      %bitcast_convert_type3A_292 = tpu.bitcast %or3A_291 : vector<128x128xi32> -> vector<128x128xf32>
      %get3A_293 = arith.constant 128 : index
      %get3A_294 = arith.constant 896 : index
      %get3A_295 = vector.load %arg7[%get3A_293, %get3A_294] : memref<2048x1024xf32, #tpu.memory_space<vmem>>, vector<128x128xf32>
      %get3A_296 = arith.constant 0 : index
      %get3A_297 = arith.constant 0 : index
      %get3A_298 = arith.constant 896 : index
      %get3A_299 = vector.load %arg4[%get3A_296, %get3A_297, %get3A_298] : memref<1x1x1024xf32, #tpu.memory_space<vmem>>, vector<1x1x128xf32>
      %get3A_300 = vector.shape_cast %get3A_299 : vector<1x1x128xf32> to vector<1x128xf32>
      %add3A_301 = vector.broadcast %get3A_300 : vector<1x128xf32> to vector<128x128xf32>
      %add3A_302 = arith.addf %get3A_295, %add3A_301 : vector<128x128xf32>
      %bitcast_convert_type3A_303 = tpu.bitcast %add3A_302 : vector<128x128xf32> -> vector<128x128xi32>
      %and3A_304 = arith.constant -1024 : i32
      %and3A_305 = vector.broadcast %and3A_304 : i32 to vector<128x128xi32>
      %and3A_306 = arith.andi %bitcast_convert_type3A_303, %and3A_305 : vector<128x128xi32>
      %or3A_307 = arith.ori %and3A_306, %add3A_45 : vector<128x128xi32>
      %bitcast_convert_type3A_308 = tpu.bitcast %or3A_307 : vector<128x128xi32> -> vector<128x128xf32>
      %min3A_309 = arith.minimumf %bitcast_convert_type3A_196, %bitcast_convert_type3A_212 : vector<128x128xf32>
      %min3A_310 = arith.minimumf %bitcast_convert_type3A_228, %bitcast_convert_type3A_244 : vector<128x128xf32>
      %min3A_311 = arith.minimumf %bitcast_convert_type3A_260, %bitcast_convert_type3A_276 : vector<128x128xf32>
      %min3A_312 = arith.minimumf %bitcast_convert_type3A_292, %bitcast_convert_type3A_308 : vector<128x128xf32>
      %min3A_313 = arith.minimumf %min3A_309, %min3A_310 : vector<128x128xf32>
      %min3A_314 = arith.minimumf %min3A_311, %min3A_312 : vector<128x128xf32>
      %min3A_315 = arith.minimumf %min3A_313, %min3A_314 : vector<128x128xf32>
      %reduce_min3A_316 = arith.constant dense<0x7F800000> : vector<128xf32>
      %reduce_min3A_317 = vector.multi_reduction <minimumf>, %min3A_315, %reduce_min3A_316 [1] : vector<128x128xf32> to vector<128xf32>
      %slice3A_318 = vector.extract_strided_slice %get3A_12 {offsets = [128, 0], sizes = [128, 512], strides = [1, 1]} : vector<1024x512xbf16> to vector<128x512xbf16>
      %dot_general3A_319 = arith.constant dense<0.000000e+00> : vector<2048x128xf32>
      %dot_general3A_320 = tpu.matmul %get3A_9, %slice3A_318, %dot_general3A_319 {dimension_numbers = #tpu.dot_dimension_numbers<[1], [1], [0], [0], [0, 0, 1, 0], [], []>, transpose_lhs_hint = false} : vector<2048x512xbf16>, vector<128x512xbf16>, vector<2048x128xf32> -> vector<2048x128xf32>
      %swap3A_321 = arith.constant 0 : index
      %swap3A_322 = arith.constant 128 : index
      %swap3A_323 = vector.load %arg6[%swap3A_321, %swap3A_322] : memref<2048x1024xf32, #tpu.memory_space<vmem>>, vector<2048x128xf32>
      tpu.vector_store %arg6[%swap3A_321, %swap3A_322], %dot_general3A_320 {strides = array<i32>} : memref<2048x1024xf32, #tpu.memory_space<vmem>>, vector<2048x128xf32>,
      %get3A_324 = arith.constant 256 : index
      %get3A_325 = arith.constant 0 : index
      %get3A_326 = vector.load %arg7[%get3A_324, %get3A_325] : memref<2048x1024xf32, #tpu.memory_space<vmem>>, vector<128x128xf32>
      %get3A_327 = arith.constant 0 : index
      %get3A_328 = arith.constant 0 : index
      %get3A_329 = arith.constant 0 : index
      %get3A_330 = vector.load %arg4[%get3A_327, %get3A_328, %get3A_329] : memref<1x1x1024xf32, #tpu.memory_space<vmem>>, vector<1x1x128xf32>
      %get3A_331 = vector.shape_cast %get3A_330 : vector<1x1x128xf32> to vector<1x128xf32>
      %add3A_332 = vector.broadcast %get3A_331 : vector<1x128xf32> to vector<128x128xf32>
      %add3A_333 = arith.addf %get3A_326, %add3A_332 : vector<128x128xf32>
      %bitcast_convert_type3A_334 = tpu.bitcast %add3A_333 : vector<128x128xf32> -> vector<128x128xi32>
      %and3A_335 = arith.constant -1024 : i32
      %and3A_336 = vector.broadcast %and3A_335 : i32 to vector<128x128xi32>
      %and3A_337 = arith.andi %bitcast_convert_type3A_334, %and3A_336 : vector<128x128xi32>
      %or3A_338 = arith.ori %and3A_337, %add3A_17 : vector<128x128xi32>
      %bitcast_convert_type3A_339 = tpu.bitcast %or3A_338 : vector<128x128xi32> -> vector<128x128xf32>
      %get3A_340 = arith.constant 256 : index
      %get3A_341 = arith.constant 128 : index
      %get3A_342 = vector.load %arg7[%get3A_340, %get3A_341] : memref<2048x1024xf32, #tpu.memory_space<vmem>>, vector<128x128xf32>
      %get3A_343 = arith.constant 0 : index
      %get3A_344 = arith.constant 0 : index
      %get3A_345 = arith.constant 128 : index
      %get3A_346 = vector.load %arg4[%get3A_343, %get3A_344, %get3A_345] : memref<1x1x1024xf32, #tpu.memory_space<vmem>>, vector<1x1x128xf32>
      %get3A_347 = vector.shape_cast %get3A_346 : vector<1x1x128xf32> to vector<1x128xf32>
      %add3A_348 = vector.broadcast %get3A_347 : vector<1x128xf32> to vector<128x128xf32>
      %add3A_349 = arith.addf %get3A_342, %add3A_348 : vector<128x128xf32>
      %bitcast_convert_type3A_350 = tpu.bitcast %add3A_349 : vector<128x128xf32> -> vector<128x128xi32>
      %and3A_351 = arith.constant -1024 : i32
      %and3A_352 = vector.broadcast %and3A_351 : i32 to vector<128x128xi32>
      %and3A_353 = arith.andi %bitcast_convert_type3A_350, %and3A_352 : vector<128x128xi32>
      %or3A_354 = arith.ori %and3A_353, %add3A_21 : vector<128x128xi32>
      %bitcast_convert_type3A_355 = tpu.bitcast %or3A_354 : vector<128x128xi32> -> vector<128x128xf32>
      %get3A_356 = arith.constant 256 : index
      %get3A_357 = arith.constant 256 : index
      %get3A_358 = vector.load %arg7[%get3A_356, %get3A_357] : memref<2048x1024xf32, #tpu.memory_space<vmem>>, vector<128x128xf32>
      %get3A_359 = arith.constant 0 : index
      %get3A_360 = arith.constant 0 : index
      %get3A_361 = arith.constant 256 : index
      %get3A_362 = vector.load %arg4[%get3A_359, %get3A_360, %get3A_361] : memref<1x1x1024xf32, #tpu.memory_space<vmem>>, vector<1x1x128xf32>
      %get3A_363 = vector.shape_cast %get3A_362 : vector<1x1x128xf32> to vector<1x128xf32>
      %add3A_364 = vector.broadcast %get3A_363 : vector<1x128xf32> to vector<128x128xf32>
      %add3A_365 = arith.addf %get3A_358, %add3A_364 : vector<128x128xf32>
      %bitcast_convert_type3A_366 = tpu.bitcast %add3A_365 : vector<128x128xf32> -> vector<128x128xi32>
      %and3A_367 = arith.constant -1024 : i32
      %and3A_368 = vector.broadcast %and3A_367 : i32 to vector<128x128xi32>
      %and3A_369 = arith.andi %bitcast_convert_type3A_366, %and3A_368 : vector<128x128xi32>
      %or3A_370 = arith.ori %and3A_369, %add3A_25 : vector<128x128xi32>
      %bitcast_convert_type3A_371 = tpu.bitcast %or3A_370 : vector<128x128xi32> -> vector<128x128xf32>
      %get3A_372 = arith.constant 256 : index
      %get3A_373 = arith.constant 384 : index
      %get3A_374 = vector.load %arg7[%get3A_372, %get3A_373] : memref<2048x1024xf32, #tpu.memory_space<vmem>>, vector<128x128xf32>
      %get3A_375 = arith.constant 0 : index
      %get3A_376 = arith.constant 0 : index
      %get3A_377 = arith.constant 384 : index
      %get3A_378 = vector.load %arg4[%get3A_375, %get3A_376, %get3A_377] : memref<1x1x1024xf32, #tpu.memory_space<vmem>>, vector<1x1x128xf32>
      %get3A_379 = vector.shape_cast %get3A_378 : vector<1x1x128xf32> to vector<1x128xf32>
      %add3A_380 = vector.broadcast %get3A_379 : vector<1x128xf32> to vector<128x128xf32>
      %add3A_381 = arith.addf %get3A_374, %add3A_380 : vector<128x128xf32>
      %bitcast_convert_type3A_382 = tpu.bitcast %add3A_381 : vector<128x128xf32> -> vector<128x128xi32>
      %and3A_383 = arith.constant -1024 : i32
      %and3A_384 = vector.broadcast %and3A_383 : i32 to vector<128x128xi32>
      %and3A_385 = arith.andi %bitcast_convert_type3A_382, %and3A_384 : vector<128x128xi32>
      %or3A_386 = arith.ori %and3A_385, %add3A_29 : vector<128x128xi32>
      %bitcast_convert_type3A_387 = tpu.bitcast %or3A_386 : vector<128x128xi32> -> vector<128x128xf32>
      %get3A_388 = arith.constant 256 : index
      %get3A_389 = arith.constant 512 : index
      %get3A_390 = vector.load %arg7[%get3A_388, %get3A_389] : memref<2048x1024xf32, #tpu.memory_space<vmem>>, vector<128x128xf32>
      %get3A_391 = arith.constant 0 : index
      %get3A_392 = arith.constant 0 : index
      %get3A_393 = arith.constant 512 : index
      %get3A_394 = vector.load %arg4[%get3A_391, %get3A_392, %get3A_393] : memref<1x1x1024xf32, #tpu.memory_space<vmem>>, vector<1x1x128xf32>
      %get3A_395 = vector.shape_cast %get3A_394 : vector<1x1x128xf32> to vector<1x128xf32>
      %add3A_396 = vector.broadcast %get3A_395 : vector<1x128xf32> to vector<128x128xf32>
      %add3A_397 = arith.addf %get3A_390, %add3A_396 : vector<128x128xf32>
      %bitcast_convert_type3A_398 = tpu.bitcast %add3A_397 : vector<128x128xf32> -> vector<128x128xi32>
      %and3A_399 = arith.constant -1024 : i32
      %and3A_400 = vector.broadcast %and3A_399 : i32 to vector<128x128xi32>
      %and3A_401 = arith.andi %bitcast_convert_type3A_398, %and3A_400 : vector<128x128xi32>
      %or3A_402 = arith.ori %and3A_401, %add3A_33 : vector<128x128xi32>
      %bitcast_convert_type3A_403 = tpu.bitcast %or3A_402 : vector<128x128xi32> -> vector<128x128xf32>
      %get3A_404 = arith.constant 256 : index
      %get3A_405 = arith.constant 640 : index
      %get3A_406 = vector.load %arg7[%get3A_404, %get3A_405] : memref<2048x1024xf32, #tpu.memory_space<vmem>>, vector<128x128xf32>
      %get3A_407 = arith.constant 0 : index
      %get3A_408 = arith.constant 0 : index
      %get3A_409 = arith.constant 640 : index
      %get3A_410 = vector.load %arg4[%get3A_407, %get3A_408, %get3A_409] : memref<1x1x1024xf32, #tpu.memory_space<vmem>>, vector<1x1x128xf32>
      %get3A_411 = vector.shape_cast %get3A_410 : vector<1x1x128xf32> to vector<1x128xf32>
      %add3A_412 = vector.broadcast %get3A_411 : vector<1x128xf32> to vector<128x128xf32>
      %add3A_413 = arith.addf %get3A_406, %add3A_412 : vector<128x128xf32>
      %bitcast_convert_type3A_414 = tpu.bitcast %add3A_413 : vector<128x128xf32> -> vector<128x128xi32>
      %and3A_415 = arith.constant -1024 : i32
      %and3A_416 = vector.broadcast %and3A_415 : i32 to vector<128x128xi32>
      %and3A_417 = arith.andi %bitcast_convert_type3A_414, %and3A_416 : vector<128x128xi32>
      %or3A_418 = arith.ori %and3A_417, %add3A_37 : vector<128x128xi32>
      %bitcast_convert_type3A_419 = tpu.bitcast %or3A_418 : vector<128x128xi32> -> vector<128x128xf32>
      %get3A_420 = arith.constant 256 : index
      %get3A_421 = arith.constant 768 : index
      %get3A_422 = vector.load %arg7[%get3A_420, %get3A_421] : memref<2048x1024xf32, #tpu.memory_space<vmem>>, vector<128x128xf32>
      %get3A_423 = arith.constant 0 : index
      %get3A_424 = arith.constant 0 : index
      %get3A_425 = arith.constant 768 : index
      %get3A_426 = vector.load %arg4[%get3A_423, %get3A_424, %get3A_425] : memref<1x1x1024xf32, #tpu.memory_space<vmem>>, vector<1x1x128xf32>
      %get3A_427 = vector.shape_cast %get3A_426 : vector<1x1x128xf32> to vector<1x128xf32>
      %add3A_428 = vector.broadcast %get3A_427 : vector<1x128xf32> to vector<128x128xf32>
      %add3A_429 = arith.addf %get3A_422, %add3A_428 : vector<128x128xf32>
      %bitcast_convert_type3A_430 = tpu.bitcast %add3A_429 : vector<128x128xf32> -> vector<128x128xi32>
      %and3A_431 = arith.constant -1024 : i32
      %and3A_432 = vector.broadcast %and3A_431 : i32 to vector<128x128xi32>
      %and3A_433 = arith.andi %bitcast_convert_type3A_430, %and3A_432 : vector<128x128xi32>
      %or3A_434 = arith.ori %and3A_433, %add3A_41 : vector<128x128xi32>
      %bitcast_convert_type3A_435 = tpu.bitcast %or3A_434 : vector<128x128xi32> -> vector<128x128xf32>
      %get3A_436 = arith.constant 256 : index
      %get3A_437 = arith.constant 896 : index
      %get3A_438 = vector.load %arg7[%get3A_436, %get3A_437] : memref<2048x1024xf32, #tpu.memory_space<vmem>>, vector<128x128xf32>
      %get3A_439 = arith.constant 0 : index
      %get3A_440 = arith.constant 0 : index
      %get3A_441 = arith.constant 896 : index
      %get3A_442 = vector.load %arg4[%get3A_439, %get3A_440, %get3A_441] : memref<1x1x1024xf32, #tpu.memory_space<vmem>>, vector<1x1x128xf32>
      %get3A_443 = vector.shape_cast %get3A_442 : vector<1x1x128xf32> to vector<1x128xf32>
      %add3A_444 = vector.broadcast %get3A_443 : vector<1x128xf32> to vector<128x128xf32>
      %add3A_445 = arith.addf %get3A_438, %add3A_444 : vector<128x128xf32>
      %bitcast_convert_type3A_446 = tpu.bitcast %add3A_445 : vector<128x128xf32> -> vector<128x128xi32>
      %and3A_447 = arith.constant -1024 : i32
      %and3A_448 = vector.broadcast %and3A_447 : i32 to vector<128x128xi32>
      %and3A_449 = arith.andi %bitcast_convert_type3A_446, %and3A_448 : vector<128x128xi32>
      %or3A_450 = arith.ori %and3A_449, %add3A_45 : vector<128x128xi32>
      %bitcast_convert_type3A_451 = tpu.bitcast %or3A_450 : vector<128x128xi32> -> vector<128x128xf32>
      %min3A_452 = arith.minimumf %bitcast_convert_type3A_339, %bitcast_convert_type3A_355 : vector<128x128xf32>
      %min3A_453 = arith.minimumf %bitcast_convert_type3A_371, %bitcast_convert_type3A_387 : vector<128x128xf32>
      %min3A_454 = arith.minimumf %bitcast_convert_type3A_403, %bitcast_convert_type3A_419 : vector<128x128xf32>
      %min3A_455 = arith.minimumf %bitcast_convert_type3A_435, %bitcast_convert_type3A_451 : vector<128x128xf32>
      %min3A_456 = arith.minimumf %min3A_452, %min3A_453 : vector<128x128xf32>
      %min3A_457 = arith.minimumf %min3A_454, %min3A_455 : vector<128x128xf32>
      %min3A_458 = arith.minimumf %min3A_456, %min3A_457 : vector<128x128xf32>
      %reduce_min3A_459 = arith.constant dense<0x7F800000> : vector<128xf32>
      %reduce_min3A_460 = vector.multi_reduction <minimumf>, %min3A_458, %reduce_min3A_459 [1] : vector<128x128xf32> to vector<128xf32>
      %get3A_461 = arith.constant 384 : index
      %get3A_462 = arith.constant 0 : index
      %get3A_463 = vector.load %arg7[%get3A_461, %get3A_462] : memref<2048x1024xf32, #tpu.memory_space<vmem>>, vector<128x128xf32>
      %get3A_464 = arith.constant 0 : index
      %get3A_465 = arith.constant 0 : index
      %get3A_466 = arith.constant 0 : index
      %get3A_467 = vector.load %arg4[%get3A_464, %get3A_465, %get3A_466] : memref<1x1x1024xf32, #tpu.memory_space<vmem>>, vector<1x1x128xf32>
      %get3A_468 = vector.shape_cast %get3A_467 : vector<1x1x128xf32> to vector<1x128xf32>
      %add3A_469 = vector.broadcast %get3A_468 : vector<1x128xf32> to vector<128x128xf32>
      %add3A_470 = arith.addf %get3A_463, %add3A_469 : vector<128x128xf32>
      %bitcast_convert_type3A_471 = tpu.bitcast %add3A_470 : vector<128x128xf32> -> vector<128x128xi32>
      %and3A_472 = arith.constant -1024 : i32
      %and3A_473 = vector.broadcast %and3A_472 : i32 to vector<128x128xi32>
      %and3A_474 = arith.andi %bitcast_convert_type3A_471, %and3A_473 : vector<128x128xi32>
      %or3A_475 = arith.ori %and3A_474, %add3A_17 : vector<128x128xi32>
      %bitcast_convert_type3A_476 = tpu.bitcast %or3A_475 : vector<128x128xi32> -> vector<128x128xf32>
      %get3A_477 = arith.constant 384 : index
      %get3A_478 = arith.constant 128 : index
      %get3A_479 = vector.load %arg7[%get3A_477, %get3A_478] : memref<2048x1024xf32, #tpu.memory_space<vmem>>, vector<128x128xf32>
      %get3A_480 = arith.constant 0 : index
      %get3A_481 = arith.constant 0 : index
      %get3A_482 = arith.constant 128 : index
      %get3A_483 = vector.load %arg4[%get3A_480, %get3A_481, %get3A_482] : memref<1x1x1024xf32, #tpu.memory_space<vmem>>, vector<1x1x128xf32>
      %get3A_484 = vector.shape_cast %get3A_483 : vector<1x1x128xf32> to vector<1x128xf32>
      %add3A_485 = vector.broadcast %get3A_484 : vector<1x128xf32> to vector<128x128xf32>
      %add3A_486 = arith.addf %get3A_479, %add3A_485 : vector<128x128xf32>
      %bitcast_convert_type3A_487 = tpu.bitcast %add3A_486 : vector<128x128xf32> -> vector<128x128xi32>
      %and3A_488 = arith.constant -1024 : i32
      %and3A_489 = vector.broadcast %and3A_488 : i32 to vector<128x128xi32>
      %and3A_490 = arith.andi %bitcast_convert_type3A_487, %and3A_489 : vector<128x128xi32>
      %or3A_491 = arith.ori %and3A_490, %add3A_21 : vector<128x128xi32>
      %bitcast_convert_type3A_492 = tpu.bitcast %or3A_491 : vector<128x128xi32> -> vector<128x128xf32>
      %get3A_493 = arith.constant 384 : index
      %get3A_494 = arith.constant 256 : index
      %get3A_495 = vector.load %arg7[%get3A_493, %get3A_494] : memref<2048x1024xf32, #tpu.memory_space<vmem>>, vector<128x128xf32>
      %get3A_496 = arith.constant 0 : index
      %get3A_497 = arith.constant 0 : index
      %get3A_498 = arith.constant 256 : index
      %get3A_499 = vector.load %arg4[%get3A_496, %get3A_497, %get3A_498] : memref<1x1x1024xf32, #tpu.memory_space<vmem>>, vector<1x1x128xf32>
      %get3A_500 = vector.shape_cast %get3A_499 : vector<1x1x128xf32> to vector<1x128xf32>
      %add3A_501 = vector.broadcast %get3A_500 : vector<1x128xf32> to vector<128x128xf32>
      %add3A_502 = arith.addf %get3A_495, %add3A_501 : vector<128x128xf32>
      %bitcast_convert_type3A_503 = tpu.bitcast %add3A_502 : vector<128x128xf32> -> vector<128x128xi32>
      %and3A_504 = arith.constant -1024 : i32
      %and3A_505 = vector.broadcast %and3A_504 : i32 to vector<128x128xi32>
      %and3A_506 = arith.andi %bitcast_convert_type3A_503, %and3A_505 : vector<128x128xi32>
      %or3A_507 = arith.ori %and3A_506, %add3A_25 : vector<128x128xi32>
      %bitcast_convert_type3A_508 = tpu.bitcast %or3A_507 : vector<128x128xi32> -> vector<128x128xf32>
      %get3A_509 = arith.constant 384 : index
      %get3A_510 = arith.constant 384 : index
      %get3A_511 = vector.load %arg7[%get3A_509, %get3A_510] : memref<2048x1024xf32, #tpu.memory_space<vmem>>, vector<128x128xf32>
      %get3A_512 = arith.constant 0 : index
      %get3A_513 = arith.constant 0 : index
      %get3A_514 = arith.constant 384 : index
      %get3A_515 = vector.load %arg4[%get3A_512, %get3A_513, %get3A_514] : memref<1x1x1024xf32, #tpu.memory_space<vmem>>, vector<1x1x128xf32>
      %get3A_516 = vector.shape_cast %get3A_515 : vector<1x1x128xf32> to vector<1x128xf32>
      %add3A_517 = vector.broadcast %get3A_516 : vector<1x128xf32> to vector<128x128xf32>
      %add3A_518 = arith.addf %get3A_511, %add3A_517 : vector<128x128xf32>
      %bitcast_convert_type3A_519 = tpu.bitcast %add3A_518 : vector<128x128xf32> -> vector<128x128xi32>
      %and3A_520 = arith.constant -1024 : i32
      %and3A_521 = vector.broadcast %and3A_520 : i32 to vector<128x128xi32>
      %and3A_522 = arith.andi %bitcast_convert_type3A_519, %and3A_521 : vector<128x128xi32>
      %or3A_523 = arith.ori %and3A_522, %add3A_29 : vector<128x128xi32>
      %bitcast_convert_type3A_524 = tpu.bitcast %or3A_523 : vector<128x128xi32> -> vector<128x128xf32>
      %get3A_525 = arith.constant 384 : index
      %get3A_526 = arith.constant 512 : index
      %get3A_527 = vector.load %arg7[%get3A_525, %get3A_526] : memref<2048x1024xf32, #tpu.memory_space<vmem>>, vector<128x128xf32>
      %get3A_528 = arith.constant 0 : index
      %get3A_529 = arith.constant 0 : index
      %get3A_530 = arith.constant 512 : index
      %get3A_531 = vector.load %arg4[%get3A_528, %get3A_529, %get3A_530] : memref<1x1x1024xf32, #tpu.memory_space<vmem>>, vector<1x1x128xf32>
      %get3A_532 = vector.shape_cast %get3A_531 : vector<1x1x128xf32> to vector<1x128xf32>
      %add3A_533 = vector.broadcast %get3A_532 : vector<1x128xf32> to vector<128x128xf32>
      %add3A_534 = arith.addf %get3A_527, %add3A_533 : vector<128x128xf32>
      %bitcast_convert_type3A_535 = tpu.bitcast %add3A_534 : vector<128x128xf32> -> vector<128x128xi32>
      %and3A_536 = arith.constant -1024 : i32
      %and3A_537 = vector.broadcast %and3A_536 : i32 to vector<128x128xi32>
      %and3A_538 = arith.andi %bitcast_convert_type3A_535, %and3A_537 : vector<128x128xi32>
      %or3A_539 = arith.ori %and3A_538, %add3A_33 : vector<128x128xi32>
      %bitcast_convert_type3A_540 = tpu.bitcast %or3A_539 : vector<128x128xi32> -> vector<128x128xf32>
      %get3A_541 = arith.constant 384 : index
      %get3A_542 = arith.constant 640 : index
      %get3A_543 = vector.load %arg7[%get3A_541, %get3A_542] : memref<2048x1024xf32, #tpu.memory_space<vmem>>, vector<128x128xf32>
      %get3A_544 = arith.constant 0 : index
      %get3A_545 = arith.constant 0 : index
      %get3A_546 = arith.constant 640 : index
      %get3A_547 = vector.load %arg4[%get3A_544, %get3A_545, %get3A_546] : memref<1x1x1024xf32, #tpu.memory_space<vmem>>, vector<1x1x128xf32>
      %get3A_548 = vector.shape_cast %get3A_547 : vector<1x1x128xf32> to vector<1x128xf32>
      %add3A_549 = vector.broadcast %get3A_548 : vector<1x128xf32> to vector<128x128xf32>
      %add3A_550 = arith.addf %get3A_543, %add3A_549 : vector<128x128xf32>
      %bitcast_convert_type3A_551 = tpu.bitcast %add3A_550 : vector<128x128xf32> -> vector<128x128xi32>
      %and3A_552 = arith.constant -1024 : i32
      %and3A_553 = vector.broadcast %and3A_552 : i32 to vector<128x128xi32>
      %and3A_554 = arith.andi %bitcast_convert_type3A_551, %and3A_553 : vector<128x128xi32>
      %or3A_555 = arith.ori %and3A_554, %add3A_37 : vector<128x128xi32>
      %bitcast_convert_type3A_556 = tpu.bitcast %or3A_555 : vector<128x128xi32> -> vector<128x128xf32>
      %get3A_557 = arith.constant 384 : index
      %get3A_558 = arith.constant 768 : index
      %get3A_559 = vector.load %arg7[%get3A_557, %get3A_558] : memref<2048x1024xf32, #tpu.memory_space<vmem>>, vector<128x128xf32>
      %get3A_560 = arith.constant 0 : index
      %get3A_561 = arith.constant 0 : index
      %get3A_562 = arith.constant 768 : index
      %get3A_563 = vector.load %arg4[%get3A_560, %get3A_561, %get3A_562] : memref<1x1x1024xf32, #tpu.memory_space<vmem>>, vector<1x1x128xf32>
      %get3A_564 = vector.shape_cast %get3A_563 : vector<1x1x128xf32> to vector<1x128xf32>
      %add3A_565 = vector.broadcast %get3A_564 : vector<1x128xf32> to vector<128x128xf32>
      %add3A_566 = arith.addf %get3A_559, %add3A_565 : vector<128x128xf32>
      %bitcast_convert_type3A_567 = tpu.bitcast %add3A_566 : vector<128x128xf32> -> vector<128x128xi32>
      %and3A_568 = arith.constant -1024 : i32
      %and3A_569 = vector.broadcast %and3A_568 : i32 to vector<128x128xi32>
      %and3A_570 = arith.andi %bitcast_convert_type3A_567, %and3A_569 : vector<128x128xi32>
      %or3A_571 = arith.ori %and3A_570, %add3A_41 : vector<128x128xi32>
      %bitcast_convert_type3A_572 = tpu.bitcast %or3A_571 : vector<128x128xi32> -> vector<128x128xf32>
      %get3A_573 = arith.constant 384 : index
      %get3A_574 = arith.constant 896 : index
      %get3A_575 = vector.load %arg7[%get3A_573, %get3A_574] : memref<2048x1024xf32, #tpu.memory_space<vmem>>, vector<128x128xf32>
      %get3A_576 = arith.constant 0 : index
      %get3A_577 = arith.constant 0 : index
      %get3A_578 = arith.constant 896 : index
      %get3A_579 = vector.load %arg4[%get3A_576, %get3A_577, %get3A_578] : memref<1x1x1024xf32, #tpu.memory_space<vmem>>, vector<1x1x128xf32>
      %get3A_580 = vector.shape_cast %get3A_579 : vector<1x1x128xf32> to vector<1x128xf32>
      %add3A_581 = vector.broadcast %get3A_580 : vector<1x128xf32> to vector<128x128xf32>
      %add3A_582 = arith.addf %get3A_575, %add3A_581 : vector<128x128xf32>
      %bitcast_convert_type3A_583 = tpu.bitcast %add3A_582 : vector<128x128xf32> -> vector<128x128xi32>
      %and3A_584 = arith.constant -1024 : i32
      %and3A_585 = vector.broadcast %and3A_584 : i32 to vector<128x128xi32>
      %and3A_586 = arith.andi %bitcast_convert_type3A_583, %and3A_585 : vector<128x128xi32>
      %or3A_587 = arith.ori %and3A_586, %add3A_45 : vector<128x128xi32>
      %bitcast_convert_type3A_588 = tpu.bitcast %or3A_587 : vector<128x128xi32> -> vector<128x128xf32>
      %min3A_589 = arith.minimumf %bitcast_convert_type3A_476, %bitcast_convert_type3A_492 : vector<128x128xf32>
      %min3A_590 = arith.minimumf %bitcast_convert_type3A_508, %bitcast_convert_type3A_524 : vector<128x128xf32>
      %min3A_591 = arith.minimumf %bitcast_convert_type3A_540, %bitcast_convert_type3A_556 : vector<128x128xf32>
      %min3A_592 = arith.minimumf %bitcast_convert_type3A_572, %bitcast_convert_type3A_588 : vector<128x128xf32>
      %min3A_593 = arith.minimumf %min3A_589, %min3A_590 : vector<128x128xf32>
      %min3A_594 = arith.minimumf %min3A_591, %min3A_592 : vector<128x128xf32>
      %min3A_595 = arith.minimumf %min3A_593, %min3A_594 : vector<128x128xf32>
      %reduce_min3A_596 = arith.constant dense<0x7F800000> : vector<128xf32>
      %reduce_min3A_597 = vector.multi_reduction <minimumf>, %min3A_595, %reduce_min3A_596 [1] : vector<128x128xf32> to vector<128xf32>
      %slice3A_598 = vector.extract_strided_slice %get3A_12 {offsets = [256, 0], sizes = [128, 512], strides = [1, 1]} : vector<1024x512xbf16> to vector<128x512xbf16>
      %dot_general3A_599 = arith.constant dense<0.000000e+00> : vector<2048x128xf32>
      %dot_general3A_600 = tpu.matmul %get3A_9, %slice3A_598, %dot_general3A_599 {dimension_numbers = #tpu.dot_dimension_numbers<[1], [1], [0], [0], [0, 0, 1, 0], [], []>, transpose_lhs_hint = false} : vector<2048x512xbf16>, vector<128x512xbf16>, vector<2048x128xf32> -> vector<2048x128xf32>
      %swap3A_601 = arith.constant 0 : index
      %swap3A_602 = arith.constant 256 : index
      %swap3A_603 = vector.load %arg6[%swap3A_601, %swap3A_602] : memref<2048x1024xf32, #tpu.memory_space<vmem>>, vector<2048x128xf32>
      tpu.vector_store %arg6[%swap3A_601, %swap3A_602], %dot_general3A_600 {strides = array<i32>} : memref<2048x1024xf32, #tpu.memory_space<vmem>>, vector<2048x128xf32>,
      %get3A_604 = arith.constant 512 : index
      %get3A_605 = arith.constant 0 : index
      %get3A_606 = vector.load %arg7[%get3A_604, %get3A_605] : memref<2048x1024xf32, #tpu.memory_space<vmem>>, vector<128x128xf32>
      %get3A_607 = arith.constant 0 : index
      %get3A_608 = arith.constant 0 : index
      %get3A_609 = arith.constant 0 : index
      %get3A_610 = vector.load %arg4[%get3A_607, %get3A_608, %get3A_609] : memref<1x1x1024xf32, #tpu.memory_space<vmem>>, vector<1x1x128xf32>
      %get3A_611 = vector.shape_cast %get3A_610 : vector<1x1x128xf32> to vector<1x128xf32>
      %add3A_612 = vector.broadcast %get3A_611 : vector<1x128xf32> to vector<128x128xf32>
      %add3A_613 = arith.addf %get3A_606, %add3A_612 : vector<128x128xf32>
      %bitcast_convert_type3A_614 = tpu.bitcast %add3A_613 : vector<128x128xf32> -> vector<128x128xi32>
      %and3A_615 = arith.constant -1024 : i32
      %and3A_616 = vector.broadcast %and3A_615 : i32 to vector<128x128xi32>
      %and3A_617 = arith.andi %bitcast_convert_type3A_614, %and3A_616 : vector<128x128xi32>
      %or3A_618 = arith.ori %and3A_617, %add3A_17 : vector<128x128xi32>
      %bitcast_convert_type3A_619 = tpu.bitcast %or3A_618 : vector<128x128xi32> -> vector<128x128xf32>
      %get3A_620 = arith.constant 512 : index
      %get3A_621 = arith.constant 128 : index
      %get3A_622 = vector.load %arg7[%get3A_620, %get3A_621] : memref<2048x1024xf32, #tpu.memory_space<vmem>>, vector<128x128xf32>
      %get3A_623 = arith.constant 0 : index
      %get3A_624 = arith.constant 0 : index
      %get3A_625 = arith.constant 128 : index
      %get3A_626 = vector.load %arg4[%get3A_623, %get3A_624, %get3A_625] : memref<1x1x1024xf32, #tpu.memory_space<vmem>>, vector<1x1x128xf32>
      %get3A_627 = vector.shape_cast %get3A_626 : vector<1x1x128xf32> to vector<1x128xf32>
      %add3A_628 = vector.broadcast %get3A_627 : vector<1x128xf32> to vector<128x128xf32>
      %add3A_629 = arith.addf %get3A_622, %add3A_628 : vector<128x128xf32>
      %bitcast_convert_type3A_630 = tpu.bitcast %add3A_629 : vector<128x128xf32> -> vector<128x128xi32>
      %and3A_631 = arith.constant -1024 : i32
      %and3A_632 = vector.broadcast %and3A_631 : i32 to vector<128x128xi32>
      %and3A_633 = arith.andi %bitcast_convert_type3A_630, %and3A_632 : vector<128x128xi32>
      %or3A_634 = arith.ori %and3A_633, %add3A_21 : vector<128x128xi32>
      %bitcast_convert_type3A_635 = tpu.bitcast %or3A_634 : vector<128x128xi32> -> vector<128x128xf32>
      %get3A_636 = arith.constant 512 : index
      %get3A_637 = arith.constant 256 : index
      %get3A_638 = vector.load %arg7[%get3A_636, %get3A_637] : memref<2048x1024xf32, #tpu.memory_space<vmem>>, vector<128x128xf32>
      %get3A_639 = arith.constant 0 : index
      %get3A_640 = arith.constant 0 : index
      %get3A_641 = arith.constant 256 : index
      %get3A_642 = vector.load %arg4[%get3A_639, %get3A_640, %get3A_641] : memref<1x1x1024xf32, #tpu.memory_space<vmem>>, vector<1x1x128xf32>
      %get3A_643 = vector.shape_cast %get3A_642 : vector<1x1x128xf32> to vector<1x128xf32>
      %add3A_644 = vector.broadcast %get3A_643 : vector<1x128xf32> to vector<128x128xf32>
      %add3A_645 = arith.addf %get3A_638, %add3A_644 : vector<128x128xf32>
      %bitcast_convert_type3A_646 = tpu.bitcast %add3A_645 : vector<128x128xf32> -> vector<128x128xi32>
      %and3A_647 = arith.constant -1024 : i32
      %and3A_648 = vector.broadcast %and3A_647 : i32 to vector<128x128xi32>
      %and3A_649 = arith.andi %bitcast_convert_type3A_646, %and3A_648 : vector<128x128xi32>
      %or3A_650 = arith.ori %and3A_649, %add3A_25 : vector<128x128xi32>
      %bitcast_convert_type3A_651 = tpu.bitcast %or3A_650 : vector<128x128xi32> -> vector<128x128xf32>
      %get3A_652 = arith.constant 512 : index
      %get3A_653 = arith.constant 384 : index
      %get3A_654 = vector.load %arg7[%get3A_652, %get3A_653] : memref<2048x1024xf32, #tpu.memory_space<vmem>>, vector<128x128xf32>
      %get3A_655 = arith.constant 0 : index
      %get3A_656 = arith.constant 0 : index
      %get3A_657 = arith.constant 384 : index
      %get3A_658 = vector.load %arg4[%get3A_655, %get3A_656, %get3A_657] : memref<1x1x1024xf32, #tpu.memory_space<vmem>>, vector<1x1x128xf32>
      %get3A_659 = vector.shape_cast %get3A_658 : vector<1x1x128xf32> to vector<1x128xf32>
      %add3A_660 = vector.broadcast %get3A_659 : vector<1x128xf32> to vector<128x128xf32>
      %add3A_661 = arith.addf %get3A_654, %add3A_660 : vector<128x128xf32>
      %bitcast_convert_type3A_662 = tpu.bitcast %add3A_661 : vector<128x128xf32> -> vector<128x128xi32>
      %and3A_663 = arith.constant -1024 : i32
      %and3A_664 = vector.broadcast %and3A_663 : i32 to vector<128x128xi32>
      %and3A_665 = arith.andi %bitcast_convert_type3A_662, %and3A_664 : vector<128x128xi32>
      %or3A_666 = arith.ori %and3A_665, %add3A_29 : vector<128x128xi32>
      %bitcast_convert_type3A_667 = tpu.bitcast %or3A_666 : vector<128x128xi32> -> vector<128x128xf32>
      %get3A_668 = arith.constant 512 : index
      %get3A_669 = arith.constant 512 : index
      %get3A_670 = vector.load %arg7[%get3A_668, %get3A_669] : memref<2048x1024xf32, #tpu.memory_space<vmem>>, vector<128x128xf32>
      %get3A_671 = arith.constant 0 : index
      %get3A_672 = arith.constant 0 : index
      %get3A_673 = arith.constant 512 : index
      %get3A_674 = vector.load %arg4[%get3A_671, %get3A_672, %get3A_673] : memref<1x1x1024xf32, #tpu.memory_space<vmem>>, vector<1x1x128xf32>
      %get3A_675 = vector.shape_cast %get3A_674 : vector<1x1x128xf32> to vector<1x128xf32>
      %add3A_676 = vector.broadcast %get3A_675 : vector<1x128xf32> to vector<128x128xf32>
      %add3A_677 = arith.addf %get3A_670, %add3A_676 : vector<128x128xf32>
      %bitcast_convert_type3A_678 = tpu.bitcast %add3A_677 : vector<128x128xf32> -> vector<128x128xi32>
      %and3A_679 = arith.constant -1024 : i32
      %and3A_680 = vector.broadcast %and3A_679 : i32 to vector<128x128xi32>
      %and3A_681 = arith.andi %bitcast_convert_type3A_678, %and3A_680 : vector<128x128xi32>
      %or3A_682 = arith.ori %and3A_681, %add3A_33 : vector<128x128xi32>
      %bitcast_convert_type3A_683 = tpu.bitcast %or3A_682 : vector<128x128xi32> -> vector<128x128xf32>
      %get3A_684 = arith.constant 512 : index
      %get3A_685 = arith.constant 640 : index
      %get3A_686 = vector.load %arg7[%get3A_684, %get3A_685] : memref<2048x1024xf32, #tpu.memory_space<vmem>>, vector<128x128xf32>
      %get3A_687 = arith.constant 0 : index
      %get3A_688 = arith.constant 0 : index
      %get3A_689 = arith.constant 640 : index
      %get3A_690 = vector.load %arg4[%get3A_687, %get3A_688, %get3A_689] : memref<1x1x1024xf32, #tpu.memory_space<vmem>>, vector<1x1x128xf32>
      %get3A_691 = vector.shape_cast %get3A_690 : vector<1x1x128xf32> to vector<1x128xf32>
      %add3A_692 = vector.broadcast %get3A_691 : vector<1x128xf32> to vector<128x128xf32>
      %add3A_693 = arith.addf %get3A_686, %add3A_692 : vector<128x128xf32>
      %bitcast_convert_type3A_694 = tpu.bitcast %add3A_693 : vector<128x128xf32> -> vector<128x128xi32>
      %and3A_695 = arith.constant -1024 : i32
      %and3A_696 = vector.broadcast %and3A_695 : i32 to vector<128x128xi32>
      %and3A_697 = arith.andi %bitcast_convert_type3A_694, %and3A_696 : vector<128x128xi32>
      %or3A_698 = arith.ori %and3A_697, %add3A_37 : vector<128x128xi32>
      %bitcast_convert_type3A_699 = tpu.bitcast %or3A_698 : vector<128x128xi32> -> vector<128x128xf32>
      %get3A_700 = arith.constant 512 : index
      %get3A_701 = arith.constant 768 : index
      %get3A_702 = vector.load %arg7[%get3A_700, %get3A_701] : memref<2048x1024xf32, #tpu.memory_space<vmem>>, vector<128x128xf32>
      %get3A_703 = arith.constant 0 : index
      %get3A_704 = arith.constant 0 : index
      %get3A_705 = arith.constant 768 : index
      %get3A_706 = vector.load %arg4[%get3A_703, %get3A_704, %get3A_705] : memref<1x1x1024xf32, #tpu.memory_space<vmem>>, vector<1x1x128xf32>
      %get3A_707 = vector.shape_cast %get3A_706 : vector<1x1x128xf32> to vector<1x128xf32>
      %add3A_708 = vector.broadcast %get3A_707 : vector<1x128xf32> to vector<128x128xf32>
      %add3A_709 = arith.addf %get3A_702, %add3A_708 : vector<128x128xf32>
      %bitcast_convert_type3A_710 = tpu.bitcast %add3A_709 : vector<128x128xf32> -> vector<128x128xi32>
      %and3A_711 = arith.constant -1024 : i32
      %and3A_712 = vector.broadcast %and3A_711 : i32 to vector<128x128xi32>
      %and3A_713 = arith.andi %bitcast_convert_type3A_710, %and3A_712 : vector<128x128xi32>
      %or3A_714 = arith.ori %and3A_713, %add3A_41 : vector<128x128xi32>
      %bitcast_convert_type3A_715 = tpu.bitcast %or3A_714 : vector<128x128xi32> -> vector<128x128xf32>
      %get3A_716 = arith.constant 512 : index
      %get3A_717 = arith.constant 896 : index
      %get3A_718 = vector.load %arg7[%get3A_716, %get3A_717] : memref<2048x1024xf32, #tpu.memory_space<vmem>>, vector<128x128xf32>
      %get3A_719 = arith.constant 0 : index
      %get3A_720 = arith.constant 0 : index
      %get3A_721 = arith.constant 896 : index
      %get3A_722 = vector.load %arg4[%get3A_719, %get3A_720, %get3A_721] : memref<1x1x1024xf32, #tpu.memory_space<vmem>>, vector<1x1x128xf32>
      %get3A_723 = vector.shape_cast %get3A_722 : vector<1x1x128xf32> to vector<1x128xf32>
      %add3A_724 = vector.broadcast %get3A_723 : vector<1x128xf32> to vector<128x128xf32>
      %add3A_725 = arith.addf %get3A_718, %add3A_724 : vector<128x128xf32>
      %bitcast_convert_type3A_726 = tpu.bitcast %add3A_725 : vector<128x128xf32> -> vector<128x128xi32>
      %and3A_727 = arith.constant -1024 : i32
      %and3A_728 = vector.broadcast %and3A_727 : i32 to vector<128x128xi32>
      %and3A_729 = arith.andi %bitcast_convert_type3A_726, %and3A_728 : vector<128x128xi32>
      %or3A_730 = arith.ori %and3A_729, %add3A_45 : vector<128x128xi32>
      %bitcast_convert_type3A_731 = tpu.bitcast %or3A_730 : vector<128x128xi32> -> vector<128x128xf32>
      %min3A_732 = arith.minimumf %bitcast_convert_type3A_619, %bitcast_convert_type3A_635 : vector<128x128xf32>
      %min3A_733 = arith.minimumf %bitcast_convert_type3A_651, %bitcast_convert_type3A_667 : vector<128x128xf32>
      %min3A_734 = arith.minimumf %bitcast_convert_type3A_683, %bitcast_convert_type3A_699 : vector<128x128xf32>
      %min3A_735 = arith.minimumf %bitcast_convert_type3A_715, %bitcast_convert_type3A_731 : vector<128x128xf32>
      %min3A_736 = arith.minimumf %min3A_732, %min3A_733 : vector<128x128xf32>
      %min3A_737 = arith.minimumf %min3A_734, %min3A_735 : vector<128x128xf32>
      %min3A_738 = arith.minimumf %min3A_736, %min3A_737 : vector<128x128xf32>
      %reduce_min3A_739 = arith.constant dense<0x7F800000> : vector<128xf32>
      %reduce_min3A_740 = vector.multi_reduction <minimumf>, %min3A_738, %reduce_min3A_739 [1] : vector<128x128xf32> to vector<128xf32>
      %get3A_741 = arith.constant 640 : index
      %get3A_742 = arith.constant 0 : index
      %get3A_743 = vector.load %arg7[%get3A_741, %get3A_742] : memref<2048x1024xf32, #tpu.memory_space<vmem>>, vector<128x128xf32>
      %get3A_744 = arith.constant 0 : index
      %get3A_745 = arith.constant 0 : index
      %get3A_746 = arith.constant 0 : index
      %get3A_747 = vector.load %arg4[%get3A_744, %get3A_745, %get3A_746] : memref<1x1x1024xf32, #tpu.memory_space<vmem>>, vector<1x1x128xf32>
      %get3A_748 = vector.shape_cast %get3A_747 : vector<1x1x128xf32> to vector<1x128xf32>
      %add3A_749 = vector.broadcast %get3A_748 : vector<1x128xf32> to vector<128x128xf32>
      %add3A_750 = arith.addf %get3A_743, %add3A_749 : vector<128x128xf32>
      %bitcast_convert_type3A_751 = tpu.bitcast %add3A_750 : vector<128x128xf32> -> vector<128x128xi32>
      %and3A_752 = arith.constant -1024 : i32
      %and3A_753 = vector.broadcast %and3A_752 : i32 to vector<128x128xi32>
      %and3A_754 = arith.andi %bitcast_convert_type3A_751, %and3A_753 : vector<128x128xi32>
      %or3A_755 = arith.ori %and3A_754, %add3A_17 : vector<128x128xi32>
      %bitcast_convert_type3A_756 = tpu.bitcast %or3A_755 : vector<128x128xi32> -> vector<128x128xf32>
      %get3A_757 = arith.constant 640 : index
      %get3A_758 = arith.constant 128 : index
      %get3A_759 = vector.load %arg7[%get3A_757, %get3A_758] : memref<2048x1024xf32, #tpu.memory_space<vmem>>, vector<128x128xf32>
      %get3A_760 = arith.constant 0 : index
      %get3A_761 = arith.constant 0 : index
      %get3A_762 = arith.constant 128 : index
      %get3A_763 = vector.load %arg4[%get3A_760, %get3A_761, %get3A_762] : memref<1x1x1024xf32, #tpu.memory_space<vmem>>, vector<1x1x128xf32>
      %get3A_764 = vector.shape_cast %get3A_763 : vector<1x1x128xf32> to vector<1x128xf32>
      %add3A_765 = vector.broadcast %get3A_764 : vector<1x128xf32> to vector<128x128xf32>
      %add3A_766 = arith.addf %get3A_759, %add3A_765 : vector<128x128xf32>
      %bitcast_convert_type3A_767 = tpu.bitcast %add3A_766 : vector<128x128xf32> -> vector<128x128xi32>
      %and3A_768 = arith.constant -1024 : i32
      %and3A_769 = vector.broadcast %and3A_768 : i32 to vector<128x128xi32>
      %and3A_770 = arith.andi %bitcast_convert_type3A_767, %and3A_769 : vector<128x128xi32>
      %or3A_771 = arith.ori %and3A_770, %add3A_21 : vector<128x128xi32>
      %bitcast_convert_type3A_772 = tpu.bitcast %or3A_771 : vector<128x128xi32> -> vector<128x128xf32>
      %get3A_773 = arith.constant 640 : index
      %get3A_774 = arith.constant 256 : index
      %get3A_775 = vector.load %arg7[%get3A_773, %get3A_774] : memref<2048x1024xf32, #tpu.memory_space<vmem>>, vector<128x128xf32>
      %get3A_776 = arith.constant 0 : index
      %get3A_777 = arith.constant 0 : index
      %get3A_778 = arith.constant 256 : index
      %get3A_779 = vector.load %arg4[%get3A_776, %get3A_777, %get3A_778] : memref<1x1x1024xf32, #tpu.memory_space<vmem>>, vector<1x1x128xf32>
      %get3A_780 = vector.shape_cast %get3A_779 : vector<1x1x128xf32> to vector<1x128xf32>
      %add3A_781 = vector.broadcast %get3A_780 : vector<1x128xf32> to vector<128x128xf32>
      %add3A_782 = arith.addf %get3A_775, %add3A_781 : vector<128x128xf32>
      %bitcast_convert_type3A_783 = tpu.bitcast %add3A_782 : vector<128x128xf32> -> vector<128x128xi32>
      %and3A_784 = arith.constant -1024 : i32
      %and3A_785 = vector.broadcast %and3A_784 : i32 to vector<128x128xi32>
      %and3A_786 = arith.andi %bitcast_convert_type3A_783, %and3A_785 : vector<128x128xi32>
      %or3A_787 = arith.ori %and3A_786, %add3A_25 : vector<128x128xi32>
      %bitcast_convert_type3A_788 = tpu.bitcast %or3A_787 : vector<128x128xi32> -> vector<128x128xf32>
      %get3A_789 = arith.constant 640 : index
      %get3A_790 = arith.constant 384 : index
      %get3A_791 = vector.load %arg7[%get3A_789, %get3A_790] : memref<2048x1024xf32, #tpu.memory_space<vmem>>, vector<128x128xf32>
      %get3A_792 = arith.constant 0 : index
      %get3A_793 = arith.constant 0 : index
      %get3A_794 = arith.constant 384 : index
      %get3A_795 = vector.load %arg4[%get3A_792, %get3A_793, %get3A_794] : memref<1x1x1024xf32, #tpu.memory_space<vmem>>, vector<1x1x128xf32>
      %get3A_796 = vector.shape_cast %get3A_795 : vector<1x1x128xf32> to vector<1x128xf32>
      %add3A_797 = vector.broadcast %get3A_796 : vector<1x128xf32> to vector<128x128xf32>
      %add3A_798 = arith.addf %get3A_791, %add3A_797 : vector<128x128xf32>
      %bitcast_convert_type3A_799 = tpu.bitcast %add3A_798 : vector<128x128xf32> -> vector<128x128xi32>
      %and3A_800 = arith.constant -1024 : i32
      %and3A_801 = vector.broadcast %and3A_800 : i32 to vector<128x128xi32>
      %and3A_802 = arith.andi %bitcast_convert_type3A_799, %and3A_801 : vector<128x128xi32>
      %or3A_803 = arith.ori %and3A_802, %add3A_29 : vector<128x128xi32>
      %bitcast_convert_type3A_804 = tpu.bitcast %or3A_803 : vector<128x128xi32> -> vector<128x128xf32>
      %get3A_805 = arith.constant 640 : index
      %get3A_806 = arith.constant 512 : index
      %get3A_807 = vector.load %arg7[%get3A_805, %get3A_806] : memref<2048x1024xf32, #tpu.memory_space<vmem>>, vector<128x128xf32>
      %get3A_808 = arith.constant 0 : index
      %get3A_809 = arith.constant 0 : index
      %get3A_810 = arith.constant 512 : index
      %get3A_811 = vector.load %arg4[%get3A_808, %get3A_809, %get3A_810] : memref<1x1x1024xf32, #tpu.memory_space<vmem>>, vector<1x1x128xf32>
      %get3A_812 = vector.shape_cast %get3A_811 : vector<1x1x128xf32> to vector<1x128xf32>
      %add3A_813 = vector.broadcast %get3A_812 : vector<1x128xf32> to vector<128x128xf32>
      %add3A_814 = arith.addf %get3A_807, %add3A_813 : vector<128x128xf32>
      %bitcast_convert_type3A_815 = tpu.bitcast %add3A_814 : vector<128x128xf32> -> vector<128x128xi32>
      %and3A_816 = arith.constant -1024 : i32
      %and3A_817 = vector.broadcast %and3A_816 : i32 to vector<128x128xi32>
      %and3A_818 = arith.andi %bitcast_convert_type3A_815, %and3A_817 : vector<128x128xi32>
      %or3A_819 = arith.ori %and3A_818, %add3A_33 : vector<128x128xi32>
      %bitcast_convert_type3A_820 = tpu.bitcast %or3A_819 : vector<128x128xi32> -> vector<128x128xf32>
      %get3A_821 = arith.constant 640 : index
      %get3A_822 = arith.constant 640 : index
      %get3A_823 = vector.load %arg7[%get3A_821, %get3A_822] : memref<2048x1024xf32, #tpu.memory_space<vmem>>, vector<128x128xf32>
      %get3A_824 = arith.constant 0 : index
      %get3A_825 = arith.constant 0 : index
      %get3A_826 = arith.constant 640 : index
      %get3A_827 = vector.load %arg4[%get3A_824, %get3A_825, %get3A_826] : memref<1x1x1024xf32, #tpu.memory_space<vmem>>, vector<1x1x128xf32>
      %get3A_828 = vector.shape_cast %get3A_827 : vector<1x1x128xf32> to vector<1x128xf32>
      %add3A_829 = vector.broadcast %get3A_828 : vector<1x128xf32> to vector<128x128xf32>
      %add3A_830 = arith.addf %get3A_823, %add3A_829 : vector<128x128xf32>
      %bitcast_convert_type3A_831 = tpu.bitcast %add3A_830 : vector<128x128xf32> -> vector<128x128xi32>
      %and3A_832 = arith.constant -1024 : i32
      %and3A_833 = vector.broadcast %and3A_832 : i32 to vector<128x128xi32>
      %and3A_834 = arith.andi %bitcast_convert_type3A_831, %and3A_833 : vector<128x128xi32>
      %or3A_835 = arith.ori %and3A_834, %add3A_37 : vector<128x128xi32>
      %bitcast_convert_type3A_836 = tpu.bitcast %or3A_835 : vector<128x128xi32> -> vector<128x128xf32>
      %get3A_837 = arith.constant 640 : index
      %get3A_838 = arith.constant 768 : index
      %get3A_839 = vector.load %arg7[%get3A_837, %get3A_838] : memref<2048x1024xf32, #tpu.memory_space<vmem>>, vector<128x128xf32>
      %get3A_840 = arith.constant 0 : index
      %get3A_841 = arith.constant 0 : index
      %get3A_842 = arith.constant 768 : index
      %get3A_843 = vector.load %arg4[%get3A_840, %get3A_841, %get3A_842] : memref<1x1x1024xf32, #tpu.memory_space<vmem>>, vector<1x1x128xf32>
      %get3A_844 = vector.shape_cast %get3A_843 : vector<1x1x128xf32> to vector<1x128xf32>
      %add3A_845 = vector.broadcast %get3A_844 : vector<1x128xf32> to vector<128x128xf32>
      %add3A_846 = arith.addf %get3A_839, %add3A_845 : vector<128x128xf32>
      %bitcast_convert_type3A_847 = tpu.bitcast %add3A_846 : vector<128x128xf32> -> vector<128x128xi32>
      %and3A_848 = arith.constant -1024 : i32
      %and3A_849 = vector.broadcast %and3A_848 : i32 to vector<128x128xi32>
      %and3A_850 = arith.andi %bitcast_convert_type3A_847, %and3A_849 : vector<128x128xi32>
      %or3A_851 = arith.ori %and3A_850, %add3A_41 : vector<128x128xi32>
      %bitcast_convert_type3A_852 = tpu.bitcast %or3A_851 : vector<128x128xi32> -> vector<128x128xf32>
      %get3A_853 = arith.constant 640 : index
      %get3A_854 = arith.constant 896 : index
      %get3A_855 = vector.load %arg7[%get3A_853, %get3A_854] : memref<2048x1024xf32, #tpu.memory_space<vmem>>, vector<128x128xf32>
      %get3A_856 = arith.constant 0 : index
      %get3A_857 = arith.constant 0 : index
      %get3A_858 = arith.constant 896 : index
      %get3A_859 = vector.load %arg4[%get3A_856, %get3A_857, %get3A_858] : memref<1x1x1024xf32, #tpu.memory_space<vmem>>, vector<1x1x128xf32>
      %get3A_860 = vector.shape_cast %get3A_859 : vector<1x1x128xf32> to vector<1x128xf32>
      %add3A_861 = vector.broadcast %get3A_860 : vector<1x128xf32> to vector<128x128xf32>
      %add3A_862 = arith.addf %get3A_855, %add3A_861 : vector<128x128xf32>
      %bitcast_convert_type3A_863 = tpu.bitcast %add3A_862 : vector<128x128xf32> -> vector<128x128xi32>
      %and3A_864 = arith.constant -1024 : i32
      %and3A_865 = vector.broadcast %and3A_864 : i32 to vector<128x128xi32>
      %and3A_866 = arith.andi %bitcast_convert_type3A_863, %and3A_865 : vector<128x128xi32>
      %or3A_867 = arith.ori %and3A_866, %add3A_45 : vector<128x128xi32>
      %bitcast_convert_type3A_868 = tpu.bitcast %or3A_867 : vector<128x128xi32> -> vector<128x128xf32>
      %min3A_869 = arith.minimumf %bitcast_convert_type3A_756, %bitcast_convert_type3A_772 : vector<128x128xf32>
      %min3A_870 = arith.minimumf %bitcast_convert_type3A_788, %bitcast_convert_type3A_804 : vector<128x128xf32>
      %min3A_871 = arith.minimumf %bitcast_convert_type3A_820, %bitcast_convert_type3A_836 : vector<128x128xf32>
      %min3A_872 = arith.minimumf %bitcast_convert_type3A_852, %bitcast_convert_type3A_868 : vector<128x128xf32>
      %min3A_873 = arith.minimumf %min3A_869, %min3A_870 : vector<128x128xf32>
      %min3A_874 = arith.minimumf %min3A_871, %min3A_872 : vector<128x128xf32>
      %min3A_875 = arith.minimumf %min3A_873, %min3A_874 : vector<128x128xf32>
      %reduce_min3A_876 = arith.constant dense<0x7F800000> : vector<128xf32>
      %reduce_min3A_877 = vector.multi_reduction <minimumf>, %min3A_875, %reduce_min3A_876 [1] : vector<128x128xf32> to vector<128xf32>
      %slice3A_878 = vector.extract_strided_slice %get3A_12 {offsets = [384, 0], sizes = [128, 512], strides = [1, 1]} : vector<1024x512xbf16> to vector<128x512xbf16>
      %dot_general3A_879 = arith.constant dense<0.000000e+00> : vector<2048x128xf32>
      %dot_general3A_880 = tpu.matmul %get3A_9, %slice3A_878, %dot_general3A_879 {dimension_numbers = #tpu.dot_dimension_numbers<[1], [1], [0], [0], [0, 0, 1, 0], [], []>, transpose_lhs_hint = false} : vector<2048x512xbf16>, vector<128x512xbf16>, vector<2048x128xf32> -> vector<2048x128xf32>
      %swap3A_881 = arith.constant 0 : index
      %swap3A_882 = arith.constant 384 : index
      %swap3A_883 = vector.load %arg6[%swap3A_881, %swap3A_882] : memref<2048x1024xf32, #tpu.memory_space<vmem>>, vector<2048x128xf32>
      tpu.vector_store %arg6[%swap3A_881, %swap3A_882], %dot_general3A_880 {strides = array<i32>} : memref<2048x1024xf32, #tpu.memory_space<vmem>>, vector<2048x128xf32>,
      %get3A_884 = arith.constant 768 : index
      %get3A_885 = arith.constant 0 : index
      %get3A_886 = vector.load %arg7[%get3A_884, %get3A_885] : memref<2048x1024xf32, #tpu.memory_space<vmem>>, vector<128x128xf32>
      %get3A_887 = arith.constant 0 : index
      %get3A_888 = arith.constant 0 : index
      %get3A_889 = arith.constant 0 : index
      %get3A_890 = vector.load %arg4[%get3A_887, %get3A_888, %get3A_889] : memref<1x1x1024xf32, #tpu.memory_space<vmem>>, vector<1x1x128xf32>
      %get3A_891 = vector.shape_cast %get3A_890 : vector<1x1x128xf32> to vector<1x128xf32>
      %add3A_892 = vector.broadcast %get3A_891 : vector<1x128xf32> to vector<128x128xf32>
      %add3A_893 = arith.addf %get3A_886, %add3A_892 : vector<128x128xf32>
      %bitcast_convert_type3A_894 = tpu.bitcast %add3A_893 : vector<128x128xf32> -> vector<128x128xi32>
      %and3A_895 = arith.constant -1024 : i32
      %and3A_896 = vector.broadcast %and3A_895 : i32 to vector<128x128xi32>
      %and3A_897 = arith.andi %bitcast_convert_type3A_894, %and3A_896 : vector<128x128xi32>
      %or3A_898 = arith.ori %and3A_897, %add3A_17 : vector<128x128xi32>
      %bitcast_convert_type3A_899 = tpu.bitcast %or3A_898 : vector<128x128xi32> -> vector<128x128xf32>
      %get3A_900 = arith.constant 768 : index
      %get3A_901 = arith.constant 128 : index
      %get3A_902 = vector.load %arg7[%get3A_900, %get3A_901] : memref<2048x1024xf32, #tpu.memory_space<vmem>>, vector<128x128xf32>
      %get3A_903 = arith.constant 0 : index
      %get3A_904 = arith.constant 0 : index
      %get3A_905 = arith.constant 128 : index
      %get3A_906 = vector.load %arg4[%get3A_903, %get3A_904, %get3A_905] : memref<1x1x1024xf32, #tpu.memory_space<vmem>>, vector<1x1x128xf32>
      %get3A_907 = vector.shape_cast %get3A_906 : vector<1x1x128xf32> to vector<1x128xf32>
      %add3A_908 = vector.broadcast %get3A_907 : vector<1x128xf32> to vector<128x128xf32>
      %add3A_909 = arith.addf %get3A_902, %add3A_908 : vector<128x128xf32>
      %bitcast_convert_type3A_910 = tpu.bitcast %add3A_909 : vector<128x128xf32> -> vector<128x128xi32>
      %and3A_911 = arith.constant -1024 : i32
      %and3A_912 = vector.broadcast %and3A_911 : i32 to vector<128x128xi32>
      %and3A_913 = arith.andi %bitcast_convert_type3A_910, %and3A_912 : vector<128x128xi32>
      %or3A_914 = arith.ori %and3A_913, %add3A_21 : vector<128x128xi32>
      %bitcast_convert_type3A_915 = tpu.bitcast %or3A_914 : vector<128x128xi32> -> vector<128x128xf32>
      %get3A_916 = arith.constant 768 : index
      %get3A_917 = arith.constant 256 : index
      %get3A_918 = vector.load %arg7[%get3A_916, %get3A_917] : memref<2048x1024xf32, #tpu.memory_space<vmem>>, vector<128x128xf32>
      %get3A_919 = arith.constant 0 : index
      %get3A_920 = arith.constant 0 : index
      %get3A_921 = arith.constant 256 : index
      %get3A_922 = vector.load %arg4[%get3A_919, %get3A_920, %get3A_921] : memref<1x1x1024xf32, #tpu.memory_space<vmem>>, vector<1x1x128xf32>
      %get3A_923 = vector.shape_cast %get3A_922 : vector<1x1x128xf32> to vector<1x128xf32>
      %add3A_924 = vector.broadcast %get3A_923 : vector<1x128xf32> to vector<128x128xf32>
      %add3A_925 = arith.addf %get3A_918, %add3A_924 : vector<128x128xf32>
      %bitcast_convert_type3A_926 = tpu.bitcast %add3A_925 : vector<128x128xf32> -> vector<128x128xi32>
      %and3A_927 = arith.constant -1024 : i32
      %and3A_928 = vector.broadcast %and3A_927 : i32 to vector<128x128xi32>
      %and3A_929 = arith.andi %bitcast_convert_type3A_926, %and3A_928 : vector<128x128xi32>
      %or3A_930 = arith.ori %and3A_929, %add3A_25 : vector<128x128xi32>
      %bitcast_convert_type3A_931 = tpu.bitcast %or3A_930 : vector<128x128xi32> -> vector<128x128xf32>
      %get3A_932 = arith.constant 768 : index
      %get3A_933 = arith.constant 384 : index
      %get3A_934 = vector.load %arg7[%get3A_932, %get3A_933] : memref<2048x1024xf32, #tpu.memory_space<vmem>>, vector<128x128xf32>
      %get3A_935 = arith.constant 0 : index
      %get3A_936 = arith.constant 0 : index
      %get3A_937 = arith.constant 384 : index
      %get3A_938 = vector.load %arg4[%get3A_935, %get3A_936, %get3A_937] : memref<1x1x1024xf32, #tpu.memory_space<vmem>>, vector<1x1x128xf32>
      %get3A_939 = vector.shape_cast %get3A_938 : vector<1x1x128xf32> to vector<1x128xf32>
      %add3A_940 = vector.broadcast %get3A_939 : vector<1x128xf32> to vector<128x128xf32>
      %add3A_941 = arith.addf %get3A_934, %add3A_940 : vector<128x128xf32>
      %bitcast_convert_type3A_942 = tpu.bitcast %add3A_941 : vector<128x128xf32> -> vector<128x128xi32>
      %and3A_943 = arith.constant -1024 : i32
      %and3A_944 = vector.broadcast %and3A_943 : i32 to vector<128x128xi32>
      %and3A_945 = arith.andi %bitcast_convert_type3A_942, %and3A_944 : vector<128x128xi32>
      %or3A_946 = arith.ori %and3A_945, %add3A_29 : vector<128x128xi32>
      %bitcast_convert_type3A_947 = tpu.bitcast %or3A_946 : vector<128x128xi32> -> vector<128x128xf32>
      %get3A_948 = arith.constant 768 : index
      %get3A_949 = arith.constant 512 : index
      %get3A_950 = vector.load %arg7[%get3A_948, %get3A_949] : memref<2048x1024xf32, #tpu.memory_space<vmem>>, vector<128x128xf32>
      %get3A_951 = arith.constant 0 : index
      %get3A_952 = arith.constant 0 : index
      %get3A_953 = arith.constant 512 : index
      %get3A_954 = vector.load %arg4[%get3A_951, %get3A_952, %get3A_953] : memref<1x1x1024xf32, #tpu.memory_space<vmem>>, vector<1x1x128xf32>
      %get3A_955 = vector.shape_cast %get3A_954 : vector<1x1x128xf32> to vector<1x128xf32>
      %add3A_956 = vector.broadcast %get3A_955 : vector<1x128xf32> to vector<128x128xf32>
      %add3A_957 = arith.addf %get3A_950, %add3A_956 : vector<128x128xf32>
      %bitcast_convert_type3A_958 = tpu.bitcast %add3A_957 : vector<128x128xf32> -> vector<128x128xi32>
      %and3A_959 = arith.constant -1024 : i32
      %and3A_960 = vector.broadcast %and3A_959 : i32 to vector<128x128xi32>
      %and3A_961 = arith.andi %bitcast_convert_type3A_958, %and3A_960 : vector<128x128xi32>
      %or3A_962 = arith.ori %and3A_961, %add3A_33 : vector<128x128xi32>
      %bitcast_convert_type3A_963 = tpu.bitcast %or3A_962 : vector<128x128xi32> -> vector<128x128xf32>
      %get3A_964 = arith.constant 768 : index
      %get3A_965 = arith.constant 640 : index
      %get3A_966 = vector.load %arg7[%get3A_964, %get3A_965] : memref<2048x1024xf32, #tpu.memory_space<vmem>>, vector<128x128xf32>
      %get3A_967 = arith.constant 0 : index
      %get3A_968 = arith.constant 0 : index
      %get3A_969 = arith.constant 640 : index
      %get3A_970 = vector.load %arg4[%get3A_967, %get3A_968, %get3A_969] : memref<1x1x1024xf32, #tpu.memory_space<vmem>>, vector<1x1x128xf32>
      %get3A_971 = vector.shape_cast %get3A_970 : vector<1x1x128xf32> to vector<1x128xf32>
      %add3A_972 = vector.broadcast %get3A_971 : vector<1x128xf32> to vector<128x128xf32>
      %add3A_973 = arith.addf %get3A_966, %add3A_972 : vector<128x128xf32>
      %bitcast_convert_type3A_974 = tpu.bitcast %add3A_973 : vector<128x128xf32> -> vector<128x128xi32>
      %and3A_975 = arith.constant -1024 : i32
      %and3A_976 = vector.broadcast %and3A_975 : i32 to vector<128x128xi32>
      %and3A_977 = arith.andi %bitcast_convert_type3A_974, %and3A_976 : vector<128x128xi32>
      %or3A_978 = arith.ori %and3A_977, %add3A_37 : vector<128x128xi32>
      %bitcast_convert_type3A_979 = tpu.bitcast %or3A_978 : vector<128x128xi32> -> vector<128x128xf32>
      %get3A_980 = arith.constant 768 : index
      %get3A_981 = arith.constant 768 : index
      %get3A_982 = vector.load %arg7[%get3A_980, %get3A_981] : memref<2048x1024xf32, #tpu.memory_space<vmem>>, vector<128x128xf32>
      %get3A_983 = arith.constant 0 : index
      %get3A_984 = arith.constant 0 : index
      %get3A_985 = arith.constant 768 : index
      %get3A_986 = vector.load %arg4[%get3A_983, %get3A_984, %get3A_985] : memref<1x1x1024xf32, #tpu.memory_space<vmem>>, vector<1x1x128xf32>
      %get3A_987 = vector.shape_cast %get3A_986 : vector<1x1x128xf32> to vector<1x128xf32>
      %add3A_988 = vector.broadcast %get3A_987 : vector<1x128xf32> to vector<128x128xf32>
      %add3A_989 = arith.addf %get3A_982, %add3A_988 : vector<128x128xf32>
      %bitcast_convert_type3A_990 = tpu.bitcast %add3A_989 : vector<128x128xf32> -> vector<128x128xi32>
      %and3A_991 = arith.constant -1024 : i32
      %and3A_992 = vector.broadcast %and3A_991 : i32 to vector<128x128xi32>
      %and3A_993 = arith.andi %bitcast_convert_type3A_990, %and3A_992 : vector<128x128xi32>
      %or3A_994 = arith.ori %and3A_993, %add3A_41 : vector<128x128xi32>
      %bitcast_convert_type3A_995 = tpu.bitcast %or3A_994 : vector<128x128xi32> -> vector<128x128xf32>
      %get3A_996 = arith.constant 768 : index
      %get3A_997 = arith.constant 896 : index
      %get3A_998 = vector.load %arg7[%get3A_996, %get3A_997] : memref<2048x1024xf32, #tpu.memory_space<vmem>>, vector<128x128xf32>
      %get3A_999 = arith.constant 0 : index
      %get3A_1000 = arith.constant 0 : index
      %get3A_1001 = arith.constant 896 : index
      %get3A_1002 = vector.load %arg4[%get3A_999, %get3A_1000, %get3A_1001] : memref<1x1x1024xf32, #tpu.memory_space<vmem>>, vector<1x1x128xf32>
      %get3A_1003 = vector.shape_cast %get3A_1002 : vector<1x1x128xf32> to vector<1x128xf32>
      %add3A_1004 = vector.broadcast %get3A_1003 : vector<1x128xf32> to vector<128x128xf32>
      %add3A_1005 = arith.addf %get3A_998, %add3A_1004 : vector<128x128xf32>
      %bitcast_convert_type3A_1006 = tpu.bitcast %add3A_1005 : vector<128x128xf32> -> vector<128x128xi32>
      %and3A_1007 = arith.constant -1024 : i32
      %and3A_1008 = vector.broadcast %and3A_1007 : i32 to vector<128x128xi32>
      %and3A_1009 = arith.andi %bitcast_convert_type3A_1006, %and3A_1008 : vector<128x128xi32>
      %or3A_1010 = arith.ori %and3A_1009, %add3A_45 : vector<128x128xi32>
      %bitcast_convert_type3A_1011 = tpu.bitcast %or3A_1010 : vector<128x128xi32> -> vector<128x128xf32>
      %min3A_1012 = arith.minimumf %bitcast_convert_type3A_899, %bitcast_convert_type3A_915 : vector<128x128xf32>
      %min3A_1013 = arith.minimumf %bitcast_convert_type3A_931, %bitcast_convert_type3A_947 : vector<128x128xf32>
      %min3A_1014 = arith.minimumf %bitcast_convert_type3A_963, %bitcast_convert_type3A_979 : vector<128x128xf32>
      %min3A_1015 = arith.minimumf %bitcast_convert_type3A_995, %bitcast_convert_type3A_1011 : vector<128x128xf32>
      %min3A_1016 = arith.minimumf %min3A_1012, %min3A_1013 : vector<128x128xf32>
      %min3A_1017 = arith.minimumf %min3A_1014, %min3A_1015 : vector<128x128xf32>
      %min3A_1018 = arith.minimumf %min3A_1016, %min3A_1017 : vector<128x128xf32>
      %reduce_min3A_1019 = arith.constant dense<0x7F800000> : vector<128xf32>
      %reduce_min3A_1020 = vector.multi_reduction <minimumf>, %min3A_1018, %reduce_min3A_1019 [1] : vector<128x128xf32> to vector<128xf32>
      %get3A_1021 = arith.constant 896 : index
      %get3A_1022 = arith.constant 0 : index
      %get3A_1023 = vector.load %arg7[%get3A_1021, %get3A_1022] : memref<2048x1024xf32, #tpu.memory_space<vmem>>, vector<128x128xf32>
      %get3A_1024 = arith.constant 0 : index
      %get3A_1025 = arith.constant 0 : index
      %get3A_1026 = arith.constant 0 : index
      %get3A_1027 = vector.load %arg4[%get3A_1024, %get3A_1025, %get3A_1026] : memref<1x1x1024xf32, #tpu.memory_space<vmem>>, vector<1x1x128xf32>
      %get3A_1028 = vector.shape_cast %get3A_1027 : vector<1x1x128xf32> to vector<1x128xf32>
      %add3A_1029 = vector.broadcast %get3A_1028 : vector<1x128xf32> to vector<128x128xf32>
      %add3A_1030 = arith.addf %get3A_1023, %add3A_1029 : vector<128x128xf32>
      %bitcast_convert_type3A_1031 = tpu.bitcast %add3A_1030 : vector<128x128xf32> -> vector<128x128xi32>
      %and3A_1032 = arith.constant -1024 : i32
      %and3A_1033 = vector.broadcast %and3A_1032 : i32 to vector<128x128xi32>
      %and3A_1034 = arith.andi %bitcast_convert_type3A_1031, %and3A_1033 : vector<128x128xi32>
      %or3A_1035 = arith.ori %and3A_1034, %add3A_17 : vector<128x128xi32>
      %bitcast_convert_type3A_1036 = tpu.bitcast %or3A_1035 : vector<128x128xi32> -> vector<128x128xf32>
      %get3A_1037 = arith.constant 896 : index
      %get3A_1038 = arith.constant 128 : index
      %get3A_1039 = vector.load %arg7[%get3A_1037, %get3A_1038] : memref<2048x1024xf32, #tpu.memory_space<vmem>>, vector<128x128xf32>
      %get3A_1040 = arith.constant 0 : index
      %get3A_1041 = arith.constant 0 : index
      %get3A_1042 = arith.constant 128 : index
      %get3A_1043 = vector.load %arg4[%get3A_1040, %get3A_1041, %get3A_1042] : memref<1x1x1024xf32, #tpu.memory_space<vmem>>, vector<1x1x128xf32>
      %get3A_1044 = vector.shape_cast %get3A_1043 : vector<1x1x128xf32> to vector<1x128xf32>
      %add3A_1045 = vector.broadcast %get3A_1044 : vector<1x128xf32> to vector<128x128xf32>
      %add3A_1046 = arith.addf %get3A_1039, %add3A_1045 : vector<128x128xf32>
      %bitcast_convert_type3A_1047 = tpu.bitcast %add3A_1046 : vector<128x128xf32> -> vector<128x128xi32>
      %and3A_1048 = arith.constant -1024 : i32
      %and3A_1049 = vector.broadcast %and3A_1048 : i32 to vector<128x128xi32>
      %and3A_1050 = arith.andi %bitcast_convert_type3A_1047, %and3A_1049 : vector<128x128xi32>
      %or3A_1051 = arith.ori %and3A_1050, %add3A_21 : vector<128x128xi32>
      %bitcast_convert_type3A_1052 = tpu.bitcast %or3A_1051 : vector<128x128xi32> -> vector<128x128xf32>
      %get3A_1053 = arith.constant 896 : index
      %get3A_1054 = arith.constant 256 : index
      %get3A_1055 = vector.load %arg7[%get3A_1053, %get3A_1054] : memref<2048x1024xf32, #tpu.memory_space<vmem>>, vector<128x128xf32>
      %get3A_1056 = arith.constant 0 : index
      %get3A_1057 = arith.constant 0 : index
      %get3A_1058 = arith.constant 256 : index
      %get3A_1059 = vector.load %arg4[%get3A_1056, %get3A_1057, %get3A_1058] : memref<1x1x1024xf32, #tpu.memory_space<vmem>>, vector<1x1x128xf32>
      %get3A_1060 = vector.shape_cast %get3A_1059 : vector<1x1x128xf32> to vector<1x128xf32>
      %add3A_1061 = vector.broadcast %get3A_1060 : vector<1x128xf32> to vector<128x128xf32>
      %add3A_1062 = arith.addf %get3A_1055, %add3A_1061 : vector<128x128xf32>
      %bitcast_convert_type3A_1063 = tpu.bitcast %add3A_1062 : vector<128x128xf32> -> vector<128x128xi32>
      %and3A_1064 = arith.constant -1024 : i32
      %and3A_1065 = vector.broadcast %and3A_1064 : i32 to vector<128x128xi32>
      %and3A_1066 = arith.andi %bitcast_convert_type3A_1063, %and3A_1065 : vector<128x128xi32>
      %or3A_1067 = arith.ori %and3A_1066, %add3A_25 : vector<128x128xi32>
      %bitcast_convert_type3A_1068 = tpu.bitcast %or3A_1067 : vector<128x128xi32> -> vector<128x128xf32>
      %get3A_1069 = arith.constant 896 : index
      %get3A_1070 = arith.constant 384 : index
      %get3A_1071 = vector.load %arg7[%get3A_1069, %get3A_1070] : memref<2048x1024xf32, #tpu.memory_space<vmem>>, vector<128x128xf32>
      %get3A_1072 = arith.constant 0 : index
      %get3A_1073 = arith.constant 0 : index
      %get3A_1074 = arith.constant 384 : index
      %get3A_1075 = vector.load %arg4[%get3A_1072, %get3A_1073, %get3A_1074] : memref<1x1x1024xf32, #tpu.memory_space<vmem>>, vector<1x1x128xf32>
      %get3A_1076 = vector.shape_cast %get3A_1075 : vector<1x1x128xf32> to vector<1x128xf32>
      %add3A_1077 = vector.broadcast %get3A_1076 : vector<1x128xf32> to vector<128x128xf32>
      %add3A_1078 = arith.addf %get3A_1071, %add3A_1077 : vector<128x128xf32>
      %bitcast_convert_type3A_1079 = tpu.bitcast %add3A_1078 : vector<128x128xf32> -> vector<128x128xi32>
      %and3A_1080 = arith.constant -1024 : i32
      %and3A_1081 = vector.broadcast %and3A_1080 : i32 to vector<128x128xi32>
      %and3A_1082 = arith.andi %bitcast_convert_type3A_1079, %and3A_1081 : vector<128x128xi32>
      %or3A_1083 = arith.ori %and3A_1082, %add3A_29 : vector<128x128xi32>
      %bitcast_convert_type3A_1084 = tpu.bitcast %or3A_1083 : vector<128x128xi32> -> vector<128x128xf32>
      %get3A_1085 = arith.constant 896 : index
      %get3A_1086 = arith.constant 512 : index
      %get3A_1087 = vector.load %arg7[%get3A_1085, %get3A_1086] : memref<2048x1024xf32, #tpu.memory_space<vmem>>, vector<128x128xf32>
      %get3A_1088 = arith.constant 0 : index
      %get3A_1089 = arith.constant 0 : index
      %get3A_1090 = arith.constant 512 : index
      %get3A_1091 = vector.load %arg4[%get3A_1088, %get3A_1089, %get3A_1090] : memref<1x1x1024xf32, #tpu.memory_space<vmem>>, vector<1x1x128xf32>
      %get3A_1092 = vector.shape_cast %get3A_1091 : vector<1x1x128xf32> to vector<1x128xf32>
      %add3A_1093 = vector.broadcast %get3A_1092 : vector<1x128xf32> to vector<128x128xf32>
      %add3A_1094 = arith.addf %get3A_1087, %add3A_1093 : vector<128x128xf32>
      %bitcast_convert_type3A_1095 = tpu.bitcast %add3A_1094 : vector<128x128xf32> -> vector<128x128xi32>
      %and3A_1096 = arith.constant -1024 : i32
      %and3A_1097 = vector.broadcast %and3A_1096 : i32 to vector<128x128xi32>
      %and3A_1098 = arith.andi %bitcast_convert_type3A_1095, %and3A_1097 : vector<128x128xi32>
      %or3A_1099 = arith.ori %and3A_1098, %add3A_33 : vector<128x128xi32>
      %bitcast_convert_type3A_1100 = tpu.bitcast %or3A_1099 : vector<128x128xi32> -> vector<128x128xf32>
      %get3A_1101 = arith.constant 896 : index
      %get3A_1102 = arith.constant 640 : index
      %get3A_1103 = vector.load %arg7[%get3A_1101, %get3A_1102] : memref<2048x1024xf32, #tpu.memory_space<vmem>>, vector<128x128xf32>
      %get3A_1104 = arith.constant 0 : index
      %get3A_1105 = arith.constant 0 : index
      %get3A_1106 = arith.constant 640 : index
      %get3A_1107 = vector.load %arg4[%get3A_1104, %get3A_1105, %get3A_1106] : memref<1x1x1024xf32, #tpu.memory_space<vmem>>, vector<1x1x128xf32>
      %get3A_1108 = vector.shape_cast %get3A_1107 : vector<1x1x128xf32> to vector<1x128xf32>
      %add3A_1109 = vector.broadcast %get3A_1108 : vector<1x128xf32> to vector<128x128xf32>
      %add3A_1110 = arith.addf %get3A_1103, %add3A_1109 : vector<128x128xf32>
      %bitcast_convert_type3A_1111 = tpu.bitcast %add3A_1110 : vector<128x128xf32> -> vector<128x128xi32>
      %and3A_1112 = arith.constant -1024 : i32
      %and3A_1113 = vector.broadcast %and3A_1112 : i32 to vector<128x128xi32>
      %and3A_1114 = arith.andi %bitcast_convert_type3A_1111, %and3A_1113 : vector<128x128xi32>
      %or3A_1115 = arith.ori %and3A_1114, %add3A_37 : vector<128x128xi32>
      %bitcast_convert_type3A_1116 = tpu.bitcast %or3A_1115 : vector<128x128xi32> -> vector<128x128xf32>
      %get3A_1117 = arith.constant 896 : index
      %get3A_1118 = arith.constant 768 : index
      %get3A_1119 = vector.load %arg7[%get3A_1117, %get3A_1118] : memref<2048x1024xf32, #tpu.memory_space<vmem>>, vector<128x128xf32>
      %get3A_1120 = arith.constant 0 : index
      %get3A_1121 = arith.constant 0 : index
      %get3A_1122 = arith.constant 768 : index
      %get3A_1123 = vector.load %arg4[%get3A_1120, %get3A_1121, %get3A_1122] : memref<1x1x1024xf32, #tpu.memory_space<vmem>>, vector<1x1x128xf32>
      %get3A_1124 = vector.shape_cast %get3A_1123 : vector<1x1x128xf32> to vector<1x128xf32>
      %add3A_1125 = vector.broadcast %get3A_1124 : vector<1x128xf32> to vector<128x128xf32>
      %add3A_1126 = arith.addf %get3A_1119, %add3A_1125 : vector<128x128xf32>
      %bitcast_convert_type3A_1127 = tpu.bitcast %add3A_1126 : vector<128x128xf32> -> vector<128x128xi32>
      %and3A_1128 = arith.constant -1024 : i32
      %and3A_1129 = vector.broadcast %and3A_1128 : i32 to vector<128x128xi32>
      %and3A_1130 = arith.andi %bitcast_convert_type3A_1127, %and3A_1129 : vector<128x128xi32>
      %or3A_1131 = arith.ori %and3A_1130, %add3A_41 : vector<128x128xi32>
      %bitcast_convert_type3A_1132 = tpu.bitcast %or3A_1131 : vector<128x128xi32> -> vector<128x128xf32>
      %get3A_1133 = arith.constant 896 : index
      %get3A_1134 = arith.constant 896 : index
      %get3A_1135 = vector.load %arg7[%get3A_1133, %get3A_1134] : memref<2048x1024xf32, #tpu.memory_space<vmem>>, vector<128x128xf32>
      %get3A_1136 = arith.constant 0 : index
      %get3A_1137 = arith.constant 0 : index
      %get3A_1138 = arith.constant 896 : index
      %get3A_1139 = vector.load %arg4[%get3A_1136, %get3A_1137, %get3A_1138] : memref<1x1x1024xf32, #tpu.memory_space<vmem>>, vector<1x1x128xf32>
      %get3A_1140 = vector.shape_cast %get3A_1139 : vector<1x1x128xf32> to vector<1x128xf32>
      %add3A_1141 = vector.broadcast %get3A_1140 : vector<1x128xf32> to vector<128x128xf32>
      %add3A_1142 = arith.addf %get3A_1135, %add3A_1141 : vector<128x128xf32>
      %bitcast_convert_type3A_1143 = tpu.bitcast %add3A_1142 : vector<128x128xf32> -> vector<128x128xi32>
      %and3A_1144 = arith.constant -1024 : i32
      %and3A_1145 = vector.broadcast %and3A_1144 : i32 to vector<128x128xi32>
      %and3A_1146 = arith.andi %bitcast_convert_type3A_1143, %and3A_1145 : vector<128x128xi32>
      %or3A_1147 = arith.ori %and3A_1146, %add3A_45 : vector<128x128xi32>
      %bitcast_convert_type3A_1148 = tpu.bitcast %or3A_1147 : vector<128x128xi32> -> vector<128x128xf32>
      %min3A_1149 = arith.minimumf %bitcast_convert_type3A_1036, %bitcast_convert_type3A_1052 : vector<128x128xf32>
      %min3A_1150 = arith.minimumf %bitcast_convert_type3A_1068, %bitcast_convert_type3A_1084 : vector<128x128xf32>
      %min3A_1151 = arith.minimumf %bitcast_convert_type3A_1100, %bitcast_convert_type3A_1116 : vector<128x128xf32>
      %min3A_1152 = arith.minimumf %bitcast_convert_type3A_1132, %bitcast_convert_type3A_1148 : vector<128x128xf32>
      %min3A_1153 = arith.minimumf %min3A_1149, %min3A_1150 : vector<128x128xf32>
      %min3A_1154 = arith.minimumf %min3A_1151, %min3A_1152 : vector<128x128xf32>
      %min3A_1155 = arith.minimumf %min3A_1153, %min3A_1154 : vector<128x128xf32>
      %reduce_min3A_1156 = arith.constant dense<0x7F800000> : vector<128xf32>
      %reduce_min3A_1157 = vector.multi_reduction <minimumf>, %min3A_1155, %reduce_min3A_1156 [1] : vector<128x128xf32> to vector<128xf32>
      %slice3A_1158 = vector.extract_strided_slice %get3A_12 {offsets = [512, 0], sizes = [128, 512], strides = [1, 1]} : vector<1024x512xbf16> to vector<128x512xbf16>
      %dot_general3A_1159 = arith.constant dense<0.000000e+00> : vector<2048x128xf32>
      %dot_general3A_1160 = tpu.matmul %get3A_9, %slice3A_1158, %dot_general3A_1159 {dimension_numbers = #tpu.dot_dimension_numbers<[1], [1], [0], [0], [0, 0, 1, 0], [], []>, transpose_lhs_hint = false} : vector<2048x512xbf16>, vector<128x512xbf16>, vector<2048x128xf32> -> vector<2048x128xf32>
      %swap3A_1161 = arith.constant 0 : index
      %swap3A_1162 = arith.constant 512 : index
      %swap3A_1163 = vector.load %arg6[%swap3A_1161, %swap3A_1162] : memref<2048x1024xf32, #tpu.memory_space<vmem>>, vector<2048x128xf32>
      tpu.vector_store %arg6[%swap3A_1161, %swap3A_1162], %dot_general3A_1160 {strides = array<i32>} : memref<2048x1024xf32, #tpu.memory_space<vmem>>, vector<2048x128xf32>,
      %get3A_1164 = arith.constant 1024 : index
      %get3A_1165 = arith.constant 0 : index
      %get3A_1166 = vector.load %arg7[%get3A_1164, %get3A_1165] : memref<2048x1024xf32, #tpu.memory_space<vmem>>, vector<128x128xf32>
      %get3A_1167 = arith.constant 0 : index
      %get3A_1168 = arith.constant 0 : index
      %get3A_1169 = arith.constant 0 : index
      %get3A_1170 = vector.load %arg4[%get3A_1167, %get3A_1168, %get3A_1169] : memref<1x1x1024xf32, #tpu.memory_space<vmem>>, vector<1x1x128xf32>
      %get3A_1171 = vector.shape_cast %get3A_1170 : vector<1x1x128xf32> to vector<1x128xf32>
      %add3A_1172 = vector.broadcast %get3A_1171 : vector<1x128xf32> to vector<128x128xf32>
      %add3A_1173 = arith.addf %get3A_1166, %add3A_1172 : vector<128x128xf32>
      %bitcast_convert_type3A_1174 = tpu.bitcast %add3A_1173 : vector<128x128xf32> -> vector<128x128xi32>
      %and3A_1175 = arith.constant -1024 : i32
      %and3A_1176 = vector.broadcast %and3A_1175 : i32 to vector<128x128xi32>
      %and3A_1177 = arith.andi %bitcast_convert_type3A_1174, %and3A_1176 : vector<128x128xi32>
      %or3A_1178 = arith.ori %and3A_1177, %add3A_17 : vector<128x128xi32>
      %bitcast_convert_type3A_1179 = tpu.bitcast %or3A_1178 : vector<128x128xi32> -> vector<128x128xf32>
      %get3A_1180 = arith.constant 1024 : index
      %get3A_1181 = arith.constant 128 : index
      %get3A_1182 = vector.load %arg7[%get3A_1180, %get3A_1181] : memref<2048x1024xf32, #tpu.memory_space<vmem>>, vector<128x128xf32>
      %get3A_1183 = arith.constant 0 : index
      %get3A_1184 = arith.constant 0 : index
      %get3A_1185 = arith.constant 128 : index
      %get3A_1186 = vector.load %arg4[%get3A_1183, %get3A_1184, %get3A_1185] : memref<1x1x1024xf32, #tpu.memory_space<vmem>>, vector<1x1x128xf32>
      %get3A_1187 = vector.shape_cast %get3A_1186 : vector<1x1x128xf32> to vector<1x128xf32>
      %add3A_1188 = vector.broadcast %get3A_1187 : vector<1x128xf32> to vector<128x128xf32>
      %add3A_1189 = arith.addf %get3A_1182, %add3A_1188 : vector<128x128xf32>
      %bitcast_convert_type3A_1190 = tpu.bitcast %add3A_1189 : vector<128x128xf32> -> vector<128x128xi32>
      %and3A_1191 = arith.constant -1024 : i32
      %and3A_1192 = vector.broadcast %and3A_1191 : i32 to vector<128x128xi32>
      %and3A_1193 = arith.andi %bitcast_convert_type3A_1190, %and3A_1192 : vector<128x128xi32>
      %or3A_1194 = arith.ori %and3A_1193, %add3A_21 : vector<128x128xi32>
      %bitcast_convert_type3A_1195 = tpu.bitcast %or3A_1194 : vector<128x128xi32> -> vector<128x128xf32>
      %get3A_1196 = arith.constant 1024 : index
      %get3A_1197 = arith.constant 256 : index
      %get3A_1198 = vector.load %arg7[%get3A_1196, %get3A_1197] : memref<2048x1024xf32, #tpu.memory_space<vmem>>, vector<128x128xf32>
      %get3A_1199 = arith.constant 0 : index
      %get3A_1200 = arith.constant 0 : index
      %get3A_1201 = arith.constant 256 : index
      %get3A_1202 = vector.load %arg4[%get3A_1199, %get3A_1200, %get3A_1201] : memref<1x1x1024xf32, #tpu.memory_space<vmem>>, vector<1x1x128xf32>
      %get3A_1203 = vector.shape_cast %get3A_1202 : vector<1x1x128xf32> to vector<1x128xf32>
      %add3A_1204 = vector.broadcast %get3A_1203 : vector<1x128xf32> to vector<128x128xf32>
      %add3A_1205 = arith.addf %get3A_1198, %add3A_1204 : vector<128x128xf32>
      %bitcast_convert_type3A_1206 = tpu.bitcast %add3A_1205 : vector<128x128xf32> -> vector<128x128xi32>
      %and3A_1207 = arith.constant -1024 : i32
      %and3A_1208 = vector.broadcast %and3A_1207 : i32 to vector<128x128xi32>
      %and3A_1209 = arith.andi %bitcast_convert_type3A_1206, %and3A_1208 : vector<128x128xi32>
      %or3A_1210 = arith.ori %and3A_1209, %add3A_25 : vector<128x128xi32>
      %bitcast_convert_type3A_1211 = tpu.bitcast %or3A_1210 : vector<128x128xi32> -> vector<128x128xf32>
      %get3A_1212 = arith.constant 1024 : index
      %get3A_1213 = arith.constant 384 : index
      %get3A_1214 = vector.load %arg7[%get3A_1212, %get3A_1213] : memref<2048x1024xf32, #tpu.memory_space<vmem>>, vector<128x128xf32>
      %get3A_1215 = arith.constant 0 : index
      %get3A_1216 = arith.constant 0 : index
      %get3A_1217 = arith.constant 384 : index
      %get3A_1218 = vector.load %arg4[%get3A_1215, %get3A_1216, %get3A_1217] : memref<1x1x1024xf32, #tpu.memory_space<vmem>>, vector<1x1x128xf32>
      %get3A_1219 = vector.shape_cast %get3A_1218 : vector<1x1x128xf32> to vector<1x128xf32>
      %add3A_1220 = vector.broadcast %get3A_1219 : vector<1x128xf32> to vector<128x128xf32>
      %add3A_1221 = arith.addf %get3A_1214, %add3A_1220 : vector<128x128xf32>
      %bitcast_convert_type3A_1222 = tpu.bitcast %add3A_1221 : vector<128x128xf32> -> vector<128x128xi32>
      %and3A_1223 = arith.constant -1024 : i32
      %and3A_1224 = vector.broadcast %and3A_1223 : i32 to vector<128x128xi32>
      %and3A_1225 = arith.andi %bitcast_convert_type3A_1222, %and3A_1224 : vector<128x128xi32>
      %or3A_1226 = arith.ori %and3A_1225, %add3A_29 : vector<128x128xi32>
      %bitcast_convert_type3A_1227 = tpu.bitcast %or3A_1226 : vector<128x128xi32> -> vector<128x128xf32>
      %get3A_1228 = arith.constant 1024 : index
      %get3A_1229 = arith.constant 512 : index
      %get3A_1230 = vector.load %arg7[%get3A_1228, %get3A_1229] : memref<2048x1024xf32, #tpu.memory_space<vmem>>, vector<128x128xf32>
      %get3A_1231 = arith.constant 0 : index
      %get3A_1232 = arith.constant 0 : index
      %get3A_1233 = arith.constant 512 : index
      %get3A_1234 = vector.load %arg4[%get3A_1231, %get3A_1232, %get3A_1233] : memref<1x1x1024xf32, #tpu.memory_space<vmem>>, vector<1x1x128xf32>
      %get3A_1235 = vector.shape_cast %get3A_1234 : vector<1x1x128xf32> to vector<1x128xf32>
      %add3A_1236 = vector.broadcast %get3A_1235 : vector<1x128xf32> to vector<128x128xf32>
      %add3A_1237 = arith.addf %get3A_1230, %add3A_1236 : vector<128x128xf32>
      %bitcast_convert_type3A_1238 = tpu.bitcast %add3A_1237 : vector<128x128xf32> -> vector<128x128xi32>
      %and3A_1239 = arith.constant -1024 : i32
      %and3A_1240 = vector.broadcast %and3A_1239 : i32 to vector<128x128xi32>
      %and3A_1241 = arith.andi %bitcast_convert_type3A_1238, %and3A_1240 : vector<128x128xi32>
      %or3A_1242 = arith.ori %and3A_1241, %add3A_33 : vector<128x128xi32>
      %bitcast_convert_type3A_1243 = tpu.bitcast %or3A_1242 : vector<128x128xi32> -> vector<128x128xf32>
      %get3A_1244 = arith.constant 1024 : index
      %get3A_1245 = arith.constant 640 : index
      %get3A_1246 = vector.load %arg7[%get3A_1244, %get3A_1245] : memref<2048x1024xf32, #tpu.memory_space<vmem>>, vector<128x128xf32>
      %get3A_1247 = arith.constant 0 : index
      %get3A_1248 = arith.constant 0 : index
      %get3A_1249 = arith.constant 640 : index
      %get3A_1250 = vector.load %arg4[%get3A_1247, %get3A_1248, %get3A_1249] : memref<1x1x1024xf32, #tpu.memory_space<vmem>>, vector<1x1x128xf32>
      %get3A_1251 = vector.shape_cast %get3A_1250 : vector<1x1x128xf32> to vector<1x128xf32>
      %add3A_1252 = vector.broadcast %get3A_1251 : vector<1x128xf32> to vector<128x128xf32>
      %add3A_1253 = arith.addf %get3A_1246, %add3A_1252 : vector<128x128xf32>
      %bitcast_convert_type3A_1254 = tpu.bitcast %add3A_1253 : vector<128x128xf32> -> vector<128x128xi32>
      %and3A_1255 = arith.constant -1024 : i32
      %and3A_1256 = vector.broadcast %and3A_1255 : i32 to vector<128x128xi32>
      %and3A_1257 = arith.andi %bitcast_convert_type3A_1254, %and3A_1256 : vector<128x128xi32>
      %or3A_1258 = arith.ori %and3A_1257, %add3A_37 : vector<128x128xi32>
      %bitcast_convert_type3A_1259 = tpu.bitcast %or3A_1258 : vector<128x128xi32> -> vector<128x128xf32>
      %get3A_1260 = arith.constant 1024 : index
      %get3A_1261 = arith.constant 768 : index
      %get3A_1262 = vector.load %arg7[%get3A_1260, %get3A_1261] : memref<2048x1024xf32, #tpu.memory_space<vmem>>, vector<128x128xf32>
      %get3A_1263 = arith.constant 0 : index
      %get3A_1264 = arith.constant 0 : index
      %get3A_1265 = arith.constant 768 : index
      %get3A_1266 = vector.load %arg4[%get3A_1263, %get3A_1264, %get3A_1265] : memref<1x1x1024xf32, #tpu.memory_space<vmem>>, vector<1x1x128xf32>
      %get3A_1267 = vector.shape_cast %get3A_1266 : vector<1x1x128xf32> to vector<1x128xf32>
      %add3A_1268 = vector.broadcast %get3A_1267 : vector<1x128xf32> to vector<128x128xf32>
      %add3A_1269 = arith.addf %get3A_1262, %add3A_1268 : vector<128x128xf32>
      %bitcast_convert_type3A_1270 = tpu.bitcast %add3A_1269 : vector<128x128xf32> -> vector<128x128xi32>
      %and3A_1271 = arith.constant -1024 : i32
      %and3A_1272 = vector.broadcast %and3A_1271 : i32 to vector<128x128xi32>
      %and3A_1273 = arith.andi %bitcast_convert_type3A_1270, %and3A_1272 : vector<128x128xi32>
      %or3A_1274 = arith.ori %and3A_1273, %add3A_41 : vector<128x128xi32>
      %bitcast_convert_type3A_1275 = tpu.bitcast %or3A_1274 : vector<128x128xi32> -> vector<128x128xf32>
      %get3A_1276 = arith.constant 1024 : index
      %get3A_1277 = arith.constant 896 : index
      %get3A_1278 = vector.load %arg7[%get3A_1276, %get3A_1277] : memref<2048x1024xf32, #tpu.memory_space<vmem>>, vector<128x128xf32>
      %get3A_1279 = arith.constant 0 : index
      %get3A_1280 = arith.constant 0 : index
      %get3A_1281 = arith.constant 896 : index
      %get3A_1282 = vector.load %arg4[%get3A_1279, %get3A_1280, %get3A_1281] : memref<1x1x1024xf32, #tpu.memory_space<vmem>>, vector<1x1x128xf32>
      %get3A_1283 = vector.shape_cast %get3A_1282 : vector<1x1x128xf32> to vector<1x128xf32>
      %add3A_1284 = vector.broadcast %get3A_1283 : vector<1x128xf32> to vector<128x128xf32>
      %add3A_1285 = arith.addf %get3A_1278, %add3A_1284 : vector<128x128xf32>
      %bitcast_convert_type3A_1286 = tpu.bitcast %add3A_1285 : vector<128x128xf32> -> vector<128x128xi32>
      %and3A_1287 = arith.constant -1024 : i32
      %and3A_1288 = vector.broadcast %and3A_1287 : i32 to vector<128x128xi32>
      %and3A_1289 = arith.andi %bitcast_convert_type3A_1286, %and3A_1288 : vector<128x128xi32>
      %or3A_1290 = arith.ori %and3A_1289, %add3A_45 : vector<128x128xi32>
      %bitcast_convert_type3A_1291 = tpu.bitcast %or3A_1290 : vector<128x128xi32> -> vector<128x128xf32>
      %min3A_1292 = arith.minimumf %bitcast_convert_type3A_1179, %bitcast_convert_type3A_1195 : vector<128x128xf32>
      %min3A_1293 = arith.minimumf %bitcast_convert_type3A_1211, %bitcast_convert_type3A_1227 : vector<128x128xf32>
      %min3A_1294 = arith.minimumf %bitcast_convert_type3A_1243, %bitcast_convert_type3A_1259 : vector<128x128xf32>
      %min3A_1295 = arith.minimumf %bitcast_convert_type3A_1275, %bitcast_convert_type3A_1291 : vector<128x128xf32>
      %min3A_1296 = arith.minimumf %min3A_1292, %min3A_1293 : vector<128x128xf32>
      %min3A_1297 = arith.minimumf %min3A_1294, %min3A_1295 : vector<128x128xf32>
      %min3A_1298 = arith.minimumf %min3A_1296, %min3A_1297 : vector<128x128xf32>
      %reduce_min3A_1299 = arith.constant dense<0x7F800000> : vector<128xf32>
      %reduce_min3A_1300 = vector.multi_reduction <minimumf>, %min3A_1298, %reduce_min3A_1299 [1] : vector<128x128xf32> to vector<128xf32>
      %get3A_1301 = arith.constant 1152 : index
      %get3A_1302 = arith.constant 0 : index
      %get3A_1303 = vector.load %arg7[%get3A_1301, %get3A_1302] : memref<2048x1024xf32, #tpu.memory_space<vmem>>, vector<128x128xf32>
      %get3A_1304 = arith.constant 0 : index
      %get3A_1305 = arith.constant 0 : index
      %get3A_1306 = arith.constant 0 : index
      %get3A_1307 = vector.load %arg4[%get3A_1304, %get3A_1305, %get3A_1306] : memref<1x1x1024xf32, #tpu.memory_space<vmem>>, vector<1x1x128xf32>
      %get3A_1308 = vector.shape_cast %get3A_1307 : vector<1x1x128xf32> to vector<1x128xf32>
      %add3A_1309 = vector.broadcast %get3A_1308 : vector<1x128xf32> to vector<128x128xf32>
      %add3A_1310 = arith.addf %get3A_1303, %add3A_1309 : vector<128x128xf32>
      %bitcast_convert_type3A_1311 = tpu.bitcast %add3A_1310 : vector<128x128xf32> -> vector<128x128xi32>
      %and3A_1312 = arith.constant -1024 : i32
      %and3A_1313 = vector.broadcast %and3A_1312 : i32 to vector<128x128xi32>
      %and3A_1314 = arith.andi %bitcast_convert_type3A_1311, %and3A_1313 : vector<128x128xi32>
      %or3A_1315 = arith.ori %and3A_1314, %add3A_17 : vector<128x128xi32>
      %bitcast_convert_type3A_1316 = tpu.bitcast %or3A_1315 : vector<128x128xi32> -> vector<128x128xf32>
      %get3A_1317 = arith.constant 1152 : index
      %get3A_1318 = arith.constant 128 : index
      %get3A_1319 = vector.load %arg7[%get3A_1317, %get3A_1318] : memref<2048x1024xf32, #tpu.memory_space<vmem>>, vector<128x128xf32>
      %get3A_1320 = arith.constant 0 : index
      %get3A_1321 = arith.constant 0 : index
      %get3A_1322 = arith.constant 128 : index
      %get3A_1323 = vector.load %arg4[%get3A_1320, %get3A_1321, %get3A_1322] : memref<1x1x1024xf32, #tpu.memory_space<vmem>>, vector<1x1x128xf32>
      %get3A_1324 = vector.shape_cast %get3A_1323 : vector<1x1x128xf32> to vector<1x128xf32>
      %add3A_1325 = vector.broadcast %get3A_1324 : vector<1x128xf32> to vector<128x128xf32>
      %add3A_1326 = arith.addf %get3A_1319, %add3A_1325 : vector<128x128xf32>
      %bitcast_convert_type3A_1327 = tpu.bitcast %add3A_1326 : vector<128x128xf32> -> vector<128x128xi32>
      %and3A_1328 = arith.constant -1024 : i32
      %and3A_1329 = vector.broadcast %and3A_1328 : i32 to vector<128x128xi32>
      %and3A_1330 = arith.andi %bitcast_convert_type3A_1327, %and3A_1329 : vector<128x128xi32>
      %or3A_1331 = arith.ori %and3A_1330, %add3A_21 : vector<128x128xi32>
      %bitcast_convert_type3A_1332 = tpu.bitcast %or3A_1331 : vector<128x128xi32> -> vector<128x128xf32>
      %get3A_1333 = arith.constant 1152 : index
      %get3A_1334 = arith.constant 256 : index
      %get3A_1335 = vector.load %arg7[%get3A_1333, %get3A_1334] : memref<2048x1024xf32, #tpu.memory_space<vmem>>, vector<128x128xf32>
      %get3A_1336 = arith.constant 0 : index
      %get3A_1337 = arith.constant 0 : index
      %get3A_1338 = arith.constant 256 : index
      %get3A_1339 = vector.load %arg4[%get3A_1336, %get3A_1337, %get3A_1338] : memref<1x1x1024xf32, #tpu.memory_space<vmem>>, vector<1x1x128xf32>
      %get3A_1340 = vector.shape_cast %get3A_1339 : vector<1x1x128xf32> to vector<1x128xf32>
      %add3A_1341 = vector.broadcast %get3A_1340 : vector<1x128xf32> to vector<128x128xf32>
      %add3A_1342 = arith.addf %get3A_1335, %add3A_1341 : vector<128x128xf32>
      %bitcast_convert_type3A_1343 = tpu.bitcast %add3A_1342 : vector<128x128xf32> -> vector<128x128xi32>
      %and3A_1344 = arith.constant -1024 : i32
      %and3A_1345 = vector.broadcast %and3A_1344 : i32 to vector<128x128xi32>
      %and3A_1346 = arith.andi %bitcast_convert_type3A_1343, %and3A_1345 : vector<128x128xi32>
      %or3A_1347 = arith.ori %and3A_1346, %add3A_25 : vector<128x128xi32>
      %bitcast_convert_type3A_1348 = tpu.bitcast %or3A_1347 : vector<128x128xi32> -> vector<128x128xf32>
      %get3A_1349 = arith.constant 1152 : index
      %get3A_1350 = arith.constant 384 : index
      %get3A_1351 = vector.load %arg7[%get3A_1349, %get3A_1350] : memref<2048x1024xf32, #tpu.memory_space<vmem>>, vector<128x128xf32>
      %get3A_1352 = arith.constant 0 : index
      %get3A_1353 = arith.constant 0 : index
      %get3A_1354 = arith.constant 384 : index
      %get3A_1355 = vector.load %arg4[%get3A_1352, %get3A_1353, %get3A_1354] : memref<1x1x1024xf32, #tpu.memory_space<vmem>>, vector<1x1x128xf32>
      %get3A_1356 = vector.shape_cast %get3A_1355 : vector<1x1x128xf32> to vector<1x128xf32>
      %add3A_1357 = vector.broadcast %get3A_1356 : vector<1x128xf32> to vector<128x128xf32>
      %add3A_1358 = arith.addf %get3A_1351, %add3A_1357 : vector<128x128xf32>
      %bitcast_convert_type3A_1359 = tpu.bitcast %add3A_1358 : vector<128x128xf32> -> vector<128x128xi32>
      %and3A_1360 = arith.constant -1024 : i32
      %and3A_1361 = vector.broadcast %and3A_1360 : i32 to vector<128x128xi32>
      %and3A_1362 = arith.andi %bitcast_convert_type3A_1359, %and3A_1361 : vector<128x128xi32>
      %or3A_1363 = arith.ori %and3A_1362, %add3A_29 : vector<128x128xi32>
      %bitcast_convert_type3A_1364 = tpu.bitcast %or3A_1363 : vector<128x128xi32> -> vector<128x128xf32>
      %get3A_1365 = arith.constant 1152 : index
      %get3A_1366 = arith.constant 512 : index
      %get3A_1367 = vector.load %arg7[%get3A_1365, %get3A_1366] : memref<2048x1024xf32, #tpu.memory_space<vmem>>, vector<128x128xf32>
      %get3A_1368 = arith.constant 0 : index
      %get3A_1369 = arith.constant 0 : index
      %get3A_1370 = arith.constant 512 : index
      %get3A_1371 = vector.load %arg4[%get3A_1368, %get3A_1369, %get3A_1370] : memref<1x1x1024xf32, #tpu.memory_space<vmem>>, vector<1x1x128xf32>
      %get3A_1372 = vector.shape_cast %get3A_1371 : vector<1x1x128xf32> to vector<1x128xf32>
      %add3A_1373 = vector.broadcast %get3A_1372 : vector<1x128xf32> to vector<128x128xf32>
      %add3A_1374 = arith.addf %get3A_1367, %add3A_1373 : vector<128x128xf32>
      %bitcast_convert_type3A_1375 = tpu.bitcast %add3A_1374 : vector<128x128xf32> -> vector<128x128xi32>
      %and3A_1376 = arith.constant -1024 : i32
      %and3A_1377 = vector.broadcast %and3A_1376 : i32 to vector<128x128xi32>
      %and3A_1378 = arith.andi %bitcast_convert_type3A_1375, %and3A_1377 : vector<128x128xi32>
      %or3A_1379 = arith.ori %and3A_1378, %add3A_33 : vector<128x128xi32>
      %bitcast_convert_type3A_1380 = tpu.bitcast %or3A_1379 : vector<128x128xi32> -> vector<128x128xf32>
      %get3A_1381 = arith.constant 1152 : index
      %get3A_1382 = arith.constant 640 : index
      %get3A_1383 = vector.load %arg7[%get3A_1381, %get3A_1382] : memref<2048x1024xf32, #tpu.memory_space<vmem>>, vector<128x128xf32>
      %get3A_1384 = arith.constant 0 : index
      %get3A_1385 = arith.constant 0 : index
      %get3A_1386 = arith.constant 640 : index
      %get3A_1387 = vector.load %arg4[%get3A_1384, %get3A_1385, %get3A_1386] : memref<1x1x1024xf32, #tpu.memory_space<vmem>>, vector<1x1x128xf32>
      %get3A_1388 = vector.shape_cast %get3A_1387 : vector<1x1x128xf32> to vector<1x128xf32>
      %add3A_1389 = vector.broadcast %get3A_1388 : vector<1x128xf32> to vector<128x128xf32>
      %add3A_1390 = arith.addf %get3A_1383, %add3A_1389 : vector<128x128xf32>
      %bitcast_convert_type3A_1391 = tpu.bitcast %add3A_1390 : vector<128x128xf32> -> vector<128x128xi32>
      %and3A_1392 = arith.constant -1024 : i32
      %and3A_1393 = vector.broadcast %and3A_1392 : i32 to vector<128x128xi32>
      %and3A_1394 = arith.andi %bitcast_convert_type3A_1391, %and3A_1393 : vector<128x128xi32>
      %or3A_1395 = arith.ori %and3A_1394, %add3A_37 : vector<128x128xi32>
      %bitcast_convert_type3A_1396 = tpu.bitcast %or3A_1395 : vector<128x128xi32> -> vector<128x128xf32>
      %get3A_1397 = arith.constant 1152 : index
      %get3A_1398 = arith.constant 768 : index
      %get3A_1399 = vector.load %arg7[%get3A_1397, %get3A_1398] : memref<2048x1024xf32, #tpu.memory_space<vmem>>, vector<128x128xf32>
      %get3A_1400 = arith.constant 0 : index
      %get3A_1401 = arith.constant 0 : index
      %get3A_1402 = arith.constant 768 : index
      %get3A_1403 = vector.load %arg4[%get3A_1400, %get3A_1401, %get3A_1402] : memref<1x1x1024xf32, #tpu.memory_space<vmem>>, vector<1x1x128xf32>
      %get3A_1404 = vector.shape_cast %get3A_1403 : vector<1x1x128xf32> to vector<1x128xf32>
      %add3A_1405 = vector.broadcast %get3A_1404 : vector<1x128xf32> to vector<128x128xf32>
      %add3A_1406 = arith.addf %get3A_1399, %add3A_1405 : vector<128x128xf32>
      %bitcast_convert_type3A_1407 = tpu.bitcast %add3A_1406 : vector<128x128xf32> -> vector<128x128xi32>
      %and3A_1408 = arith.constant -1024 : i32
      %and3A_1409 = vector.broadcast %and3A_1408 : i32 to vector<128x128xi32>
      %and3A_1410 = arith.andi %bitcast_convert_type3A_1407, %and3A_1409 : vector<128x128xi32>
      %or3A_1411 = arith.ori %and3A_1410, %add3A_41 : vector<128x128xi32>
      %bitcast_convert_type3A_1412 = tpu.bitcast %or3A_1411 : vector<128x128xi32> -> vector<128x128xf32>
      %get3A_1413 = arith.constant 1152 : index
      %get3A_1414 = arith.constant 896 : index
      %get3A_1415 = vector.load %arg7[%get3A_1413, %get3A_1414] : memref<2048x1024xf32, #tpu.memory_space<vmem>>, vector<128x128xf32>
      %get3A_1416 = arith.constant 0 : index
      %get3A_1417 = arith.constant 0 : index
      %get3A_1418 = arith.constant 896 : index
      %get3A_1419 = vector.load %arg4[%get3A_1416, %get3A_1417, %get3A_1418] : memref<1x1x1024xf32, #tpu.memory_space<vmem>>, vector<1x1x128xf32>
      %get3A_1420 = vector.shape_cast %get3A_1419 : vector<1x1x128xf32> to vector<1x128xf32>
      %add3A_1421 = vector.broadcast %get3A_1420 : vector<1x128xf32> to vector<128x128xf32>
      %add3A_1422 = arith.addf %get3A_1415, %add3A_1421 : vector<128x128xf32>
      %bitcast_convert_type3A_1423 = tpu.bitcast %add3A_1422 : vector<128x128xf32> -> vector<128x128xi32>
      %and3A_1424 = arith.constant -1024 : i32
      %and3A_1425 = vector.broadcast %and3A_1424 : i32 to vector<128x128xi32>
      %and3A_1426 = arith.andi %bitcast_convert_type3A_1423, %and3A_1425 : vector<128x128xi32>
      %or3A_1427 = arith.ori %and3A_1426, %add3A_45 : vector<128x128xi32>
      %bitcast_convert_type3A_1428 = tpu.bitcast %or3A_1427 : vector<128x128xi32> -> vector<128x128xf32>
      %min3A_1429 = arith.minimumf %bitcast_convert_type3A_1316, %bitcast_convert_type3A_1332 : vector<128x128xf32>
      %min3A_1430 = arith.minimumf %bitcast_convert_type3A_1348, %bitcast_convert_type3A_1364 : vector<128x128xf32>
      %min3A_1431 = arith.minimumf %bitcast_convert_type3A_1380, %bitcast_convert_type3A_1396 : vector<128x128xf32>
      %min3A_1432 = arith.minimumf %bitcast_convert_type3A_1412, %bitcast_convert_type3A_1428 : vector<128x128xf32>
      %min3A_1433 = arith.minimumf %min3A_1429, %min3A_1430 : vector<128x128xf32>
      %min3A_1434 = arith.minimumf %min3A_1431, %min3A_1432 : vector<128x128xf32>
      %min3A_1435 = arith.minimumf %min3A_1433, %min3A_1434 : vector<128x128xf32>
      %reduce_min3A_1436 = arith.constant dense<0x7F800000> : vector<128xf32>
      %reduce_min3A_1437 = vector.multi_reduction <minimumf>, %min3A_1435, %reduce_min3A_1436 [1] : vector<128x128xf32> to vector<128xf32>
      %slice3A_1438 = vector.extract_strided_slice %get3A_12 {offsets = [640, 0], sizes = [128, 512], strides = [1, 1]} : vector<1024x512xbf16> to vector<128x512xbf16>
      %dot_general3A_1439 = arith.constant dense<0.000000e+00> : vector<2048x128xf32>
      %dot_general3A_1440 = tpu.matmul %get3A_9, %slice3A_1438, %dot_general3A_1439 {dimension_numbers = #tpu.dot_dimension_numbers<[1], [1], [0], [0], [0, 0, 1, 0], [], []>, transpose_lhs_hint = false} : vector<2048x512xbf16>, vector<128x512xbf16>, vector<2048x128xf32> -> vector<2048x128xf32>
      %swap3A_1441 = arith.constant 0 : index
      %swap3A_1442 = arith.constant 640 : index
      %swap3A_1443 = vector.load %arg6[%swap3A_1441, %swap3A_1442] : memref<2048x1024xf32, #tpu.memory_space<vmem>>, vector<2048x128xf32>
      tpu.vector_store %arg6[%swap3A_1441, %swap3A_1442], %dot_general3A_1440 {strides = array<i32>} : memref<2048x1024xf32, #tpu.memory_space<vmem>>, vector<2048x128xf32>,
      %get3A_1444 = arith.constant 1280 : index
      %get3A_1445 = arith.constant 0 : index
      %get3A_1446 = vector.load %arg7[%get3A_1444, %get3A_1445] : memref<2048x1024xf32, #tpu.memory_space<vmem>>, vector<128x128xf32>
      %get3A_1447 = arith.constant 0 : index
      %get3A_1448 = arith.constant 0 : index
      %get3A_1449 = arith.constant 0 : index
      %get3A_1450 = vector.load %arg4[%get3A_1447, %get3A_1448, %get3A_1449] : memref<1x1x1024xf32, #tpu.memory_space<vmem>>, vector<1x1x128xf32>
      %get3A_1451 = vector.shape_cast %get3A_1450 : vector<1x1x128xf32> to vector<1x128xf32>
      %add3A_1452 = vector.broadcast %get3A_1451 : vector<1x128xf32> to vector<128x128xf32>
      %add3A_1453 = arith.addf %get3A_1446, %add3A_1452 : vector<128x128xf32>
      %bitcast_convert_type3A_1454 = tpu.bitcast %add3A_1453 : vector<128x128xf32> -> vector<128x128xi32>
      %and3A_1455 = arith.constant -1024 : i32
      %and3A_1456 = vector.broadcast %and3A_1455 : i32 to vector<128x128xi32>
      %and3A_1457 = arith.andi %bitcast_convert_type3A_1454, %and3A_1456 : vector<128x128xi32>
      %or3A_1458 = arith.ori %and3A_1457, %add3A_17 : vector<128x128xi32>
      %bitcast_convert_type3A_1459 = tpu.bitcast %or3A_1458 : vector<128x128xi32> -> vector<128x128xf32>
      %get3A_1460 = arith.constant 1280 : index
      %get3A_1461 = arith.constant 128 : index
      %get3A_1462 = vector.load %arg7[%get3A_1460, %get3A_1461] : memref<2048x1024xf32, #tpu.memory_space<vmem>>, vector<128x128xf32>
      %get3A_1463 = arith.constant 0 : index
      %get3A_1464 = arith.constant 0 : index
      %get3A_1465 = arith.constant 128 : index
      %get3A_1466 = vector.load %arg4[%get3A_1463, %get3A_1464, %get3A_1465] : memref<1x1x1024xf32, #tpu.memory_space<vmem>>, vector<1x1x128xf32>
      %get3A_1467 = vector.shape_cast %get3A_1466 : vector<1x1x128xf32> to vector<1x128xf32>
      %add3A_1468 = vector.broadcast %get3A_1467 : vector<1x128xf32> to vector<128x128xf32>
      %add3A_1469 = arith.addf %get3A_1462, %add3A_1468 : vector<128x128xf32>
      %bitcast_convert_type3A_1470 = tpu.bitcast %add3A_1469 : vector<128x128xf32> -> vector<128x128xi32>
      %and3A_1471 = arith.constant -1024 : i32
      %and3A_1472 = vector.broadcast %and3A_1471 : i32 to vector<128x128xi32>
      %and3A_1473 = arith.andi %bitcast_convert_type3A_1470, %and3A_1472 : vector<128x128xi32>
      %or3A_1474 = arith.ori %and3A_1473, %add3A_21 : vector<128x128xi32>
      %bitcast_convert_type3A_1475 = tpu.bitcast %or3A_1474 : vector<128x128xi32> -> vector<128x128xf32>
      %get3A_1476 = arith.constant 1280 : index
      %get3A_1477 = arith.constant 256 : index
      %get3A_1478 = vector.load %arg7[%get3A_1476, %get3A_1477] : memref<2048x1024xf32, #tpu.memory_space<vmem>>, vector<128x128xf32>
      %get3A_1479 = arith.constant 0 : index
      %get3A_1480 = arith.constant 0 : index
      %get3A_1481 = arith.constant 256 : index
      %get3A_1482 = vector.load %arg4[%get3A_1479, %get3A_1480, %get3A_1481] : memref<1x1x1024xf32, #tpu.memory_space<vmem>>, vector<1x1x128xf32>
      %get3A_1483 = vector.shape_cast %get3A_1482 : vector<1x1x128xf32> to vector<1x128xf32>
      %add3A_1484 = vector.broadcast %get3A_1483 : vector<1x128xf32> to vector<128x128xf32>
      %add3A_1485 = arith.addf %get3A_1478, %add3A_1484 : vector<128x128xf32>
      %bitcast_convert_type3A_1486 = tpu.bitcast %add3A_1485 : vector<128x128xf32> -> vector<128x128xi32>
      %and3A_1487 = arith.constant -1024 : i32
      %and3A_1488 = vector.broadcast %and3A_1487 : i32 to vector<128x128xi32>
      %and3A_1489 = arith.andi %bitcast_convert_type3A_1486, %and3A_1488 : vector<128x128xi32>
      %or3A_1490 = arith.ori %and3A_1489, %add3A_25 : vector<128x128xi32>
      %bitcast_convert_type3A_1491 = tpu.bitcast %or3A_1490 : vector<128x128xi32> -> vector<128x128xf32>
      %get3A_1492 = arith.constant 1280 : index
      %get3A_1493 = arith.constant 384 : index
      %get3A_1494 = vector.load %arg7[%get3A_1492, %get3A_1493] : memref<2048x1024xf32, #tpu.memory_space<vmem>>, vector<128x128xf32>
      %get3A_1495 = arith.constant 0 : index
      %get3A_1496 = arith.constant 0 : index
      %get3A_1497 = arith.constant 384 : index
      %get3A_1498 = vector.load %arg4[%get3A_1495, %get3A_1496, %get3A_1497] : memref<1x1x1024xf32, #tpu.memory_space<vmem>>, vector<1x1x128xf32>
      %get3A_1499 = vector.shape_cast %get3A_1498 : vector<1x1x128xf32> to vector<1x128xf32>
      %add3A_1500 = vector.broadcast %get3A_1499 : vector<1x128xf32> to vector<128x128xf32>
      %add3A_1501 = arith.addf %get3A_1494, %add3A_1500 : vector<128x128xf32>
      %bitcast_convert_type3A_1502 = tpu.bitcast %add3A_1501 : vector<128x128xf32> -> vector<128x128xi32>
      %and3A_1503 = arith.constant -1024 : i32
      %and3A_1504 = vector.broadcast %and3A_1503 : i32 to vector<128x128xi32>
      %and3A_1505 = arith.andi %bitcast_convert_type3A_1502, %and3A_1504 : vector<128x128xi32>
      %or3A_1506 = arith.ori %and3A_1505, %add3A_29 : vector<128x128xi32>
      %bitcast_convert_type3A_1507 = tpu.bitcast %or3A_1506 : vector<128x128xi32> -> vector<128x128xf32>
      %get3A_1508 = arith.constant 1280 : index
      %get3A_1509 = arith.constant 512 : index
      %get3A_1510 = vector.load %arg7[%get3A_1508, %get3A_1509] : memref<2048x1024xf32, #tpu.memory_space<vmem>>, vector<128x128xf32>
      %get3A_1511 = arith.constant 0 : index
      %get3A_1512 = arith.constant 0 : index
      %get3A_1513 = arith.constant 512 : index
      %get3A_1514 = vector.load %arg4[%get3A_1511, %get3A_1512, %get3A_1513] : memref<1x1x1024xf32, #tpu.memory_space<vmem>>, vector<1x1x128xf32>
      %get3A_1515 = vector.shape_cast %get3A_1514 : vector<1x1x128xf32> to vector<1x128xf32>
      %add3A_1516 = vector.broadcast %get3A_1515 : vector<1x128xf32> to vector<128x128xf32>
      %add3A_1517 = arith.addf %get3A_1510, %add3A_1516 : vector<128x128xf32>
      %bitcast_convert_type3A_1518 = tpu.bitcast %add3A_1517 : vector<128x128xf32> -> vector<128x128xi32>
      %and3A_1519 = arith.constant -1024 : i32
      %and3A_1520 = vector.broadcast %and3A_1519 : i32 to vector<128x128xi32>
      %and3A_1521 = arith.andi %bitcast_convert_type3A_1518, %and3A_1520 : vector<128x128xi32>
      %or3A_1522 = arith.ori %and3A_1521, %add3A_33 : vector<128x128xi32>
      %bitcast_convert_type3A_1523 = tpu.bitcast %or3A_1522 : vector<128x128xi32> -> vector<128x128xf32>
      %get3A_1524 = arith.constant 1280 : index
      %get3A_1525 = arith.constant 640 : index
      %get3A_1526 = vector.load %arg7[%get3A_1524, %get3A_1525] : memref<2048x1024xf32, #tpu.memory_space<vmem>>, vector<128x128xf32>
      %get3A_1527 = arith.constant 0 : index
      %get3A_1528 = arith.constant 0 : index
      %get3A_1529 = arith.constant 640 : index
      %get3A_1530 = vector.load %arg4[%get3A_1527, %get3A_1528, %get3A_1529] : memref<1x1x1024xf32, #tpu.memory_space<vmem>>, vector<1x1x128xf32>
      %get3A_1531 = vector.shape_cast %get3A_1530 : vector<1x1x128xf32> to vector<1x128xf32>
      %add3A_1532 = vector.broadcast %get3A_1531 : vector<1x128xf32> to vector<128x128xf32>
      %add3A_1533 = arith.addf %get3A_1526, %add3A_1532 : vector<128x128xf32>
      %bitcast_convert_type3A_1534 = tpu.bitcast %add3A_1533 : vector<128x128xf32> -> vector<128x128xi32>
      %and3A_1535 = arith.constant -1024 : i32
      %and3A_1536 = vector.broadcast %and3A_1535 : i32 to vector<128x128xi32>
      %and3A_1537 = arith.andi %bitcast_convert_type3A_1534, %and3A_1536 : vector<128x128xi32>
      %or3A_1538 = arith.ori %and3A_1537, %add3A_37 : vector<128x128xi32>
      %bitcast_convert_type3A_1539 = tpu.bitcast %or3A_1538 : vector<128x128xi32> -> vector<128x128xf32>
      %get3A_1540 = arith.constant 1280 : index
      %get3A_1541 = arith.constant 768 : index
      %get3A_1542 = vector.load %arg7[%get3A_1540, %get3A_1541] : memref<2048x1024xf32, #tpu.memory_space<vmem>>, vector<128x128xf32>
      %get3A_1543 = arith.constant 0 : index
      %get3A_1544 = arith.constant 0 : index
      %get3A_1545 = arith.constant 768 : index
      %get3A_1546 = vector.load %arg4[%get3A_1543, %get3A_1544, %get3A_1545] : memref<1x1x1024xf32, #tpu.memory_space<vmem>>, vector<1x1x128xf32>
      %get3A_1547 = vector.shape_cast %get3A_1546 : vector<1x1x128xf32> to vector<1x128xf32>
      %add3A_1548 = vector.broadcast %get3A_1547 : vector<1x128xf32> to vector<128x128xf32>
      %add3A_1549 = arith.addf %get3A_1542, %add3A_1548 : vector<128x128xf32>
      %bitcast_convert_type3A_1550 = tpu.bitcast %add3A_1549 : vector<128x128xf32> -> vector<128x128xi32>
      %and3A_1551 = arith.constant -1024 : i32
      %and3A_1552 = vector.broadcast %and3A_1551 : i32 to vector<128x128xi32>
      %and3A_1553 = arith.andi %bitcast_convert_type3A_1550, %and3A_1552 : vector<128x128xi32>
      %or3A_1554 = arith.ori %and3A_1553, %add3A_41 : vector<128x128xi32>
      %bitcast_convert_type3A_1555 = tpu.bitcast %or3A_1554 : vector<128x128xi32> -> vector<128x128xf32>
      %get3A_1556 = arith.constant 1280 : index
      %get3A_1557 = arith.constant 896 : index
      %get3A_1558 = vector.load %arg7[%get3A_1556, %get3A_1557] : memref<2048x1024xf32, #tpu.memory_space<vmem>>, vector<128x128xf32>
      %get3A_1559 = arith.constant 0 : index
      %get3A_1560 = arith.constant 0 : index
      %get3A_1561 = arith.constant 896 : index
      %get3A_1562 = vector.load %arg4[%get3A_1559, %get3A_1560, %get3A_1561] : memref<1x1x1024xf32, #tpu.memory_space<vmem>>, vector<1x1x128xf32>
      %get3A_1563 = vector.shape_cast %get3A_1562 : vector<1x1x128xf32> to vector<1x128xf32>
      %add3A_1564 = vector.broadcast %get3A_1563 : vector<1x128xf32> to vector<128x128xf32>
      %add3A_1565 = arith.addf %get3A_1558, %add3A_1564 : vector<128x128xf32>
      %bitcast_convert_type3A_1566 = tpu.bitcast %add3A_1565 : vector<128x128xf32> -> vector<128x128xi32>
      %and3A_1567 = arith.constant -1024 : i32
      %and3A_1568 = vector.broadcast %and3A_1567 : i32 to vector<128x128xi32>
      %and3A_1569 = arith.andi %bitcast_convert_type3A_1566, %and3A_1568 : vector<128x128xi32>
      %or3A_1570 = arith.ori %and3A_1569, %add3A_45 : vector<128x128xi32>
      %bitcast_convert_type3A_1571 = tpu.bitcast %or3A_1570 : vector<128x128xi32> -> vector<128x128xf32>
      %min3A_1572 = arith.minimumf %bitcast_convert_type3A_1459, %bitcast_convert_type3A_1475 : vector<128x128xf32>
      %min3A_1573 = arith.minimumf %bitcast_convert_type3A_1491, %bitcast_convert_type3A_1507 : vector<128x128xf32>
      %min3A_1574 = arith.minimumf %bitcast_convert_type3A_1523, %bitcast_convert_type3A_1539 : vector<128x128xf32>
      %min3A_1575 = arith.minimumf %bitcast_convert_type3A_1555, %bitcast_convert_type3A_1571 : vector<128x128xf32>
      %min3A_1576 = arith.minimumf %min3A_1572, %min3A_1573 : vector<128x128xf32>
      %min3A_1577 = arith.minimumf %min3A_1574, %min3A_1575 : vector<128x128xf32>
      %min3A_1578 = arith.minimumf %min3A_1576, %min3A_1577 : vector<128x128xf32>
      %reduce_min3A_1579 = arith.constant dense<0x7F800000> : vector<128xf32>
      %reduce_min3A_1580 = vector.multi_reduction <minimumf>, %min3A_1578, %reduce_min3A_1579 [1] : vector<128x128xf32> to vector<128xf32>
      %get3A_1581 = arith.constant 1408 : index
      %get3A_1582 = arith.constant 0 : index
      %get3A_1583 = vector.load %arg7[%get3A_1581, %get3A_1582] : memref<2048x1024xf32, #tpu.memory_space<vmem>>, vector<128x128xf32>
      %get3A_1584 = arith.constant 0 : index
      %get3A_1585 = arith.constant 0 : index
      %get3A_1586 = arith.constant 0 : index
      %get3A_1587 = vector.load %arg4[%get3A_1584, %get3A_1585, %get3A_1586] : memref<1x1x1024xf32, #tpu.memory_space<vmem>>, vector<1x1x128xf32>
      %get3A_1588 = vector.shape_cast %get3A_1587 : vector<1x1x128xf32> to vector<1x128xf32>
      %add3A_1589 = vector.broadcast %get3A_1588 : vector<1x128xf32> to vector<128x128xf32>
      %add3A_1590 = arith.addf %get3A_1583, %add3A_1589 : vector<128x128xf32>
      %bitcast_convert_type3A_1591 = tpu.bitcast %add3A_1590 : vector<128x128xf32> -> vector<128x128xi32>
      %and3A_1592 = arith.constant -1024 : i32
      %and3A_1593 = vector.broadcast %and3A_1592 : i32 to vector<128x128xi32>
      %and3A_1594 = arith.andi %bitcast_convert_type3A_1591, %and3A_1593 : vector<128x128xi32>
      %or3A_1595 = arith.ori %and3A_1594, %add3A_17 : vector<128x128xi32>
      %bitcast_convert_type3A_1596 = tpu.bitcast %or3A_1595 : vector<128x128xi32> -> vector<128x128xf32>
      %get3A_1597 = arith.constant 1408 : index
      %get3A_1598 = arith.constant 128 : index
      %get3A_1599 = vector.load %arg7[%get3A_1597, %get3A_1598] : memref<2048x1024xf32, #tpu.memory_space<vmem>>, vector<128x128xf32>
      %get3A_1600 = arith.constant 0 : index
      %get3A_1601 = arith.constant 0 : index
      %get3A_1602 = arith.constant 128 : index
      %get3A_1603 = vector.load %arg4[%get3A_1600, %get3A_1601, %get3A_1602] : memref<1x1x1024xf32, #tpu.memory_space<vmem>>, vector<1x1x128xf32>
      %get3A_1604 = vector.shape_cast %get3A_1603 : vector<1x1x128xf32> to vector<1x128xf32>
      %add3A_1605 = vector.broadcast %get3A_1604 : vector<1x128xf32> to vector<128x128xf32>
      %add3A_1606 = arith.addf %get3A_1599, %add3A_1605 : vector<128x128xf32>
      %bitcast_convert_type3A_1607 = tpu.bitcast %add3A_1606 : vector<128x128xf32> -> vector<128x128xi32>
      %and3A_1608 = arith.constant -1024 : i32
      %and3A_1609 = vector.broadcast %and3A_1608 : i32 to vector<128x128xi32>
      %and3A_1610 = arith.andi %bitcast_convert_type3A_1607, %and3A_1609 : vector<128x128xi32>
      %or3A_1611 = arith.ori %and3A_1610, %add3A_21 : vector<128x128xi32>
      %bitcast_convert_type3A_1612 = tpu.bitcast %or3A_1611 : vector<128x128xi32> -> vector<128x128xf32>
      %get3A_1613 = arith.constant 1408 : index
      %get3A_1614 = arith.constant 256 : index
      %get3A_1615 = vector.load %arg7[%get3A_1613, %get3A_1614] : memref<2048x1024xf32, #tpu.memory_space<vmem>>, vector<128x128xf32>
      %get3A_1616 = arith.constant 0 : index
      %get3A_1617 = arith.constant 0 : index
      %get3A_1618 = arith.constant 256 : index
      %get3A_1619 = vector.load %arg4[%get3A_1616, %get3A_1617, %get3A_1618] : memref<1x1x1024xf32, #tpu.memory_space<vmem>>, vector<1x1x128xf32>
      %get3A_1620 = vector.shape_cast %get3A_1619 : vector<1x1x128xf32> to vector<1x128xf32>
      %add3A_1621 = vector.broadcast %get3A_1620 : vector<1x128xf32> to vector<128x128xf32>
      %add3A_1622 = arith.addf %get3A_1615, %add3A_1621 : vector<128x128xf32>
      %bitcast_convert_type3A_1623 = tpu.bitcast %add3A_1622 : vector<128x128xf32> -> vector<128x128xi32>
      %and3A_1624 = arith.constant -1024 : i32
      %and3A_1625 = vector.broadcast %and3A_1624 : i32 to vector<128x128xi32>
      %and3A_1626 = arith.andi %bitcast_convert_type3A_1623, %and3A_1625 : vector<128x128xi32>
      %or3A_1627 = arith.ori %and3A_1626, %add3A_25 : vector<128x128xi32>
      %bitcast_convert_type3A_1628 = tpu.bitcast %or3A_1627 : vector<128x128xi32> -> vector<128x128xf32>
      %get3A_1629 = arith.constant 1408 : index
      %get3A_1630 = arith.constant 384 : index
      %get3A_1631 = vector.load %arg7[%get3A_1629, %get3A_1630] : memref<2048x1024xf32, #tpu.memory_space<vmem>>, vector<128x128xf32>
      %get3A_1632 = arith.constant 0 : index
      %get3A_1633 = arith.constant 0 : index
      %get3A_1634 = arith.constant 384 : index
      %get3A_1635 = vector.load %arg4[%get3A_1632, %get3A_1633, %get3A_1634] : memref<1x1x1024xf32, #tpu.memory_space<vmem>>, vector<1x1x128xf32>
      %get3A_1636 = vector.shape_cast %get3A_1635 : vector<1x1x128xf32> to vector<1x128xf32>
      %add3A_1637 = vector.broadcast %get3A_1636 : vector<1x128xf32> to vector<128x128xf32>
      %add3A_1638 = arith.addf %get3A_1631, %add3A_1637 : vector<128x128xf32>
      %bitcast_convert_type3A_1639 = tpu.bitcast %add3A_1638 : vector<128x128xf32> -> vector<128x128xi32>
      %and3A_1640 = arith.constant -1024 : i32
      %and3A_1641 = vector.broadcast %and3A_1640 : i32 to vector<128x128xi32>
      %and3A_1642 = arith.andi %bitcast_convert_type3A_1639, %and3A_1641 : vector<128x128xi32>
      %or3A_1643 = arith.ori %and3A_1642, %add3A_29 : vector<128x128xi32>
      %bitcast_convert_type3A_1644 = tpu.bitcast %or3A_1643 : vector<128x128xi32> -> vector<128x128xf32>
      %get3A_1645 = arith.constant 1408 : index
      %get3A_1646 = arith.constant 512 : index
      %get3A_1647 = vector.load %arg7[%get3A_1645, %get3A_1646] : memref<2048x1024xf32, #tpu.memory_space<vmem>>, vector<128x128xf32>
      %get3A_1648 = arith.constant 0 : index
      %get3A_1649 = arith.constant 0 : index
      %get3A_1650 = arith.constant 512 : index
      %get3A_1651 = vector.load %arg4[%get3A_1648, %get3A_1649, %get3A_1650] : memref<1x1x1024xf32, #tpu.memory_space<vmem>>, vector<1x1x128xf32>
      %get3A_1652 = vector.shape_cast %get3A_1651 : vector<1x1x128xf32> to vector<1x128xf32>
      %add3A_1653 = vector.broadcast %get3A_1652 : vector<1x128xf32> to vector<128x128xf32>
      %add3A_1654 = arith.addf %get3A_1647, %add3A_1653 : vector<128x128xf32>
      %bitcast_convert_type3A_1655 = tpu.bitcast %add3A_1654 : vector<128x128xf32> -> vector<128x128xi32>
      %and3A_1656 = arith.constant -1024 : i32
      %and3A_1657 = vector.broadcast %and3A_1656 : i32 to vector<128x128xi32>
      %and3A_1658 = arith.andi %bitcast_convert_type3A_1655, %and3A_1657 : vector<128x128xi32>
      %or3A_1659 = arith.ori %and3A_1658, %add3A_33 : vector<128x128xi32>
      %bitcast_convert_type3A_1660 = tpu.bitcast %or3A_1659 : vector<128x128xi32> -> vector<128x128xf32>
      %get3A_1661 = arith.constant 1408 : index
      %get3A_1662 = arith.constant 640 : index
      %get3A_1663 = vector.load %arg7[%get3A_1661, %get3A_1662] : memref<2048x1024xf32, #tpu.memory_space<vmem>>, vector<128x128xf32>
      %get3A_1664 = arith.constant 0 : index
      %get3A_1665 = arith.constant 0 : index
      %get3A_1666 = arith.constant 640 : index
      %get3A_1667 = vector.load %arg4[%get3A_1664, %get3A_1665, %get3A_1666] : memref<1x1x1024xf32, #tpu.memory_space<vmem>>, vector<1x1x128xf32>
      %get3A_1668 = vector.shape_cast %get3A_1667 : vector<1x1x128xf32> to vector<1x128xf32>
      %add3A_1669 = vector.broadcast %get3A_1668 : vector<1x128xf32> to vector<128x128xf32>
      %add3A_1670 = arith.addf %get3A_1663, %add3A_1669 : vector<128x128xf32>
      %bitcast_convert_type3A_1671 = tpu.bitcast %add3A_1670 : vector<128x128xf32> -> vector<128x128xi32>
      %and3A_1672 = arith.constant -1024 : i32
      %and3A_1673 = vector.broadcast %and3A_1672 : i32 to vector<128x128xi32>
      %and3A_1674 = arith.andi %bitcast_convert_type3A_1671, %and3A_1673 : vector<128x128xi32>
      %or3A_1675 = arith.ori %and3A_1674, %add3A_37 : vector<128x128xi32>
      %bitcast_convert_type3A_1676 = tpu.bitcast %or3A_1675 : vector<128x128xi32> -> vector<128x128xf32>
      %get3A_1677 = arith.constant 1408 : index
      %get3A_1678 = arith.constant 768 : index
      %get3A_1679 = vector.load %arg7[%get3A_1677, %get3A_1678] : memref<2048x1024xf32, #tpu.memory_space<vmem>>, vector<128x128xf32>
      %get3A_1680 = arith.constant 0 : index
      %get3A_1681 = arith.constant 0 : index
      %get3A_1682 = arith.constant 768 : index
      %get3A_1683 = vector.load %arg4[%get3A_1680, %get3A_1681, %get3A_1682] : memref<1x1x1024xf32, #tpu.memory_space<vmem>>, vector<1x1x128xf32>
      %get3A_1684 = vector.shape_cast %get3A_1683 : vector<1x1x128xf32> to vector<1x128xf32>
      %add3A_1685 = vector.broadcast %get3A_1684 : vector<1x128xf32> to vector<128x128xf32>
      %add3A_1686 = arith.addf %get3A_1679, %add3A_1685 : vector<128x128xf32>
      %bitcast_convert_type3A_1687 = tpu.bitcast %add3A_1686 : vector<128x128xf32> -> vector<128x128xi32>
      %and3A_1688 = arith.constant -1024 : i32
      %and3A_1689 = vector.broadcast %and3A_1688 : i32 to vector<128x128xi32>
      %and3A_1690 = arith.andi %bitcast_convert_type3A_1687, %and3A_1689 : vector<128x128xi32>
      %or3A_1691 = arith.ori %and3A_1690, %add3A_41 : vector<128x128xi32>
      %bitcast_convert_type3A_1692 = tpu.bitcast %or3A_1691 : vector<128x128xi32> -> vector<128x128xf32>
      %get3A_1693 = arith.constant 1408 : index
      %get3A_1694 = arith.constant 896 : index
      %get3A_1695 = vector.load %arg7[%get3A_1693, %get3A_1694] : memref<2048x1024xf32, #tpu.memory_space<vmem>>, vector<128x128xf32>
      %get3A_1696 = arith.constant 0 : index
      %get3A_1697 = arith.constant 0 : index
      %get3A_1698 = arith.constant 896 : index
      %get3A_1699 = vector.load %arg4[%get3A_1696, %get3A_1697, %get3A_1698] : memref<1x1x1024xf32, #tpu.memory_space<vmem>>, vector<1x1x128xf32>
      %get3A_1700 = vector.shape_cast %get3A_1699 : vector<1x1x128xf32> to vector<1x128xf32>
      %add3A_1701 = vector.broadcast %get3A_1700 : vector<1x128xf32> to vector<128x128xf32>
      %add3A_1702 = arith.addf %get3A_1695, %add3A_1701 : vector<128x128xf32>
      %bitcast_convert_type3A_1703 = tpu.bitcast %add3A_1702 : vector<128x128xf32> -> vector<128x128xi32>
      %and3A_1704 = arith.constant -1024 : i32
      %and3A_1705 = vector.broadcast %and3A_1704 : i32 to vector<128x128xi32>
      %and3A_1706 = arith.andi %bitcast_convert_type3A_1703, %and3A_1705 : vector<128x128xi32>
      %or3A_1707 = arith.ori %and3A_1706, %add3A_45 : vector<128x128xi32>
      %bitcast_convert_type3A_1708 = tpu.bitcast %or3A_1707 : vector<128x128xi32> -> vector<128x128xf32>
      %min3A_1709 = arith.minimumf %bitcast_convert_type3A_1596, %bitcast_convert_type3A_1612 : vector<128x128xf32>
      %min3A_1710 = arith.minimumf %bitcast_convert_type3A_1628, %bitcast_convert_type3A_1644 : vector<128x128xf32>
      %min3A_1711 = arith.minimumf %bitcast_convert_type3A_1660, %bitcast_convert_type3A_1676 : vector<128x128xf32>
      %min3A_1712 = arith.minimumf %bitcast_convert_type3A_1692, %bitcast_convert_type3A_1708 : vector<128x128xf32>
      %min3A_1713 = arith.minimumf %min3A_1709, %min3A_1710 : vector<128x128xf32>
      %min3A_1714 = arith.minimumf %min3A_1711, %min3A_1712 : vector<128x128xf32>
      %min3A_1715 = arith.minimumf %min3A_1713, %min3A_1714 : vector<128x128xf32>
      %reduce_min3A_1716 = arith.constant dense<0x7F800000> : vector<128xf32>
      %reduce_min3A_1717 = vector.multi_reduction <minimumf>, %min3A_1715, %reduce_min3A_1716 [1] : vector<128x128xf32> to vector<128xf32>
      %slice3A_1718 = vector.extract_strided_slice %get3A_12 {offsets = [768, 0], sizes = [128, 512], strides = [1, 1]} : vector<1024x512xbf16> to vector<128x512xbf16>
      %dot_general3A_1719 = arith.constant dense<0.000000e+00> : vector<2048x128xf32>
      %dot_general3A_1720 = tpu.matmul %get3A_9, %slice3A_1718, %dot_general3A_1719 {dimension_numbers = #tpu.dot_dimension_numbers<[1], [1], [0], [0], [0, 0, 1, 0], [], []>, transpose_lhs_hint = false} : vector<2048x512xbf16>, vector<128x512xbf16>, vector<2048x128xf32> -> vector<2048x128xf32>
      %swap3A_1721 = arith.constant 0 : index
      %swap3A_1722 = arith.constant 768 : index
      %swap3A_1723 = vector.load %arg6[%swap3A_1721, %swap3A_1722] : memref<2048x1024xf32, #tpu.memory_space<vmem>>, vector<2048x128xf32>
      tpu.vector_store %arg6[%swap3A_1721, %swap3A_1722], %dot_general3A_1720 {strides = array<i32>} : memref<2048x1024xf32, #tpu.memory_space<vmem>>, vector<2048x128xf32>,
      %get3A_1724 = arith.constant 1536 : index
      %get3A_1725 = arith.constant 0 : index
      %get3A_1726 = vector.load %arg7[%get3A_1724, %get3A_1725] : memref<2048x1024xf32, #tpu.memory_space<vmem>>, vector<128x128xf32>
      %get3A_1727 = arith.constant 0 : index
      %get3A_1728 = arith.constant 0 : index
      %get3A_1729 = arith.constant 0 : index
      %get3A_1730 = vector.load %arg4[%get3A_1727, %get3A_1728, %get3A_1729] : memref<1x1x1024xf32, #tpu.memory_space<vmem>>, vector<1x1x128xf32>
      %get3A_1731 = vector.shape_cast %get3A_1730 : vector<1x1x128xf32> to vector<1x128xf32>
      %add3A_1732 = vector.broadcast %get3A_1731 : vector<1x128xf32> to vector<128x128xf32>
      %add3A_1733 = arith.addf %get3A_1726, %add3A_1732 : vector<128x128xf32>
      %bitcast_convert_type3A_1734 = tpu.bitcast %add3A_1733 : vector<128x128xf32> -> vector<128x128xi32>
      %and3A_1735 = arith.constant -1024 : i32
      %and3A_1736 = vector.broadcast %and3A_1735 : i32 to vector<128x128xi32>
      %and3A_1737 = arith.andi %bitcast_convert_type3A_1734, %and3A_1736 : vector<128x128xi32>
      %or3A_1738 = arith.ori %and3A_1737, %add3A_17 : vector<128x128xi32>
      %bitcast_convert_type3A_1739 = tpu.bitcast %or3A_1738 : vector<128x128xi32> -> vector<128x128xf32>
      %get3A_1740 = arith.constant 1536 : index
      %get3A_1741 = arith.constant 128 : index
      %get3A_1742 = vector.load %arg7[%get3A_1740, %get3A_1741] : memref<2048x1024xf32, #tpu.memory_space<vmem>>, vector<128x128xf32>
      %get3A_1743 = arith.constant 0 : index
      %get3A_1744 = arith.constant 0 : index
      %get3A_1745 = arith.constant 128 : index
      %get3A_1746 = vector.load %arg4[%get3A_1743, %get3A_1744, %get3A_1745] : memref<1x1x1024xf32, #tpu.memory_space<vmem>>, vector<1x1x128xf32>
      %get3A_1747 = vector.shape_cast %get3A_1746 : vector<1x1x128xf32> to vector<1x128xf32>
      %add3A_1748 = vector.broadcast %get3A_1747 : vector<1x128xf32> to vector<128x128xf32>
      %add3A_1749 = arith.addf %get3A_1742, %add3A_1748 : vector<128x128xf32>
      %bitcast_convert_type3A_1750 = tpu.bitcast %add3A_1749 : vector<128x128xf32> -> vector<128x128xi32>
      %and3A_1751 = arith.constant -1024 : i32
      %and3A_1752 = vector.broadcast %and3A_1751 : i32 to vector<128x128xi32>
      %and3A_1753 = arith.andi %bitcast_convert_type3A_1750, %and3A_1752 : vector<128x128xi32>
      %or3A_1754 = arith.ori %and3A_1753, %add3A_21 : vector<128x128xi32>
      %bitcast_convert_type3A_1755 = tpu.bitcast %or3A_1754 : vector<128x128xi32> -> vector<128x128xf32>
      %get3A_1756 = arith.constant 1536 : index
      %get3A_1757 = arith.constant 256 : index
      %get3A_1758 = vector.load %arg7[%get3A_1756, %get3A_1757] : memref<2048x1024xf32, #tpu.memory_space<vmem>>, vector<128x128xf32>
      %get3A_1759 = arith.constant 0 : index
      %get3A_1760 = arith.constant 0 : index
      %get3A_1761 = arith.constant 256 : index
      %get3A_1762 = vector.load %arg4[%get3A_1759, %get3A_1760, %get3A_1761] : memref<1x1x1024xf32, #tpu.memory_space<vmem>>, vector<1x1x128xf32>
      %get3A_1763 = vector.shape_cast %get3A_1762 : vector<1x1x128xf32> to vector<1x128xf32>
      %add3A_1764 = vector.broadcast %get3A_1763 : vector<1x128xf32> to vector<128x128xf32>
      %add3A_1765 = arith.addf %get3A_1758, %add3A_1764 : vector<128x128xf32>
      %bitcast_convert_type3A_1766 = tpu.bitcast %add3A_1765 : vector<128x128xf32> -> vector<128x128xi32>
      %and3A_1767 = arith.constant -1024 : i32
      %and3A_1768 = vector.broadcast %and3A_1767 : i32 to vector<128x128xi32>
      %and3A_1769 = arith.andi %bitcast_convert_type3A_1766, %and3A_1768 : vector<128x128xi32>
      %or3A_1770 = arith.ori %and3A_1769, %add3A_25 : vector<128x128xi32>
      %bitcast_convert_type3A_1771 = tpu.bitcast %or3A_1770 : vector<128x128xi32> -> vector<128x128xf32>
      %get3A_1772 = arith.constant 1536 : index
      %get3A_1773 = arith.constant 384 : index
      %get3A_1774 = vector.load %arg7[%get3A_1772, %get3A_1773] : memref<2048x1024xf32, #tpu.memory_space<vmem>>, vector<128x128xf32>
      %get3A_1775 = arith.constant 0 : index
      %get3A_1776 = arith.constant 0 : index
      %get3A_1777 = arith.constant 384 : index
      %get3A_1778 = vector.load %arg4[%get3A_1775, %get3A_1776, %get3A_1777] : memref<1x1x1024xf32, #tpu.memory_space<vmem>>, vector<1x1x128xf32>
      %get3A_1779 = vector.shape_cast %get3A_1778 : vector<1x1x128xf32> to vector<1x128xf32>
      %add3A_1780 = vector.broadcast %get3A_1779 : vector<1x128xf32> to vector<128x128xf32>
      %add3A_1781 = arith.addf %get3A_1774, %add3A_1780 : vector<128x128xf32>
      %bitcast_convert_type3A_1782 = tpu.bitcast %add3A_1781 : vector<128x128xf32> -> vector<128x128xi32>
      %and3A_1783 = arith.constant -1024 : i32
      %and3A_1784 = vector.broadcast %and3A_1783 : i32 to vector<128x128xi32>
      %and3A_1785 = arith.andi %bitcast_convert_type3A_1782, %and3A_1784 : vector<128x128xi32>
      %or3A_1786 = arith.ori %and3A_1785, %add3A_29 : vector<128x128xi32>
      %bitcast_convert_type3A_1787 = tpu.bitcast %or3A_1786 : vector<128x128xi32> -> vector<128x128xf32>
      %get3A_1788 = arith.constant 1536 : index
      %get3A_1789 = arith.constant 512 : index
      %get3A_1790 = vector.load %arg7[%get3A_1788, %get3A_1789] : memref<2048x1024xf32, #tpu.memory_space<vmem>>, vector<128x128xf32>
      %get3A_1791 = arith.constant 0 : index
      %get3A_1792 = arith.constant 0 : index
      %get3A_1793 = arith.constant 512 : index
      %get3A_1794 = vector.load %arg4[%get3A_1791, %get3A_1792, %get3A_1793] : memref<1x1x1024xf32, #tpu.memory_space<vmem>>, vector<1x1x128xf32>
      %get3A_1795 = vector.shape_cast %get3A_1794 : vector<1x1x128xf32> to vector<1x128xf32>
      %add3A_1796 = vector.broadcast %get3A_1795 : vector<1x128xf32> to vector<128x128xf32>
      %add3A_1797 = arith.addf %get3A_1790, %add3A_1796 : vector<128x128xf32>
      %bitcast_convert_type3A_1798 = tpu.bitcast %add3A_1797 : vector<128x128xf32> -> vector<128x128xi32>
      %and3A_1799 = arith.constant -1024 : i32
      %and3A_1800 = vector.broadcast %and3A_1799 : i32 to vector<128x128xi32>
      %and3A_1801 = arith.andi %bitcast_convert_type3A_1798, %and3A_1800 : vector<128x128xi32>
      %or3A_1802 = arith.ori %and3A_1801, %add3A_33 : vector<128x128xi32>
      %bitcast_convert_type3A_1803 = tpu.bitcast %or3A_1802 : vector<128x128xi32> -> vector<128x128xf32>
      %get3A_1804 = arith.constant 1536 : index
      %get3A_1805 = arith.constant 640 : index
      %get3A_1806 = vector.load %arg7[%get3A_1804, %get3A_1805] : memref<2048x1024xf32, #tpu.memory_space<vmem>>, vector<128x128xf32>
      %get3A_1807 = arith.constant 0 : index
      %get3A_1808 = arith.constant 0 : index
      %get3A_1809 = arith.constant 640 : index
      %get3A_1810 = vector.load %arg4[%get3A_1807, %get3A_1808, %get3A_1809] : memref<1x1x1024xf32, #tpu.memory_space<vmem>>, vector<1x1x128xf32>
      %get3A_1811 = vector.shape_cast %get3A_1810 : vector<1x1x128xf32> to vector<1x128xf32>
      %add3A_1812 = vector.broadcast %get3A_1811 : vector<1x128xf32> to vector<128x128xf32>
      %add3A_1813 = arith.addf %get3A_1806, %add3A_1812 : vector<128x128xf32>
      %bitcast_convert_type3A_1814 = tpu.bitcast %add3A_1813 : vector<128x128xf32> -> vector<128x128xi32>
      %and3A_1815 = arith.constant -1024 : i32
      %and3A_1816 = vector.broadcast %and3A_1815 : i32 to vector<128x128xi32>
      %and3A_1817 = arith.andi %bitcast_convert_type3A_1814, %and3A_1816 : vector<128x128xi32>
      %or3A_1818 = arith.ori %and3A_1817, %add3A_37 : vector<128x128xi32>
      %bitcast_convert_type3A_1819 = tpu.bitcast %or3A_1818 : vector<128x128xi32> -> vector<128x128xf32>
      %get3A_1820 = arith.constant 1536 : index
      %get3A_1821 = arith.constant 768 : index
      %get3A_1822 = vector.load %arg7[%get3A_1820, %get3A_1821] : memref<2048x1024xf32, #tpu.memory_space<vmem>>, vector<128x128xf32>
      %get3A_1823 = arith.constant 0 : index
      %get3A_1824 = arith.constant 0 : index
      %get3A_1825 = arith.constant 768 : index
      %get3A_1826 = vector.load %arg4[%get3A_1823, %get3A_1824, %get3A_1825] : memref<1x1x1024xf32, #tpu.memory_space<vmem>>, vector<1x1x128xf32>
      %get3A_1827 = vector.shape_cast %get3A_1826 : vector<1x1x128xf32> to vector<1x128xf32>
      %add3A_1828 = vector.broadcast %get3A_1827 : vector<1x128xf32> to vector<128x128xf32>
      %add3A_1829 = arith.addf %get3A_1822, %add3A_1828 : vector<128x128xf32>
      %bitcast_convert_type3A_1830 = tpu.bitcast %add3A_1829 : vector<128x128xf32> -> vector<128x128xi32>
      %and3A_1831 = arith.constant -1024 : i32
      %and3A_1832 = vector.broadcast %and3A_1831 : i32 to vector<128x128xi32>
      %and3A_1833 = arith.andi %bitcast_convert_type3A_1830, %and3A_1832 : vector<128x128xi32>
      %or3A_1834 = arith.ori %and3A_1833, %add3A_41 : vector<128x128xi32>
      %bitcast_convert_type3A_1835 = tpu.bitcast %or3A_1834 : vector<128x128xi32> -> vector<128x128xf32>
      %get3A_1836 = arith.constant 1536 : index
      %get3A_1837 = arith.constant 896 : index
      %get3A_1838 = vector.load %arg7[%get3A_1836, %get3A_1837] : memref<2048x1024xf32, #tpu.memory_space<vmem>>, vector<128x128xf32>
      %get3A_1839 = arith.constant 0 : index
      %get3A_1840 = arith.constant 0 : index
      %get3A_1841 = arith.constant 896 : index
      %get3A_1842 = vector.load %arg4[%get3A_1839, %get3A_1840, %get3A_1841] : memref<1x1x1024xf32, #tpu.memory_space<vmem>>, vector<1x1x128xf32>
      %get3A_1843 = vector.shape_cast %get3A_1842 : vector<1x1x128xf32> to vector<1x128xf32>
      %add3A_1844 = vector.broadcast %get3A_1843 : vector<1x128xf32> to vector<128x128xf32>
      %add3A_1845 = arith.addf %get3A_1838, %add3A_1844 : vector<128x128xf32>
      %bitcast_convert_type3A_1846 = tpu.bitcast %add3A_1845 : vector<128x128xf32> -> vector<128x128xi32>
      %and3A_1847 = arith.constant -1024 : i32
      %and3A_1848 = vector.broadcast %and3A_1847 : i32 to vector<128x128xi32>
      %and3A_1849 = arith.andi %bitcast_convert_type3A_1846, %and3A_1848 : vector<128x128xi32>
      %or3A_1850 = arith.ori %and3A_1849, %add3A_45 : vector<128x128xi32>
      %bitcast_convert_type3A_1851 = tpu.bitcast %or3A_1850 : vector<128x128xi32> -> vector<128x128xf32>
      %min3A_1852 = arith.minimumf %bitcast_convert_type3A_1739, %bitcast_convert_type3A_1755 : vector<128x128xf32>
      %min3A_1853 = arith.minimumf %bitcast_convert_type3A_1771, %bitcast_convert_type3A_1787 : vector<128x128xf32>
      %min3A_1854 = arith.minimumf %bitcast_convert_type3A_1803, %bitcast_convert_type3A_1819 : vector<128x128xf32>
      %min3A_1855 = arith.minimumf %bitcast_convert_type3A_1835, %bitcast_convert_type3A_1851 : vector<128x128xf32>
      %min3A_1856 = arith.minimumf %min3A_1852, %min3A_1853 : vector<128x128xf32>
      %min3A_1857 = arith.minimumf %min3A_1854, %min3A_1855 : vector<128x128xf32>
      %min3A_1858 = arith.minimumf %min3A_1856, %min3A_1857 : vector<128x128xf32>
      %reduce_min3A_1859 = arith.constant dense<0x7F800000> : vector<128xf32>
      %reduce_min3A_1860 = vector.multi_reduction <minimumf>, %min3A_1858, %reduce_min3A_1859 [1] : vector<128x128xf32> to vector<128xf32>
      %get3A_1861 = arith.constant 1664 : index
      %get3A_1862 = arith.constant 0 : index
      %get3A_1863 = vector.load %arg7[%get3A_1861, %get3A_1862] : memref<2048x1024xf32, #tpu.memory_space<vmem>>, vector<128x128xf32>
      %get3A_1864 = arith.constant 0 : index
      %get3A_1865 = arith.constant 0 : index
      %get3A_1866 = arith.constant 0 : index
      %get3A_1867 = vector.load %arg4[%get3A_1864, %get3A_1865, %get3A_1866] : memref<1x1x1024xf32, #tpu.memory_space<vmem>>, vector<1x1x128xf32>
      %get3A_1868 = vector.shape_cast %get3A_1867 : vector<1x1x128xf32> to vector<1x128xf32>
      %add3A_1869 = vector.broadcast %get3A_1868 : vector<1x128xf32> to vector<128x128xf32>
      %add3A_1870 = arith.addf %get3A_1863, %add3A_1869 : vector<128x128xf32>
      %bitcast_convert_type3A_1871 = tpu.bitcast %add3A_1870 : vector<128x128xf32> -> vector<128x128xi32>
      %and3A_1872 = arith.constant -1024 : i32
      %and3A_1873 = vector.broadcast %and3A_1872 : i32 to vector<128x128xi32>
      %and3A_1874 = arith.andi %bitcast_convert_type3A_1871, %and3A_1873 : vector<128x128xi32>
      %or3A_1875 = arith.ori %and3A_1874, %add3A_17 : vector<128x128xi32>
      %bitcast_convert_type3A_1876 = tpu.bitcast %or3A_1875 : vector<128x128xi32> -> vector<128x128xf32>
      %get3A_1877 = arith.constant 1664 : index
      %get3A_1878 = arith.constant 128 : index
      %get3A_1879 = vector.load %arg7[%get3A_1877, %get3A_1878] : memref<2048x1024xf32, #tpu.memory_space<vmem>>, vector<128x128xf32>
      %get3A_1880 = arith.constant 0 : index
      %get3A_1881 = arith.constant 0 : index
      %get3A_1882 = arith.constant 128 : index
      %get3A_1883 = vector.load %arg4[%get3A_1880, %get3A_1881, %get3A_1882] : memref<1x1x1024xf32, #tpu.memory_space<vmem>>, vector<1x1x128xf32>
      %get3A_1884 = vector.shape_cast %get3A_1883 : vector<1x1x128xf32> to vector<1x128xf32>
      %add3A_1885 = vector.broadcast %get3A_1884 : vector<1x128xf32> to vector<128x128xf32>
      %add3A_1886 = arith.addf %get3A_1879, %add3A_1885 : vector<128x128xf32>
      %bitcast_convert_type3A_1887 = tpu.bitcast %add3A_1886 : vector<128x128xf32> -> vector<128x128xi32>
      %and3A_1888 = arith.constant -1024 : i32
      %and3A_1889 = vector.broadcast %and3A_1888 : i32 to vector<128x128xi32>
      %and3A_1890 = arith.andi %bitcast_convert_type3A_1887, %and3A_1889 : vector<128x128xi32>
      %or3A_1891 = arith.ori %and3A_1890, %add3A_21 : vector<128x128xi32>
      %bitcast_convert_type3A_1892 = tpu.bitcast %or3A_1891 : vector<128x128xi32> -> vector<128x128xf32>
      %get3A_1893 = arith.constant 1664 : index
      %get3A_1894 = arith.constant 256 : index
      %get3A_1895 = vector.load %arg7[%get3A_1893, %get3A_1894] : memref<2048x1024xf32, #tpu.memory_space<vmem>>, vector<128x128xf32>
      %get3A_1896 = arith.constant 0 : index
      %get3A_1897 = arith.constant 0 : index
      %get3A_1898 = arith.constant 256 : index
      %get3A_1899 = vector.load %arg4[%get3A_1896, %get3A_1897, %get3A_1898] : memref<1x1x1024xf32, #tpu.memory_space<vmem>>, vector<1x1x128xf32>
      %get3A_1900 = vector.shape_cast %get3A_1899 : vector<1x1x128xf32> to vector<1x128xf32>
      %add3A_1901 = vector.broadcast %get3A_1900 : vector<1x128xf32> to vector<128x128xf32>
      %add3A_1902 = arith.addf %get3A_1895, %add3A_1901 : vector<128x128xf32>
      %bitcast_convert_type3A_1903 = tpu.bitcast %add3A_1902 : vector<128x128xf32> -> vector<128x128xi32>
      %and3A_1904 = arith.constant -1024 : i32
      %and3A_1905 = vector.broadcast %and3A_1904 : i32 to vector<128x128xi32>
      %and3A_1906 = arith.andi %bitcast_convert_type3A_1903, %and3A_1905 : vector<128x128xi32>
      %or3A_1907 = arith.ori %and3A_1906, %add3A_25 : vector<128x128xi32>
      %bitcast_convert_type3A_1908 = tpu.bitcast %or3A_1907 : vector<128x128xi32> -> vector<128x128xf32>
      %get3A_1909 = arith.constant 1664 : index
      %get3A_1910 = arith.constant 384 : index
      %get3A_1911 = vector.load %arg7[%get3A_1909, %get3A_1910] : memref<2048x1024xf32, #tpu.memory_space<vmem>>, vector<128x128xf32>
      %get3A_1912 = arith.constant 0 : index
      %get3A_1913 = arith.constant 0 : index
      %get3A_1914 = arith.constant 384 : index
      %get3A_1915 = vector.load %arg4[%get3A_1912, %get3A_1913, %get3A_1914] : memref<1x1x1024xf32, #tpu.memory_space<vmem>>, vector<1x1x128xf32>
      %get3A_1916 = vector.shape_cast %get3A_1915 : vector<1x1x128xf32> to vector<1x128xf32>
      %add3A_1917 = vector.broadcast %get3A_1916 : vector<1x128xf32> to vector<128x128xf32>
      %add3A_1918 = arith.addf %get3A_1911, %add3A_1917 : vector<128x128xf32>
      %bitcast_convert_type3A_1919 = tpu.bitcast %add3A_1918 : vector<128x128xf32> -> vector<128x128xi32>
      %and3A_1920 = arith.constant -1024 : i32
      %and3A_1921 = vector.broadcast %and3A_1920 : i32 to vector<128x128xi32>
      %and3A_1922 = arith.andi %bitcast_convert_type3A_1919, %and3A_1921 : vector<128x128xi32>
      %or3A_1923 = arith.ori %and3A_1922, %add3A_29 : vector<128x128xi32>
      %bitcast_convert_type3A_1924 = tpu.bitcast %or3A_1923 : vector<128x128xi32> -> vector<128x128xf32>
      %get3A_1925 = arith.constant 1664 : index
      %get3A_1926 = arith.constant 512 : index
      %get3A_1927 = vector.load %arg7[%get3A_1925, %get3A_1926] : memref<2048x1024xf32, #tpu.memory_space<vmem>>, vector<128x128xf32>
      %get3A_1928 = arith.constant 0 : index
      %get3A_1929 = arith.constant 0 : index
      %get3A_1930 = arith.constant 512 : index
      %get3A_1931 = vector.load %arg4[%get3A_1928, %get3A_1929, %get3A_1930] : memref<1x1x1024xf32, #tpu.memory_space<vmem>>, vector<1x1x128xf32>
      %get3A_1932 = vector.shape_cast %get3A_1931 : vector<1x1x128xf32> to vector<1x128xf32>
      %add3A_1933 = vector.broadcast %get3A_1932 : vector<1x128xf32> to vector<128x128xf32>
      %add3A_1934 = arith.addf %get3A_1927, %add3A_1933 : vector<128x128xf32>
      %bitcast_convert_type3A_1935 = tpu.bitcast %add3A_1934 : vector<128x128xf32> -> vector<128x128xi32>
      %and3A_1936 = arith.constant -1024 : i32
      %and3A_1937 = vector.broadcast %and3A_1936 : i32 to vector<128x128xi32>
      %and3A_1938 = arith.andi %bitcast_convert_type3A_1935, %and3A_1937 : vector<128x128xi32>
      %or3A_1939 = arith.ori %and3A_1938, %add3A_33 : vector<128x128xi32>
      %bitcast_convert_type3A_1940 = tpu.bitcast %or3A_1939 : vector<128x128xi32> -> vector<128x128xf32>
      %get3A_1941 = arith.constant 1664 : index
      %get3A_1942 = arith.constant 640 : index
      %get3A_1943 = vector.load %arg7[%get3A_1941, %get3A_1942] : memref<2048x1024xf32, #tpu.memory_space<vmem>>, vector<128x128xf32>
      %get3A_1944 = arith.constant 0 : index
      %get3A_1945 = arith.constant 0 : index
      %get3A_1946 = arith.constant 640 : index
      %get3A_1947 = vector.load %arg4[%get3A_1944, %get3A_1945, %get3A_1946] : memref<1x1x1024xf32, #tpu.memory_space<vmem>>, vector<1x1x128xf32>
      %get3A_1948 = vector.shape_cast %get3A_1947 : vector<1x1x128xf32> to vector<1x128xf32>
      %add3A_1949 = vector.broadcast %get3A_1948 : vector<1x128xf32> to vector<128x128xf32>
      %add3A_1950 = arith.addf %get3A_1943, %add3A_1949 : vector<128x128xf32>
      %bitcast_convert_type3A_1951 = tpu.bitcast %add3A_1950 : vector<128x128xf32> -> vector<128x128xi32>
      %and3A_1952 = arith.constant -1024 : i32
      %and3A_1953 = vector.broadcast %and3A_1952 : i32 to vector<128x128xi32>
      %and3A_1954 = arith.andi %bitcast_convert_type3A_1951, %and3A_1953 : vector<128x128xi32>
      %or3A_1955 = arith.ori %and3A_1954, %add3A_37 : vector<128x128xi32>
      %bitcast_convert_type3A_1956 = tpu.bitcast %or3A_1955 : vector<128x128xi32> -> vector<128x128xf32>
      %get3A_1957 = arith.constant 1664 : index
      %get3A_1958 = arith.constant 768 : index
      %get3A_1959 = vector.load %arg7[%get3A_1957, %get3A_1958] : memref<2048x1024xf32, #tpu.memory_space<vmem>>, vector<128x128xf32>
      %get3A_1960 = arith.constant 0 : index
      %get3A_1961 = arith.constant 0 : index
      %get3A_1962 = arith.constant 768 : index
      %get3A_1963 = vector.load %arg4[%get3A_1960, %get3A_1961, %get3A_1962] : memref<1x1x1024xf32, #tpu.memory_space<vmem>>, vector<1x1x128xf32>
      %get3A_1964 = vector.shape_cast %get3A_1963 : vector<1x1x128xf32> to vector<1x128xf32>
      %add3A_1965 = vector.broadcast %get3A_1964 : vector<1x128xf32> to vector<128x128xf32>
      %add3A_1966 = arith.addf %get3A_1959, %add3A_1965 : vector<128x128xf32>
      %bitcast_convert_type3A_1967 = tpu.bitcast %add3A_1966 : vector<128x128xf32> -> vector<128x128xi32>
      %and3A_1968 = arith.constant -1024 : i32
      %and3A_1969 = vector.broadcast %and3A_1968 : i32 to vector<128x128xi32>
      %and3A_1970 = arith.andi %bitcast_convert_type3A_1967, %and3A_1969 : vector<128x128xi32>
      %or3A_1971 = arith.ori %and3A_1970, %add3A_41 : vector<128x128xi32>
      %bitcast_convert_type3A_1972 = tpu.bitcast %or3A_1971 : vector<128x128xi32> -> vector<128x128xf32>
      %get3A_1973 = arith.constant 1664 : index
      %get3A_1974 = arith.constant 896 : index
      %get3A_1975 = vector.load %arg7[%get3A_1973, %get3A_1974] : memref<2048x1024xf32, #tpu.memory_space<vmem>>, vector<128x128xf32>
      %get3A_1976 = arith.constant 0 : index
      %get3A_1977 = arith.constant 0 : index
      %get3A_1978 = arith.constant 896 : index
      %get3A_1979 = vector.load %arg4[%get3A_1976, %get3A_1977, %get3A_1978] : memref<1x1x1024xf32, #tpu.memory_space<vmem>>, vector<1x1x128xf32>
      %get3A_1980 = vector.shape_cast %get3A_1979 : vector<1x1x128xf32> to vector<1x128xf32>
      %add3A_1981 = vector.broadcast %get3A_1980 : vector<1x128xf32> to vector<128x128xf32>
      %add3A_1982 = arith.addf %get3A_1975, %add3A_1981 : vector<128x128xf32>
      %bitcast_convert_type3A_1983 = tpu.bitcast %add3A_1982 : vector<128x128xf32> -> vector<128x128xi32>
      %and3A_1984 = arith.constant -1024 : i32
      %and3A_1985 = vector.broadcast %and3A_1984 : i32 to vector<128x128xi32>
      %and3A_1986 = arith.andi %bitcast_convert_type3A_1983, %and3A_1985 : vector<128x128xi32>
      %or3A_1987 = arith.ori %and3A_1986, %add3A_45 : vector<128x128xi32>
      %bitcast_convert_type3A_1988 = tpu.bitcast %or3A_1987 : vector<128x128xi32> -> vector<128x128xf32>
      %min3A_1989 = arith.minimumf %bitcast_convert_type3A_1876, %bitcast_convert_type3A_1892 : vector<128x128xf32>
      %min3A_1990 = arith.minimumf %bitcast_convert_type3A_1908, %bitcast_convert_type3A_1924 : vector<128x128xf32>
      %min3A_1991 = arith.minimumf %bitcast_convert_type3A_1940, %bitcast_convert_type3A_1956 : vector<128x128xf32>
      %min3A_1992 = arith.minimumf %bitcast_convert_type3A_1972, %bitcast_convert_type3A_1988 : vector<128x128xf32>
      %min3A_1993 = arith.minimumf %min3A_1989, %min3A_1990 : vector<128x128xf32>
      %min3A_1994 = arith.minimumf %min3A_1991, %min3A_1992 : vector<128x128xf32>
      %min3A_1995 = arith.minimumf %min3A_1993, %min3A_1994 : vector<128x128xf32>
      %reduce_min3A_1996 = arith.constant dense<0x7F800000> : vector<128xf32>
      %reduce_min3A_1997 = vector.multi_reduction <minimumf>, %min3A_1995, %reduce_min3A_1996 [1] : vector<128x128xf32> to vector<128xf32>
      %slice3A_1998 = vector.extract_strided_slice %get3A_12 {offsets = [896, 0], sizes = [128, 512], strides = [1, 1]} : vector<1024x512xbf16> to vector<128x512xbf16>
      %dot_general3A_1999 = arith.constant dense<0.000000e+00> : vector<2048x128xf32>
      %dot_general3A_2000 = tpu.matmul %get3A_9, %slice3A_1998, %dot_general3A_1999 {dimension_numbers = #tpu.dot_dimension_numbers<[1], [1], [0], [0], [0, 0, 1, 0], [], []>, transpose_lhs_hint = false} : vector<2048x512xbf16>, vector<128x512xbf16>, vector<2048x128xf32> -> vector<2048x128xf32>
      %swap3A_2001 = arith.constant 0 : index
      %swap3A_2002 = arith.constant 896 : index
      %swap3A_2003 = vector.load %arg6[%swap3A_2001, %swap3A_2002] : memref<2048x1024xf32, #tpu.memory_space<vmem>>, vector<2048x128xf32>
      tpu.vector_store %arg6[%swap3A_2001, %swap3A_2002], %dot_general3A_2000 {strides = array<i32>} : memref<2048x1024xf32, #tpu.memory_space<vmem>>, vector<2048x128xf32>,
      %get3A_2004 = arith.constant 1792 : index
      %get3A_2005 = arith.constant 0 : index
      %get3A_2006 = vector.load %arg7[%get3A_2004, %get3A_2005] : memref<2048x1024xf32, #tpu.memory_space<vmem>>, vector<128x128xf32>
      %get3A_2007 = arith.constant 0 : index
      %get3A_2008 = arith.constant 0 : index
      %get3A_2009 = arith.constant 0 : index
      %get3A_2010 = vector.load %arg4[%get3A_2007, %get3A_2008, %get3A_2009] : memref<1x1x1024xf32, #tpu.memory_space<vmem>>, vector<1x1x128xf32>
      %get3A_2011 = vector.shape_cast %get3A_2010 : vector<1x1x128xf32> to vector<1x128xf32>
      %add3A_2012 = vector.broadcast %get3A_2011 : vector<1x128xf32> to vector<128x128xf32>
      %add3A_2013 = arith.addf %get3A_2006, %add3A_2012 : vector<128x128xf32>
      %bitcast_convert_type3A_2014 = tpu.bitcast %add3A_2013 : vector<128x128xf32> -> vector<128x128xi32>
      %and3A_2015 = arith.constant -1024 : i32
      %and3A_2016 = vector.broadcast %and3A_2015 : i32 to vector<128x128xi32>
      %and3A_2017 = arith.andi %bitcast_convert_type3A_2014, %and3A_2016 : vector<128x128xi32>
      %or3A_2018 = arith.ori %and3A_2017, %add3A_17 : vector<128x128xi32>
      %bitcast_convert_type3A_2019 = tpu.bitcast %or3A_2018 : vector<128x128xi32> -> vector<128x128xf32>
      %get3A_2020 = arith.constant 1792 : index
      %get3A_2021 = arith.constant 128 : index
      %get3A_2022 = vector.load %arg7[%get3A_2020, %get3A_2021] : memref<2048x1024xf32, #tpu.memory_space<vmem>>, vector<128x128xf32>
      %get3A_2023 = arith.constant 0 : index
      %get3A_2024 = arith.constant 0 : index
      %get3A_2025 = arith.constant 128 : index
      %get3A_2026 = vector.load %arg4[%get3A_2023, %get3A_2024, %get3A_2025] : memref<1x1x1024xf32, #tpu.memory_space<vmem>>, vector<1x1x128xf32>
      %get3A_2027 = vector.shape_cast %get3A_2026 : vector<1x1x128xf32> to vector<1x128xf32>
      %add3A_2028 = vector.broadcast %get3A_2027 : vector<1x128xf32> to vector<128x128xf32>
      %add3A_2029 = arith.addf %get3A_2022, %add3A_2028 : vector<128x128xf32>
      %bitcast_convert_type3A_2030 = tpu.bitcast %add3A_2029 : vector<128x128xf32> -> vector<128x128xi32>
      %and3A_2031 = arith.constant -1024 : i32
      %and3A_2032 = vector.broadcast %and3A_2031 : i32 to vector<128x128xi32>
      %and3A_2033 = arith.andi %bitcast_convert_type3A_2030, %and3A_2032 : vector<128x128xi32>
      %or3A_2034 = arith.ori %and3A_2033, %add3A_21 : vector<128x128xi32>
      %bitcast_convert_type3A_2035 = tpu.bitcast %or3A_2034 : vector<128x128xi32> -> vector<128x128xf32>
      %get3A_2036 = arith.constant 1792 : index
      %get3A_2037 = arith.constant 256 : index
      %get3A_2038 = vector.load %arg7[%get3A_2036, %get3A_2037] : memref<2048x1024xf32, #tpu.memory_space<vmem>>, vector<128x128xf32>
      %get3A_2039 = arith.constant 0 : index
      %get3A_2040 = arith.constant 0 : index
      %get3A_2041 = arith.constant 256 : index
      %get3A_2042 = vector.load %arg4[%get3A_2039, %get3A_2040, %get3A_2041] : memref<1x1x1024xf32, #tpu.memory_space<vmem>>, vector<1x1x128xf32>
      %get3A_2043 = vector.shape_cast %get3A_2042 : vector<1x1x128xf32> to vector<1x128xf32>
      %add3A_2044 = vector.broadcast %get3A_2043 : vector<1x128xf32> to vector<128x128xf32>
      %add3A_2045 = arith.addf %get3A_2038, %add3A_2044 : vector<128x128xf32>
      %bitcast_convert_type3A_2046 = tpu.bitcast %add3A_2045 : vector<128x128xf32> -> vector<128x128xi32>
      %and3A_2047 = arith.constant -1024 : i32
      %and3A_2048 = vector.broadcast %and3A_2047 : i32 to vector<128x128xi32>
      %and3A_2049 = arith.andi %bitcast_convert_type3A_2046, %and3A_2048 : vector<128x128xi32>
      %or3A_2050 = arith.ori %and3A_2049, %add3A_25 : vector<128x128xi32>
      %bitcast_convert_type3A_2051 = tpu.bitcast %or3A_2050 : vector<128x128xi32> -> vector<128x128xf32>
      %get3A_2052 = arith.constant 1792 : index
      %get3A_2053 = arith.constant 384 : index
      %get3A_2054 = vector.load %arg7[%get3A_2052, %get3A_2053] : memref<2048x1024xf32, #tpu.memory_space<vmem>>, vector<128x128xf32>
      %get3A_2055 = arith.constant 0 : index
      %get3A_2056 = arith.constant 0 : index
      %get3A_2057 = arith.constant 384 : index
      %get3A_2058 = vector.load %arg4[%get3A_2055, %get3A_2056, %get3A_2057] : memref<1x1x1024xf32, #tpu.memory_space<vmem>>, vector<1x1x128xf32>
      %get3A_2059 = vector.shape_cast %get3A_2058 : vector<1x1x128xf32> to vector<1x128xf32>
      %add3A_2060 = vector.broadcast %get3A_2059 : vector<1x128xf32> to vector<128x128xf32>
      %add3A_2061 = arith.addf %get3A_2054, %add3A_2060 : vector<128x128xf32>
      %bitcast_convert_type3A_2062 = tpu.bitcast %add3A_2061 : vector<128x128xf32> -> vector<128x128xi32>
      %and3A_2063 = arith.constant -1024 : i32
      %and3A_2064 = vector.broadcast %and3A_2063 : i32 to vector<128x128xi32>
      %and3A_2065 = arith.andi %bitcast_convert_type3A_2062, %and3A_2064 : vector<128x128xi32>
      %or3A_2066 = arith.ori %and3A_2065, %add3A_29 : vector<128x128xi32>
      %bitcast_convert_type3A_2067 = tpu.bitcast %or3A_2066 : vector<128x128xi32> -> vector<128x128xf32>
      %get3A_2068 = arith.constant 1792 : index
      %get3A_2069 = arith.constant 512 : index
      %get3A_2070 = vector.load %arg7[%get3A_2068, %get3A_2069] : memref<2048x1024xf32, #tpu.memory_space<vmem>>, vector<128x128xf32>
      %get3A_2071 = arith.constant 0 : index
      %get3A_2072 = arith.constant 0 : index
      %get3A_2073 = arith.constant 512 : index
      %get3A_2074 = vector.load %arg4[%get3A_2071, %get3A_2072, %get3A_2073] : memref<1x1x1024xf32, #tpu.memory_space<vmem>>, vector<1x1x128xf32>
      %get3A_2075 = vector.shape_cast %get3A_2074 : vector<1x1x128xf32> to vector<1x128xf32>
      %add3A_2076 = vector.broadcast %get3A_2075 : vector<1x128xf32> to vector<128x128xf32>
      %add3A_2077 = arith.addf %get3A_2070, %add3A_2076 : vector<128x128xf32>
      %bitcast_convert_type3A_2078 = tpu.bitcast %add3A_2077 : vector<128x128xf32> -> vector<128x128xi32>
      %and3A_2079 = arith.constant -1024 : i32
      %and3A_2080 = vector.broadcast %and3A_2079 : i32 to vector<128x128xi32>
      %and3A_2081 = arith.andi %bitcast_convert_type3A_2078, %and3A_2080 : vector<128x128xi32>
      %or3A_2082 = arith.ori %and3A_2081, %add3A_33 : vector<128x128xi32>
      %bitcast_convert_type3A_2083 = tpu.bitcast %or3A_2082 : vector<128x128xi32> -> vector<128x128xf32>
      %get3A_2084 = arith.constant 1792 : index
      %get3A_2085 = arith.constant 640 : index
      %get3A_2086 = vector.load %arg7[%get3A_2084, %get3A_2085] : memref<2048x1024xf32, #tpu.memory_space<vmem>>, vector<128x128xf32>
      %get3A_2087 = arith.constant 0 : index
      %get3A_2088 = arith.constant 0 : index
      %get3A_2089 = arith.constant 640 : index
      %get3A_2090 = vector.load %arg4[%get3A_2087, %get3A_2088, %get3A_2089] : memref<1x1x1024xf32, #tpu.memory_space<vmem>>, vector<1x1x128xf32>
      %get3A_2091 = vector.shape_cast %get3A_2090 : vector<1x1x128xf32> to vector<1x128xf32>
      %add3A_2092 = vector.broadcast %get3A_2091 : vector<1x128xf32> to vector<128x128xf32>
      %add3A_2093 = arith.addf %get3A_2086, %add3A_2092 : vector<128x128xf32>
      %bitcast_convert_type3A_2094 = tpu.bitcast %add3A_2093 : vector<128x128xf32> -> vector<128x128xi32>
      %and3A_2095 = arith.constant -1024 : i32
      %and3A_2096 = vector.broadcast %and3A_2095 : i32 to vector<128x128xi32>
      %and3A_2097 = arith.andi %bitcast_convert_type3A_2094, %and3A_2096 : vector<128x128xi32>
      %or3A_2098 = arith.ori %and3A_2097, %add3A_37 : vector<128x128xi32>
      %bitcast_convert_type3A_2099 = tpu.bitcast %or3A_2098 : vector<128x128xi32> -> vector<128x128xf32>
      %get3A_2100 = arith.constant 1792 : index
      %get3A_2101 = arith.constant 768 : index
      %get3A_2102 = vector.load %arg7[%get3A_2100, %get3A_2101] : memref<2048x1024xf32, #tpu.memory_space<vmem>>, vector<128x128xf32>
      %get3A_2103 = arith.constant 0 : index
      %get3A_2104 = arith.constant 0 : index
      %get3A_2105 = arith.constant 768 : index
      %get3A_2106 = vector.load %arg4[%get3A_2103, %get3A_2104, %get3A_2105] : memref<1x1x1024xf32, #tpu.memory_space<vmem>>, vector<1x1x128xf32>
      %get3A_2107 = vector.shape_cast %get3A_2106 : vector<1x1x128xf32> to vector<1x128xf32>
      %add3A_2108 = vector.broadcast %get3A_2107 : vector<1x128xf32> to vector<128x128xf32>
      %add3A_2109 = arith.addf %get3A_2102, %add3A_2108 : vector<128x128xf32>
      %bitcast_convert_type3A_2110 = tpu.bitcast %add3A_2109 : vector<128x128xf32> -> vector<128x128xi32>
      %and3A_2111 = arith.constant -1024 : i32
      %and3A_2112 = vector.broadcast %and3A_2111 : i32 to vector<128x128xi32>
      %and3A_2113 = arith.andi %bitcast_convert_type3A_2110, %and3A_2112 : vector<128x128xi32>
      %or3A_2114 = arith.ori %and3A_2113, %add3A_41 : vector<128x128xi32>
      %bitcast_convert_type3A_2115 = tpu.bitcast %or3A_2114 : vector<128x128xi32> -> vector<128x128xf32>
      %get3A_2116 = arith.constant 1792 : index
      %get3A_2117 = arith.constant 896 : index
      %get3A_2118 = vector.load %arg7[%get3A_2116, %get3A_2117] : memref<2048x1024xf32, #tpu.memory_space<vmem>>, vector<128x128xf32>
      %get3A_2119 = arith.constant 0 : index
      %get3A_2120 = arith.constant 0 : index
      %get3A_2121 = arith.constant 896 : index
      %get3A_2122 = vector.load %arg4[%get3A_2119, %get3A_2120, %get3A_2121] : memref<1x1x1024xf32, #tpu.memory_space<vmem>>, vector<1x1x128xf32>
      %get3A_2123 = vector.shape_cast %get3A_2122 : vector<1x1x128xf32> to vector<1x128xf32>
      %add3A_2124 = vector.broadcast %get3A_2123 : vector<1x128xf32> to vector<128x128xf32>
      %add3A_2125 = arith.addf %get3A_2118, %add3A_2124 : vector<128x128xf32>
      %bitcast_convert_type3A_2126 = tpu.bitcast %add3A_2125 : vector<128x128xf32> -> vector<128x128xi32>
      %and3A_2127 = arith.constant -1024 : i32
      %and3A_2128 = vector.broadcast %and3A_2127 : i32 to vector<128x128xi32>
      %and3A_2129 = arith.andi %bitcast_convert_type3A_2126, %and3A_2128 : vector<128x128xi32>
      %or3A_2130 = arith.ori %and3A_2129, %add3A_45 : vector<128x128xi32>
      %bitcast_convert_type3A_2131 = tpu.bitcast %or3A_2130 : vector<128x128xi32> -> vector<128x128xf32>
      %min3A_2132 = arith.minimumf %bitcast_convert_type3A_2019, %bitcast_convert_type3A_2035 : vector<128x128xf32>
      %min3A_2133 = arith.minimumf %bitcast_convert_type3A_2051, %bitcast_convert_type3A_2067 : vector<128x128xf32>
      %min3A_2134 = arith.minimumf %bitcast_convert_type3A_2083, %bitcast_convert_type3A_2099 : vector<128x128xf32>
      %min3A_2135 = arith.minimumf %bitcast_convert_type3A_2115, %bitcast_convert_type3A_2131 : vector<128x128xf32>
      %min3A_2136 = arith.minimumf %min3A_2132, %min3A_2133 : vector<128x128xf32>
      %min3A_2137 = arith.minimumf %min3A_2134, %min3A_2135 : vector<128x128xf32>
      %min3A_2138 = arith.minimumf %min3A_2136, %min3A_2137 : vector<128x128xf32>
      %reduce_min3A_2139 = arith.constant dense<0x7F800000> : vector<128xf32>
      %reduce_min3A_2140 = vector.multi_reduction <minimumf>, %min3A_2138, %reduce_min3A_2139 [1] : vector<128x128xf32> to vector<128xf32>
      %get3A_2141 = arith.constant 1920 : index
      %get3A_2142 = arith.constant 0 : index
      %get3A_2143 = vector.load %arg7[%get3A_2141, %get3A_2142] : memref<2048x1024xf32, #tpu.memory_space<vmem>>, vector<128x128xf32>
      %get3A_2144 = arith.constant 0 : index
      %get3A_2145 = arith.constant 0 : index
      %get3A_2146 = arith.constant 0 : index
      %get3A_2147 = vector.load %arg4[%get3A_2144, %get3A_2145, %get3A_2146] : memref<1x1x1024xf32, #tpu.memory_space<vmem>>, vector<1x1x128xf32>
      %get3A_2148 = vector.shape_cast %get3A_2147 : vector<1x1x128xf32> to vector<1x128xf32>
      %add3A_2149 = vector.broadcast %get3A_2148 : vector<1x128xf32> to vector<128x128xf32>
      %add3A_2150 = arith.addf %get3A_2143, %add3A_2149 : vector<128x128xf32>
      %bitcast_convert_type3A_2151 = tpu.bitcast %add3A_2150 : vector<128x128xf32> -> vector<128x128xi32>
      %and3A_2152 = arith.constant -1024 : i32
      %and3A_2153 = vector.broadcast %and3A_2152 : i32 to vector<128x128xi32>
      %and3A_2154 = arith.andi %bitcast_convert_type3A_2151, %and3A_2153 : vector<128x128xi32>
      %or3A_2155 = arith.ori %and3A_2154, %add3A_17 : vector<128x128xi32>
      %bitcast_convert_type3A_2156 = tpu.bitcast %or3A_2155 : vector<128x128xi32> -> vector<128x128xf32>
      %get3A_2157 = arith.constant 1920 : index
      %get3A_2158 = arith.constant 128 : index
      %get3A_2159 = vector.load %arg7[%get3A_2157, %get3A_2158] : memref<2048x1024xf32, #tpu.memory_space<vmem>>, vector<128x128xf32>
      %get3A_2160 = arith.constant 0 : index
      %get3A_2161 = arith.constant 0 : index
      %get3A_2162 = arith.constant 128 : index
      %get3A_2163 = vector.load %arg4[%get3A_2160, %get3A_2161, %get3A_2162] : memref<1x1x1024xf32, #tpu.memory_space<vmem>>, vector<1x1x128xf32>
      %get3A_2164 = vector.shape_cast %get3A_2163 : vector<1x1x128xf32> to vector<1x128xf32>
      %add3A_2165 = vector.broadcast %get3A_2164 : vector<1x128xf32> to vector<128x128xf32>
      %add3A_2166 = arith.addf %get3A_2159, %add3A_2165 : vector<128x128xf32>
      %bitcast_convert_type3A_2167 = tpu.bitcast %add3A_2166 : vector<128x128xf32> -> vector<128x128xi32>
      %and3A_2168 = arith.constant -1024 : i32
      %and3A_2169 = vector.broadcast %and3A_2168 : i32 to vector<128x128xi32>
      %and3A_2170 = arith.andi %bitcast_convert_type3A_2167, %and3A_2169 : vector<128x128xi32>
      %or3A_2171 = arith.ori %and3A_2170, %add3A_21 : vector<128x128xi32>
      %bitcast_convert_type3A_2172 = tpu.bitcast %or3A_2171 : vector<128x128xi32> -> vector<128x128xf32>
      %get3A_2173 = arith.constant 1920 : index
      %get3A_2174 = arith.constant 256 : index
      %get3A_2175 = vector.load %arg7[%get3A_2173, %get3A_2174] : memref<2048x1024xf32, #tpu.memory_space<vmem>>, vector<128x128xf32>
      %get3A_2176 = arith.constant 0 : index
      %get3A_2177 = arith.constant 0 : index
      %get3A_2178 = arith.constant 256 : index
      %get3A_2179 = vector.load %arg4[%get3A_2176, %get3A_2177, %get3A_2178] : memref<1x1x1024xf32, #tpu.memory_space<vmem>>, vector<1x1x128xf32>
      %get3A_2180 = vector.shape_cast %get3A_2179 : vector<1x1x128xf32> to vector<1x128xf32>
      %add3A_2181 = vector.broadcast %get3A_2180 : vector<1x128xf32> to vector<128x128xf32>
      %add3A_2182 = arith.addf %get3A_2175, %add3A_2181 : vector<128x128xf32>
      %bitcast_convert_type3A_2183 = tpu.bitcast %add3A_2182 : vector<128x128xf32> -> vector<128x128xi32>
      %and3A_2184 = arith.constant -1024 : i32
      %and3A_2185 = vector.broadcast %and3A_2184 : i32 to vector<128x128xi32>
      %and3A_2186 = arith.andi %bitcast_convert_type3A_2183, %and3A_2185 : vector<128x128xi32>
      %or3A_2187 = arith.ori %and3A_2186, %add3A_25 : vector<128x128xi32>
      %bitcast_convert_type3A_2188 = tpu.bitcast %or3A_2187 : vector<128x128xi32> -> vector<128x128xf32>
      %get3A_2189 = arith.constant 1920 : index
      %get3A_2190 = arith.constant 384 : index
      %get3A_2191 = vector.load %arg7[%get3A_2189, %get3A_2190] : memref<2048x1024xf32, #tpu.memory_space<vmem>>, vector<128x128xf32>
      %get3A_2192 = arith.constant 0 : index
      %get3A_2193 = arith.constant 0 : index
      %get3A_2194 = arith.constant 384 : index
      %get3A_2195 = vector.load %arg4[%get3A_2192, %get3A_2193, %get3A_2194] : memref<1x1x1024xf32, #tpu.memory_space<vmem>>, vector<1x1x128xf32>
      %get3A_2196 = vector.shape_cast %get3A_2195 : vector<1x1x128xf32> to vector<1x128xf32>
      %add3A_2197 = vector.broadcast %get3A_2196 : vector<1x128xf32> to vector<128x128xf32>
      %add3A_2198 = arith.addf %get3A_2191, %add3A_2197 : vector<128x128xf32>
      %bitcast_convert_type3A_2199 = tpu.bitcast %add3A_2198 : vector<128x128xf32> -> vector<128x128xi32>
      %and3A_2200 = arith.constant -1024 : i32
      %and3A_2201 = vector.broadcast %and3A_2200 : i32 to vector<128x128xi32>
      %and3A_2202 = arith.andi %bitcast_convert_type3A_2199, %and3A_2201 : vector<128x128xi32>
      %or3A_2203 = arith.ori %and3A_2202, %add3A_29 : vector<128x128xi32>
      %bitcast_convert_type3A_2204 = tpu.bitcast %or3A_2203 : vector<128x128xi32> -> vector<128x128xf32>
      %get3A_2205 = arith.constant 1920 : index
      %get3A_2206 = arith.constant 512 : index
      %get3A_2207 = vector.load %arg7[%get3A_2205, %get3A_2206] : memref<2048x1024xf32, #tpu.memory_space<vmem>>, vector<128x128xf32>
      %get3A_2208 = arith.constant 0 : index
      %get3A_2209 = arith.constant 0 : index
      %get3A_2210 = arith.constant 512 : index
      %get3A_2211 = vector.load %arg4[%get3A_2208, %get3A_2209, %get3A_2210] : memref<1x1x1024xf32, #tpu.memory_space<vmem>>, vector<1x1x128xf32>
      %get3A_2212 = vector.shape_cast %get3A_2211 : vector<1x1x128xf32> to vector<1x128xf32>
      %add3A_2213 = vector.broadcast %get3A_2212 : vector<1x128xf32> to vector<128x128xf32>
      %add3A_2214 = arith.addf %get3A_2207, %add3A_2213 : vector<128x128xf32>
      %bitcast_convert_type3A_2215 = tpu.bitcast %add3A_2214 : vector<128x128xf32> -> vector<128x128xi32>
      %and3A_2216 = arith.constant -1024 : i32
      %and3A_2217 = vector.broadcast %and3A_2216 : i32 to vector<128x128xi32>
      %and3A_2218 = arith.andi %bitcast_convert_type3A_2215, %and3A_2217 : vector<128x128xi32>
      %or3A_2219 = arith.ori %and3A_2218, %add3A_33 : vector<128x128xi32>
      %bitcast_convert_type3A_2220 = tpu.bitcast %or3A_2219 : vector<128x128xi32> -> vector<128x128xf32>
      %get3A_2221 = arith.constant 1920 : index
      %get3A_2222 = arith.constant 640 : index
      %get3A_2223 = vector.load %arg7[%get3A_2221, %get3A_2222] : memref<2048x1024xf32, #tpu.memory_space<vmem>>, vector<128x128xf32>
      %get3A_2224 = arith.constant 0 : index
      %get3A_2225 = arith.constant 0 : index
      %get3A_2226 = arith.constant 640 : index
      %get3A_2227 = vector.load %arg4[%get3A_2224, %get3A_2225, %get3A_2226] : memref<1x1x1024xf32, #tpu.memory_space<vmem>>, vector<1x1x128xf32>
      %get3A_2228 = vector.shape_cast %get3A_2227 : vector<1x1x128xf32> to vector<1x128xf32>
      %add3A_2229 = vector.broadcast %get3A_2228 : vector<1x128xf32> to vector<128x128xf32>
      %add3A_2230 = arith.addf %get3A_2223, %add3A_2229 : vector<128x128xf32>
      %bitcast_convert_type3A_2231 = tpu.bitcast %add3A_2230 : vector<128x128xf32> -> vector<128x128xi32>
      %and3A_2232 = arith.constant -1024 : i32
      %and3A_2233 = vector.broadcast %and3A_2232 : i32 to vector<128x128xi32>
      %and3A_2234 = arith.andi %bitcast_convert_type3A_2231, %and3A_2233 : vector<128x128xi32>
      %or3A_2235 = arith.ori %and3A_2234, %add3A_37 : vector<128x128xi32>
      %bitcast_convert_type3A_2236 = tpu.bitcast %or3A_2235 : vector<128x128xi32> -> vector<128x128xf32>
      %get3A_2237 = arith.constant 1920 : index
      %get3A_2238 = arith.constant 768 : index
      %get3A_2239 = vector.load %arg7[%get3A_2237, %get3A_2238] : memref<2048x1024xf32, #tpu.memory_space<vmem>>, vector<128x128xf32>
      %get3A_2240 = arith.constant 0 : index
      %get3A_2241 = arith.constant 0 : index
      %get3A_2242 = arith.constant 768 : index
      %get3A_2243 = vector.load %arg4[%get3A_2240, %get3A_2241, %get3A_2242] : memref<1x1x1024xf32, #tpu.memory_space<vmem>>, vector<1x1x128xf32>
      %get3A_2244 = vector.shape_cast %get3A_2243 : vector<1x1x128xf32> to vector<1x128xf32>
      %add3A_2245 = vector.broadcast %get3A_2244 : vector<1x128xf32> to vector<128x128xf32>
      %add3A_2246 = arith.addf %get3A_2239, %add3A_2245 : vector<128x128xf32>
      %bitcast_convert_type3A_2247 = tpu.bitcast %add3A_2246 : vector<128x128xf32> -> vector<128x128xi32>
      %and3A_2248 = arith.constant -1024 : i32
      %and3A_2249 = vector.broadcast %and3A_2248 : i32 to vector<128x128xi32>
      %and3A_2250 = arith.andi %bitcast_convert_type3A_2247, %and3A_2249 : vector<128x128xi32>
      %or3A_2251 = arith.ori %and3A_2250, %add3A_41 : vector<128x128xi32>
      %bitcast_convert_type3A_2252 = tpu.bitcast %or3A_2251 : vector<128x128xi32> -> vector<128x128xf32>
      %get3A_2253 = arith.constant 1920 : index
      %get3A_2254 = arith.constant 896 : index
      %get3A_2255 = vector.load %arg7[%get3A_2253, %get3A_2254] : memref<2048x1024xf32, #tpu.memory_space<vmem>>, vector<128x128xf32>
      %get3A_2256 = arith.constant 0 : index
      %get3A_2257 = arith.constant 0 : index
      %get3A_2258 = arith.constant 896 : index
      %get3A_2259 = vector.load %arg4[%get3A_2256, %get3A_2257, %get3A_2258] : memref<1x1x1024xf32, #tpu.memory_space<vmem>>, vector<1x1x128xf32>
      %get3A_2260 = vector.shape_cast %get3A_2259 : vector<1x1x128xf32> to vector<1x128xf32>
      %add3A_2261 = vector.broadcast %get3A_2260 : vector<1x128xf32> to vector<128x128xf32>
      %add3A_2262 = arith.addf %get3A_2255, %add3A_2261 : vector<128x128xf32>
      %bitcast_convert_type3A_2263 = tpu.bitcast %add3A_2262 : vector<128x128xf32> -> vector<128x128xi32>
      %and3A_2264 = arith.constant -1024 : i32
      %and3A_2265 = vector.broadcast %and3A_2264 : i32 to vector<128x128xi32>
      %and3A_2266 = arith.andi %bitcast_convert_type3A_2263, %and3A_2265 : vector<128x128xi32>
      %or3A_2267 = arith.ori %and3A_2266, %add3A_45 : vector<128x128xi32>
      %bitcast_convert_type3A_2268 = tpu.bitcast %or3A_2267 : vector<128x128xi32> -> vector<128x128xf32>
      %min3A_2269 = arith.minimumf %bitcast_convert_type3A_2156, %bitcast_convert_type3A_2172 : vector<128x128xf32>
      %min3A_2270 = arith.minimumf %bitcast_convert_type3A_2188, %bitcast_convert_type3A_2204 : vector<128x128xf32>
      %min3A_2271 = arith.minimumf %bitcast_convert_type3A_2220, %bitcast_convert_type3A_2236 : vector<128x128xf32>
      %min3A_2272 = arith.minimumf %bitcast_convert_type3A_2252, %bitcast_convert_type3A_2268 : vector<128x128xf32>
      %min3A_2273 = arith.minimumf %min3A_2269, %min3A_2270 : vector<128x128xf32>
      %min3A_2274 = arith.minimumf %min3A_2271, %min3A_2272 : vector<128x128xf32>
      %min3A_2275 = arith.minimumf %min3A_2273, %min3A_2274 : vector<128x128xf32>
      %reduce_min3A_2276 = arith.constant dense<0x7F800000> : vector<128xf32>
      %reduce_min3A_2277 = vector.multi_reduction <minimumf>, %min3A_2275, %reduce_min3A_2276 [1] : vector<128x128xf32> to vector<128xf32>
      %stack3A = vector.shape_cast %reduce_min3A_180 : vector<128xf32> to vector<1x128xf32>
      %stack3A_2278 = vector.shape_cast %reduce_min3A_317 : vector<128xf32> to vector<1x128xf32>
      %stack3A_2279 = vector.shape_cast %reduce_min3A_460 : vector<128xf32> to vector<1x128xf32>
      %stack3A_2280 = vector.shape_cast %reduce_min3A_597 : vector<128xf32> to vector<1x128xf32>
      %stack3A_2281 = vector.shape_cast %reduce_min3A_740 : vector<128xf32> to vector<1x128xf32>
      %stack3A_2282 = vector.shape_cast %reduce_min3A_877 : vector<128xf32> to vector<1x128xf32>
      %stack3A_2283 = vector.shape_cast %reduce_min3A_1020 : vector<128xf32> to vector<1x128xf32>
      %stack3A_2284 = vector.shape_cast %reduce_min3A_1157 : vector<128xf32> to vector<1x128xf32>
      %stack3A_2285 = vector.shape_cast %reduce_min3A_1300 : vector<128xf32> to vector<1x128xf32>
      %stack3A_2286 = vector.shape_cast %reduce_min3A_1437 : vector<128xf32> to vector<1x128xf32>
      %stack3A_2287 = vector.shape_cast %reduce_min3A_1580 : vector<128xf32> to vector<1x128xf32>
      %stack3A_2288 = vector.shape_cast %reduce_min3A_1717 : vector<128xf32> to vector<1x128xf32>
      %stack3A_2289 = vector.shape_cast %reduce_min3A_1860 : vector<128xf32> to vector<1x128xf32>
      %stack3A_2290 = vector.shape_cast %reduce_min3A_1997 : vector<128xf32> to vector<1x128xf32>
      %stack3A_2291 = vector.shape_cast %reduce_min3A_2140 : vector<128xf32> to vector<1x128xf32>
      %stack3A_2292 = vector.shape_cast %reduce_min3A_2277 : vector<128xf32> to vector<1x128xf32>
      %stack3A_2293 = tpu.concatenate %stack3A, %stack3A_2278, %stack3A_2279, %stack3A_2280, %stack3A_2281, %stack3A_2282, %stack3A_2283, %stack3A_2284, %stack3A_2285, %stack3A_2286, %stack3A_2287, %stack3A_2288, %stack3A_2289, %stack3A_2290, %stack3A_2291, %stack3A_2292 in 0 : vector<1x128xf32>, vector<1x128xf32>, vector<1x128xf32>, vector<1x128xf32>, vector<1x128xf32>, vector<1x128xf32>, vector<1x128xf32>, vector<1x128xf32>, vector<1x128xf32>, vector<1x128xf32>, vector<1x128xf32>, vector<1x128xf32>, vector<1x128xf32>, vector<1x128xf32>, vector<1x128xf32>, vector<1x128xf32> -> vector<16x128xf32>
      %bitcast_convert_type3A_2294 = tpu.bitcast %stack3A_2293 : vector<16x128xf32> -> vector<16x128xi32>
      %and3A_2295 = arith.constant 1023 : i32
      %and3A_2296 = vector.broadcast %and3A_2295 : i32 to vector<16x128xi32>
      %and3A_2297 = arith.andi %bitcast_convert_type3A_2294, %and3A_2296 : vector<16x128xi32>
      %mul3A = arith.constant 1024 : i32
      %mul3A_2298 = arith.muli %sub3A_13, %mul3A : i32
      %add3A_2299 = vector.broadcast %mul3A_2298 : i32 to vector<16x128xi32>
      %add3A_2300 = arith.addi %and3A_2297, %add3A_2299 : vector<16x128xi32>
      %gt3A = arith.constant 0 : i32
      %gt3A_2301 = arith.cmpi sgt, %arg1, %gt3A : i32
      %convert_element_type3A_2302 = arith.extui %gt3A_2301 : i1 to i32
      %cond3A_2303 = arith.constant 0 : i32
      %cond3A_2304 = arith.cmpi ne, %convert_element_type3A_2302, %cond3A_2303 : i32
      scf.if %cond3A_2304 {
        %get3A_2310 = arith.constant 0 : index
        %get3A_2311 = arith.constant 0 : index
        %get3A_2312 = vector.load %arg8[%get3A_2310, %get3A_2311] : memref<16x128xf32, #tpu.memory_space<vmem>>, vector<16x128xf32>
        %lt3A = arith.cmpf olt, %stack3A_2293, %get3A_2312 : vector<16x128xf32>
        %or3A_2313 = vector.broadcast %eq3A_15 : i1 to vector<16x128xi1>
        %or3A_2314 = arith.ori %lt3A, %or3A_2313 : vector<16x128xi1>
        %get3A_2315 = arith.constant 0 : index
        %get3A_2316 = arith.constant 0 : index
        %get3A_2317 = vector.load %arg9[%get3A_2315, %get3A_2316] : memref<16x128xi32, #tpu.memory_space<vmem>>, vector<16x128xi32>
        %select_n3A = arith.select %or3A_2314, %add3A_2300, %get3A_2317 : vector<16x128xi1>, vector<16x128xi32>
        %swap3A_2318 = arith.constant 0 : index
        %swap3A_2319 = arith.constant 0 : index
        %swap3A_2320 = vector.load %arg9[%swap3A_2318, %swap3A_2319] : memref<16x128xi32, #tpu.memory_space<vmem>>, vector<16x128xi32>
        tpu.vector_store %arg9[%swap3A_2318, %swap3A_2319], %select_n3A {strides = array<i32>} : memref<16x128xi32, #tpu.memory_space<vmem>>, vector<16x128xi32>,
        %get3A_2321 = arith.constant 0 : index
        %get3A_2322 = arith.constant 0 : index
        %get3A_2323 = vector.load %arg8[%get3A_2321, %get3A_2322] : memref<16x128xf32, #tpu.memory_space<vmem>>, vector<16x128xf32>
        %select_n3A_2324 = arith.select %or3A_2314, %stack3A_2293, %get3A_2323 : vector<16x128xi1>, vector<16x128xf32>
        %swap3A_2325 = arith.constant 0 : index
        %swap3A_2326 = arith.constant 0 : index
        %swap3A_2327 = vector.load %arg8[%swap3A_2325, %swap3A_2326] : memref<16x128xf32, #tpu.memory_space<vmem>>, vector<16x128xf32>
        tpu.vector_store %arg8[%swap3A_2325, %swap3A_2326], %select_n3A_2324 {strides = array<i32>} : memref<16x128xf32, #tpu.memory_space<vmem>>, vector<16x128xf32>,
      } else {
      }
      %eq3A_2305 = arith.constant 49 : i32
      %eq3A_2306 = arith.cmpi eq, %arg1, %eq3A_2305 : i32
      %convert_element_type3A_2307 = arith.extui %eq3A_2306 : i1 to i32
      %cond3A_2308 = arith.constant 0 : i32
      %cond3A_2309 = arith.cmpi ne, %convert_element_type3A_2307, %cond3A_2308 : i32
      scf.if %cond3A_2309 {
        %get3A_2310 = arith.constant 0 : index
        %get3A_2311 = arith.constant 0 : index
        %get3A_2312 = vector.load %arg9[%get3A_2310, %get3A_2311] : memref<16x128xi32, #tpu.memory_space<vmem>>, vector<16x128xi32>
        %swap3A_2313 = arith.constant 0 : index
        %swap3A_2314 = arith.constant 0 : index
        %swap3A_2315 = arith.constant 0 : index
        %swap3A_2316 = vector.load %arg5[%swap3A_2313, %swap3A_2314, %swap3A_2315] : memref<1x16x128xi32, #tpu.memory_space<vmem>>, vector<1x16x128xi32>
        %swap3A_2317 = vector.shape_cast %swap3A_2316 : vector<1x16x128xi32> to vector<16x128xi32>
        %swap3A_2318 = vector.shape_cast %get3A_2312 : vector<16x128xi32> to vector<1x16x128xi32>
        tpu.vector_store %arg5[%swap3A_2313, %swap3A_2314, %swap3A_2315], %swap3A_2318 {strides = array<i32>} : memref<1x16x128xi32, #tpu.memory_space<vmem>>, vector<1x16x128xi32>,
      } else {
      }
    } else {
    }
    %eq3A_3 = arith.constant 1 : i32
    %eq3A_4 = arith.cmpi eq, %rem3A_0, %eq3A_3 : i32
    %convert_element_type3A_5 = arith.extui %eq3A_4 : i1 to i32
    %cond3A_6 = arith.constant 0 : i32
    %cond3A_7 = arith.cmpi ne, %convert_element_type3A_5, %cond3A_6 : i32
    scf.if %cond3A_7 {
      %get3A = arith.constant 0 : index
      %get3A_8 = arith.constant 0 : index
      %get3A_9 = vector.load %arg2[%get3A, %get3A_8] : memref<2048x512xbf16, #tpu.memory_space<vmem>>, vector<2048x512xbf16>
      %get3A_10 = arith.constant 0 : index
      %get3A_11 = arith.constant 0 : index
      %get3A_12 = vector.load %arg3[%get3A_10, %get3A_11] : memref<1024x512xbf16, #tpu.memory_space<vmem>>, vector<1024x512xbf16>
      %sub3A = arith.constant 1 : i32
      %sub3A_13 = arith.subi %arg1, %sub3A : i32
      %eq3A_14 = arith.constant 0 : i32
      %eq3A_15 = arith.cmpi eq, %sub3A_13, %eq3A_14 : i32
      %iota3A = tpu.iota {dimensions = array<i32: 1>} : vector<128x128xi32>
      %add3A = arith.constant 0 : i32
      %add3A_16 = vector.broadcast %add3A : i32 to vector<128x128xi32>
      %add3A_17 = arith.addi %iota3A, %add3A_16 : vector<128x128xi32>
      %iota3A_18 = tpu.iota {dimensions = array<i32: 1>} : vector<128x128xi32>
      %add3A_19 = arith.constant 128 : i32
      %add3A_20 = vector.broadcast %add3A_19 : i32 to vector<128x128xi32>
      %add3A_21 = arith.addi %iota3A_18, %add3A_20 : vector<128x128xi32>
      %iota3A_22 = tpu.iota {dimensions = array<i32: 1>} : vector<128x128xi32>
      %add3A_23 = arith.constant 256 : i32
      %add3A_24 = vector.broadcast %add3A_23 : i32 to vector<128x128xi32>
      %add3A_25 = arith.addi %iota3A_22, %add3A_24 : vector<128x128xi32>
      %iota3A_26 = tpu.iota {dimensions = array<i32: 1>} : vector<128x128xi32>
      %add3A_27 = arith.constant 384 : i32
      %add3A_28 = vector.broadcast %add3A_27 : i32 to vector<128x128xi32>
      %add3A_29 = arith.addi %iota3A_26, %add3A_28 : vector<128x128xi32>
      %iota3A_30 = tpu.iota {dimensions = array<i32: 1>} : vector<128x128xi32>
      %add3A_31 = arith.constant 512 : i32
      %add3A_32 = vector.broadcast %add3A_31 : i32 to vector<128x128xi32>
      %add3A_33 = arith.addi %iota3A_30, %add3A_32 : vector<128x128xi32>
      %iota3A_34 = tpu.iota {dimensions = array<i32: 1>} : vector<128x128xi32>
      %add3A_35 = arith.constant 640 : i32
      %add3A_36 = vector.broadcast %add3A_35 : i32 to vector<128x128xi32>
      %add3A_37 = arith.addi %iota3A_34, %add3A_36 : vector<128x128xi32>
      %iota3A_38 = tpu.iota {dimensions = array<i32: 1>} : vector<128x128xi32>
      %add3A_39 = arith.constant 768 : i32
      %add3A_40 = vector.broadcast %add3A_39 : i32 to vector<128x128xi32>
      %add3A_41 = arith.addi %iota3A_38, %add3A_40 : vector<128x128xi32>
      %iota3A_42 = tpu.iota {dimensions = array<i32: 1>} : vector<128x128xi32>
      %add3A_43 = arith.constant 896 : i32
      %add3A_44 = vector.broadcast %add3A_43 : i32 to vector<128x128xi32>
      %add3A_45 = arith.addi %iota3A_42, %add3A_44 : vector<128x128xi32>
      %slice3A = vector.extract_strided_slice %get3A_12 {offsets = [0, 0], sizes = [128, 512], strides = [1, 1]} : vector<1024x512xbf16> to vector<128x512xbf16>
      %dot_general3A = arith.constant dense<0.000000e+00> : vector<2048x128xf32>
      %dot_general3A_46 = tpu.matmul %get3A_9, %slice3A, %dot_general3A {dimension_numbers = #tpu.dot_dimension_numbers<[1], [1], [0], [0], [0, 0, 1, 0], [], []>, transpose_lhs_hint = false} : vector<2048x512xbf16>, vector<128x512xbf16>, vector<2048x128xf32> -> vector<2048x128xf32>
      %swap3A = arith.constant 0 : index
      %swap3A_47 = arith.constant 0 : index
      %swap3A_48 = vector.load %arg7[%swap3A, %swap3A_47] : memref<2048x1024xf32, #tpu.memory_space<vmem>>, vector<2048x128xf32>
      tpu.vector_store %arg7[%swap3A, %swap3A_47], %dot_general3A_46 {strides = array<i32>} : memref<2048x1024xf32, #tpu.memory_space<vmem>>, vector<2048x128xf32>,
      %get3A_49 = arith.constant 0 : index
      %get3A_50 = arith.constant 0 : index
      %get3A_51 = vector.load %arg6[%get3A_49, %get3A_50] : memref<2048x1024xf32, #tpu.memory_space<vmem>>, vector<128x128xf32>
      %get3A_52 = arith.constant 0 : index
      %get3A_53 = arith.constant 0 : index
      %get3A_54 = arith.constant 0 : index
      %get3A_55 = vector.load %arg4[%get3A_52, %get3A_53, %get3A_54] : memref<1x1x1024xf32, #tpu.memory_space<vmem>>, vector<1x1x128xf32>
      %get3A_56 = vector.shape_cast %get3A_55 : vector<1x1x128xf32> to vector<1x128xf32>
      %add3A_57 = vector.broadcast %get3A_56 : vector<1x128xf32> to vector<128x128xf32>
      %add3A_58 = arith.addf %get3A_51, %add3A_57 : vector<128x128xf32>
      %bitcast_convert_type3A = tpu.bitcast %add3A_58 : vector<128x128xf32> -> vector<128x128xi32>
      %and3A = arith.constant -1024 : i32
      %and3A_59 = vector.broadcast %and3A : i32 to vector<128x128xi32>
      %and3A_60 = arith.andi %bitcast_convert_type3A, %and3A_59 : vector<128x128xi32>
      %or3A = arith.ori %and3A_60, %add3A_17 : vector<128x128xi32>
      %bitcast_convert_type3A_61 = tpu.bitcast %or3A : vector<128x128xi32> -> vector<128x128xf32>
      %get3A_62 = arith.constant 0 : index
      %get3A_63 = arith.constant 128 : index
      %get3A_64 = vector.load %arg6[%get3A_62, %get3A_63] : memref<2048x1024xf32, #tpu.memory_space<vmem>>, vector<128x128xf32>
      %get3A_65 = arith.constant 0 : index
      %get3A_66 = arith.constant 0 : index
      %get3A_67 = arith.constant 128 : index
      %get3A_68 = vector.load %arg4[%get3A_65, %get3A_66, %get3A_67] : memref<1x1x1024xf32, #tpu.memory_space<vmem>>, vector<1x1x128xf32>
      %get3A_69 = vector.shape_cast %get3A_68 : vector<1x1x128xf32> to vector<1x128xf32>
      %add3A_70 = vector.broadcast %get3A_69 : vector<1x128xf32> to vector<128x128xf32>
      %add3A_71 = arith.addf %get3A_64, %add3A_70 : vector<128x128xf32>
      %bitcast_convert_type3A_72 = tpu.bitcast %add3A_71 : vector<128x128xf32> -> vector<128x128xi32>
      %and3A_73 = arith.constant -1024 : i32
      %and3A_74 = vector.broadcast %and3A_73 : i32 to vector<128x128xi32>
      %and3A_75 = arith.andi %bitcast_convert_type3A_72, %and3A_74 : vector<128x128xi32>
      %or3A_76 = arith.ori %and3A_75, %add3A_21 : vector<128x128xi32>
      %bitcast_convert_type3A_77 = tpu.bitcast %or3A_76 : vector<128x128xi32> -> vector<128x128xf32>
      %get3A_78 = arith.constant 0 : index
      %get3A_79 = arith.constant 256 : index
      %get3A_80 = vector.load %arg6[%get3A_78, %get3A_79] : memref<2048x1024xf32, #tpu.memory_space<vmem>>, vector<128x128xf32>
      %get3A_81 = arith.constant 0 : index
      %get3A_82 = arith.constant 0 : index
      %get3A_83 = arith.constant 256 : index
      %get3A_84 = vector.load %arg4[%get3A_81, %get3A_82, %get3A_83] : memref<1x1x1024xf32, #tpu.memory_space<vmem>>, vector<1x1x128xf32>
      %get3A_85 = vector.shape_cast %get3A_84 : vector<1x1x128xf32> to vector<1x128xf32>
      %add3A_86 = vector.broadcast %get3A_85 : vector<1x128xf32> to vector<128x128xf32>
      %add3A_87 = arith.addf %get3A_80, %add3A_86 : vector<128x128xf32>
      %bitcast_convert_type3A_88 = tpu.bitcast %add3A_87 : vector<128x128xf32> -> vector<128x128xi32>
      %and3A_89 = arith.constant -1024 : i32
      %and3A_90 = vector.broadcast %and3A_89 : i32 to vector<128x128xi32>
      %and3A_91 = arith.andi %bitcast_convert_type3A_88, %and3A_90 : vector<128x128xi32>
      %or3A_92 = arith.ori %and3A_91, %add3A_25 : vector<128x128xi32>
      %bitcast_convert_type3A_93 = tpu.bitcast %or3A_92 : vector<128x128xi32> -> vector<128x128xf32>
      %get3A_94 = arith.constant 0 : index
      %get3A_95 = arith.constant 384 : index
      %get3A_96 = vector.load %arg6[%get3A_94, %get3A_95] : memref<2048x1024xf32, #tpu.memory_space<vmem>>, vector<128x128xf32>
      %get3A_97 = arith.constant 0 : index
      %get3A_98 = arith.constant 0 : index
      %get3A_99 = arith.constant 384 : index
      %get3A_100 = vector.load %arg4[%get3A_97, %get3A_98, %get3A_99] : memref<1x1x1024xf32, #tpu.memory_space<vmem>>, vector<1x1x128xf32>
      %get3A_101 = vector.shape_cast %get3A_100 : vector<1x1x128xf32> to vector<1x128xf32>
      %add3A_102 = vector.broadcast %get3A_101 : vector<1x128xf32> to vector<128x128xf32>
      %add3A_103 = arith.addf %get3A_96, %add3A_102 : vector<128x128xf32>
      %bitcast_convert_type3A_104 = tpu.bitcast %add3A_103 : vector<128x128xf32> -> vector<128x128xi32>
      %and3A_105 = arith.constant -1024 : i32
      %and3A_106 = vector.broadcast %and3A_105 : i32 to vector<128x128xi32>
      %and3A_107 = arith.andi %bitcast_convert_type3A_104, %and3A_106 : vector<128x128xi32>
      %or3A_108 = arith.ori %and3A_107, %add3A_29 : vector<128x128xi32>
      %bitcast_convert_type3A_109 = tpu.bitcast %or3A_108 : vector<128x128xi32> -> vector<128x128xf32>
      %get3A_110 = arith.constant 0 : index
      %get3A_111 = arith.constant 512 : index
      %get3A_112 = vector.load %arg6[%get3A_110, %get3A_111] : memref<2048x1024xf32, #tpu.memory_space<vmem>>, vector<128x128xf32>
      %get3A_113 = arith.constant 0 : index
      %get3A_114 = arith.constant 0 : index
      %get3A_115 = arith.constant 512 : index
      %get3A_116 = vector.load %arg4[%get3A_113, %get3A_114, %get3A_115] : memref<1x1x1024xf32, #tpu.memory_space<vmem>>, vector<1x1x128xf32>
      %get3A_117 = vector.shape_cast %get3A_116 : vector<1x1x128xf32> to vector<1x128xf32>
      %add3A_118 = vector.broadcast %get3A_117 : vector<1x128xf32> to vector<128x128xf32>
      %add3A_119 = arith.addf %get3A_112, %add3A_118 : vector<128x128xf32>
      %bitcast_convert_type3A_120 = tpu.bitcast %add3A_119 : vector<128x128xf32> -> vector<128x128xi32>
      %and3A_121 = arith.constant -1024 : i32
      %and3A_122 = vector.broadcast %and3A_121 : i32 to vector<128x128xi32>
      %and3A_123 = arith.andi %bitcast_convert_type3A_120, %and3A_122 : vector<128x128xi32>
      %or3A_124 = arith.ori %and3A_123, %add3A_33 : vector<128x128xi32>
      %bitcast_convert_type3A_125 = tpu.bitcast %or3A_124 : vector<128x128xi32> -> vector<128x128xf32>
      %get3A_126 = arith.constant 0 : index
      %get3A_127 = arith.constant 640 : index
      %get3A_128 = vector.load %arg6[%get3A_126, %get3A_127] : memref<2048x1024xf32, #tpu.memory_space<vmem>>, vector<128x128xf32>
      %get3A_129 = arith.constant 0 : index
      %get3A_130 = arith.constant 0 : index
      %get3A_131 = arith.constant 640 : index
      %get3A_132 = vector.load %arg4[%get3A_129, %get3A_130, %get3A_131] : memref<1x1x1024xf32, #tpu.memory_space<vmem>>, vector<1x1x128xf32>
      %get3A_133 = vector.shape_cast %get3A_132 : vector<1x1x128xf32> to vector<1x128xf32>
      %add3A_134 = vector.broadcast %get3A_133 : vector<1x128xf32> to vector<128x128xf32>
      %add3A_135 = arith.addf %get3A_128, %add3A_134 : vector<128x128xf32>
      %bitcast_convert_type3A_136 = tpu.bitcast %add3A_135 : vector<128x128xf32> -> vector<128x128xi32>
      %and3A_137 = arith.constant -1024 : i32
      %and3A_138 = vector.broadcast %and3A_137 : i32 to vector<128x128xi32>
      %and3A_139 = arith.andi %bitcast_convert_type3A_136, %and3A_138 : vector<128x128xi32>
      %or3A_140 = arith.ori %and3A_139, %add3A_37 : vector<128x128xi32>
      %bitcast_convert_type3A_141 = tpu.bitcast %or3A_140 : vector<128x128xi32> -> vector<128x128xf32>
      %get3A_142 = arith.constant 0 : index
      %get3A_143 = arith.constant 768 : index
      %get3A_144 = vector.load %arg6[%get3A_142, %get3A_143] : memref<2048x1024xf32, #tpu.memory_space<vmem>>, vector<128x128xf32>
      %get3A_145 = arith.constant 0 : index
      %get3A_146 = arith.constant 0 : index
      %get3A_147 = arith.constant 768 : index
      %get3A_148 = vector.load %arg4[%get3A_145, %get3A_146, %get3A_147] : memref<1x1x1024xf32, #tpu.memory_space<vmem>>, vector<1x1x128xf32>
      %get3A_149 = vector.shape_cast %get3A_148 : vector<1x1x128xf32> to vector<1x128xf32>
      %add3A_150 = vector.broadcast %get3A_149 : vector<1x128xf32> to vector<128x128xf32>
      %add3A_151 = arith.addf %get3A_144, %add3A_150 : vector<128x128xf32>
      %bitcast_convert_type3A_152 = tpu.bitcast %add3A_151 : vector<128x128xf32> -> vector<128x128xi32>
      %and3A_153 = arith.constant -1024 : i32
      %and3A_154 = vector.broadcast %and3A_153 : i32 to vector<128x128xi32>
      %and3A_155 = arith.andi %bitcast_convert_type3A_152, %and3A_154 : vector<128x128xi32>
      %or3A_156 = arith.ori %and3A_155, %add3A_41 : vector<128x128xi32>
      %bitcast_convert_type3A_157 = tpu.bitcast %or3A_156 : vector<128x128xi32> -> vector<128x128xf32>
      %get3A_158 = arith.constant 0 : index
      %get3A_159 = arith.constant 896 : index
      %get3A_160 = vector.load %arg6[%get3A_158, %get3A_159] : memref<2048x1024xf32, #tpu.memory_space<vmem>>, vector<128x128xf32>
      %get3A_161 = arith.constant 0 : index
      %get3A_162 = arith.constant 0 : index
      %get3A_163 = arith.constant 896 : index
      %get3A_164 = vector.load %arg4[%get3A_161, %get3A_162, %get3A_163] : memref<1x1x1024xf32, #tpu.memory_space<vmem>>, vector<1x1x128xf32>
      %get3A_165 = vector.shape_cast %get3A_164 : vector<1x1x128xf32> to vector<1x128xf32>
      %add3A_166 = vector.broadcast %get3A_165 : vector<1x128xf32> to vector<128x128xf32>
      %add3A_167 = arith.addf %get3A_160, %add3A_166 : vector<128x128xf32>
      %bitcast_convert_type3A_168 = tpu.bitcast %add3A_167 : vector<128x128xf32> -> vector<128x128xi32>
      %and3A_169 = arith.constant -1024 : i32
      %and3A_170 = vector.broadcast %and3A_169 : i32 to vector<128x128xi32>
      %and3A_171 = arith.andi %bitcast_convert_type3A_168, %and3A_170 : vector<128x128xi32>
      %or3A_172 = arith.ori %and3A_171, %add3A_45 : vector<128x128xi32>
      %bitcast_convert_type3A_173 = tpu.bitcast %or3A_172 : vector<128x128xi32> -> vector<128x128xf32>
      %min3A = arith.minimumf %bitcast_convert_type3A_61, %bitcast_convert_type3A_77 : vector<128x128xf32>
      %min3A_174 = arith.minimumf %bitcast_convert_type3A_93, %bitcast_convert_type3A_109 : vector<128x128xf32>
      %min3A_175 = arith.minimumf %bitcast_convert_type3A_125, %bitcast_convert_type3A_141 : vector<128x128xf32>
      %min3A_176 = arith.minimumf %bitcast_convert_type3A_157, %bitcast_convert_type3A_173 : vector<128x128xf32>
      %min3A_177 = arith.minimumf %min3A, %min3A_174 : vector<128x128xf32>
      %min3A_178 = arith.minimumf %min3A_175, %min3A_176 : vector<128x128xf32>
      %min3A_179 = arith.minimumf %min3A_177, %min3A_178 : vector<128x128xf32>
      %reduce_min3A = arith.constant dense<0x7F800000> : vector<128xf32>
      %reduce_min3A_180 = vector.multi_reduction <minimumf>, %min3A_179, %reduce_min3A [1] : vector<128x128xf32> to vector<128xf32>
      %get3A_181 = arith.constant 128 : index
      %get3A_182 = arith.constant 0 : index
      %get3A_183 = vector.load %arg6[%get3A_181, %get3A_182] : memref<2048x1024xf32, #tpu.memory_space<vmem>>, vector<128x128xf32>
      %get3A_184 = arith.constant 0 : index
      %get3A_185 = arith.constant 0 : index
      %get3A_186 = arith.constant 0 : index
      %get3A_187 = vector.load %arg4[%get3A_184, %get3A_185, %get3A_186] : memref<1x1x1024xf32, #tpu.memory_space<vmem>>, vector<1x1x128xf32>
      %get3A_188 = vector.shape_cast %get3A_187 : vector<1x1x128xf32> to vector<1x128xf32>
      %add3A_189 = vector.broadcast %get3A_188 : vector<1x128xf32> to vector<128x128xf32>
      %add3A_190 = arith.addf %get3A_183, %add3A_189 : vector<128x128xf32>
      %bitcast_convert_type3A_191 = tpu.bitcast %add3A_190 : vector<128x128xf32> -> vector<128x128xi32>
      %and3A_192 = arith.constant -1024 : i32
      %and3A_193 = vector.broadcast %and3A_192 : i32 to vector<128x128xi32>
      %and3A_194 = arith.andi %bitcast_convert_type3A_191, %and3A_193 : vector<128x128xi32>
      %or3A_195 = arith.ori %and3A_194, %add3A_17 : vector<128x128xi32>
      %bitcast_convert_type3A_196 = tpu.bitcast %or3A_195 : vector<128x128xi32> -> vector<128x128xf32>
      %get3A_197 = arith.constant 128 : index
      %get3A_198 = arith.constant 128 : index
      %get3A_199 = vector.load %arg6[%get3A_197, %get3A_198] : memref<2048x1024xf32, #tpu.memory_space<vmem>>, vector<128x128xf32>
      %get3A_200 = arith.constant 0 : index
      %get3A_201 = arith.constant 0 : index
      %get3A_202 = arith.constant 128 : index
      %get3A_203 = vector.load %arg4[%get3A_200, %get3A_201, %get3A_202] : memref<1x1x1024xf32, #tpu.memory_space<vmem>>, vector<1x1x128xf32>
      %get3A_204 = vector.shape_cast %get3A_203 : vector<1x1x128xf32> to vector<1x128xf32>
      %add3A_205 = vector.broadcast %get3A_204 : vector<1x128xf32> to vector<128x128xf32>
      %add3A_206 = arith.addf %get3A_199, %add3A_205 : vector<128x128xf32>
      %bitcast_convert_type3A_207 = tpu.bitcast %add3A_206 : vector<128x128xf32> -> vector<128x128xi32>
      %and3A_208 = arith.constant -1024 : i32
      %and3A_209 = vector.broadcast %and3A_208 : i32 to vector<128x128xi32>
      %and3A_210 = arith.andi %bitcast_convert_type3A_207, %and3A_209 : vector<128x128xi32>
      %or3A_211 = arith.ori %and3A_210, %add3A_21 : vector<128x128xi32>
      %bitcast_convert_type3A_212 = tpu.bitcast %or3A_211 : vector<128x128xi32> -> vector<128x128xf32>
      %get3A_213 = arith.constant 128 : index
      %get3A_214 = arith.constant 256 : index
      %get3A_215 = vector.load %arg6[%get3A_213, %get3A_214] : memref<2048x1024xf32, #tpu.memory_space<vmem>>, vector<128x128xf32>
      %get3A_216 = arith.constant 0 : index
      %get3A_217 = arith.constant 0 : index
      %get3A_218 = arith.constant 256 : index
      %get3A_219 = vector.load %arg4[%get3A_216, %get3A_217, %get3A_218] : memref<1x1x1024xf32, #tpu.memory_space<vmem>>, vector<1x1x128xf32>
      %get3A_220 = vector.shape_cast %get3A_219 : vector<1x1x128xf32> to vector<1x128xf32>
      %add3A_221 = vector.broadcast %get3A_220 : vector<1x128xf32> to vector<128x128xf32>
      %add3A_222 = arith.addf %get3A_215, %add3A_221 : vector<128x128xf32>
      %bitcast_convert_type3A_223 = tpu.bitcast %add3A_222 : vector<128x128xf32> -> vector<128x128xi32>
      %and3A_224 = arith.constant -1024 : i32
      %and3A_225 = vector.broadcast %and3A_224 : i32 to vector<128x128xi32>
      %and3A_226 = arith.andi %bitcast_convert_type3A_223, %and3A_225 : vector<128x128xi32>
      %or3A_227 = arith.ori %and3A_226, %add3A_25 : vector<128x128xi32>
      %bitcast_convert_type3A_228 = tpu.bitcast %or3A_227 : vector<128x128xi32> -> vector<128x128xf32>
      %get3A_229 = arith.constant 128 : index
      %get3A_230 = arith.constant 384 : index
      %get3A_231 = vector.load %arg6[%get3A_229, %get3A_230] : memref<2048x1024xf32, #tpu.memory_space<vmem>>, vector<128x128xf32>
      %get3A_232 = arith.constant 0 : index
      %get3A_233 = arith.constant 0 : index
      %get3A_234 = arith.constant 384 : index
      %get3A_235 = vector.load %arg4[%get3A_232, %get3A_233, %get3A_234] : memref<1x1x1024xf32, #tpu.memory_space<vmem>>, vector<1x1x128xf32>
      %get3A_236 = vector.shape_cast %get3A_235 : vector<1x1x128xf32> to vector<1x128xf32>
      %add3A_237 = vector.broadcast %get3A_236 : vector<1x128xf32> to vector<128x128xf32>
      %add3A_238 = arith.addf %get3A_231, %add3A_237 : vector<128x128xf32>
      %bitcast_convert_type3A_239 = tpu.bitcast %add3A_238 : vector<128x128xf32> -> vector<128x128xi32>
      %and3A_240 = arith.constant -1024 : i32
      %and3A_241 = vector.broadcast %and3A_240 : i32 to vector<128x128xi32>
      %and3A_242 = arith.andi %bitcast_convert_type3A_239, %and3A_241 : vector<128x128xi32>
      %or3A_243 = arith.ori %and3A_242, %add3A_29 : vector<128x128xi32>
      %bitcast_convert_type3A_244 = tpu.bitcast %or3A_243 : vector<128x128xi32> -> vector<128x128xf32>
      %get3A_245 = arith.constant 128 : index
      %get3A_246 = arith.constant 512 : index
      %get3A_247 = vector.load %arg6[%get3A_245, %get3A_246] : memref<2048x1024xf32, #tpu.memory_space<vmem>>, vector<128x128xf32>
      %get3A_248 = arith.constant 0 : index
      %get3A_249 = arith.constant 0 : index
      %get3A_250 = arith.constant 512 : index
      %get3A_251 = vector.load %arg4[%get3A_248, %get3A_249, %get3A_250] : memref<1x1x1024xf32, #tpu.memory_space<vmem>>, vector<1x1x128xf32>
      %get3A_252 = vector.shape_cast %get3A_251 : vector<1x1x128xf32> to vector<1x128xf32>
      %add3A_253 = vector.broadcast %get3A_252 : vector<1x128xf32> to vector<128x128xf32>
      %add3A_254 = arith.addf %get3A_247, %add3A_253 : vector<128x128xf32>
      %bitcast_convert_type3A_255 = tpu.bitcast %add3A_254 : vector<128x128xf32> -> vector<128x128xi32>
      %and3A_256 = arith.constant -1024 : i32
      %and3A_257 = vector.broadcast %and3A_256 : i32 to vector<128x128xi32>
      %and3A_258 = arith.andi %bitcast_convert_type3A_255, %and3A_257 : vector<128x128xi32>
      %or3A_259 = arith.ori %and3A_258, %add3A_33 : vector<128x128xi32>
      %bitcast_convert_type3A_260 = tpu.bitcast %or3A_259 : vector<128x128xi32> -> vector<128x128xf32>
      %get3A_261 = arith.constant 128 : index
      %get3A_262 = arith.constant 640 : index
      %get3A_263 = vector.load %arg6[%get3A_261, %get3A_262] : memref<2048x1024xf32, #tpu.memory_space<vmem>>, vector<128x128xf32>
      %get3A_264 = arith.constant 0 : index
      %get3A_265 = arith.constant 0 : index
      %get3A_266 = arith.constant 640 : index
      %get3A_267 = vector.load %arg4[%get3A_264, %get3A_265, %get3A_266] : memref<1x1x1024xf32, #tpu.memory_space<vmem>>, vector<1x1x128xf32>
      %get3A_268 = vector.shape_cast %get3A_267 : vector<1x1x128xf32> to vector<1x128xf32>
      %add3A_269 = vector.broadcast %get3A_268 : vector<1x128xf32> to vector<128x128xf32>
      %add3A_270 = arith.addf %get3A_263, %add3A_269 : vector<128x128xf32>
      %bitcast_convert_type3A_271 = tpu.bitcast %add3A_270 : vector<128x128xf32> -> vector<128x128xi32>
      %and3A_272 = arith.constant -1024 : i32
      %and3A_273 = vector.broadcast %and3A_272 : i32 to vector<128x128xi32>
      %and3A_274 = arith.andi %bitcast_convert_type3A_271, %and3A_273 : vector<128x128xi32>
      %or3A_275 = arith.ori %and3A_274, %add3A_37 : vector<128x128xi32>
      %bitcast_convert_type3A_276 = tpu.bitcast %or3A_275 : vector<128x128xi32> -> vector<128x128xf32>
      %get3A_277 = arith.constant 128 : index
      %get3A_278 = arith.constant 768 : index
      %get3A_279 = vector.load %arg6[%get3A_277, %get3A_278] : memref<2048x1024xf32, #tpu.memory_space<vmem>>, vector<128x128xf32>
      %get3A_280 = arith.constant 0 : index
      %get3A_281 = arith.constant 0 : index
      %get3A_282 = arith.constant 768 : index
      %get3A_283 = vector.load %arg4[%get3A_280, %get3A_281, %get3A_282] : memref<1x1x1024xf32, #tpu.memory_space<vmem>>, vector<1x1x128xf32>
      %get3A_284 = vector.shape_cast %get3A_283 : vector<1x1x128xf32> to vector<1x128xf32>
      %add3A_285 = vector.broadcast %get3A_284 : vector<1x128xf32> to vector<128x128xf32>
      %add3A_286 = arith.addf %get3A_279, %add3A_285 : vector<128x128xf32>
      %bitcast_convert_type3A_287 = tpu.bitcast %add3A_286 : vector<128x128xf32> -> vector<128x128xi32>
      %and3A_288 = arith.constant -1024 : i32
      %and3A_289 = vector.broadcast %and3A_288 : i32 to vector<128x128xi32>
      %and3A_290 = arith.andi %bitcast_convert_type3A_287, %and3A_289 : vector<128x128xi32>
      %or3A_291 = arith.ori %and3A_290, %add3A_41 : vector<128x128xi32>
      %bitcast_convert_type3A_292 = tpu.bitcast %or3A_291 : vector<128x128xi32> -> vector<128x128xf32>
      %get3A_293 = arith.constant 128 : index
      %get3A_294 = arith.constant 896 : index
      %get3A_295 = vector.load %arg6[%get3A_293, %get3A_294] : memref<2048x1024xf32, #tpu.memory_space<vmem>>, vector<128x128xf32>
      %get3A_296 = arith.constant 0 : index
      %get3A_297 = arith.constant 0 : index
      %get3A_298 = arith.constant 896 : index
      %get3A_299 = vector.load %arg4[%get3A_296, %get3A_297, %get3A_298] : memref<1x1x1024xf32, #tpu.memory_space<vmem>>, vector<1x1x128xf32>
      %get3A_300 = vector.shape_cast %get3A_299 : vector<1x1x128xf32> to vector<1x128xf32>
      %add3A_301 = vector.broadcast %get3A_300 : vector<1x128xf32> to vector<128x128xf32>
      %add3A_302 = arith.addf %get3A_295, %add3A_301 : vector<128x128xf32>
      %bitcast_convert_type3A_303 = tpu.bitcast %add3A_302 : vector<128x128xf32> -> vector<128x128xi32>
      %and3A_304 = arith.constant -1024 : i32
      %and3A_305 = vector.broadcast %and3A_304 : i32 to vector<128x128xi32>
      %and3A_306 = arith.andi %bitcast_convert_type3A_303, %and3A_305 : vector<128x128xi32>
      %or3A_307 = arith.ori %and3A_306, %add3A_45 : vector<128x128xi32>
      %bitcast_convert_type3A_308 = tpu.bitcast %or3A_307 : vector<128x128xi32> -> vector<128x128xf32>
      %min3A_309 = arith.minimumf %bitcast_convert_type3A_196, %bitcast_convert_type3A_212 : vector<128x128xf32>
      %min3A_310 = arith.minimumf %bitcast_convert_type3A_228, %bitcast_convert_type3A_244 : vector<128x128xf32>
      %min3A_311 = arith.minimumf %bitcast_convert_type3A_260, %bitcast_convert_type3A_276 : vector<128x128xf32>
      %min3A_312 = arith.minimumf %bitcast_convert_type3A_292, %bitcast_convert_type3A_308 : vector<128x128xf32>
      %min3A_313 = arith.minimumf %min3A_309, %min3A_310 : vector<128x128xf32>
      %min3A_314 = arith.minimumf %min3A_311, %min3A_312 : vector<128x128xf32>
      %min3A_315 = arith.minimumf %min3A_313, %min3A_314 : vector<128x128xf32>
      %reduce_min3A_316 = arith.constant dense<0x7F800000> : vector<128xf32>
      %reduce_min3A_317 = vector.multi_reduction <minimumf>, %min3A_315, %reduce_min3A_316 [1] : vector<128x128xf32> to vector<128xf32>
      %slice3A_318 = vector.extract_strided_slice %get3A_12 {offsets = [128, 0], sizes = [128, 512], strides = [1, 1]} : vector<1024x512xbf16> to vector<128x512xbf16>
      %dot_general3A_319 = arith.constant dense<0.000000e+00> : vector<2048x128xf32>
      %dot_general3A_320 = tpu.matmul %get3A_9, %slice3A_318, %dot_general3A_319 {dimension_numbers = #tpu.dot_dimension_numbers<[1], [1], [0], [0], [0, 0, 1, 0], [], []>, transpose_lhs_hint = false} : vector<2048x512xbf16>, vector<128x512xbf16>, vector<2048x128xf32> -> vector<2048x128xf32>
      %swap3A_321 = arith.constant 0 : index
      %swap3A_322 = arith.constant 128 : index
      %swap3A_323 = vector.load %arg7[%swap3A_321, %swap3A_322] : memref<2048x1024xf32, #tpu.memory_space<vmem>>, vector<2048x128xf32>
      tpu.vector_store %arg7[%swap3A_321, %swap3A_322], %dot_general3A_320 {strides = array<i32>} : memref<2048x1024xf32, #tpu.memory_space<vmem>>, vector<2048x128xf32>,
      %get3A_324 = arith.constant 256 : index
      %get3A_325 = arith.constant 0 : index
      %get3A_326 = vector.load %arg6[%get3A_324, %get3A_325] : memref<2048x1024xf32, #tpu.memory_space<vmem>>, vector<128x128xf32>
      %get3A_327 = arith.constant 0 : index
      %get3A_328 = arith.constant 0 : index
      %get3A_329 = arith.constant 0 : index
      %get3A_330 = vector.load %arg4[%get3A_327, %get3A_328, %get3A_329] : memref<1x1x1024xf32, #tpu.memory_space<vmem>>, vector<1x1x128xf32>
      %get3A_331 = vector.shape_cast %get3A_330 : vector<1x1x128xf32> to vector<1x128xf32>
      %add3A_332 = vector.broadcast %get3A_331 : vector<1x128xf32> to vector<128x128xf32>
      %add3A_333 = arith.addf %get3A_326, %add3A_332 : vector<128x128xf32>
      %bitcast_convert_type3A_334 = tpu.bitcast %add3A_333 : vector<128x128xf32> -> vector<128x128xi32>
      %and3A_335 = arith.constant -1024 : i32
      %and3A_336 = vector.broadcast %and3A_335 : i32 to vector<128x128xi32>
      %and3A_337 = arith.andi %bitcast_convert_type3A_334, %and3A_336 : vector<128x128xi32>
      %or3A_338 = arith.ori %and3A_337, %add3A_17 : vector<128x128xi32>
      %bitcast_convert_type3A_339 = tpu.bitcast %or3A_338 : vector<128x128xi32> -> vector<128x128xf32>
      %get3A_340 = arith.constant 256 : index
      %get3A_341 = arith.constant 128 : index
      %get3A_342 = vector.load %arg6[%get3A_340, %get3A_341] : memref<2048x1024xf32, #tpu.memory_space<vmem>>, vector<128x128xf32>
      %get3A_343 = arith.constant 0 : index
      %get3A_344 = arith.constant 0 : index
      %get3A_345 = arith.constant 128 : index
      %get3A_346 = vector.load %arg4[%get3A_343, %get3A_344, %get3A_345] : memref<1x1x1024xf32, #tpu.memory_space<vmem>>, vector<1x1x128xf32>
      %get3A_347 = vector.shape_cast %get3A_346 : vector<1x1x128xf32> to vector<1x128xf32>
      %add3A_348 = vector.broadcast %get3A_347 : vector<1x128xf32> to vector<128x128xf32>
      %add3A_349 = arith.addf %get3A_342, %add3A_348 : vector<128x128xf32>
      %bitcast_convert_type3A_350 = tpu.bitcast %add3A_349 : vector<128x128xf32> -> vector<128x128xi32>
      %and3A_351 = arith.constant -1024 : i32
      %and3A_352 = vector.broadcast %and3A_351 : i32 to vector<128x128xi32>
      %and3A_353 = arith.andi %bitcast_convert_type3A_350, %and3A_352 : vector<128x128xi32>
      %or3A_354 = arith.ori %and3A_353, %add3A_21 : vector<128x128xi32>
      %bitcast_convert_type3A_355 = tpu.bitcast %or3A_354 : vector<128x128xi32> -> vector<128x128xf32>
      %get3A_356 = arith.constant 256 : index
      %get3A_357 = arith.constant 256 : index
      %get3A_358 = vector.load %arg6[%get3A_356, %get3A_357] : memref<2048x1024xf32, #tpu.memory_space<vmem>>, vector<128x128xf32>
      %get3A_359 = arith.constant 0 : index
      %get3A_360 = arith.constant 0 : index
      %get3A_361 = arith.constant 256 : index
      %get3A_362 = vector.load %arg4[%get3A_359, %get3A_360, %get3A_361] : memref<1x1x1024xf32, #tpu.memory_space<vmem>>, vector<1x1x128xf32>
      %get3A_363 = vector.shape_cast %get3A_362 : vector<1x1x128xf32> to vector<1x128xf32>
      %add3A_364 = vector.broadcast %get3A_363 : vector<1x128xf32> to vector<128x128xf32>
      %add3A_365 = arith.addf %get3A_358, %add3A_364 : vector<128x128xf32>
      %bitcast_convert_type3A_366 = tpu.bitcast %add3A_365 : vector<128x128xf32> -> vector<128x128xi32>
      %and3A_367 = arith.constant -1024 : i32
      %and3A_368 = vector.broadcast %and3A_367 : i32 to vector<128x128xi32>
      %and3A_369 = arith.andi %bitcast_convert_type3A_366, %and3A_368 : vector<128x128xi32>
      %or3A_370 = arith.ori %and3A_369, %add3A_25 : vector<128x128xi32>
      %bitcast_convert_type3A_371 = tpu.bitcast %or3A_370 : vector<128x128xi32> -> vector<128x128xf32>
      %get3A_372 = arith.constant 256 : index
      %get3A_373 = arith.constant 384 : index
      %get3A_374 = vector.load %arg6[%get3A_372, %get3A_373] : memref<2048x1024xf32, #tpu.memory_space<vmem>>, vector<128x128xf32>
      %get3A_375 = arith.constant 0 : index
      %get3A_376 = arith.constant 0 : index
      %get3A_377 = arith.constant 384 : index
      %get3A_378 = vector.load %arg4[%get3A_375, %get3A_376, %get3A_377] : memref<1x1x1024xf32, #tpu.memory_space<vmem>>, vector<1x1x128xf32>
      %get3A_379 = vector.shape_cast %get3A_378 : vector<1x1x128xf32> to vector<1x128xf32>
      %add3A_380 = vector.broadcast %get3A_379 : vector<1x128xf32> to vector<128x128xf32>
      %add3A_381 = arith.addf %get3A_374, %add3A_380 : vector<128x128xf32>
      %bitcast_convert_type3A_382 = tpu.bitcast %add3A_381 : vector<128x128xf32> -> vector<128x128xi32>
      %and3A_383 = arith.constant -1024 : i32
      %and3A_384 = vector.broadcast %and3A_383 : i32 to vector<128x128xi32>
      %and3A_385 = arith.andi %bitcast_convert_type3A_382, %and3A_384 : vector<128x128xi32>
      %or3A_386 = arith.ori %and3A_385, %add3A_29 : vector<128x128xi32>
      %bitcast_convert_type3A_387 = tpu.bitcast %or3A_386 : vector<128x128xi32> -> vector<128x128xf32>
      %get3A_388 = arith.constant 256 : index
      %get3A_389 = arith.constant 512 : index
      %get3A_390 = vector.load %arg6[%get3A_388, %get3A_389] : memref<2048x1024xf32, #tpu.memory_space<vmem>>, vector<128x128xf32>
      %get3A_391 = arith.constant 0 : index
      %get3A_392 = arith.constant 0 : index
      %get3A_393 = arith.constant 512 : index
      %get3A_394 = vector.load %arg4[%get3A_391, %get3A_392, %get3A_393] : memref<1x1x1024xf32, #tpu.memory_space<vmem>>, vector<1x1x128xf32>
      %get3A_395 = vector.shape_cast %get3A_394 : vector<1x1x128xf32> to vector<1x128xf32>
      %add3A_396 = vector.broadcast %get3A_395 : vector<1x128xf32> to vector<128x128xf32>
      %add3A_397 = arith.addf %get3A_390, %add3A_396 : vector<128x128xf32>
      %bitcast_convert_type3A_398 = tpu.bitcast %add3A_397 : vector<128x128xf32> -> vector<128x128xi32>
      %and3A_399 = arith.constant -1024 : i32
      %and3A_400 = vector.broadcast %and3A_399 : i32 to vector<128x128xi32>
      %and3A_401 = arith.andi %bitcast_convert_type3A_398, %and3A_400 : vector<128x128xi32>
      %or3A_402 = arith.ori %and3A_401, %add3A_33 : vector<128x128xi32>
      %bitcast_convert_type3A_403 = tpu.bitcast %or3A_402 : vector<128x128xi32> -> vector<128x128xf32>
      %get3A_404 = arith.constant 256 : index
      %get3A_405 = arith.constant 640 : index
      %get3A_406 = vector.load %arg6[%get3A_404, %get3A_405] : memref<2048x1024xf32, #tpu.memory_space<vmem>>, vector<128x128xf32>
      %get3A_407 = arith.constant 0 : index
      %get3A_408 = arith.constant 0 : index
      %get3A_409 = arith.constant 640 : index
      %get3A_410 = vector.load %arg4[%get3A_407, %get3A_408, %get3A_409] : memref<1x1x1024xf32, #tpu.memory_space<vmem>>, vector<1x1x128xf32>
      %get3A_411 = vector.shape_cast %get3A_410 : vector<1x1x128xf32> to vector<1x128xf32>
      %add3A_412 = vector.broadcast %get3A_411 : vector<1x128xf32> to vector<128x128xf32>
      %add3A_413 = arith.addf %get3A_406, %add3A_412 : vector<128x128xf32>
      %bitcast_convert_type3A_414 = tpu.bitcast %add3A_413 : vector<128x128xf32> -> vector<128x128xi32>
      %and3A_415 = arith.constant -1024 : i32
      %and3A_416 = vector.broadcast %and3A_415 : i32 to vector<128x128xi32>
      %and3A_417 = arith.andi %bitcast_convert_type3A_414, %and3A_416 : vector<128x128xi32>
      %or3A_418 = arith.ori %and3A_417, %add3A_37 : vector<128x128xi32>
      %bitcast_convert_type3A_419 = tpu.bitcast %or3A_418 : vector<128x128xi32> -> vector<128x128xf32>
      %get3A_420 = arith.constant 256 : index
      %get3A_421 = arith.constant 768 : index
      %get3A_422 = vector.load %arg6[%get3A_420, %get3A_421] : memref<2048x1024xf32, #tpu.memory_space<vmem>>, vector<128x128xf32>
      %get3A_423 = arith.constant 0 : index
      %get3A_424 = arith.constant 0 : index
      %get3A_425 = arith.constant 768 : index
      %get3A_426 = vector.load %arg4[%get3A_423, %get3A_424, %get3A_425] : memref<1x1x1024xf32, #tpu.memory_space<vmem>>, vector<1x1x128xf32>
      %get3A_427 = vector.shape_cast %get3A_426 : vector<1x1x128xf32> to vector<1x128xf32>
      %add3A_428 = vector.broadcast %get3A_427 : vector<1x128xf32> to vector<128x128xf32>
      %add3A_429 = arith.addf %get3A_422, %add3A_428 : vector<128x128xf32>
      %bitcast_convert_type3A_430 = tpu.bitcast %add3A_429 : vector<128x128xf32> -> vector<128x128xi32>
      %and3A_431 = arith.constant -1024 : i32
      %and3A_432 = vector.broadcast %and3A_431 : i32 to vector<128x128xi32>
      %and3A_433 = arith.andi %bitcast_convert_type3A_430, %and3A_432 : vector<128x128xi32>
      %or3A_434 = arith.ori %and3A_433, %add3A_41 : vector<128x128xi32>
      %bitcast_convert_type3A_435 = tpu.bitcast %or3A_434 : vector<128x128xi32> -> vector<128x128xf32>
      %get3A_436 = arith.constant 256 : index
      %get3A_437 = arith.constant 896 : index
      %get3A_438 = vector.load %arg6[%get3A_436, %get3A_437] : memref<2048x1024xf32, #tpu.memory_space<vmem>>, vector<128x128xf32>
      %get3A_439 = arith.constant 0 : index
      %get3A_440 = arith.constant 0 : index
      %get3A_441 = arith.constant 896 : index
      %get3A_442 = vector.load %arg4[%get3A_439, %get3A_440, %get3A_441] : memref<1x1x1024xf32, #tpu.memory_space<vmem>>, vector<1x1x128xf32>
      %get3A_443 = vector.shape_cast %get3A_442 : vector<1x1x128xf32> to vector<1x128xf32>
      %add3A_444 = vector.broadcast %get3A_443 : vector<1x128xf32> to vector<128x128xf32>
      %add3A_445 = arith.addf %get3A_438, %add3A_444 : vector<128x128xf32>
      %bitcast_convert_type3A_446 = tpu.bitcast %add3A_445 : vector<128x128xf32> -> vector<128x128xi32>
      %and3A_447 = arith.constant -1024 : i32
      %and3A_448 = vector.broadcast %and3A_447 : i32 to vector<128x128xi32>
      %and3A_449 = arith.andi %bitcast_convert_type3A_446, %and3A_448 : vector<128x128xi32>
      %or3A_450 = arith.ori %and3A_449, %add3A_45 : vector<128x128xi32>
      %bitcast_convert_type3A_451 = tpu.bitcast %or3A_450 : vector<128x128xi32> -> vector<128x128xf32>
      %min3A_452 = arith.minimumf %bitcast_convert_type3A_339, %bitcast_convert_type3A_355 : vector<128x128xf32>
      %min3A_453 = arith.minimumf %bitcast_convert_type3A_371, %bitcast_convert_type3A_387 : vector<128x128xf32>
      %min3A_454 = arith.minimumf %bitcast_convert_type3A_403, %bitcast_convert_type3A_419 : vector<128x128xf32>
      %min3A_455 = arith.minimumf %bitcast_convert_type3A_435, %bitcast_convert_type3A_451 : vector<128x128xf32>
      %min3A_456 = arith.minimumf %min3A_452, %min3A_453 : vector<128x128xf32>
      %min3A_457 = arith.minimumf %min3A_454, %min3A_455 : vector<128x128xf32>
      %min3A_458 = arith.minimumf %min3A_456, %min3A_457 : vector<128x128xf32>
      %reduce_min3A_459 = arith.constant dense<0x7F800000> : vector<128xf32>
      %reduce_min3A_460 = vector.multi_reduction <minimumf>, %min3A_458, %reduce_min3A_459 [1] : vector<128x128xf32> to vector<128xf32>
      %get3A_461 = arith.constant 384 : index
      %get3A_462 = arith.constant 0 : index
      %get3A_463 = vector.load %arg6[%get3A_461, %get3A_462] : memref<2048x1024xf32, #tpu.memory_space<vmem>>, vector<128x128xf32>
      %get3A_464 = arith.constant 0 : index
      %get3A_465 = arith.constant 0 : index
      %get3A_466 = arith.constant 0 : index
      %get3A_467 = vector.load %arg4[%get3A_464, %get3A_465, %get3A_466] : memref<1x1x1024xf32, #tpu.memory_space<vmem>>, vector<1x1x128xf32>
      %get3A_468 = vector.shape_cast %get3A_467 : vector<1x1x128xf32> to vector<1x128xf32>
      %add3A_469 = vector.broadcast %get3A_468 : vector<1x128xf32> to vector<128x128xf32>
      %add3A_470 = arith.addf %get3A_463, %add3A_469 : vector<128x128xf32>
      %bitcast_convert_type3A_471 = tpu.bitcast %add3A_470 : vector<128x128xf32> -> vector<128x128xi32>
      %and3A_472 = arith.constant -1024 : i32
      %and3A_473 = vector.broadcast %and3A_472 : i32 to vector<128x128xi32>
      %and3A_474 = arith.andi %bitcast_convert_type3A_471, %and3A_473 : vector<128x128xi32>
      %or3A_475 = arith.ori %and3A_474, %add3A_17 : vector<128x128xi32>
      %bitcast_convert_type3A_476 = tpu.bitcast %or3A_475 : vector<128x128xi32> -> vector<128x128xf32>
      %get3A_477 = arith.constant 384 : index
      %get3A_478 = arith.constant 128 : index
      %get3A_479 = vector.load %arg6[%get3A_477, %get3A_478] : memref<2048x1024xf32, #tpu.memory_space<vmem>>, vector<128x128xf32>
      %get3A_480 = arith.constant 0 : index
      %get3A_481 = arith.constant 0 : index
      %get3A_482 = arith.constant 128 : index
      %get3A_483 = vector.load %arg4[%get3A_480, %get3A_481, %get3A_482] : memref<1x1x1024xf32, #tpu.memory_space<vmem>>, vector<1x1x128xf32>
      %get3A_484 = vector.shape_cast %get3A_483 : vector<1x1x128xf32> to vector<1x128xf32>
      %add3A_485 = vector.broadcast %get3A_484 : vector<1x128xf32> to vector<128x128xf32>
      %add3A_486 = arith.addf %get3A_479, %add3A_485 : vector<128x128xf32>
      %bitcast_convert_type3A_487 = tpu.bitcast %add3A_486 : vector<128x128xf32> -> vector<128x128xi32>
      %and3A_488 = arith.constant -1024 : i32
      %and3A_489 = vector.broadcast %and3A_488 : i32 to vector<128x128xi32>
      %and3A_490 = arith.andi %bitcast_convert_type3A_487, %and3A_489 : vector<128x128xi32>
      %or3A_491 = arith.ori %and3A_490, %add3A_21 : vector<128x128xi32>
      %bitcast_convert_type3A_492 = tpu.bitcast %or3A_491 : vector<128x128xi32> -> vector<128x128xf32>
      %get3A_493 = arith.constant 384 : index
      %get3A_494 = arith.constant 256 : index
      %get3A_495 = vector.load %arg6[%get3A_493, %get3A_494] : memref<2048x1024xf32, #tpu.memory_space<vmem>>, vector<128x128xf32>
      %get3A_496 = arith.constant 0 : index
      %get3A_497 = arith.constant 0 : index
      %get3A_498 = arith.constant 256 : index
      %get3A_499 = vector.load %arg4[%get3A_496, %get3A_497, %get3A_498] : memref<1x1x1024xf32, #tpu.memory_space<vmem>>, vector<1x1x128xf32>
      %get3A_500 = vector.shape_cast %get3A_499 : vector<1x1x128xf32> to vector<1x128xf32>
      %add3A_501 = vector.broadcast %get3A_500 : vector<1x128xf32> to vector<128x128xf32>
      %add3A_502 = arith.addf %get3A_495, %add3A_501 : vector<128x128xf32>
      %bitcast_convert_type3A_503 = tpu.bitcast %add3A_502 : vector<128x128xf32> -> vector<128x128xi32>
      %and3A_504 = arith.constant -1024 : i32
      %and3A_505 = vector.broadcast %and3A_504 : i32 to vector<128x128xi32>
      %and3A_506 = arith.andi %bitcast_convert_type3A_503, %and3A_505 : vector<128x128xi32>
      %or3A_507 = arith.ori %and3A_506, %add3A_25 : vector<128x128xi32>
      %bitcast_convert_type3A_508 = tpu.bitcast %or3A_507 : vector<128x128xi32> -> vector<128x128xf32>
      %get3A_509 = arith.constant 384 : index
      %get3A_510 = arith.constant 384 : index
      %get3A_511 = vector.load %arg6[%get3A_509, %get3A_510] : memref<2048x1024xf32, #tpu.memory_space<vmem>>, vector<128x128xf32>
      %get3A_512 = arith.constant 0 : index
      %get3A_513 = arith.constant 0 : index
      %get3A_514 = arith.constant 384 : index
      %get3A_515 = vector.load %arg4[%get3A_512, %get3A_513, %get3A_514] : memref<1x1x1024xf32, #tpu.memory_space<vmem>>, vector<1x1x128xf32>
      %get3A_516 = vector.shape_cast %get3A_515 : vector<1x1x128xf32> to vector<1x128xf32>
      %add3A_517 = vector.broadcast %get3A_516 : vector<1x128xf32> to vector<128x128xf32>
      %add3A_518 = arith.addf %get3A_511, %add3A_517 : vector<128x128xf32>
      %bitcast_convert_type3A_519 = tpu.bitcast %add3A_518 : vector<128x128xf32> -> vector<128x128xi32>
      %and3A_520 = arith.constant -1024 : i32
      %and3A_521 = vector.broadcast %and3A_520 : i32 to vector<128x128xi32>
      %and3A_522 = arith.andi %bitcast_convert_type3A_519, %and3A_521 : vector<128x128xi32>
      %or3A_523 = arith.ori %and3A_522, %add3A_29 : vector<128x128xi32>
      %bitcast_convert_type3A_524 = tpu.bitcast %or3A_523 : vector<128x128xi32> -> vector<128x128xf32>
      %get3A_525 = arith.constant 384 : index
      %get3A_526 = arith.constant 512 : index
      %get3A_527 = vector.load %arg6[%get3A_525, %get3A_526] : memref<2048x1024xf32, #tpu.memory_space<vmem>>, vector<128x128xf32>
      %get3A_528 = arith.constant 0 : index
      %get3A_529 = arith.constant 0 : index
      %get3A_530 = arith.constant 512 : index
      %get3A_531 = vector.load %arg4[%get3A_528, %get3A_529, %get3A_530] : memref<1x1x1024xf32, #tpu.memory_space<vmem>>, vector<1x1x128xf32>
      %get3A_532 = vector.shape_cast %get3A_531 : vector<1x1x128xf32> to vector<1x128xf32>
      %add3A_533 = vector.broadcast %get3A_532 : vector<1x128xf32> to vector<128x128xf32>
      %add3A_534 = arith.addf %get3A_527, %add3A_533 : vector<128x128xf32>
      %bitcast_convert_type3A_535 = tpu.bitcast %add3A_534 : vector<128x128xf32> -> vector<128x128xi32>
      %and3A_536 = arith.constant -1024 : i32
      %and3A_537 = vector.broadcast %and3A_536 : i32 to vector<128x128xi32>
      %and3A_538 = arith.andi %bitcast_convert_type3A_535, %and3A_537 : vector<128x128xi32>
      %or3A_539 = arith.ori %and3A_538, %add3A_33 : vector<128x128xi32>
      %bitcast_convert_type3A_540 = tpu.bitcast %or3A_539 : vector<128x128xi32> -> vector<128x128xf32>
      %get3A_541 = arith.constant 384 : index
      %get3A_542 = arith.constant 640 : index
      %get3A_543 = vector.load %arg6[%get3A_541, %get3A_542] : memref<2048x1024xf32, #tpu.memory_space<vmem>>, vector<128x128xf32>
      %get3A_544 = arith.constant 0 : index
      %get3A_545 = arith.constant 0 : index
      %get3A_546 = arith.constant 640 : index
      %get3A_547 = vector.load %arg4[%get3A_544, %get3A_545, %get3A_546] : memref<1x1x1024xf32, #tpu.memory_space<vmem>>, vector<1x1x128xf32>
      %get3A_548 = vector.shape_cast %get3A_547 : vector<1x1x128xf32> to vector<1x128xf32>
      %add3A_549 = vector.broadcast %get3A_548 : vector<1x128xf32> to vector<128x128xf32>
      %add3A_550 = arith.addf %get3A_543, %add3A_549 : vector<128x128xf32>
      %bitcast_convert_type3A_551 = tpu.bitcast %add3A_550 : vector<128x128xf32> -> vector<128x128xi32>
      %and3A_552 = arith.constant -1024 : i32
      %and3A_553 = vector.broadcast %and3A_552 : i32 to vector<128x128xi32>
      %and3A_554 = arith.andi %bitcast_convert_type3A_551, %and3A_553 : vector<128x128xi32>
      %or3A_555 = arith.ori %and3A_554, %add3A_37 : vector<128x128xi32>
      %bitcast_convert_type3A_556 = tpu.bitcast %or3A_555 : vector<128x128xi32> -> vector<128x128xf32>
      %get3A_557 = arith.constant 384 : index
      %get3A_558 = arith.constant 768 : index
      %get3A_559 = vector.load %arg6[%get3A_557, %get3A_558] : memref<2048x1024xf32, #tpu.memory_space<vmem>>, vector<128x128xf32>
      %get3A_560 = arith.constant 0 : index
      %get3A_561 = arith.constant 0 : index
      %get3A_562 = arith.constant 768 : index
      %get3A_563 = vector.load %arg4[%get3A_560, %get3A_561, %get3A_562] : memref<1x1x1024xf32, #tpu.memory_space<vmem>>, vector<1x1x128xf32>
      %get3A_564 = vector.shape_cast %get3A_563 : vector<1x1x128xf32> to vector<1x128xf32>
      %add3A_565 = vector.broadcast %get3A_564 : vector<1x128xf32> to vector<128x128xf32>
      %add3A_566 = arith.addf %get3A_559, %add3A_565 : vector<128x128xf32>
      %bitcast_convert_type3A_567 = tpu.bitcast %add3A_566 : vector<128x128xf32> -> vector<128x128xi32>
      %and3A_568 = arith.constant -1024 : i32
      %and3A_569 = vector.broadcast %and3A_568 : i32 to vector<128x128xi32>
      %and3A_570 = arith.andi %bitcast_convert_type3A_567, %and3A_569 : vector<128x128xi32>
      %or3A_571 = arith.ori %and3A_570, %add3A_41 : vector<128x128xi32>
      %bitcast_convert_type3A_572 = tpu.bitcast %or3A_571 : vector<128x128xi32> -> vector<128x128xf32>
      %get3A_573 = arith.constant 384 : index
      %get3A_574 = arith.constant 896 : index
      %get3A_575 = vector.load %arg6[%get3A_573, %get3A_574] : memref<2048x1024xf32, #tpu.memory_space<vmem>>, vector<128x128xf32>
      %get3A_576 = arith.constant 0 : index
      %get3A_577 = arith.constant 0 : index
      %get3A_578 = arith.constant 896 : index
      %get3A_579 = vector.load %arg4[%get3A_576, %get3A_577, %get3A_578] : memref<1x1x1024xf32, #tpu.memory_space<vmem>>, vector<1x1x128xf32>
      %get3A_580 = vector.shape_cast %get3A_579 : vector<1x1x128xf32> to vector<1x128xf32>
      %add3A_581 = vector.broadcast %get3A_580 : vector<1x128xf32> to vector<128x128xf32>
      %add3A_582 = arith.addf %get3A_575, %add3A_581 : vector<128x128xf32>
      %bitcast_convert_type3A_583 = tpu.bitcast %add3A_582 : vector<128x128xf32> -> vector<128x128xi32>
      %and3A_584 = arith.constant -1024 : i32
      %and3A_585 = vector.broadcast %and3A_584 : i32 to vector<128x128xi32>
      %and3A_586 = arith.andi %bitcast_convert_type3A_583, %and3A_585 : vector<128x128xi32>
      %or3A_587 = arith.ori %and3A_586, %add3A_45 : vector<128x128xi32>
      %bitcast_convert_type3A_588 = tpu.bitcast %or3A_587 : vector<128x128xi32> -> vector<128x128xf32>
      %min3A_589 = arith.minimumf %bitcast_convert_type3A_476, %bitcast_convert_type3A_492 : vector<128x128xf32>
      %min3A_590 = arith.minimumf %bitcast_convert_type3A_508, %bitcast_convert_type3A_524 : vector<128x128xf32>
      %min3A_591 = arith.minimumf %bitcast_convert_type3A_540, %bitcast_convert_type3A_556 : vector<128x128xf32>
      %min3A_592 = arith.minimumf %bitcast_convert_type3A_572, %bitcast_convert_type3A_588 : vector<128x128xf32>
      %min3A_593 = arith.minimumf %min3A_589, %min3A_590 : vector<128x128xf32>
      %min3A_594 = arith.minimumf %min3A_591, %min3A_592 : vector<128x128xf32>
      %min3A_595 = arith.minimumf %min3A_593, %min3A_594 : vector<128x128xf32>
      %reduce_min3A_596 = arith.constant dense<0x7F800000> : vector<128xf32>
      %reduce_min3A_597 = vector.multi_reduction <minimumf>, %min3A_595, %reduce_min3A_596 [1] : vector<128x128xf32> to vector<128xf32>
      %slice3A_598 = vector.extract_strided_slice %get3A_12 {offsets = [256, 0], sizes = [128, 512], strides = [1, 1]} : vector<1024x512xbf16> to vector<128x512xbf16>
      %dot_general3A_599 = arith.constant dense<0.000000e+00> : vector<2048x128xf32>
      %dot_general3A_600 = tpu.matmul %get3A_9, %slice3A_598, %dot_general3A_599 {dimension_numbers = #tpu.dot_dimension_numbers<[1], [1], [0], [0], [0, 0, 1, 0], [], []>, transpose_lhs_hint = false} : vector<2048x512xbf16>, vector<128x512xbf16>, vector<2048x128xf32> -> vector<2048x128xf32>
      %swap3A_601 = arith.constant 0 : index
      %swap3A_602 = arith.constant 256 : index
      %swap3A_603 = vector.load %arg7[%swap3A_601, %swap3A_602] : memref<2048x1024xf32, #tpu.memory_space<vmem>>, vector<2048x128xf32>
      tpu.vector_store %arg7[%swap3A_601, %swap3A_602], %dot_general3A_600 {strides = array<i32>} : memref<2048x1024xf32, #tpu.memory_space<vmem>>, vector<2048x128xf32>,
      %get3A_604 = arith.constant 512 : index
      %get3A_605 = arith.constant 0 : index
      %get3A_606 = vector.load %arg6[%get3A_604, %get3A_605] : memref<2048x1024xf32, #tpu.memory_space<vmem>>, vector<128x128xf32>
      %get3A_607 = arith.constant 0 : index
      %get3A_608 = arith.constant 0 : index
      %get3A_609 = arith.constant 0 : index
      %get3A_610 = vector.load %arg4[%get3A_607, %get3A_608, %get3A_609] : memref<1x1x1024xf32, #tpu.memory_space<vmem>>, vector<1x1x128xf32>
      %get3A_611 = vector.shape_cast %get3A_610 : vector<1x1x128xf32> to vector<1x128xf32>
      %add3A_612 = vector.broadcast %get3A_611 : vector<1x128xf32> to vector<128x128xf32>
      %add3A_613 = arith.addf %get3A_606, %add3A_612 : vector<128x128xf32>
      %bitcast_convert_type3A_614 = tpu.bitcast %add3A_613 : vector<128x128xf32> -> vector<128x128xi32>
      %and3A_615 = arith.constant -1024 : i32
      %and3A_616 = vector.broadcast %and3A_615 : i32 to vector<128x128xi32>
      %and3A_617 = arith.andi %bitcast_convert_type3A_614, %and3A_616 : vector<128x128xi32>
      %or3A_618 = arith.ori %and3A_617, %add3A_17 : vector<128x128xi32>
      %bitcast_convert_type3A_619 = tpu.bitcast %or3A_618 : vector<128x128xi32> -> vector<128x128xf32>
      %get3A_620 = arith.constant 512 : index
      %get3A_621 = arith.constant 128 : index
      %get3A_622 = vector.load %arg6[%get3A_620, %get3A_621] : memref<2048x1024xf32, #tpu.memory_space<vmem>>, vector<128x128xf32>
      %get3A_623 = arith.constant 0 : index
      %get3A_624 = arith.constant 0 : index
      %get3A_625 = arith.constant 128 : index
      %get3A_626 = vector.load %arg4[%get3A_623, %get3A_624, %get3A_625] : memref<1x1x1024xf32, #tpu.memory_space<vmem>>, vector<1x1x128xf32>
      %get3A_627 = vector.shape_cast %get3A_626 : vector<1x1x128xf32> to vector<1x128xf32>
      %add3A_628 = vector.broadcast %get3A_627 : vector<1x128xf32> to vector<128x128xf32>
      %add3A_629 = arith.addf %get3A_622, %add3A_628 : vector<128x128xf32>
      %bitcast_convert_type3A_630 = tpu.bitcast %add3A_629 : vector<128x128xf32> -> vector<128x128xi32>
      %and3A_631 = arith.constant -1024 : i32
      %and3A_632 = vector.broadcast %and3A_631 : i32 to vector<128x128xi32>
      %and3A_633 = arith.andi %bitcast_convert_type3A_630, %and3A_632 : vector<128x128xi32>
      %or3A_634 = arith.ori %and3A_633, %add3A_21 : vector<128x128xi32>
      %bitcast_convert_type3A_635 = tpu.bitcast %or3A_634 : vector<128x128xi32> -> vector<128x128xf32>
      %get3A_636 = arith.constant 512 : index
      %get3A_637 = arith.constant 256 : index
      %get3A_638 = vector.load %arg6[%get3A_636, %get3A_637] : memref<2048x1024xf32, #tpu.memory_space<vmem>>, vector<128x128xf32>
      %get3A_639 = arith.constant 0 : index
      %get3A_640 = arith.constant 0 : index
      %get3A_641 = arith.constant 256 : index
      %get3A_642 = vector.load %arg4[%get3A_639, %get3A_640, %get3A_641] : memref<1x1x1024xf32, #tpu.memory_space<vmem>>, vector<1x1x128xf32>
      %get3A_643 = vector.shape_cast %get3A_642 : vector<1x1x128xf32> to vector<1x128xf32>
      %add3A_644 = vector.broadcast %get3A_643 : vector<1x128xf32> to vector<128x128xf32>
      %add3A_645 = arith.addf %get3A_638, %add3A_644 : vector<128x128xf32>
      %bitcast_convert_type3A_646 = tpu.bitcast %add3A_645 : vector<128x128xf32> -> vector<128x128xi32>
      %and3A_647 = arith.constant -1024 : i32
      %and3A_648 = vector.broadcast %and3A_647 : i32 to vector<128x128xi32>
      %and3A_649 = arith.andi %bitcast_convert_type3A_646, %and3A_648 : vector<128x128xi32>
      %or3A_650 = arith.ori %and3A_649, %add3A_25 : vector<128x128xi32>
      %bitcast_convert_type3A_651 = tpu.bitcast %or3A_650 : vector<128x128xi32> -> vector<128x128xf32>
      %get3A_652 = arith.constant 512 : index
      %get3A_653 = arith.constant 384 : index
      %get3A_654 = vector.load %arg6[%get3A_652, %get3A_653] : memref<2048x1024xf32, #tpu.memory_space<vmem>>, vector<128x128xf32>
      %get3A_655 = arith.constant 0 : index
      %get3A_656 = arith.constant 0 : index
      %get3A_657 = arith.constant 384 : index
      %get3A_658 = vector.load %arg4[%get3A_655, %get3A_656, %get3A_657] : memref<1x1x1024xf32, #tpu.memory_space<vmem>>, vector<1x1x128xf32>
      %get3A_659 = vector.shape_cast %get3A_658 : vector<1x1x128xf32> to vector<1x128xf32>
      %add3A_660 = vector.broadcast %get3A_659 : vector<1x128xf32> to vector<128x128xf32>
      %add3A_661 = arith.addf %get3A_654, %add3A_660 : vector<128x128xf32>
      %bitcast_convert_type3A_662 = tpu.bitcast %add3A_661 : vector<128x128xf32> -> vector<128x128xi32>
      %and3A_663 = arith.constant -1024 : i32
      %and3A_664 = vector.broadcast %and3A_663 : i32 to vector<128x128xi32>
      %and3A_665 = arith.andi %bitcast_convert_type3A_662, %and3A_664 : vector<128x128xi32>
      %or3A_666 = arith.ori %and3A_665, %add3A_29 : vector<128x128xi32>
      %bitcast_convert_type3A_667 = tpu.bitcast %or3A_666 : vector<128x128xi32> -> vector<128x128xf32>
      %get3A_668 = arith.constant 512 : index
      %get3A_669 = arith.constant 512 : index
      %get3A_670 = vector.load %arg6[%get3A_668, %get3A_669] : memref<2048x1024xf32, #tpu.memory_space<vmem>>, vector<128x128xf32>
      %get3A_671 = arith.constant 0 : index
      %get3A_672 = arith.constant 0 : index
      %get3A_673 = arith.constant 512 : index
      %get3A_674 = vector.load %arg4[%get3A_671, %get3A_672, %get3A_673] : memref<1x1x1024xf32, #tpu.memory_space<vmem>>, vector<1x1x128xf32>
      %get3A_675 = vector.shape_cast %get3A_674 : vector<1x1x128xf32> to vector<1x128xf32>
      %add3A_676 = vector.broadcast %get3A_675 : vector<1x128xf32> to vector<128x128xf32>
      %add3A_677 = arith.addf %get3A_670, %add3A_676 : vector<128x128xf32>
      %bitcast_convert_type3A_678 = tpu.bitcast %add3A_677 : vector<128x128xf32> -> vector<128x128xi32>
      %and3A_679 = arith.constant -1024 : i32
      %and3A_680 = vector.broadcast %and3A_679 : i32 to vector<128x128xi32>
      %and3A_681 = arith.andi %bitcast_convert_type3A_678, %and3A_680 : vector<128x128xi32>
      %or3A_682 = arith.ori %and3A_681, %add3A_33 : vector<128x128xi32>
      %bitcast_convert_type3A_683 = tpu.bitcast %or3A_682 : vector<128x128xi32> -> vector<128x128xf32>
      %get3A_684 = arith.constant 512 : index
      %get3A_685 = arith.constant 640 : index
      %get3A_686 = vector.load %arg6[%get3A_684, %get3A_685] : memref<2048x1024xf32, #tpu.memory_space<vmem>>, vector<128x128xf32>
      %get3A_687 = arith.constant 0 : index
      %get3A_688 = arith.constant 0 : index
      %get3A_689 = arith.constant 640 : index
      %get3A_690 = vector.load %arg4[%get3A_687, %get3A_688, %get3A_689] : memref<1x1x1024xf32, #tpu.memory_space<vmem>>, vector<1x1x128xf32>
      %get3A_691 = vector.shape_cast %get3A_690 : vector<1x1x128xf32> to vector<1x128xf32>
      %add3A_692 = vector.broadcast %get3A_691 : vector<1x128xf32> to vector<128x128xf32>
      %add3A_693 = arith.addf %get3A_686, %add3A_692 : vector<128x128xf32>
      %bitcast_convert_type3A_694 = tpu.bitcast %add3A_693 : vector<128x128xf32> -> vector<128x128xi32>
      %and3A_695 = arith.constant -1024 : i32
      %and3A_696 = vector.broadcast %and3A_695 : i32 to vector<128x128xi32>
      %and3A_697 = arith.andi %bitcast_convert_type3A_694, %and3A_696 : vector<128x128xi32>
      %or3A_698 = arith.ori %and3A_697, %add3A_37 : vector<128x128xi32>
      %bitcast_convert_type3A_699 = tpu.bitcast %or3A_698 : vector<128x128xi32> -> vector<128x128xf32>
      %get3A_700 = arith.constant 512 : index
      %get3A_701 = arith.constant 768 : index
      %get3A_702 = vector.load %arg6[%get3A_700, %get3A_701] : memref<2048x1024xf32, #tpu.memory_space<vmem>>, vector<128x128xf32>
      %get3A_703 = arith.constant 0 : index
      %get3A_704 = arith.constant 0 : index
      %get3A_705 = arith.constant 768 : index
      %get3A_706 = vector.load %arg4[%get3A_703, %get3A_704, %get3A_705] : memref<1x1x1024xf32, #tpu.memory_space<vmem>>, vector<1x1x128xf32>
      %get3A_707 = vector.shape_cast %get3A_706 : vector<1x1x128xf32> to vector<1x128xf32>
      %add3A_708 = vector.broadcast %get3A_707 : vector<1x128xf32> to vector<128x128xf32>
      %add3A_709 = arith.addf %get3A_702, %add3A_708 : vector<128x128xf32>
      %bitcast_convert_type3A_710 = tpu.bitcast %add3A_709 : vector<128x128xf32> -> vector<128x128xi32>
      %and3A_711 = arith.constant -1024 : i32
      %and3A_712 = vector.broadcast %and3A_711 : i32 to vector<128x128xi32>
      %and3A_713 = arith.andi %bitcast_convert_type3A_710, %and3A_712 : vector<128x128xi32>
      %or3A_714 = arith.ori %and3A_713, %add3A_41 : vector<128x128xi32>
      %bitcast_convert_type3A_715 = tpu.bitcast %or3A_714 : vector<128x128xi32> -> vector<128x128xf32>
      %get3A_716 = arith.constant 512 : index
      %get3A_717 = arith.constant 896 : index
      %get3A_718 = vector.load %arg6[%get3A_716, %get3A_717] : memref<2048x1024xf32, #tpu.memory_space<vmem>>, vector<128x128xf32>
      %get3A_719 = arith.constant 0 : index
      %get3A_720 = arith.constant 0 : index
      %get3A_721 = arith.constant 896 : index
      %get3A_722 = vector.load %arg4[%get3A_719, %get3A_720, %get3A_721] : memref<1x1x1024xf32, #tpu.memory_space<vmem>>, vector<1x1x128xf32>
      %get3A_723 = vector.shape_cast %get3A_722 : vector<1x1x128xf32> to vector<1x128xf32>
      %add3A_724 = vector.broadcast %get3A_723 : vector<1x128xf32> to vector<128x128xf32>
      %add3A_725 = arith.addf %get3A_718, %add3A_724 : vector<128x128xf32>
      %bitcast_convert_type3A_726 = tpu.bitcast %add3A_725 : vector<128x128xf32> -> vector<128x128xi32>
      %and3A_727 = arith.constant -1024 : i32
      %and3A_728 = vector.broadcast %and3A_727 : i32 to vector<128x128xi32>
      %and3A_729 = arith.andi %bitcast_convert_type3A_726, %and3A_728 : vector<128x128xi32>
      %or3A_730 = arith.ori %and3A_729, %add3A_45 : vector<128x128xi32>
      %bitcast_convert_type3A_731 = tpu.bitcast %or3A_730 : vector<128x128xi32> -> vector<128x128xf32>
      %min3A_732 = arith.minimumf %bitcast_convert_type3A_619, %bitcast_convert_type3A_635 : vector<128x128xf32>
      %min3A_733 = arith.minimumf %bitcast_convert_type3A_651, %bitcast_convert_type3A_667 : vector<128x128xf32>
      %min3A_734 = arith.minimumf %bitcast_convert_type3A_683, %bitcast_convert_type3A_699 : vector<128x128xf32>
      %min3A_735 = arith.minimumf %bitcast_convert_type3A_715, %bitcast_convert_type3A_731 : vector<128x128xf32>
      %min3A_736 = arith.minimumf %min3A_732, %min3A_733 : vector<128x128xf32>
      %min3A_737 = arith.minimumf %min3A_734, %min3A_735 : vector<128x128xf32>
      %min3A_738 = arith.minimumf %min3A_736, %min3A_737 : vector<128x128xf32>
      %reduce_min3A_739 = arith.constant dense<0x7F800000> : vector<128xf32>
      %reduce_min3A_740 = vector.multi_reduction <minimumf>, %min3A_738, %reduce_min3A_739 [1] : vector<128x128xf32> to vector<128xf32>
      %get3A_741 = arith.constant 640 : index
      %get3A_742 = arith.constant 0 : index
      %get3A_743 = vector.load %arg6[%get3A_741, %get3A_742] : memref<2048x1024xf32, #tpu.memory_space<vmem>>, vector<128x128xf32>
      %get3A_744 = arith.constant 0 : index
      %get3A_745 = arith.constant 0 : index
      %get3A_746 = arith.constant 0 : index
      %get3A_747 = vector.load %arg4[%get3A_744, %get3A_745, %get3A_746] : memref<1x1x1024xf32, #tpu.memory_space<vmem>>, vector<1x1x128xf32>
      %get3A_748 = vector.shape_cast %get3A_747 : vector<1x1x128xf32> to vector<1x128xf32>
      %add3A_749 = vector.broadcast %get3A_748 : vector<1x128xf32> to vector<128x128xf32>
      %add3A_750 = arith.addf %get3A_743, %add3A_749 : vector<128x128xf32>
      %bitcast_convert_type3A_751 = tpu.bitcast %add3A_750 : vector<128x128xf32> -> vector<128x128xi32>
      %and3A_752 = arith.constant -1024 : i32
      %and3A_753 = vector.broadcast %and3A_752 : i32 to vector<128x128xi32>
      %and3A_754 = arith.andi %bitcast_convert_type3A_751, %and3A_753 : vector<128x128xi32>
      %or3A_755 = arith.ori %and3A_754, %add3A_17 : vector<128x128xi32>
      %bitcast_convert_type3A_756 = tpu.bitcast %or3A_755 : vector<128x128xi32> -> vector<128x128xf32>
      %get3A_757 = arith.constant 640 : index
      %get3A_758 = arith.constant 128 : index
      %get3A_759 = vector.load %arg6[%get3A_757, %get3A_758] : memref<2048x1024xf32, #tpu.memory_space<vmem>>, vector<128x128xf32>
      %get3A_760 = arith.constant 0 : index
      %get3A_761 = arith.constant 0 : index
      %get3A_762 = arith.constant 128 : index
      %get3A_763 = vector.load %arg4[%get3A_760, %get3A_761, %get3A_762] : memref<1x1x1024xf32, #tpu.memory_space<vmem>>, vector<1x1x128xf32>
      %get3A_764 = vector.shape_cast %get3A_763 : vector<1x1x128xf32> to vector<1x128xf32>
      %add3A_765 = vector.broadcast %get3A_764 : vector<1x128xf32> to vector<128x128xf32>
      %add3A_766 = arith.addf %get3A_759, %add3A_765 : vector<128x128xf32>
      %bitcast_convert_type3A_767 = tpu.bitcast %add3A_766 : vector<128x128xf32> -> vector<128x128xi32>
      %and3A_768 = arith.constant -1024 : i32
      %and3A_769 = vector.broadcast %and3A_768 : i32 to vector<128x128xi32>
      %and3A_770 = arith.andi %bitcast_convert_type3A_767, %and3A_769 : vector<128x128xi32>
      %or3A_771 = arith.ori %and3A_770, %add3A_21 : vector<128x128xi32>
      %bitcast_convert_type3A_772 = tpu.bitcast %or3A_771 : vector<128x128xi32> -> vector<128x128xf32>
      %get3A_773 = arith.constant 640 : index
      %get3A_774 = arith.constant 256 : index
      %get3A_775 = vector.load %arg6[%get3A_773, %get3A_774] : memref<2048x1024xf32, #tpu.memory_space<vmem>>, vector<128x128xf32>
      %get3A_776 = arith.constant 0 : index
      %get3A_777 = arith.constant 0 : index
      %get3A_778 = arith.constant 256 : index
      %get3A_779 = vector.load %arg4[%get3A_776, %get3A_777, %get3A_778] : memref<1x1x1024xf32, #tpu.memory_space<vmem>>, vector<1x1x128xf32>
      %get3A_780 = vector.shape_cast %get3A_779 : vector<1x1x128xf32> to vector<1x128xf32>
      %add3A_781 = vector.broadcast %get3A_780 : vector<1x128xf32> to vector<128x128xf32>
      %add3A_782 = arith.addf %get3A_775, %add3A_781 : vector<128x128xf32>
      %bitcast_convert_type3A_783 = tpu.bitcast %add3A_782 : vector<128x128xf32> -> vector<128x128xi32>
      %and3A_784 = arith.constant -1024 : i32
      %and3A_785 = vector.broadcast %and3A_784 : i32 to vector<128x128xi32>
      %and3A_786 = arith.andi %bitcast_convert_type3A_783, %and3A_785 : vector<128x128xi32>
      %or3A_787 = arith.ori %and3A_786, %add3A_25 : vector<128x128xi32>
      %bitcast_convert_type3A_788 = tpu.bitcast %or3A_787 : vector<128x128xi32> -> vector<128x128xf32>
      %get3A_789 = arith.constant 640 : index
      %get3A_790 = arith.constant 384 : index
      %get3A_791 = vector.load %arg6[%get3A_789, %get3A_790] : memref<2048x1024xf32, #tpu.memory_space<vmem>>, vector<128x128xf32>
      %get3A_792 = arith.constant 0 : index
      %get3A_793 = arith.constant 0 : index
      %get3A_794 = arith.constant 384 : index
      %get3A_795 = vector.load %arg4[%get3A_792, %get3A_793, %get3A_794] : memref<1x1x1024xf32, #tpu.memory_space<vmem>>, vector<1x1x128xf32>
      %get3A_796 = vector.shape_cast %get3A_795 : vector<1x1x128xf32> to vector<1x128xf32>
      %add3A_797 = vector.broadcast %get3A_796 : vector<1x128xf32> to vector<128x128xf32>
      %add3A_798 = arith.addf %get3A_791, %add3A_797 : vector<128x128xf32>
      %bitcast_convert_type3A_799 = tpu.bitcast %add3A_798 : vector<128x128xf32> -> vector<128x128xi32>
      %and3A_800 = arith.constant -1024 : i32
      %and3A_801 = vector.broadcast %and3A_800 : i32 to vector<128x128xi32>
      %and3A_802 = arith.andi %bitcast_convert_type3A_799, %and3A_801 : vector<128x128xi32>
      %or3A_803 = arith.ori %and3A_802, %add3A_29 : vector<128x128xi32>
      %bitcast_convert_type3A_804 = tpu.bitcast %or3A_803 : vector<128x128xi32> -> vector<128x128xf32>
      %get3A_805 = arith.constant 640 : index
      %get3A_806 = arith.constant 512 : index
      %get3A_807 = vector.load %arg6[%get3A_805, %get3A_806] : memref<2048x1024xf32, #tpu.memory_space<vmem>>, vector<128x128xf32>
      %get3A_808 = arith.constant 0 : index
      %get3A_809 = arith.constant 0 : index
      %get3A_810 = arith.constant 512 : index
      %get3A_811 = vector.load %arg4[%get3A_808, %get3A_809, %get3A_810] : memref<1x1x1024xf32, #tpu.memory_space<vmem>>, vector<1x1x128xf32>
      %get3A_812 = vector.shape_cast %get3A_811 : vector<1x1x128xf32> to vector<1x128xf32>
      %add3A_813 = vector.broadcast %get3A_812 : vector<1x128xf32> to vector<128x128xf32>
      %add3A_814 = arith.addf %get3A_807, %add3A_813 : vector<128x128xf32>
      %bitcast_convert_type3A_815 = tpu.bitcast %add3A_814 : vector<128x128xf32> -> vector<128x128xi32>
      %and3A_816 = arith.constant -1024 : i32
      %and3A_817 = vector.broadcast %and3A_816 : i32 to vector<128x128xi32>
      %and3A_818 = arith.andi %bitcast_convert_type3A_815, %and3A_817 : vector<128x128xi32>
      %or3A_819 = arith.ori %and3A_818, %add3A_33 : vector<128x128xi32>
      %bitcast_convert_type3A_820 = tpu.bitcast %or3A_819 : vector<128x128xi32> -> vector<128x128xf32>
      %get3A_821 = arith.constant 640 : index
      %get3A_822 = arith.constant 640 : index
      %get3A_823 = vector.load %arg6[%get3A_821, %get3A_822] : memref<2048x1024xf32, #tpu.memory_space<vmem>>, vector<128x128xf32>
      %get3A_824 = arith.constant 0 : index
      %get3A_825 = arith.constant 0 : index
      %get3A_826 = arith.constant 640 : index
      %get3A_827 = vector.load %arg4[%get3A_824, %get3A_825, %get3A_826] : memref<1x1x1024xf32, #tpu.memory_space<vmem>>, vector<1x1x128xf32>
      %get3A_828 = vector.shape_cast %get3A_827 : vector<1x1x128xf32> to vector<1x128xf32>
      %add3A_829 = vector.broadcast %get3A_828 : vector<1x128xf32> to vector<128x128xf32>
      %add3A_830 = arith.addf %get3A_823, %add3A_829 : vector<128x128xf32>
      %bitcast_convert_type3A_831 = tpu.bitcast %add3A_830 : vector<128x128xf32> -> vector<128x128xi32>
      %and3A_832 = arith.constant -1024 : i32
      %and3A_833 = vector.broadcast %and3A_832 : i32 to vector<128x128xi32>
      %and3A_834 = arith.andi %bitcast_convert_type3A_831, %and3A_833 : vector<128x128xi32>
      %or3A_835 = arith.ori %and3A_834, %add3A_37 : vector<128x128xi32>
      %bitcast_convert_type3A_836 = tpu.bitcast %or3A_835 : vector<128x128xi32> -> vector<128x128xf32>
      %get3A_837 = arith.constant 640 : index
      %get3A_838 = arith.constant 768 : index
      %get3A_839 = vector.load %arg6[%get3A_837, %get3A_838] : memref<2048x1024xf32, #tpu.memory_space<vmem>>, vector<128x128xf32>
      %get3A_840 = arith.constant 0 : index
      %get3A_841 = arith.constant 0 : index
      %get3A_842 = arith.constant 768 : index
      %get3A_843 = vector.load %arg4[%get3A_840, %get3A_841, %get3A_842] : memref<1x1x1024xf32, #tpu.memory_space<vmem>>, vector<1x1x128xf32>
      %get3A_844 = vector.shape_cast %get3A_843 : vector<1x1x128xf32> to vector<1x128xf32>
      %add3A_845 = vector.broadcast %get3A_844 : vector<1x128xf32> to vector<128x128xf32>
      %add3A_846 = arith.addf %get3A_839, %add3A_845 : vector<128x128xf32>
      %bitcast_convert_type3A_847 = tpu.bitcast %add3A_846 : vector<128x128xf32> -> vector<128x128xi32>
      %and3A_848 = arith.constant -1024 : i32
      %and3A_849 = vector.broadcast %and3A_848 : i32 to vector<128x128xi32>
      %and3A_850 = arith.andi %bitcast_convert_type3A_847, %and3A_849 : vector<128x128xi32>
      %or3A_851 = arith.ori %and3A_850, %add3A_41 : vector<128x128xi32>
      %bitcast_convert_type3A_852 = tpu.bitcast %or3A_851 : vector<128x128xi32> -> vector<128x128xf32>
      %get3A_853 = arith.constant 640 : index
      %get3A_854 = arith.constant 896 : index
      %get3A_855 = vector.load %arg6[%get3A_853, %get3A_854] : memref<2048x1024xf32, #tpu.memory_space<vmem>>, vector<128x128xf32>
      %get3A_856 = arith.constant 0 : index
      %get3A_857 = arith.constant 0 : index
      %get3A_858 = arith.constant 896 : index
      %get3A_859 = vector.load %arg4[%get3A_856, %get3A_857, %get3A_858] : memref<1x1x1024xf32, #tpu.memory_space<vmem>>, vector<1x1x128xf32>
      %get3A_860 = vector.shape_cast %get3A_859 : vector<1x1x128xf32> to vector<1x128xf32>
      %add3A_861 = vector.broadcast %get3A_860 : vector<1x128xf32> to vector<128x128xf32>
      %add3A_862 = arith.addf %get3A_855, %add3A_861 : vector<128x128xf32>
      %bitcast_convert_type3A_863 = tpu.bitcast %add3A_862 : vector<128x128xf32> -> vector<128x128xi32>
      %and3A_864 = arith.constant -1024 : i32
      %and3A_865 = vector.broadcast %and3A_864 : i32 to vector<128x128xi32>
      %and3A_866 = arith.andi %bitcast_convert_type3A_863, %and3A_865 : vector<128x128xi32>
      %or3A_867 = arith.ori %and3A_866, %add3A_45 : vector<128x128xi32>
      %bitcast_convert_type3A_868 = tpu.bitcast %or3A_867 : vector<128x128xi32> -> vector<128x128xf32>
      %min3A_869 = arith.minimumf %bitcast_convert_type3A_756, %bitcast_convert_type3A_772 : vector<128x128xf32>
      %min3A_870 = arith.minimumf %bitcast_convert_type3A_788, %bitcast_convert_type3A_804 : vector<128x128xf32>
      %min3A_871 = arith.minimumf %bitcast_convert_type3A_820, %bitcast_convert_type3A_836 : vector<128x128xf32>
      %min3A_872 = arith.minimumf %bitcast_convert_type3A_852, %bitcast_convert_type3A_868 : vector<128x128xf32>
      %min3A_873 = arith.minimumf %min3A_869, %min3A_870 : vector<128x128xf32>
      %min3A_874 = arith.minimumf %min3A_871, %min3A_872 : vector<128x128xf32>
      %min3A_875 = arith.minimumf %min3A_873, %min3A_874 : vector<128x128xf32>
      %reduce_min3A_876 = arith.constant dense<0x7F800000> : vector<128xf32>
      %reduce_min3A_877 = vector.multi_reduction <minimumf>, %min3A_875, %reduce_min3A_876 [1] : vector<128x128xf32> to vector<128xf32>
      %slice3A_878 = vector.extract_strided_slice %get3A_12 {offsets = [384, 0], sizes = [128, 512], strides = [1, 1]} : vector<1024x512xbf16> to vector<128x512xbf16>
      %dot_general3A_879 = arith.constant dense<0.000000e+00> : vector<2048x128xf32>
      %dot_general3A_880 = tpu.matmul %get3A_9, %slice3A_878, %dot_general3A_879 {dimension_numbers = #tpu.dot_dimension_numbers<[1], [1], [0], [0], [0, 0, 1, 0], [], []>, transpose_lhs_hint = false} : vector<2048x512xbf16>, vector<128x512xbf16>, vector<2048x128xf32> -> vector<2048x128xf32>
      %swap3A_881 = arith.constant 0 : index
      %swap3A_882 = arith.constant 384 : index
      %swap3A_883 = vector.load %arg7[%swap3A_881, %swap3A_882] : memref<2048x1024xf32, #tpu.memory_space<vmem>>, vector<2048x128xf32>
      tpu.vector_store %arg7[%swap3A_881, %swap3A_882], %dot_general3A_880 {strides = array<i32>} : memref<2048x1024xf32, #tpu.memory_space<vmem>>, vector<2048x128xf32>,
      %get3A_884 = arith.constant 768 : index
      %get3A_885 = arith.constant 0 : index
      %get3A_886 = vector.load %arg6[%get3A_884, %get3A_885] : memref<2048x1024xf32, #tpu.memory_space<vmem>>, vector<128x128xf32>
      %get3A_887 = arith.constant 0 : index
      %get3A_888 = arith.constant 0 : index
      %get3A_889 = arith.constant 0 : index
      %get3A_890 = vector.load %arg4[%get3A_887, %get3A_888, %get3A_889] : memref<1x1x1024xf32, #tpu.memory_space<vmem>>, vector<1x1x128xf32>
      %get3A_891 = vector.shape_cast %get3A_890 : vector<1x1x128xf32> to vector<1x128xf32>
      %add3A_892 = vector.broadcast %get3A_891 : vector<1x128xf32> to vector<128x128xf32>
      %add3A_893 = arith.addf %get3A_886, %add3A_892 : vector<128x128xf32>
      %bitcast_convert_type3A_894 = tpu.bitcast %add3A_893 : vector<128x128xf32> -> vector<128x128xi32>
      %and3A_895 = arith.constant -1024 : i32
      %and3A_896 = vector.broadcast %and3A_895 : i32 to vector<128x128xi32>
      %and3A_897 = arith.andi %bitcast_convert_type3A_894, %and3A_896 : vector<128x128xi32>
      %or3A_898 = arith.ori %and3A_897, %add3A_17 : vector<128x128xi32>
      %bitcast_convert_type3A_899 = tpu.bitcast %or3A_898 : vector<128x128xi32> -> vector<128x128xf32>
      %get3A_900 = arith.constant 768 : index
      %get3A_901 = arith.constant 128 : index
      %get3A_902 = vector.load %arg6[%get3A_900, %get3A_901] : memref<2048x1024xf32, #tpu.memory_space<vmem>>, vector<128x128xf32>
      %get3A_903 = arith.constant 0 : index
      %get3A_904 = arith.constant 0 : index
      %get3A_905 = arith.constant 128 : index
      %get3A_906 = vector.load %arg4[%get3A_903, %get3A_904, %get3A_905] : memref<1x1x1024xf32, #tpu.memory_space<vmem>>, vector<1x1x128xf32>
      %get3A_907 = vector.shape_cast %get3A_906 : vector<1x1x128xf32> to vector<1x128xf32>
      %add3A_908 = vector.broadcast %get3A_907 : vector<1x128xf32> to vector<128x128xf32>
      %add3A_909 = arith.addf %get3A_902, %add3A_908 : vector<128x128xf32>
      %bitcast_convert_type3A_910 = tpu.bitcast %add3A_909 : vector<128x128xf32> -> vector<128x128xi32>
      %and3A_911 = arith.constant -1024 : i32
      %and3A_912 = vector.broadcast %and3A_911 : i32 to vector<128x128xi32>
      %and3A_913 = arith.andi %bitcast_convert_type3A_910, %and3A_912 : vector<128x128xi32>
      %or3A_914 = arith.ori %and3A_913, %add3A_21 : vector<128x128xi32>
      %bitcast_convert_type3A_915 = tpu.bitcast %or3A_914 : vector<128x128xi32> -> vector<128x128xf32>
      %get3A_916 = arith.constant 768 : index
      %get3A_917 = arith.constant 256 : index
      %get3A_918 = vector.load %arg6[%get3A_916, %get3A_917] : memref<2048x1024xf32, #tpu.memory_space<vmem>>, vector<128x128xf32>
      %get3A_919 = arith.constant 0 : index
      %get3A_920 = arith.constant 0 : index
      %get3A_921 = arith.constant 256 : index
      %get3A_922 = vector.load %arg4[%get3A_919, %get3A_920, %get3A_921] : memref<1x1x1024xf32, #tpu.memory_space<vmem>>, vector<1x1x128xf32>
      %get3A_923 = vector.shape_cast %get3A_922 : vector<1x1x128xf32> to vector<1x128xf32>
      %add3A_924 = vector.broadcast %get3A_923 : vector<1x128xf32> to vector<128x128xf32>
      %add3A_925 = arith.addf %get3A_918, %add3A_924 : vector<128x128xf32>
      %bitcast_convert_type3A_926 = tpu.bitcast %add3A_925 : vector<128x128xf32> -> vector<128x128xi32>
      %and3A_927 = arith.constant -1024 : i32
      %and3A_928 = vector.broadcast %and3A_927 : i32 to vector<128x128xi32>
      %and3A_929 = arith.andi %bitcast_convert_type3A_926, %and3A_928 : vector<128x128xi32>
      %or3A_930 = arith.ori %and3A_929, %add3A_25 : vector<128x128xi32>
      %bitcast_convert_type3A_931 = tpu.bitcast %or3A_930 : vector<128x128xi32> -> vector<128x128xf32>
      %get3A_932 = arith.constant 768 : index
      %get3A_933 = arith.constant 384 : index
      %get3A_934 = vector.load %arg6[%get3A_932, %get3A_933] : memref<2048x1024xf32, #tpu.memory_space<vmem>>, vector<128x128xf32>
      %get3A_935 = arith.constant 0 : index
      %get3A_936 = arith.constant 0 : index
      %get3A_937 = arith.constant 384 : index
      %get3A_938 = vector.load %arg4[%get3A_935, %get3A_936, %get3A_937] : memref<1x1x1024xf32, #tpu.memory_space<vmem>>, vector<1x1x128xf32>
      %get3A_939 = vector.shape_cast %get3A_938 : vector<1x1x128xf32> to vector<1x128xf32>
      %add3A_940 = vector.broadcast %get3A_939 : vector<1x128xf32> to vector<128x128xf32>
      %add3A_941 = arith.addf %get3A_934, %add3A_940 : vector<128x128xf32>
      %bitcast_convert_type3A_942 = tpu.bitcast %add3A_941 : vector<128x128xf32> -> vector<128x128xi32>
      %and3A_943 = arith.constant -1024 : i32
      %and3A_944 = vector.broadcast %and3A_943 : i32 to vector<128x128xi32>
      %and3A_945 = arith.andi %bitcast_convert_type3A_942, %and3A_944 : vector<128x128xi32>
      %or3A_946 = arith.ori %and3A_945, %add3A_29 : vector<128x128xi32>
      %bitcast_convert_type3A_947 = tpu.bitcast %or3A_946 : vector<128x128xi32> -> vector<128x128xf32>
      %get3A_948 = arith.constant 768 : index
      %get3A_949 = arith.constant 512 : index
      %get3A_950 = vector.load %arg6[%get3A_948, %get3A_949] : memref<2048x1024xf32, #tpu.memory_space<vmem>>, vector<128x128xf32>
      %get3A_951 = arith.constant 0 : index
      %get3A_952 = arith.constant 0 : index
      %get3A_953 = arith.constant 512 : index
      %get3A_954 = vector.load %arg4[%get3A_951, %get3A_952, %get3A_953] : memref<1x1x1024xf32, #tpu.memory_space<vmem>>, vector<1x1x128xf32>
      %get3A_955 = vector.shape_cast %get3A_954 : vector<1x1x128xf32> to vector<1x128xf32>
      %add3A_956 = vector.broadcast %get3A_955 : vector<1x128xf32> to vector<128x128xf32>
      %add3A_957 = arith.addf %get3A_950, %add3A_956 : vector<128x128xf32>
      %bitcast_convert_type3A_958 = tpu.bitcast %add3A_957 : vector<128x128xf32> -> vector<128x128xi32>
      %and3A_959 = arith.constant -1024 : i32
      %and3A_960 = vector.broadcast %and3A_959 : i32 to vector<128x128xi32>
      %and3A_961 = arith.andi %bitcast_convert_type3A_958, %and3A_960 : vector<128x128xi32>
      %or3A_962 = arith.ori %and3A_961, %add3A_33 : vector<128x128xi32>
      %bitcast_convert_type3A_963 = tpu.bitcast %or3A_962 : vector<128x128xi32> -> vector<128x128xf32>
      %get3A_964 = arith.constant 768 : index
      %get3A_965 = arith.constant 640 : index
      %get3A_966 = vector.load %arg6[%get3A_964, %get3A_965] : memref<2048x1024xf32, #tpu.memory_space<vmem>>, vector<128x128xf32>
      %get3A_967 = arith.constant 0 : index
      %get3A_968 = arith.constant 0 : index
      %get3A_969 = arith.constant 640 : index
      %get3A_970 = vector.load %arg4[%get3A_967, %get3A_968, %get3A_969] : memref<1x1x1024xf32, #tpu.memory_space<vmem>>, vector<1x1x128xf32>
      %get3A_971 = vector.shape_cast %get3A_970 : vector<1x1x128xf32> to vector<1x128xf32>
      %add3A_972 = vector.broadcast %get3A_971 : vector<1x128xf32> to vector<128x128xf32>
      %add3A_973 = arith.addf %get3A_966, %add3A_972 : vector<128x128xf32>
      %bitcast_convert_type3A_974 = tpu.bitcast %add3A_973 : vector<128x128xf32> -> vector<128x128xi32>
      %and3A_975 = arith.constant -1024 : i32
      %and3A_976 = vector.broadcast %and3A_975 : i32 to vector<128x128xi32>
      %and3A_977 = arith.andi %bitcast_convert_type3A_974, %and3A_976 : vector<128x128xi32>
      %or3A_978 = arith.ori %and3A_977, %add3A_37 : vector<128x128xi32>
      %bitcast_convert_type3A_979 = tpu.bitcast %or3A_978 : vector<128x128xi32> -> vector<128x128xf32>
      %get3A_980 = arith.constant 768 : index
      %get3A_981 = arith.constant 768 : index
      %get3A_982 = vector.load %arg6[%get3A_980, %get3A_981] : memref<2048x1024xf32, #tpu.memory_space<vmem>>, vector<128x128xf32>
      %get3A_983 = arith.constant 0 : index
      %get3A_984 = arith.constant 0 : index
      %get3A_985 = arith.constant 768 : index
      %get3A_986 = vector.load %arg4[%get3A_983, %get3A_984, %get3A_985] : memref<1x1x1024xf32, #tpu.memory_space<vmem>>, vector<1x1x128xf32>
      %get3A_987 = vector.shape_cast %get3A_986 : vector<1x1x128xf32> to vector<1x128xf32>
      %add3A_988 = vector.broadcast %get3A_987 : vector<1x128xf32> to vector<128x128xf32>
      %add3A_989 = arith.addf %get3A_982, %add3A_988 : vector<128x128xf32>
      %bitcast_convert_type3A_990 = tpu.bitcast %add3A_989 : vector<128x128xf32> -> vector<128x128xi32>
      %and3A_991 = arith.constant -1024 : i32
      %and3A_992 = vector.broadcast %and3A_991 : i32 to vector<128x128xi32>
      %and3A_993 = arith.andi %bitcast_convert_type3A_990, %and3A_992 : vector<128x128xi32>
      %or3A_994 = arith.ori %and3A_993, %add3A_41 : vector<128x128xi32>
      %bitcast_convert_type3A_995 = tpu.bitcast %or3A_994 : vector<128x128xi32> -> vector<128x128xf32>
      %get3A_996 = arith.constant 768 : index
      %get3A_997 = arith.constant 896 : index
      %get3A_998 = vector.load %arg6[%get3A_996, %get3A_997] : memref<2048x1024xf32, #tpu.memory_space<vmem>>, vector<128x128xf32>
      %get3A_999 = arith.constant 0 : index
      %get3A_1000 = arith.constant 0 : index
      %get3A_1001 = arith.constant 896 : index
      %get3A_1002 = vector.load %arg4[%get3A_999, %get3A_1000, %get3A_1001] : memref<1x1x1024xf32, #tpu.memory_space<vmem>>, vector<1x1x128xf32>
      %get3A_1003 = vector.shape_cast %get3A_1002 : vector<1x1x128xf32> to vector<1x128xf32>
      %add3A_1004 = vector.broadcast %get3A_1003 : vector<1x128xf32> to vector<128x128xf32>
      %add3A_1005 = arith.addf %get3A_998, %add3A_1004 : vector<128x128xf32>
      %bitcast_convert_type3A_1006 = tpu.bitcast %add3A_1005 : vector<128x128xf32> -> vector<128x128xi32>
      %and3A_1007 = arith.constant -1024 : i32
      %and3A_1008 = vector.broadcast %and3A_1007 : i32 to vector<128x128xi32>
      %and3A_1009 = arith.andi %bitcast_convert_type3A_1006, %and3A_1008 : vector<128x128xi32>
      %or3A_1010 = arith.ori %and3A_1009, %add3A_45 : vector<128x128xi32>
      %bitcast_convert_type3A_1011 = tpu.bitcast %or3A_1010 : vector<128x128xi32> -> vector<128x128xf32>
      %min3A_1012 = arith.minimumf %bitcast_convert_type3A_899, %bitcast_convert_type3A_915 : vector<128x128xf32>
      %min3A_1013 = arith.minimumf %bitcast_convert_type3A_931, %bitcast_convert_type3A_947 : vector<128x128xf32>
      %min3A_1014 = arith.minimumf %bitcast_convert_type3A_963, %bitcast_convert_type3A_979 : vector<128x128xf32>
      %min3A_1015 = arith.minimumf %bitcast_convert_type3A_995, %bitcast_convert_type3A_1011 : vector<128x128xf32>
      %min3A_1016 = arith.minimumf %min3A_1012, %min3A_1013 : vector<128x128xf32>
      %min3A_1017 = arith.minimumf %min3A_1014, %min3A_1015 : vector<128x128xf32>
      %min3A_1018 = arith.minimumf %min3A_1016, %min3A_1017 : vector<128x128xf32>
      %reduce_min3A_1019 = arith.constant dense<0x7F800000> : vector<128xf32>
      %reduce_min3A_1020 = vector.multi_reduction <minimumf>, %min3A_1018, %reduce_min3A_1019 [1] : vector<128x128xf32> to vector<128xf32>
      %get3A_1021 = arith.constant 896 : index
      %get3A_1022 = arith.constant 0 : index
      %get3A_1023 = vector.load %arg6[%get3A_1021, %get3A_1022] : memref<2048x1024xf32, #tpu.memory_space<vmem>>, vector<128x128xf32>
      %get3A_1024 = arith.constant 0 : index
      %get3A_1025 = arith.constant 0 : index
      %get3A_1026 = arith.constant 0 : index
      %get3A_1027 = vector.load %arg4[%get3A_1024, %get3A_1025, %get3A_1026] : memref<1x1x1024xf32, #tpu.memory_space<vmem>>, vector<1x1x128xf32>
      %get3A_1028 = vector.shape_cast %get3A_1027 : vector<1x1x128xf32> to vector<1x128xf32>
      %add3A_1029 = vector.broadcast %get3A_1028 : vector<1x128xf32> to vector<128x128xf32>
      %add3A_1030 = arith.addf %get3A_1023, %add3A_1029 : vector<128x128xf32>
      %bitcast_convert_type3A_1031 = tpu.bitcast %add3A_1030 : vector<128x128xf32> -> vector<128x128xi32>
      %and3A_1032 = arith.constant -1024 : i32
      %and3A_1033 = vector.broadcast %and3A_1032 : i32 to vector<128x128xi32>
      %and3A_1034 = arith.andi %bitcast_convert_type3A_1031, %and3A_1033 : vector<128x128xi32>
      %or3A_1035 = arith.ori %and3A_1034, %add3A_17 : vector<128x128xi32>
      %bitcast_convert_type3A_1036 = tpu.bitcast %or3A_1035 : vector<128x128xi32> -> vector<128x128xf32>
      %get3A_1037 = arith.constant 896 : index
      %get3A_1038 = arith.constant 128 : index
      %get3A_1039 = vector.load %arg6[%get3A_1037, %get3A_1038] : memref<2048x1024xf32, #tpu.memory_space<vmem>>, vector<128x128xf32>
      %get3A_1040 = arith.constant 0 : index
      %get3A_1041 = arith.constant 0 : index
      %get3A_1042 = arith.constant 128 : index
      %get3A_1043 = vector.load %arg4[%get3A_1040, %get3A_1041, %get3A_1042] : memref<1x1x1024xf32, #tpu.memory_space<vmem>>, vector<1x1x128xf32>
      %get3A_1044 = vector.shape_cast %get3A_1043 : vector<1x1x128xf32> to vector<1x128xf32>
      %add3A_1045 = vector.broadcast %get3A_1044 : vector<1x128xf32> to vector<128x128xf32>
      %add3A_1046 = arith.addf %get3A_1039, %add3A_1045 : vector<128x128xf32>
      %bitcast_convert_type3A_1047 = tpu.bitcast %add3A_1046 : vector<128x128xf32> -> vector<128x128xi32>
      %and3A_1048 = arith.constant -1024 : i32
      %and3A_1049 = vector.broadcast %and3A_1048 : i32 to vector<128x128xi32>
      %and3A_1050 = arith.andi %bitcast_convert_type3A_1047, %and3A_1049 : vector<128x128xi32>
      %or3A_1051 = arith.ori %and3A_1050, %add3A_21 : vector<128x128xi32>
      %bitcast_convert_type3A_1052 = tpu.bitcast %or3A_1051 : vector<128x128xi32> -> vector<128x128xf32>
      %get3A_1053 = arith.constant 896 : index
      %get3A_1054 = arith.constant 256 : index
      %get3A_1055 = vector.load %arg6[%get3A_1053, %get3A_1054] : memref<2048x1024xf32, #tpu.memory_space<vmem>>, vector<128x128xf32>
      %get3A_1056 = arith.constant 0 : index
      %get3A_1057 = arith.constant 0 : index
      %get3A_1058 = arith.constant 256 : index
      %get3A_1059 = vector.load %arg4[%get3A_1056, %get3A_1057, %get3A_1058] : memref<1x1x1024xf32, #tpu.memory_space<vmem>>, vector<1x1x128xf32>
      %get3A_1060 = vector.shape_cast %get3A_1059 : vector<1x1x128xf32> to vector<1x128xf32>
      %add3A_1061 = vector.broadcast %get3A_1060 : vector<1x128xf32> to vector<128x128xf32>
      %add3A_1062 = arith.addf %get3A_1055, %add3A_1061 : vector<128x128xf32>
      %bitcast_convert_type3A_1063 = tpu.bitcast %add3A_1062 : vector<128x128xf32> -> vector<128x128xi32>
      %and3A_1064 = arith.constant -1024 : i32
      %and3A_1065 = vector.broadcast %and3A_1064 : i32 to vector<128x128xi32>
      %and3A_1066 = arith.andi %bitcast_convert_type3A_1063, %and3A_1065 : vector<128x128xi32>
      %or3A_1067 = arith.ori %and3A_1066, %add3A_25 : vector<128x128xi32>
      %bitcast_convert_type3A_1068 = tpu.bitcast %or3A_1067 : vector<128x128xi32> -> vector<128x128xf32>
      %get3A_1069 = arith.constant 896 : index
      %get3A_1070 = arith.constant 384 : index
      %get3A_1071 = vector.load %arg6[%get3A_1069, %get3A_1070] : memref<2048x1024xf32, #tpu.memory_space<vmem>>, vector<128x128xf32>
      %get3A_1072 = arith.constant 0 : index
      %get3A_1073 = arith.constant 0 : index
      %get3A_1074 = arith.constant 384 : index
      %get3A_1075 = vector.load %arg4[%get3A_1072, %get3A_1073, %get3A_1074] : memref<1x1x1024xf32, #tpu.memory_space<vmem>>, vector<1x1x128xf32>
      %get3A_1076 = vector.shape_cast %get3A_1075 : vector<1x1x128xf32> to vector<1x128xf32>
      %add3A_1077 = vector.broadcast %get3A_1076 : vector<1x128xf32> to vector<128x128xf32>
      %add3A_1078 = arith.addf %get3A_1071, %add3A_1077 : vector<128x128xf32>
      %bitcast_convert_type3A_1079 = tpu.bitcast %add3A_1078 : vector<128x128xf32> -> vector<128x128xi32>
      %and3A_1080 = arith.constant -1024 : i32
      %and3A_1081 = vector.broadcast %and3A_1080 : i32 to vector<128x128xi32>
      %and3A_1082 = arith.andi %bitcast_convert_type3A_1079, %and3A_1081 : vector<128x128xi32>
      %or3A_1083 = arith.ori %and3A_1082, %add3A_29 : vector<128x128xi32>
      %bitcast_convert_type3A_1084 = tpu.bitcast %or3A_1083 : vector<128x128xi32> -> vector<128x128xf32>
      %get3A_1085 = arith.constant 896 : index
      %get3A_1086 = arith.constant 512 : index
      %get3A_1087 = vector.load %arg6[%get3A_1085, %get3A_1086] : memref<2048x1024xf32, #tpu.memory_space<vmem>>, vector<128x128xf32>
      %get3A_1088 = arith.constant 0 : index
      %get3A_1089 = arith.constant 0 : index
      %get3A_1090 = arith.constant 512 : index
      %get3A_1091 = vector.load %arg4[%get3A_1088, %get3A_1089, %get3A_1090] : memref<1x1x1024xf32, #tpu.memory_space<vmem>>, vector<1x1x128xf32>
      %get3A_1092 = vector.shape_cast %get3A_1091 : vector<1x1x128xf32> to vector<1x128xf32>
      %add3A_1093 = vector.broadcast %get3A_1092 : vector<1x128xf32> to vector<128x128xf32>
      %add3A_1094 = arith.addf %get3A_1087, %add3A_1093 : vector<128x128xf32>
      %bitcast_convert_type3A_1095 = tpu.bitcast %add3A_1094 : vector<128x128xf32> -> vector<128x128xi32>
      %and3A_1096 = arith.constant -1024 : i32
      %and3A_1097 = vector.broadcast %and3A_1096 : i32 to vector<128x128xi32>
      %and3A_1098 = arith.andi %bitcast_convert_type3A_1095, %and3A_1097 : vector<128x128xi32>
      %or3A_1099 = arith.ori %and3A_1098, %add3A_33 : vector<128x128xi32>
      %bitcast_convert_type3A_1100 = tpu.bitcast %or3A_1099 : vector<128x128xi32> -> vector<128x128xf32>
      %get3A_1101 = arith.constant 896 : index
      %get3A_1102 = arith.constant 640 : index
      %get3A_1103 = vector.load %arg6[%get3A_1101, %get3A_1102] : memref<2048x1024xf32, #tpu.memory_space<vmem>>, vector<128x128xf32>
      %get3A_1104 = arith.constant 0 : index
      %get3A_1105 = arith.constant 0 : index
      %get3A_1106 = arith.constant 640 : index
      %get3A_1107 = vector.load %arg4[%get3A_1104, %get3A_1105, %get3A_1106] : memref<1x1x1024xf32, #tpu.memory_space<vmem>>, vector<1x1x128xf32>
      %get3A_1108 = vector.shape_cast %get3A_1107 : vector<1x1x128xf32> to vector<1x128xf32>
      %add3A_1109 = vector.broadcast %get3A_1108 : vector<1x128xf32> to vector<128x128xf32>
      %add3A_1110 = arith.addf %get3A_1103, %add3A_1109 : vector<128x128xf32>
      %bitcast_convert_type3A_1111 = tpu.bitcast %add3A_1110 : vector<128x128xf32> -> vector<128x128xi32>
      %and3A_1112 = arith.constant -1024 : i32
      %and3A_1113 = vector.broadcast %and3A_1112 : i32 to vector<128x128xi32>
      %and3A_1114 = arith.andi %bitcast_convert_type3A_1111, %and3A_1113 : vector<128x128xi32>
      %or3A_1115 = arith.ori %and3A_1114, %add3A_37 : vector<128x128xi32>
      %bitcast_convert_type3A_1116 = tpu.bitcast %or3A_1115 : vector<128x128xi32> -> vector<128x128xf32>
      %get3A_1117 = arith.constant 896 : index
      %get3A_1118 = arith.constant 768 : index
      %get3A_1119 = vector.load %arg6[%get3A_1117, %get3A_1118] : memref<2048x1024xf32, #tpu.memory_space<vmem>>, vector<128x128xf32>
      %get3A_1120 = arith.constant 0 : index
      %get3A_1121 = arith.constant 0 : index
      %get3A_1122 = arith.constant 768 : index
      %get3A_1123 = vector.load %arg4[%get3A_1120, %get3A_1121, %get3A_1122] : memref<1x1x1024xf32, #tpu.memory_space<vmem>>, vector<1x1x128xf32>
      %get3A_1124 = vector.shape_cast %get3A_1123 : vector<1x1x128xf32> to vector<1x128xf32>
      %add3A_1125 = vector.broadcast %get3A_1124 : vector<1x128xf32> to vector<128x128xf32>
      %add3A_1126 = arith.addf %get3A_1119, %add3A_1125 : vector<128x128xf32>
      %bitcast_convert_type3A_1127 = tpu.bitcast %add3A_1126 : vector<128x128xf32> -> vector<128x128xi32>
      %and3A_1128 = arith.constant -1024 : i32
      %and3A_1129 = vector.broadcast %and3A_1128 : i32 to vector<128x128xi32>
      %and3A_1130 = arith.andi %bitcast_convert_type3A_1127, %and3A_1129 : vector<128x128xi32>
      %or3A_1131 = arith.ori %and3A_1130, %add3A_41 : vector<128x128xi32>
      %bitcast_convert_type3A_1132 = tpu.bitcast %or3A_1131 : vector<128x128xi32> -> vector<128x128xf32>
      %get3A_1133 = arith.constant 896 : index
      %get3A_1134 = arith.constant 896 : index
      %get3A_1135 = vector.load %arg6[%get3A_1133, %get3A_1134] : memref<2048x1024xf32, #tpu.memory_space<vmem>>, vector<128x128xf32>
      %get3A_1136 = arith.constant 0 : index
      %get3A_1137 = arith.constant 0 : index
      %get3A_1138 = arith.constant 896 : index
      %get3A_1139 = vector.load %arg4[%get3A_1136, %get3A_1137, %get3A_1138] : memref<1x1x1024xf32, #tpu.memory_space<vmem>>, vector<1x1x128xf32>
      %get3A_1140 = vector.shape_cast %get3A_1139 : vector<1x1x128xf32> to vector<1x128xf32>
      %add3A_1141 = vector.broadcast %get3A_1140 : vector<1x128xf32> to vector<128x128xf32>
      %add3A_1142 = arith.addf %get3A_1135, %add3A_1141 : vector<128x128xf32>
      %bitcast_convert_type3A_1143 = tpu.bitcast %add3A_1142 : vector<128x128xf32> -> vector<128x128xi32>
      %and3A_1144 = arith.constant -1024 : i32
      %and3A_1145 = vector.broadcast %and3A_1144 : i32 to vector<128x128xi32>
      %and3A_1146 = arith.andi %bitcast_convert_type3A_1143, %and3A_1145 : vector<128x128xi32>
      %or3A_1147 = arith.ori %and3A_1146, %add3A_45 : vector<128x128xi32>
      %bitcast_convert_type3A_1148 = tpu.bitcast %or3A_1147 : vector<128x128xi32> -> vector<128x128xf32>
      %min3A_1149 = arith.minimumf %bitcast_convert_type3A_1036, %bitcast_convert_type3A_1052 : vector<128x128xf32>
      %min3A_1150 = arith.minimumf %bitcast_convert_type3A_1068, %bitcast_convert_type3A_1084 : vector<128x128xf32>
      %min3A_1151 = arith.minimumf %bitcast_convert_type3A_1100, %bitcast_convert_type3A_1116 : vector<128x128xf32>
      %min3A_1152 = arith.minimumf %bitcast_convert_type3A_1132, %bitcast_convert_type3A_1148 : vector<128x128xf32>
      %min3A_1153 = arith.minimumf %min3A_1149, %min3A_1150 : vector<128x128xf32>
      %min3A_1154 = arith.minimumf %min3A_1151, %min3A_1152 : vector<128x128xf32>
      %min3A_1155 = arith.minimumf %min3A_1153, %min3A_1154 : vector<128x128xf32>
      %reduce_min3A_1156 = arith.constant dense<0x7F800000> : vector<128xf32>
      %reduce_min3A_1157 = vector.multi_reduction <minimumf>, %min3A_1155, %reduce_min3A_1156 [1] : vector<128x128xf32> to vector<128xf32>
      %slice3A_1158 = vector.extract_strided_slice %get3A_12 {offsets = [512, 0], sizes = [128, 512], strides = [1, 1]} : vector<1024x512xbf16> to vector<128x512xbf16>
      %dot_general3A_1159 = arith.constant dense<0.000000e+00> : vector<2048x128xf32>
      %dot_general3A_1160 = tpu.matmul %get3A_9, %slice3A_1158, %dot_general3A_1159 {dimension_numbers = #tpu.dot_dimension_numbers<[1], [1], [0], [0], [0, 0, 1, 0], [], []>, transpose_lhs_hint = false} : vector<2048x512xbf16>, vector<128x512xbf16>, vector<2048x128xf32> -> vector<2048x128xf32>
      %swap3A_1161 = arith.constant 0 : index
      %swap3A_1162 = arith.constant 512 : index
      %swap3A_1163 = vector.load %arg7[%swap3A_1161, %swap3A_1162] : memref<2048x1024xf32, #tpu.memory_space<vmem>>, vector<2048x128xf32>
      tpu.vector_store %arg7[%swap3A_1161, %swap3A_1162], %dot_general3A_1160 {strides = array<i32>} : memref<2048x1024xf32, #tpu.memory_space<vmem>>, vector<2048x128xf32>,
      %get3A_1164 = arith.constant 1024 : index
      %get3A_1165 = arith.constant 0 : index
      %get3A_1166 = vector.load %arg6[%get3A_1164, %get3A_1165] : memref<2048x1024xf32, #tpu.memory_space<vmem>>, vector<128x128xf32>
      %get3A_1167 = arith.constant 0 : index
      %get3A_1168 = arith.constant 0 : index
      %get3A_1169 = arith.constant 0 : index
      %get3A_1170 = vector.load %arg4[%get3A_1167, %get3A_1168, %get3A_1169] : memref<1x1x1024xf32, #tpu.memory_space<vmem>>, vector<1x1x128xf32>
      %get3A_1171 = vector.shape_cast %get3A_1170 : vector<1x1x128xf32> to vector<1x128xf32>
      %add3A_1172 = vector.broadcast %get3A_1171 : vector<1x128xf32> to vector<128x128xf32>
      %add3A_1173 = arith.addf %get3A_1166, %add3A_1172 : vector<128x128xf32>
      %bitcast_convert_type3A_1174 = tpu.bitcast %add3A_1173 : vector<128x128xf32> -> vector<128x128xi32>
      %and3A_1175 = arith.constant -1024 : i32
      %and3A_1176 = vector.broadcast %and3A_1175 : i32 to vector<128x128xi32>
      %and3A_1177 = arith.andi %bitcast_convert_type3A_1174, %and3A_1176 : vector<128x128xi32>
      %or3A_1178 = arith.ori %and3A_1177, %add3A_17 : vector<128x128xi32>
      %bitcast_convert_type3A_1179 = tpu.bitcast %or3A_1178 : vector<128x128xi32> -> vector<128x128xf32>
      %get3A_1180 = arith.constant 1024 : index
      %get3A_1181 = arith.constant 128 : index
      %get3A_1182 = vector.load %arg6[%get3A_1180, %get3A_1181] : memref<2048x1024xf32, #tpu.memory_space<vmem>>, vector<128x128xf32>
      %get3A_1183 = arith.constant 0 : index
      %get3A_1184 = arith.constant 0 : index
      %get3A_1185 = arith.constant 128 : index
      %get3A_1186 = vector.load %arg4[%get3A_1183, %get3A_1184, %get3A_1185] : memref<1x1x1024xf32, #tpu.memory_space<vmem>>, vector<1x1x128xf32>
      %get3A_1187 = vector.shape_cast %get3A_1186 : vector<1x1x128xf32> to vector<1x128xf32>
      %add3A_1188 = vector.broadcast %get3A_1187 : vector<1x128xf32> to vector<128x128xf32>
      %add3A_1189 = arith.addf %get3A_1182, %add3A_1188 : vector<128x128xf32>
      %bitcast_convert_type3A_1190 = tpu.bitcast %add3A_1189 : vector<128x128xf32> -> vector<128x128xi32>
      %and3A_1191 = arith.constant -1024 : i32
      %and3A_1192 = vector.broadcast %and3A_1191 : i32 to vector<128x128xi32>
      %and3A_1193 = arith.andi %bitcast_convert_type3A_1190, %and3A_1192 : vector<128x128xi32>
      %or3A_1194 = arith.ori %and3A_1193, %add3A_21 : vector<128x128xi32>
      %bitcast_convert_type3A_1195 = tpu.bitcast %or3A_1194 : vector<128x128xi32> -> vector<128x128xf32>
      %get3A_1196 = arith.constant 1024 : index
      %get3A_1197 = arith.constant 256 : index
      %get3A_1198 = vector.load %arg6[%get3A_1196, %get3A_1197] : memref<2048x1024xf32, #tpu.memory_space<vmem>>, vector<128x128xf32>
      %get3A_1199 = arith.constant 0 : index
      %get3A_1200 = arith.constant 0 : index
      %get3A_1201 = arith.constant 256 : index
      %get3A_1202 = vector.load %arg4[%get3A_1199, %get3A_1200, %get3A_1201] : memref<1x1x1024xf32, #tpu.memory_space<vmem>>, vector<1x1x128xf32>
      %get3A_1203 = vector.shape_cast %get3A_1202 : vector<1x1x128xf32> to vector<1x128xf32>
      %add3A_1204 = vector.broadcast %get3A_1203 : vector<1x128xf32> to vector<128x128xf32>
      %add3A_1205 = arith.addf %get3A_1198, %add3A_1204 : vector<128x128xf32>
      %bitcast_convert_type3A_1206 = tpu.bitcast %add3A_1205 : vector<128x128xf32> -> vector<128x128xi32>
      %and3A_1207 = arith.constant -1024 : i32
      %and3A_1208 = vector.broadcast %and3A_1207 : i32 to vector<128x128xi32>
      %and3A_1209 = arith.andi %bitcast_convert_type3A_1206, %and3A_1208 : vector<128x128xi32>
      %or3A_1210 = arith.ori %and3A_1209, %add3A_25 : vector<128x128xi32>
      %bitcast_convert_type3A_1211 = tpu.bitcast %or3A_1210 : vector<128x128xi32> -> vector<128x128xf32>
      %get3A_1212 = arith.constant 1024 : index
      %get3A_1213 = arith.constant 384 : index
      %get3A_1214 = vector.load %arg6[%get3A_1212, %get3A_1213] : memref<2048x1024xf32, #tpu.memory_space<vmem>>, vector<128x128xf32>
      %get3A_1215 = arith.constant 0 : index
      %get3A_1216 = arith.constant 0 : index
      %get3A_1217 = arith.constant 384 : index
      %get3A_1218 = vector.load %arg4[%get3A_1215, %get3A_1216, %get3A_1217] : memref<1x1x1024xf32, #tpu.memory_space<vmem>>, vector<1x1x128xf32>
      %get3A_1219 = vector.shape_cast %get3A_1218 : vector<1x1x128xf32> to vector<1x128xf32>
      %add3A_1220 = vector.broadcast %get3A_1219 : vector<1x128xf32> to vector<128x128xf32>
      %add3A_1221 = arith.addf %get3A_1214, %add3A_1220 : vector<128x128xf32>
      %bitcast_convert_type3A_1222 = tpu.bitcast %add3A_1221 : vector<128x128xf32> -> vector<128x128xi32>
      %and3A_1223 = arith.constant -1024 : i32
      %and3A_1224 = vector.broadcast %and3A_1223 : i32 to vector<128x128xi32>
      %and3A_1225 = arith.andi %bitcast_convert_type3A_1222, %and3A_1224 : vector<128x128xi32>
      %or3A_1226 = arith.ori %and3A_1225, %add3A_29 : vector<128x128xi32>
      %bitcast_convert_type3A_1227 = tpu.bitcast %or3A_1226 : vector<128x128xi32> -> vector<128x128xf32>
      %get3A_1228 = arith.constant 1024 : index
      %get3A_1229 = arith.constant 512 : index
      %get3A_1230 = vector.load %arg6[%get3A_1228, %get3A_1229] : memref<2048x1024xf32, #tpu.memory_space<vmem>>, vector<128x128xf32>
      %get3A_1231 = arith.constant 0 : index
      %get3A_1232 = arith.constant 0 : index
      %get3A_1233 = arith.constant 512 : index
      %get3A_1234 = vector.load %arg4[%get3A_1231, %get3A_1232, %get3A_1233] : memref<1x1x1024xf32, #tpu.memory_space<vmem>>, vector<1x1x128xf32>
      %get3A_1235 = vector.shape_cast %get3A_1234 : vector<1x1x128xf32> to vector<1x128xf32>
      %add3A_1236 = vector.broadcast %get3A_1235 : vector<1x128xf32> to vector<128x128xf32>
      %add3A_1237 = arith.addf %get3A_1230, %add3A_1236 : vector<128x128xf32>
      %bitcast_convert_type3A_1238 = tpu.bitcast %add3A_1237 : vector<128x128xf32> -> vector<128x128xi32>
      %and3A_1239 = arith.constant -1024 : i32
      %and3A_1240 = vector.broadcast %and3A_1239 : i32 to vector<128x128xi32>
      %and3A_1241 = arith.andi %bitcast_convert_type3A_1238, %and3A_1240 : vector<128x128xi32>
      %or3A_1242 = arith.ori %and3A_1241, %add3A_33 : vector<128x128xi32>
      %bitcast_convert_type3A_1243 = tpu.bitcast %or3A_1242 : vector<128x128xi32> -> vector<128x128xf32>
      %get3A_1244 = arith.constant 1024 : index
      %get3A_1245 = arith.constant 640 : index
      %get3A_1246 = vector.load %arg6[%get3A_1244, %get3A_1245] : memref<2048x1024xf32, #tpu.memory_space<vmem>>, vector<128x128xf32>
      %get3A_1247 = arith.constant 0 : index
      %get3A_1248 = arith.constant 0 : index
      %get3A_1249 = arith.constant 640 : index
      %get3A_1250 = vector.load %arg4[%get3A_1247, %get3A_1248, %get3A_1249] : memref<1x1x1024xf32, #tpu.memory_space<vmem>>, vector<1x1x128xf32>
      %get3A_1251 = vector.shape_cast %get3A_1250 : vector<1x1x128xf32> to vector<1x128xf32>
      %add3A_1252 = vector.broadcast %get3A_1251 : vector<1x128xf32> to vector<128x128xf32>
      %add3A_1253 = arith.addf %get3A_1246, %add3A_1252 : vector<128x128xf32>
      %bitcast_convert_type3A_1254 = tpu.bitcast %add3A_1253 : vector<128x128xf32> -> vector<128x128xi32>
      %and3A_1255 = arith.constant -1024 : i32
      %and3A_1256 = vector.broadcast %and3A_1255 : i32 to vector<128x128xi32>
      %and3A_1257 = arith.andi %bitcast_convert_type3A_1254, %and3A_1256 : vector<128x128xi32>
      %or3A_1258 = arith.ori %and3A_1257, %add3A_37 : vector<128x128xi32>
      %bitcast_convert_type3A_1259 = tpu.bitcast %or3A_1258 : vector<128x128xi32> -> vector<128x128xf32>
      %get3A_1260 = arith.constant 1024 : index
      %get3A_1261 = arith.constant 768 : index
      %get3A_1262 = vector.load %arg6[%get3A_1260, %get3A_1261] : memref<2048x1024xf32, #tpu.memory_space<vmem>>, vector<128x128xf32>
      %get3A_1263 = arith.constant 0 : index
      %get3A_1264 = arith.constant 0 : index
      %get3A_1265 = arith.constant 768 : index
      %get3A_1266 = vector.load %arg4[%get3A_1263, %get3A_1264, %get3A_1265] : memref<1x1x1024xf32, #tpu.memory_space<vmem>>, vector<1x1x128xf32>
      %get3A_1267 = vector.shape_cast %get3A_1266 : vector<1x1x128xf32> to vector<1x128xf32>
      %add3A_1268 = vector.broadcast %get3A_1267 : vector<1x128xf32> to vector<128x128xf32>
      %add3A_1269 = arith.addf %get3A_1262, %add3A_1268 : vector<128x128xf32>
      %bitcast_convert_type3A_1270 = tpu.bitcast %add3A_1269 : vector<128x128xf32> -> vector<128x128xi32>
      %and3A_1271 = arith.constant -1024 : i32
      %and3A_1272 = vector.broadcast %and3A_1271 : i32 to vector<128x128xi32>
      %and3A_1273 = arith.andi %bitcast_convert_type3A_1270, %and3A_1272 : vector<128x128xi32>
      %or3A_1274 = arith.ori %and3A_1273, %add3A_41 : vector<128x128xi32>
      %bitcast_convert_type3A_1275 = tpu.bitcast %or3A_1274 : vector<128x128xi32> -> vector<128x128xf32>
      %get3A_1276 = arith.constant 1024 : index
      %get3A_1277 = arith.constant 896 : index
      %get3A_1278 = vector.load %arg6[%get3A_1276, %get3A_1277] : memref<2048x1024xf32, #tpu.memory_space<vmem>>, vector<128x128xf32>
      %get3A_1279 = arith.constant 0 : index
      %get3A_1280 = arith.constant 0 : index
      %get3A_1281 = arith.constant 896 : index
      %get3A_1282 = vector.load %arg4[%get3A_1279, %get3A_1280, %get3A_1281] : memref<1x1x1024xf32, #tpu.memory_space<vmem>>, vector<1x1x128xf32>
      %get3A_1283 = vector.shape_cast %get3A_1282 : vector<1x1x128xf32> to vector<1x128xf32>
      %add3A_1284 = vector.broadcast %get3A_1283 : vector<1x128xf32> to vector<128x128xf32>
      %add3A_1285 = arith.addf %get3A_1278, %add3A_1284 : vector<128x128xf32>
      %bitcast_convert_type3A_1286 = tpu.bitcast %add3A_1285 : vector<128x128xf32> -> vector<128x128xi32>
      %and3A_1287 = arith.constant -1024 : i32
      %and3A_1288 = vector.broadcast %and3A_1287 : i32 to vector<128x128xi32>
      %and3A_1289 = arith.andi %bitcast_convert_type3A_1286, %and3A_1288 : vector<128x128xi32>
      %or3A_1290 = arith.ori %and3A_1289, %add3A_45 : vector<128x128xi32>
      %bitcast_convert_type3A_1291 = tpu.bitcast %or3A_1290 : vector<128x128xi32> -> vector<128x128xf32>
      %min3A_1292 = arith.minimumf %bitcast_convert_type3A_1179, %bitcast_convert_type3A_1195 : vector<128x128xf32>
      %min3A_1293 = arith.minimumf %bitcast_convert_type3A_1211, %bitcast_convert_type3A_1227 : vector<128x128xf32>
      %min3A_1294 = arith.minimumf %bitcast_convert_type3A_1243, %bitcast_convert_type3A_1259 : vector<128x128xf32>
      %min3A_1295 = arith.minimumf %bitcast_convert_type3A_1275, %bitcast_convert_type3A_1291 : vector<128x128xf32>
      %min3A_1296 = arith.minimumf %min3A_1292, %min3A_1293 : vector<128x128xf32>
      %min3A_1297 = arith.minimumf %min3A_1294, %min3A_1295 : vector<128x128xf32>
      %min3A_1298 = arith.minimumf %min3A_1296, %min3A_1297 : vector<128x128xf32>
      %reduce_min3A_1299 = arith.constant dense<0x7F800000> : vector<128xf32>
      %reduce_min3A_1300 = vector.multi_reduction <minimumf>, %min3A_1298, %reduce_min3A_1299 [1] : vector<128x128xf32> to vector<128xf32>
      %get3A_1301 = arith.constant 1152 : index
      %get3A_1302 = arith.constant 0 : index
      %get3A_1303 = vector.load %arg6[%get3A_1301, %get3A_1302] : memref<2048x1024xf32, #tpu.memory_space<vmem>>, vector<128x128xf32>
      %get3A_1304 = arith.constant 0 : index
      %get3A_1305 = arith.constant 0 : index
      %get3A_1306 = arith.constant 0 : index
      %get3A_1307 = vector.load %arg4[%get3A_1304, %get3A_1305, %get3A_1306] : memref<1x1x1024xf32, #tpu.memory_space<vmem>>, vector<1x1x128xf32>
      %get3A_1308 = vector.shape_cast %get3A_1307 : vector<1x1x128xf32> to vector<1x128xf32>
      %add3A_1309 = vector.broadcast %get3A_1308 : vector<1x128xf32> to vector<128x128xf32>
      %add3A_1310 = arith.addf %get3A_1303, %add3A_1309 : vector<128x128xf32>
      %bitcast_convert_type3A_1311 = tpu.bitcast %add3A_1310 : vector<128x128xf32> -> vector<128x128xi32>
      %and3A_1312 = arith.constant -1024 : i32
      %and3A_1313 = vector.broadcast %and3A_1312 : i32 to vector<128x128xi32>
      %and3A_1314 = arith.andi %bitcast_convert_type3A_1311, %and3A_1313 : vector<128x128xi32>
      %or3A_1315 = arith.ori %and3A_1314, %add3A_17 : vector<128x128xi32>
      %bitcast_convert_type3A_1316 = tpu.bitcast %or3A_1315 : vector<128x128xi32> -> vector<128x128xf32>
      %get3A_1317 = arith.constant 1152 : index
      %get3A_1318 = arith.constant 128 : index
      %get3A_1319 = vector.load %arg6[%get3A_1317, %get3A_1318] : memref<2048x1024xf32, #tpu.memory_space<vmem>>, vector<128x128xf32>
      %get3A_1320 = arith.constant 0 : index
      %get3A_1321 = arith.constant 0 : index
      %get3A_1322 = arith.constant 128 : index
      %get3A_1323 = vector.load %arg4[%get3A_1320, %get3A_1321, %get3A_1322] : memref<1x1x1024xf32, #tpu.memory_space<vmem>>, vector<1x1x128xf32>
      %get3A_1324 = vector.shape_cast %get3A_1323 : vector<1x1x128xf32> to vector<1x128xf32>
      %add3A_1325 = vector.broadcast %get3A_1324 : vector<1x128xf32> to vector<128x128xf32>
      %add3A_1326 = arith.addf %get3A_1319, %add3A_1325 : vector<128x128xf32>
      %bitcast_convert_type3A_1327 = tpu.bitcast %add3A_1326 : vector<128x128xf32> -> vector<128x128xi32>
      %and3A_1328 = arith.constant -1024 : i32
      %and3A_1329 = vector.broadcast %and3A_1328 : i32 to vector<128x128xi32>
      %and3A_1330 = arith.andi %bitcast_convert_type3A_1327, %and3A_1329 : vector<128x128xi32>
      %or3A_1331 = arith.ori %and3A_1330, %add3A_21 : vector<128x128xi32>
      %bitcast_convert_type3A_1332 = tpu.bitcast %or3A_1331 : vector<128x128xi32> -> vector<128x128xf32>
      %get3A_1333 = arith.constant 1152 : index
      %get3A_1334 = arith.constant 256 : index
      %get3A_1335 = vector.load %arg6[%get3A_1333, %get3A_1334] : memref<2048x1024xf32, #tpu.memory_space<vmem>>, vector<128x128xf32>
      %get3A_1336 = arith.constant 0 : index
      %get3A_1337 = arith.constant 0 : index
      %get3A_1338 = arith.constant 256 : index
      %get3A_1339 = vector.load %arg4[%get3A_1336, %get3A_1337, %get3A_1338] : memref<1x1x1024xf32, #tpu.memory_space<vmem>>, vector<1x1x128xf32>
      %get3A_1340 = vector.shape_cast %get3A_1339 : vector<1x1x128xf32> to vector<1x128xf32>
      %add3A_1341 = vector.broadcast %get3A_1340 : vector<1x128xf32> to vector<128x128xf32>
      %add3A_1342 = arith.addf %get3A_1335, %add3A_1341 : vector<128x128xf32>
      %bitcast_convert_type3A_1343 = tpu.bitcast %add3A_1342 : vector<128x128xf32> -> vector<128x128xi32>
      %and3A_1344 = arith.constant -1024 : i32
      %and3A_1345 = vector.broadcast %and3A_1344 : i32 to vector<128x128xi32>
      %and3A_1346 = arith.andi %bitcast_convert_type3A_1343, %and3A_1345 : vector<128x128xi32>
      %or3A_1347 = arith.ori %and3A_1346, %add3A_25 : vector<128x128xi32>
      %bitcast_convert_type3A_1348 = tpu.bitcast %or3A_1347 : vector<128x128xi32> -> vector<128x128xf32>
      %get3A_1349 = arith.constant 1152 : index
      %get3A_1350 = arith.constant 384 : index
      %get3A_1351 = vector.load %arg6[%get3A_1349, %get3A_1350] : memref<2048x1024xf32, #tpu.memory_space<vmem>>, vector<128x128xf32>
      %get3A_1352 = arith.constant 0 : index
      %get3A_1353 = arith.constant 0 : index
      %get3A_1354 = arith.constant 384 : index
      %get3A_1355 = vector.load %arg4[%get3A_1352, %get3A_1353, %get3A_1354] : memref<1x1x1024xf32, #tpu.memory_space<vmem>>, vector<1x1x128xf32>
      %get3A_1356 = vector.shape_cast %get3A_1355 : vector<1x1x128xf32> to vector<1x128xf32>
      %add3A_1357 = vector.broadcast %get3A_1356 : vector<1x128xf32> to vector<128x128xf32>
      %add3A_1358 = arith.addf %get3A_1351, %add3A_1357 : vector<128x128xf32>
      %bitcast_convert_type3A_1359 = tpu.bitcast %add3A_1358 : vector<128x128xf32> -> vector<128x128xi32>
      %and3A_1360 = arith.constant -1024 : i32
      %and3A_1361 = vector.broadcast %and3A_1360 : i32 to vector<128x128xi32>
      %and3A_1362 = arith.andi %bitcast_convert_type3A_1359, %and3A_1361 : vector<128x128xi32>
      %or3A_1363 = arith.ori %and3A_1362, %add3A_29 : vector<128x128xi32>
      %bitcast_convert_type3A_1364 = tpu.bitcast %or3A_1363 : vector<128x128xi32> -> vector<128x128xf32>
      %get3A_1365 = arith.constant 1152 : index
      %get3A_1366 = arith.constant 512 : index
      %get3A_1367 = vector.load %arg6[%get3A_1365, %get3A_1366] : memref<2048x1024xf32, #tpu.memory_space<vmem>>, vector<128x128xf32>
      %get3A_1368 = arith.constant 0 : index
      %get3A_1369 = arith.constant 0 : index
      %get3A_1370 = arith.constant 512 : index
      %get3A_1371 = vector.load %arg4[%get3A_1368, %get3A_1369, %get3A_1370] : memref<1x1x1024xf32, #tpu.memory_space<vmem>>, vector<1x1x128xf32>
      %get3A_1372 = vector.shape_cast %get3A_1371 : vector<1x1x128xf32> to vector<1x128xf32>
      %add3A_1373 = vector.broadcast %get3A_1372 : vector<1x128xf32> to vector<128x128xf32>
      %add3A_1374 = arith.addf %get3A_1367, %add3A_1373 : vector<128x128xf32>
      %bitcast_convert_type3A_1375 = tpu.bitcast %add3A_1374 : vector<128x128xf32> -> vector<128x128xi32>
      %and3A_1376 = arith.constant -1024 : i32
      %and3A_1377 = vector.broadcast %and3A_1376 : i32 to vector<128x128xi32>
      %and3A_1378 = arith.andi %bitcast_convert_type3A_1375, %and3A_1377 : vector<128x128xi32>
      %or3A_1379 = arith.ori %and3A_1378, %add3A_33 : vector<128x128xi32>
      %bitcast_convert_type3A_1380 = tpu.bitcast %or3A_1379 : vector<128x128xi32> -> vector<128x128xf32>
      %get3A_1381 = arith.constant 1152 : index
      %get3A_1382 = arith.constant 640 : index
      %get3A_1383 = vector.load %arg6[%get3A_1381, %get3A_1382] : memref<2048x1024xf32, #tpu.memory_space<vmem>>, vector<128x128xf32>
      %get3A_1384 = arith.constant 0 : index
      %get3A_1385 = arith.constant 0 : index
      %get3A_1386 = arith.constant 640 : index
      %get3A_1387 = vector.load %arg4[%get3A_1384, %get3A_1385, %get3A_1386] : memref<1x1x1024xf32, #tpu.memory_space<vmem>>, vector<1x1x128xf32>
      %get3A_1388 = vector.shape_cast %get3A_1387 : vector<1x1x128xf32> to vector<1x128xf32>
      %add3A_1389 = vector.broadcast %get3A_1388 : vector<1x128xf32> to vector<128x128xf32>
      %add3A_1390 = arith.addf %get3A_1383, %add3A_1389 : vector<128x128xf32>
      %bitcast_convert_type3A_1391 = tpu.bitcast %add3A_1390 : vector<128x128xf32> -> vector<128x128xi32>
      %and3A_1392 = arith.constant -1024 : i32
      %and3A_1393 = vector.broadcast %and3A_1392 : i32 to vector<128x128xi32>
      %and3A_1394 = arith.andi %bitcast_convert_type3A_1391, %and3A_1393 : vector<128x128xi32>
      %or3A_1395 = arith.ori %and3A_1394, %add3A_37 : vector<128x128xi32>
      %bitcast_convert_type3A_1396 = tpu.bitcast %or3A_1395 : vector<128x128xi32> -> vector<128x128xf32>
      %get3A_1397 = arith.constant 1152 : index
      %get3A_1398 = arith.constant 768 : index
      %get3A_1399 = vector.load %arg6[%get3A_1397, %get3A_1398] : memref<2048x1024xf32, #tpu.memory_space<vmem>>, vector<128x128xf32>
      %get3A_1400 = arith.constant 0 : index
      %get3A_1401 = arith.constant 0 : index
      %get3A_1402 = arith.constant 768 : index
      %get3A_1403 = vector.load %arg4[%get3A_1400, %get3A_1401, %get3A_1402] : memref<1x1x1024xf32, #tpu.memory_space<vmem>>, vector<1x1x128xf32>
      %get3A_1404 = vector.shape_cast %get3A_1403 : vector<1x1x128xf32> to vector<1x128xf32>
      %add3A_1405 = vector.broadcast %get3A_1404 : vector<1x128xf32> to vector<128x128xf32>
      %add3A_1406 = arith.addf %get3A_1399, %add3A_1405 : vector<128x128xf32>
      %bitcast_convert_type3A_1407 = tpu.bitcast %add3A_1406 : vector<128x128xf32> -> vector<128x128xi32>
      %and3A_1408 = arith.constant -1024 : i32
      %and3A_1409 = vector.broadcast %and3A_1408 : i32 to vector<128x128xi32>
      %and3A_1410 = arith.andi %bitcast_convert_type3A_1407, %and3A_1409 : vector<128x128xi32>
      %or3A_1411 = arith.ori %and3A_1410, %add3A_41 : vector<128x128xi32>
      %bitcast_convert_type3A_1412 = tpu.bitcast %or3A_1411 : vector<128x128xi32> -> vector<128x128xf32>
      %get3A_1413 = arith.constant 1152 : index
      %get3A_1414 = arith.constant 896 : index
      %get3A_1415 = vector.load %arg6[%get3A_1413, %get3A_1414] : memref<2048x1024xf32, #tpu.memory_space<vmem>>, vector<128x128xf32>
      %get3A_1416 = arith.constant 0 : index
      %get3A_1417 = arith.constant 0 : index
      %get3A_1418 = arith.constant 896 : index
      %get3A_1419 = vector.load %arg4[%get3A_1416, %get3A_1417, %get3A_1418] : memref<1x1x1024xf32, #tpu.memory_space<vmem>>, vector<1x1x128xf32>
      %get3A_1420 = vector.shape_cast %get3A_1419 : vector<1x1x128xf32> to vector<1x128xf32>
      %add3A_1421 = vector.broadcast %get3A_1420 : vector<1x128xf32> to vector<128x128xf32>
      %add3A_1422 = arith.addf %get3A_1415, %add3A_1421 : vector<128x128xf32>
      %bitcast_convert_type3A_1423 = tpu.bitcast %add3A_1422 : vector<128x128xf32> -> vector<128x128xi32>
      %and3A_1424 = arith.constant -1024 : i32
      %and3A_1425 = vector.broadcast %and3A_1424 : i32 to vector<128x128xi32>
      %and3A_1426 = arith.andi %bitcast_convert_type3A_1423, %and3A_1425 : vector<128x128xi32>
      %or3A_1427 = arith.ori %and3A_1426, %add3A_45 : vector<128x128xi32>
      %bitcast_convert_type3A_1428 = tpu.bitcast %or3A_1427 : vector<128x128xi32> -> vector<128x128xf32>
      %min3A_1429 = arith.minimumf %bitcast_convert_type3A_1316, %bitcast_convert_type3A_1332 : vector<128x128xf32>
      %min3A_1430 = arith.minimumf %bitcast_convert_type3A_1348, %bitcast_convert_type3A_1364 : vector<128x128xf32>
      %min3A_1431 = arith.minimumf %bitcast_convert_type3A_1380, %bitcast_convert_type3A_1396 : vector<128x128xf32>
      %min3A_1432 = arith.minimumf %bitcast_convert_type3A_1412, %bitcast_convert_type3A_1428 : vector<128x128xf32>
      %min3A_1433 = arith.minimumf %min3A_1429, %min3A_1430 : vector<128x128xf32>
      %min3A_1434 = arith.minimumf %min3A_1431, %min3A_1432 : vector<128x128xf32>
      %min3A_1435 = arith.minimumf %min3A_1433, %min3A_1434 : vector<128x128xf32>
      %reduce_min3A_1436 = arith.constant dense<0x7F800000> : vector<128xf32>
      %reduce_min3A_1437 = vector.multi_reduction <minimumf>, %min3A_1435, %reduce_min3A_1436 [1] : vector<128x128xf32> to vector<128xf32>
      %slice3A_1438 = vector.extract_strided_slice %get3A_12 {offsets = [640, 0], sizes = [128, 512], strides = [1, 1]} : vector<1024x512xbf16> to vector<128x512xbf16>
      %dot_general3A_1439 = arith.constant dense<0.000000e+00> : vector<2048x128xf32>
      %dot_general3A_1440 = tpu.matmul %get3A_9, %slice3A_1438, %dot_general3A_1439 {dimension_numbers = #tpu.dot_dimension_numbers<[1], [1], [0], [0], [0, 0, 1, 0], [], []>, transpose_lhs_hint = false} : vector<2048x512xbf16>, vector<128x512xbf16>, vector<2048x128xf32> -> vector<2048x128xf32>
      %swap3A_1441 = arith.constant 0 : index
      %swap3A_1442 = arith.constant 640 : index
      %swap3A_1443 = vector.load %arg7[%swap3A_1441, %swap3A_1442] : memref<2048x1024xf32, #tpu.memory_space<vmem>>, vector<2048x128xf32>
      tpu.vector_store %arg7[%swap3A_1441, %swap3A_1442], %dot_general3A_1440 {strides = array<i32>} : memref<2048x1024xf32, #tpu.memory_space<vmem>>, vector<2048x128xf32>,
      %get3A_1444 = arith.constant 1280 : index
      %get3A_1445 = arith.constant 0 : index
      %get3A_1446 = vector.load %arg6[%get3A_1444, %get3A_1445] : memref<2048x1024xf32, #tpu.memory_space<vmem>>, vector<128x128xf32>
      %get3A_1447 = arith.constant 0 : index
      %get3A_1448 = arith.constant 0 : index
      %get3A_1449 = arith.constant 0 : index
      %get3A_1450 = vector.load %arg4[%get3A_1447, %get3A_1448, %get3A_1449] : memref<1x1x1024xf32, #tpu.memory_space<vmem>>, vector<1x1x128xf32>
      %get3A_1451 = vector.shape_cast %get3A_1450 : vector<1x1x128xf32> to vector<1x128xf32>
      %add3A_1452 = vector.broadcast %get3A_1451 : vector<1x128xf32> to vector<128x128xf32>
      %add3A_1453 = arith.addf %get3A_1446, %add3A_1452 : vector<128x128xf32>
      %bitcast_convert_type3A_1454 = tpu.bitcast %add3A_1453 : vector<128x128xf32> -> vector<128x128xi32>
      %and3A_1455 = arith.constant -1024 : i32
      %and3A_1456 = vector.broadcast %and3A_1455 : i32 to vector<128x128xi32>
      %and3A_1457 = arith.andi %bitcast_convert_type3A_1454, %and3A_1456 : vector<128x128xi32>
      %or3A_1458 = arith.ori %and3A_1457, %add3A_17 : vector<128x128xi32>
      %bitcast_convert_type3A_1459 = tpu.bitcast %or3A_1458 : vector<128x128xi32> -> vector<128x128xf32>
      %get3A_1460 = arith.constant 1280 : index
      %get3A_1461 = arith.constant 128 : index
      %get3A_1462 = vector.load %arg6[%get3A_1460, %get3A_1461] : memref<2048x1024xf32, #tpu.memory_space<vmem>>, vector<128x128xf32>
      %get3A_1463 = arith.constant 0 : index
      %get3A_1464 = arith.constant 0 : index
      %get3A_1465 = arith.constant 128 : index
      %get3A_1466 = vector.load %arg4[%get3A_1463, %get3A_1464, %get3A_1465] : memref<1x1x1024xf32, #tpu.memory_space<vmem>>, vector<1x1x128xf32>
      %get3A_1467 = vector.shape_cast %get3A_1466 : vector<1x1x128xf32> to vector<1x128xf32>
      %add3A_1468 = vector.broadcast %get3A_1467 : vector<1x128xf32> to vector<128x128xf32>
      %add3A_1469 = arith.addf %get3A_1462, %add3A_1468 : vector<128x128xf32>
      %bitcast_convert_type3A_1470 = tpu.bitcast %add3A_1469 : vector<128x128xf32> -> vector<128x128xi32>
      %and3A_1471 = arith.constant -1024 : i32
      %and3A_1472 = vector.broadcast %and3A_1471 : i32 to vector<128x128xi32>
      %and3A_1473 = arith.andi %bitcast_convert_type3A_1470, %and3A_1472 : vector<128x128xi32>
      %or3A_1474 = arith.ori %and3A_1473, %add3A_21 : vector<128x128xi32>
      %bitcast_convert_type3A_1475 = tpu.bitcast %or3A_1474 : vector<128x128xi32> -> vector<128x128xf32>
      %get3A_1476 = arith.constant 1280 : index
      %get3A_1477 = arith.constant 256 : index
      %get3A_1478 = vector.load %arg6[%get3A_1476, %get3A_1477] : memref<2048x1024xf32, #tpu.memory_space<vmem>>, vector<128x128xf32>
      %get3A_1479 = arith.constant 0 : index
      %get3A_1480 = arith.constant 0 : index
      %get3A_1481 = arith.constant 256 : index
      %get3A_1482 = vector.load %arg4[%get3A_1479, %get3A_1480, %get3A_1481] : memref<1x1x1024xf32, #tpu.memory_space<vmem>>, vector<1x1x128xf32>
      %get3A_1483 = vector.shape_cast %get3A_1482 : vector<1x1x128xf32> to vector<1x128xf32>
      %add3A_1484 = vector.broadcast %get3A_1483 : vector<1x128xf32> to vector<128x128xf32>
      %add3A_1485 = arith.addf %get3A_1478, %add3A_1484 : vector<128x128xf32>
      %bitcast_convert_type3A_1486 = tpu.bitcast %add3A_1485 : vector<128x128xf32> -> vector<128x128xi32>
      %and3A_1487 = arith.constant -1024 : i32
      %and3A_1488 = vector.broadcast %and3A_1487 : i32 to vector<128x128xi32>
      %and3A_1489 = arith.andi %bitcast_convert_type3A_1486, %and3A_1488 : vector<128x128xi32>
      %or3A_1490 = arith.ori %and3A_1489, %add3A_25 : vector<128x128xi32>
      %bitcast_convert_type3A_1491 = tpu.bitcast %or3A_1490 : vector<128x128xi32> -> vector<128x128xf32>
      %get3A_1492 = arith.constant 1280 : index
      %get3A_1493 = arith.constant 384 : index
      %get3A_1494 = vector.load %arg6[%get3A_1492, %get3A_1493] : memref<2048x1024xf32, #tpu.memory_space<vmem>>, vector<128x128xf32>
      %get3A_1495 = arith.constant 0 : index
      %get3A_1496 = arith.constant 0 : index
      %get3A_1497 = arith.constant 384 : index
      %get3A_1498 = vector.load %arg4[%get3A_1495, %get3A_1496, %get3A_1497] : memref<1x1x1024xf32, #tpu.memory_space<vmem>>, vector<1x1x128xf32>
      %get3A_1499 = vector.shape_cast %get3A_1498 : vector<1x1x128xf32> to vector<1x128xf32>
      %add3A_1500 = vector.broadcast %get3A_1499 : vector<1x128xf32> to vector<128x128xf32>
      %add3A_1501 = arith.addf %get3A_1494, %add3A_1500 : vector<128x128xf32>
      %bitcast_convert_type3A_1502 = tpu.bitcast %add3A_1501 : vector<128x128xf32> -> vector<128x128xi32>
      %and3A_1503 = arith.constant -1024 : i32
      %and3A_1504 = vector.broadcast %and3A_1503 : i32 to vector<128x128xi32>
      %and3A_1505 = arith.andi %bitcast_convert_type3A_1502, %and3A_1504 : vector<128x128xi32>
      %or3A_1506 = arith.ori %and3A_1505, %add3A_29 : vector<128x128xi32>
      %bitcast_convert_type3A_1507 = tpu.bitcast %or3A_1506 : vector<128x128xi32> -> vector<128x128xf32>
      %get3A_1508 = arith.constant 1280 : index
      %get3A_1509 = arith.constant 512 : index
      %get3A_1510 = vector.load %arg6[%get3A_1508, %get3A_1509] : memref<2048x1024xf32, #tpu.memory_space<vmem>>, vector<128x128xf32>
      %get3A_1511 = arith.constant 0 : index
      %get3A_1512 = arith.constant 0 : index
      %get3A_1513 = arith.constant 512 : index
      %get3A_1514 = vector.load %arg4[%get3A_1511, %get3A_1512, %get3A_1513] : memref<1x1x1024xf32, #tpu.memory_space<vmem>>, vector<1x1x128xf32>
      %get3A_1515 = vector.shape_cast %get3A_1514 : vector<1x1x128xf32> to vector<1x128xf32>
      %add3A_1516 = vector.broadcast %get3A_1515 : vector<1x128xf32> to vector<128x128xf32>
      %add3A_1517 = arith.addf %get3A_1510, %add3A_1516 : vector<128x128xf32>
      %bitcast_convert_type3A_1518 = tpu.bitcast %add3A_1517 : vector<128x128xf32> -> vector<128x128xi32>
      %and3A_1519 = arith.constant -1024 : i32
      %and3A_1520 = vector.broadcast %and3A_1519 : i32 to vector<128x128xi32>
      %and3A_1521 = arith.andi %bitcast_convert_type3A_1518, %and3A_1520 : vector<128x128xi32>
      %or3A_1522 = arith.ori %and3A_1521, %add3A_33 : vector<128x128xi32>
      %bitcast_convert_type3A_1523 = tpu.bitcast %or3A_1522 : vector<128x128xi32> -> vector<128x128xf32>
      %get3A_1524 = arith.constant 1280 : index
      %get3A_1525 = arith.constant 640 : index
      %get3A_1526 = vector.load %arg6[%get3A_1524, %get3A_1525] : memref<2048x1024xf32, #tpu.memory_space<vmem>>, vector<128x128xf32>
      %get3A_1527 = arith.constant 0 : index
      %get3A_1528 = arith.constant 0 : index
      %get3A_1529 = arith.constant 640 : index
      %get3A_1530 = vector.load %arg4[%get3A_1527, %get3A_1528, %get3A_1529] : memref<1x1x1024xf32, #tpu.memory_space<vmem>>, vector<1x1x128xf32>
      %get3A_1531 = vector.shape_cast %get3A_1530 : vector<1x1x128xf32> to vector<1x128xf32>
      %add3A_1532 = vector.broadcast %get3A_1531 : vector<1x128xf32> to vector<128x128xf32>
      %add3A_1533 = arith.addf %get3A_1526, %add3A_1532 : vector<128x128xf32>
      %bitcast_convert_type3A_1534 = tpu.bitcast %add3A_1533 : vector<128x128xf32> -> vector<128x128xi32>
      %and3A_1535 = arith.constant -1024 : i32
      %and3A_1536 = vector.broadcast %and3A_1535 : i32 to vector<128x128xi32>
      %and3A_1537 = arith.andi %bitcast_convert_type3A_1534, %and3A_1536 : vector<128x128xi32>
      %or3A_1538 = arith.ori %and3A_1537, %add3A_37 : vector<128x128xi32>
      %bitcast_convert_type3A_1539 = tpu.bitcast %or3A_1538 : vector<128x128xi32> -> vector<128x128xf32>
      %get3A_1540 = arith.constant 1280 : index
      %get3A_1541 = arith.constant 768 : index
      %get3A_1542 = vector.load %arg6[%get3A_1540, %get3A_1541] : memref<2048x1024xf32, #tpu.memory_space<vmem>>, vector<128x128xf32>
      %get3A_1543 = arith.constant 0 : index
      %get3A_1544 = arith.constant 0 : index
      %get3A_1545 = arith.constant 768 : index
      %get3A_1546 = vector.load %arg4[%get3A_1543, %get3A_1544, %get3A_1545] : memref<1x1x1024xf32, #tpu.memory_space<vmem>>, vector<1x1x128xf32>
      %get3A_1547 = vector.shape_cast %get3A_1546 : vector<1x1x128xf32> to vector<1x128xf32>
      %add3A_1548 = vector.broadcast %get3A_1547 : vector<1x128xf32> to vector<128x128xf32>
      %add3A_1549 = arith.addf %get3A_1542, %add3A_1548 : vector<128x128xf32>
      %bitcast_convert_type3A_1550 = tpu.bitcast %add3A_1549 : vector<128x128xf32> -> vector<128x128xi32>
      %and3A_1551 = arith.constant -1024 : i32
      %and3A_1552 = vector.broadcast %and3A_1551 : i32 to vector<128x128xi32>
      %and3A_1553 = arith.andi %bitcast_convert_type3A_1550, %and3A_1552 : vector<128x128xi32>
      %or3A_1554 = arith.ori %and3A_1553, %add3A_41 : vector<128x128xi32>
      %bitcast_convert_type3A_1555 = tpu.bitcast %or3A_1554 : vector<128x128xi32> -> vector<128x128xf32>
      %get3A_1556 = arith.constant 1280 : index
      %get3A_1557 = arith.constant 896 : index
      %get3A_1558 = vector.load %arg6[%get3A_1556, %get3A_1557] : memref<2048x1024xf32, #tpu.memory_space<vmem>>, vector<128x128xf32>
      %get3A_1559 = arith.constant 0 : index
      %get3A_1560 = arith.constant 0 : index
      %get3A_1561 = arith.constant 896 : index
      %get3A_1562 = vector.load %arg4[%get3A_1559, %get3A_1560, %get3A_1561] : memref<1x1x1024xf32, #tpu.memory_space<vmem>>, vector<1x1x128xf32>
      %get3A_1563 = vector.shape_cast %get3A_1562 : vector<1x1x128xf32> to vector<1x128xf32>
      %add3A_1564 = vector.broadcast %get3A_1563 : vector<1x128xf32> to vector<128x128xf32>
      %add3A_1565 = arith.addf %get3A_1558, %add3A_1564 : vector<128x128xf32>
      %bitcast_convert_type3A_1566 = tpu.bitcast %add3A_1565 : vector<128x128xf32> -> vector<128x128xi32>
      %and3A_1567 = arith.constant -1024 : i32
      %and3A_1568 = vector.broadcast %and3A_1567 : i32 to vector<128x128xi32>
      %and3A_1569 = arith.andi %bitcast_convert_type3A_1566, %and3A_1568 : vector<128x128xi32>
      %or3A_1570 = arith.ori %and3A_1569, %add3A_45 : vector<128x128xi32>
      %bitcast_convert_type3A_1571 = tpu.bitcast %or3A_1570 : vector<128x128xi32> -> vector<128x128xf32>
      %min3A_1572 = arith.minimumf %bitcast_convert_type3A_1459, %bitcast_convert_type3A_1475 : vector<128x128xf32>
      %min3A_1573 = arith.minimumf %bitcast_convert_type3A_1491, %bitcast_convert_type3A_1507 : vector<128x128xf32>
      %min3A_1574 = arith.minimumf %bitcast_convert_type3A_1523, %bitcast_convert_type3A_1539 : vector<128x128xf32>
      %min3A_1575 = arith.minimumf %bitcast_convert_type3A_1555, %bitcast_convert_type3A_1571 : vector<128x128xf32>
      %min3A_1576 = arith.minimumf %min3A_1572, %min3A_1573 : vector<128x128xf32>
      %min3A_1577 = arith.minimumf %min3A_1574, %min3A_1575 : vector<128x128xf32>
      %min3A_1578 = arith.minimumf %min3A_1576, %min3A_1577 : vector<128x128xf32>
      %reduce_min3A_1579 = arith.constant dense<0x7F800000> : vector<128xf32>
      %reduce_min3A_1580 = vector.multi_reduction <minimumf>, %min3A_1578, %reduce_min3A_1579 [1] : vector<128x128xf32> to vector<128xf32>
      %get3A_1581 = arith.constant 1408 : index
      %get3A_1582 = arith.constant 0 : index
      %get3A_1583 = vector.load %arg6[%get3A_1581, %get3A_1582] : memref<2048x1024xf32, #tpu.memory_space<vmem>>, vector<128x128xf32>
      %get3A_1584 = arith.constant 0 : index
      %get3A_1585 = arith.constant 0 : index
      %get3A_1586 = arith.constant 0 : index
      %get3A_1587 = vector.load %arg4[%get3A_1584, %get3A_1585, %get3A_1586] : memref<1x1x1024xf32, #tpu.memory_space<vmem>>, vector<1x1x128xf32>
      %get3A_1588 = vector.shape_cast %get3A_1587 : vector<1x1x128xf32> to vector<1x128xf32>
      %add3A_1589 = vector.broadcast %get3A_1588 : vector<1x128xf32> to vector<128x128xf32>
      %add3A_1590 = arith.addf %get3A_1583, %add3A_1589 : vector<128x128xf32>
      %bitcast_convert_type3A_1591 = tpu.bitcast %add3A_1590 : vector<128x128xf32> -> vector<128x128xi32>
      %and3A_1592 = arith.constant -1024 : i32
      %and3A_1593 = vector.broadcast %and3A_1592 : i32 to vector<128x128xi32>
      %and3A_1594 = arith.andi %bitcast_convert_type3A_1591, %and3A_1593 : vector<128x128xi32>
      %or3A_1595 = arith.ori %and3A_1594, %add3A_17 : vector<128x128xi32>
      %bitcast_convert_type3A_1596 = tpu.bitcast %or3A_1595 : vector<128x128xi32> -> vector<128x128xf32>
      %get3A_1597 = arith.constant 1408 : index
      %get3A_1598 = arith.constant 128 : index
      %get3A_1599 = vector.load %arg6[%get3A_1597, %get3A_1598] : memref<2048x1024xf32, #tpu.memory_space<vmem>>, vector<128x128xf32>
      %get3A_1600 = arith.constant 0 : index
      %get3A_1601 = arith.constant 0 : index
      %get3A_1602 = arith.constant 128 : index
      %get3A_1603 = vector.load %arg4[%get3A_1600, %get3A_1601, %get3A_1602] : memref<1x1x1024xf32, #tpu.memory_space<vmem>>, vector<1x1x128xf32>
      %get3A_1604 = vector.shape_cast %get3A_1603 : vector<1x1x128xf32> to vector<1x128xf32>
      %add3A_1605 = vector.broadcast %get3A_1604 : vector<1x128xf32> to vector<128x128xf32>
      %add3A_1606 = arith.addf %get3A_1599, %add3A_1605 : vector<128x128xf32>
      %bitcast_convert_type3A_1607 = tpu.bitcast %add3A_1606 : vector<128x128xf32> -> vector<128x128xi32>
      %and3A_1608 = arith.constant -1024 : i32
      %and3A_1609 = vector.broadcast %and3A_1608 : i32 to vector<128x128xi32>
      %and3A_1610 = arith.andi %bitcast_convert_type3A_1607, %and3A_1609 : vector<128x128xi32>
      %or3A_1611 = arith.ori %and3A_1610, %add3A_21 : vector<128x128xi32>
      %bitcast_convert_type3A_1612 = tpu.bitcast %or3A_1611 : vector<128x128xi32> -> vector<128x128xf32>
      %get3A_1613 = arith.constant 1408 : index
      %get3A_1614 = arith.constant 256 : index
      %get3A_1615 = vector.load %arg6[%get3A_1613, %get3A_1614] : memref<2048x1024xf32, #tpu.memory_space<vmem>>, vector<128x128xf32>
      %get3A_1616 = arith.constant 0 : index
      %get3A_1617 = arith.constant 0 : index
      %get3A_1618 = arith.constant 256 : index
      %get3A_1619 = vector.load %arg4[%get3A_1616, %get3A_1617, %get3A_1618] : memref<1x1x1024xf32, #tpu.memory_space<vmem>>, vector<1x1x128xf32>
      %get3A_1620 = vector.shape_cast %get3A_1619 : vector<1x1x128xf32> to vector<1x128xf32>
      %add3A_1621 = vector.broadcast %get3A_1620 : vector<1x128xf32> to vector<128x128xf32>
      %add3A_1622 = arith.addf %get3A_1615, %add3A_1621 : vector<128x128xf32>
      %bitcast_convert_type3A_1623 = tpu.bitcast %add3A_1622 : vector<128x128xf32> -> vector<128x128xi32>
      %and3A_1624 = arith.constant -1024 : i32
      %and3A_1625 = vector.broadcast %and3A_1624 : i32 to vector<128x128xi32>
      %and3A_1626 = arith.andi %bitcast_convert_type3A_1623, %and3A_1625 : vector<128x128xi32>
      %or3A_1627 = arith.ori %and3A_1626, %add3A_25 : vector<128x128xi32>
      %bitcast_convert_type3A_1628 = tpu.bitcast %or3A_1627 : vector<128x128xi32> -> vector<128x128xf32>
      %get3A_1629 = arith.constant 1408 : index
      %get3A_1630 = arith.constant 384 : index
      %get3A_1631 = vector.load %arg6[%get3A_1629, %get3A_1630] : memref<2048x1024xf32, #tpu.memory_space<vmem>>, vector<128x128xf32>
      %get3A_1632 = arith.constant 0 : index
      %get3A_1633 = arith.constant 0 : index
      %get3A_1634 = arith.constant 384 : index
      %get3A_1635 = vector.load %arg4[%get3A_1632, %get3A_1633, %get3A_1634] : memref<1x1x1024xf32, #tpu.memory_space<vmem>>, vector<1x1x128xf32>
      %get3A_1636 = vector.shape_cast %get3A_1635 : vector<1x1x128xf32> to vector<1x128xf32>
      %add3A_1637 = vector.broadcast %get3A_1636 : vector<1x128xf32> to vector<128x128xf32>
      %add3A_1638 = arith.addf %get3A_1631, %add3A_1637 : vector<128x128xf32>
      %bitcast_convert_type3A_1639 = tpu.bitcast %add3A_1638 : vector<128x128xf32> -> vector<128x128xi32>
      %and3A_1640 = arith.constant -1024 : i32
      %and3A_1641 = vector.broadcast %and3A_1640 : i32 to vector<128x128xi32>
      %and3A_1642 = arith.andi %bitcast_convert_type3A_1639, %and3A_1641 : vector<128x128xi32>
      %or3A_1643 = arith.ori %and3A_1642, %add3A_29 : vector<128x128xi32>
      %bitcast_convert_type3A_1644 = tpu.bitcast %or3A_1643 : vector<128x128xi32> -> vector<128x128xf32>
      %get3A_1645 = arith.constant 1408 : index
      %get3A_1646 = arith.constant 512 : index
      %get3A_1647 = vector.load %arg6[%get3A_1645, %get3A_1646] : memref<2048x1024xf32, #tpu.memory_space<vmem>>, vector<128x128xf32>
      %get3A_1648 = arith.constant 0 : index
      %get3A_1649 = arith.constant 0 : index
      %get3A_1650 = arith.constant 512 : index
      %get3A_1651 = vector.load %arg4[%get3A_1648, %get3A_1649, %get3A_1650] : memref<1x1x1024xf32, #tpu.memory_space<vmem>>, vector<1x1x128xf32>
      %get3A_1652 = vector.shape_cast %get3A_1651 : vector<1x1x128xf32> to vector<1x128xf32>
      %add3A_1653 = vector.broadcast %get3A_1652 : vector<1x128xf32> to vector<128x128xf32>
      %add3A_1654 = arith.addf %get3A_1647, %add3A_1653 : vector<128x128xf32>
      %bitcast_convert_type3A_1655 = tpu.bitcast %add3A_1654 : vector<128x128xf32> -> vector<128x128xi32>
      %and3A_1656 = arith.constant -1024 : i32
      %and3A_1657 = vector.broadcast %and3A_1656 : i32 to vector<128x128xi32>
      %and3A_1658 = arith.andi %bitcast_convert_type3A_1655, %and3A_1657 : vector<128x128xi32>
      %or3A_1659 = arith.ori %and3A_1658, %add3A_33 : vector<128x128xi32>
      %bitcast_convert_type3A_1660 = tpu.bitcast %or3A_1659 : vector<128x128xi32> -> vector<128x128xf32>
      %get3A_1661 = arith.constant 1408 : index
      %get3A_1662 = arith.constant 640 : index
      %get3A_1663 = vector.load %arg6[%get3A_1661, %get3A_1662] : memref<2048x1024xf32, #tpu.memory_space<vmem>>, vector<128x128xf32>
      %get3A_1664 = arith.constant 0 : index
      %get3A_1665 = arith.constant 0 : index
      %get3A_1666 = arith.constant 640 : index
      %get3A_1667 = vector.load %arg4[%get3A_1664, %get3A_1665, %get3A_1666] : memref<1x1x1024xf32, #tpu.memory_space<vmem>>, vector<1x1x128xf32>
      %get3A_1668 = vector.shape_cast %get3A_1667 : vector<1x1x128xf32> to vector<1x128xf32>
      %add3A_1669 = vector.broadcast %get3A_1668 : vector<1x128xf32> to vector<128x128xf32>
      %add3A_1670 = arith.addf %get3A_1663, %add3A_1669 : vector<128x128xf32>
      %bitcast_convert_type3A_1671 = tpu.bitcast %add3A_1670 : vector<128x128xf32> -> vector<128x128xi32>
      %and3A_1672 = arith.constant -1024 : i32
      %and3A_1673 = vector.broadcast %and3A_1672 : i32 to vector<128x128xi32>
      %and3A_1674 = arith.andi %bitcast_convert_type3A_1671, %and3A_1673 : vector<128x128xi32>
      %or3A_1675 = arith.ori %and3A_1674, %add3A_37 : vector<128x128xi32>
      %bitcast_convert_type3A_1676 = tpu.bitcast %or3A_1675 : vector<128x128xi32> -> vector<128x128xf32>
      %get3A_1677 = arith.constant 1408 : index
      %get3A_1678 = arith.constant 768 : index
      %get3A_1679 = vector.load %arg6[%get3A_1677, %get3A_1678] : memref<2048x1024xf32, #tpu.memory_space<vmem>>, vector<128x128xf32>
      %get3A_1680 = arith.constant 0 : index
      %get3A_1681 = arith.constant 0 : index
      %get3A_1682 = arith.constant 768 : index
      %get3A_1683 = vector.load %arg4[%get3A_1680, %get3A_1681, %get3A_1682] : memref<1x1x1024xf32, #tpu.memory_space<vmem>>, vector<1x1x128xf32>
      %get3A_1684 = vector.shape_cast %get3A_1683 : vector<1x1x128xf32> to vector<1x128xf32>
      %add3A_1685 = vector.broadcast %get3A_1684 : vector<1x128xf32> to vector<128x128xf32>
      %add3A_1686 = arith.addf %get3A_1679, %add3A_1685 : vector<128x128xf32>
      %bitcast_convert_type3A_1687 = tpu.bitcast %add3A_1686 : vector<128x128xf32> -> vector<128x128xi32>
      %and3A_1688 = arith.constant -1024 : i32
      %and3A_1689 = vector.broadcast %and3A_1688 : i32 to vector<128x128xi32>
      %and3A_1690 = arith.andi %bitcast_convert_type3A_1687, %and3A_1689 : vector<128x128xi32>
      %or3A_1691 = arith.ori %and3A_1690, %add3A_41 : vector<128x128xi32>
      %bitcast_convert_type3A_1692 = tpu.bitcast %or3A_1691 : vector<128x128xi32> -> vector<128x128xf32>
      %get3A_1693 = arith.constant 1408 : index
      %get3A_1694 = arith.constant 896 : index
      %get3A_1695 = vector.load %arg6[%get3A_1693, %get3A_1694] : memref<2048x1024xf32, #tpu.memory_space<vmem>>, vector<128x128xf32>
      %get3A_1696 = arith.constant 0 : index
      %get3A_1697 = arith.constant 0 : index
      %get3A_1698 = arith.constant 896 : index
      %get3A_1699 = vector.load %arg4[%get3A_1696, %get3A_1697, %get3A_1698] : memref<1x1x1024xf32, #tpu.memory_space<vmem>>, vector<1x1x128xf32>
      %get3A_1700 = vector.shape_cast %get3A_1699 : vector<1x1x128xf32> to vector<1x128xf32>
      %add3A_1701 = vector.broadcast %get3A_1700 : vector<1x128xf32> to vector<128x128xf32>
      %add3A_1702 = arith.addf %get3A_1695, %add3A_1701 : vector<128x128xf32>
      %bitcast_convert_type3A_1703 = tpu.bitcast %add3A_1702 : vector<128x128xf32> -> vector<128x128xi32>
      %and3A_1704 = arith.constant -1024 : i32
      %and3A_1705 = vector.broadcast %and3A_1704 : i32 to vector<128x128xi32>
      %and3A_1706 = arith.andi %bitcast_convert_type3A_1703, %and3A_1705 : vector<128x128xi32>
      %or3A_1707 = arith.ori %and3A_1706, %add3A_45 : vector<128x128xi32>
      %bitcast_convert_type3A_1708 = tpu.bitcast %or3A_1707 : vector<128x128xi32> -> vector<128x128xf32>
      %min3A_1709 = arith.minimumf %bitcast_convert_type3A_1596, %bitcast_convert_type3A_1612 : vector<128x128xf32>
      %min3A_1710 = arith.minimumf %bitcast_convert_type3A_1628, %bitcast_convert_type3A_1644 : vector<128x128xf32>
      %min3A_1711 = arith.minimumf %bitcast_convert_type3A_1660, %bitcast_convert_type3A_1676 : vector<128x128xf32>
      %min3A_1712 = arith.minimumf %bitcast_convert_type3A_1692, %bitcast_convert_type3A_1708 : vector<128x128xf32>
      %min3A_1713 = arith.minimumf %min3A_1709, %min3A_1710 : vector<128x128xf32>
      %min3A_1714 = arith.minimumf %min3A_1711, %min3A_1712 : vector<128x128xf32>
      %min3A_1715 = arith.minimumf %min3A_1713, %min3A_1714 : vector<128x128xf32>
      %reduce_min3A_1716 = arith.constant dense<0x7F800000> : vector<128xf32>
      %reduce_min3A_1717 = vector.multi_reduction <minimumf>, %min3A_1715, %reduce_min3A_1716 [1] : vector<128x128xf32> to vector<128xf32>
      %slice3A_1718 = vector.extract_strided_slice %get3A_12 {offsets = [768, 0], sizes = [128, 512], strides = [1, 1]} : vector<1024x512xbf16> to vector<128x512xbf16>
      %dot_general3A_1719 = arith.constant dense<0.000000e+00> : vector<2048x128xf32>
      %dot_general3A_1720 = tpu.matmul %get3A_9, %slice3A_1718, %dot_general3A_1719 {dimension_numbers = #tpu.dot_dimension_numbers<[1], [1], [0], [0], [0, 0, 1, 0], [], []>, transpose_lhs_hint = false} : vector<2048x512xbf16>, vector<128x512xbf16>, vector<2048x128xf32> -> vector<2048x128xf32>
      %swap3A_1721 = arith.constant 0 : index
      %swap3A_1722 = arith.constant 768 : index
      %swap3A_1723 = vector.load %arg7[%swap3A_1721, %swap3A_1722] : memref<2048x1024xf32, #tpu.memory_space<vmem>>, vector<2048x128xf32>
      tpu.vector_store %arg7[%swap3A_1721, %swap3A_1722], %dot_general3A_1720 {strides = array<i32>} : memref<2048x1024xf32, #tpu.memory_space<vmem>>, vector<2048x128xf32>,
      %get3A_1724 = arith.constant 1536 : index
      %get3A_1725 = arith.constant 0 : index
      %get3A_1726 = vector.load %arg6[%get3A_1724, %get3A_1725] : memref<2048x1024xf32, #tpu.memory_space<vmem>>, vector<128x128xf32>
      %get3A_1727 = arith.constant 0 : index
      %get3A_1728 = arith.constant 0 : index
      %get3A_1729 = arith.constant 0 : index
      %get3A_1730 = vector.load %arg4[%get3A_1727, %get3A_1728, %get3A_1729] : memref<1x1x1024xf32, #tpu.memory_space<vmem>>, vector<1x1x128xf32>
      %get3A_1731 = vector.shape_cast %get3A_1730 : vector<1x1x128xf32> to vector<1x128xf32>
      %add3A_1732 = vector.broadcast %get3A_1731 : vector<1x128xf32> to vector<128x128xf32>
      %add3A_1733 = arith.addf %get3A_1726, %add3A_1732 : vector<128x128xf32>
      %bitcast_convert_type3A_1734 = tpu.bitcast %add3A_1733 : vector<128x128xf32> -> vector<128x128xi32>
      %and3A_1735 = arith.constant -1024 : i32
      %and3A_1736 = vector.broadcast %and3A_1735 : i32 to vector<128x128xi32>
      %and3A_1737 = arith.andi %bitcast_convert_type3A_1734, %and3A_1736 : vector<128x128xi32>
      %or3A_1738 = arith.ori %and3A_1737, %add3A_17 : vector<128x128xi32>
      %bitcast_convert_type3A_1739 = tpu.bitcast %or3A_1738 : vector<128x128xi32> -> vector<128x128xf32>
      %get3A_1740 = arith.constant 1536 : index
      %get3A_1741 = arith.constant 128 : index
      %get3A_1742 = vector.load %arg6[%get3A_1740, %get3A_1741] : memref<2048x1024xf32, #tpu.memory_space<vmem>>, vector<128x128xf32>
      %get3A_1743 = arith.constant 0 : index
      %get3A_1744 = arith.constant 0 : index
      %get3A_1745 = arith.constant 128 : index
      %get3A_1746 = vector.load %arg4[%get3A_1743, %get3A_1744, %get3A_1745] : memref<1x1x1024xf32, #tpu.memory_space<vmem>>, vector<1x1x128xf32>
      %get3A_1747 = vector.shape_cast %get3A_1746 : vector<1x1x128xf32> to vector<1x128xf32>
      %add3A_1748 = vector.broadcast %get3A_1747 : vector<1x128xf32> to vector<128x128xf32>
      %add3A_1749 = arith.addf %get3A_1742, %add3A_1748 : vector<128x128xf32>
      %bitcast_convert_type3A_1750 = tpu.bitcast %add3A_1749 : vector<128x128xf32> -> vector<128x128xi32>
      %and3A_1751 = arith.constant -1024 : i32
      %and3A_1752 = vector.broadcast %and3A_1751 : i32 to vector<128x128xi32>
      %and3A_1753 = arith.andi %bitcast_convert_type3A_1750, %and3A_1752 : vector<128x128xi32>
      %or3A_1754 = arith.ori %and3A_1753, %add3A_21 : vector<128x128xi32>
      %bitcast_convert_type3A_1755 = tpu.bitcast %or3A_1754 : vector<128x128xi32> -> vector<128x128xf32>
      %get3A_1756 = arith.constant 1536 : index
      %get3A_1757 = arith.constant 256 : index
      %get3A_1758 = vector.load %arg6[%get3A_1756, %get3A_1757] : memref<2048x1024xf32, #tpu.memory_space<vmem>>, vector<128x128xf32>
      %get3A_1759 = arith.constant 0 : index
      %get3A_1760 = arith.constant 0 : index
      %get3A_1761 = arith.constant 256 : index
      %get3A_1762 = vector.load %arg4[%get3A_1759, %get3A_1760, %get3A_1761] : memref<1x1x1024xf32, #tpu.memory_space<vmem>>, vector<1x1x128xf32>
      %get3A_1763 = vector.shape_cast %get3A_1762 : vector<1x1x128xf32> to vector<1x128xf32>
      %add3A_1764 = vector.broadcast %get3A_1763 : vector<1x128xf32> to vector<128x128xf32>
      %add3A_1765 = arith.addf %get3A_1758, %add3A_1764 : vector<128x128xf32>
      %bitcast_convert_type3A_1766 = tpu.bitcast %add3A_1765 : vector<128x128xf32> -> vector<128x128xi32>
      %and3A_1767 = arith.constant -1024 : i32
      %and3A_1768 = vector.broadcast %and3A_1767 : i32 to vector<128x128xi32>
      %and3A_1769 = arith.andi %bitcast_convert_type3A_1766, %and3A_1768 : vector<128x128xi32>
      %or3A_1770 = arith.ori %and3A_1769, %add3A_25 : vector<128x128xi32>
      %bitcast_convert_type3A_1771 = tpu.bitcast %or3A_1770 : vector<128x128xi32> -> vector<128x128xf32>
      %get3A_1772 = arith.constant 1536 : index
      %get3A_1773 = arith.constant 384 : index
      %get3A_1774 = vector.load %arg6[%get3A_1772, %get3A_1773] : memref<2048x1024xf32, #tpu.memory_space<vmem>>, vector<128x128xf32>
      %get3A_1775 = arith.constant 0 : index
      %get3A_1776 = arith.constant 0 : index
      %get3A_1777 = arith.constant 384 : index
      %get3A_1778 = vector.load %arg4[%get3A_1775, %get3A_1776, %get3A_1777] : memref<1x1x1024xf32, #tpu.memory_space<vmem>>, vector<1x1x128xf32>
      %get3A_1779 = vector.shape_cast %get3A_1778 : vector<1x1x128xf32> to vector<1x128xf32>
      %add3A_1780 = vector.broadcast %get3A_1779 : vector<1x128xf32> to vector<128x128xf32>
      %add3A_1781 = arith.addf %get3A_1774, %add3A_1780 : vector<128x128xf32>
      %bitcast_convert_type3A_1782 = tpu.bitcast %add3A_1781 : vector<128x128xf32> -> vector<128x128xi32>
      %and3A_1783 = arith.constant -1024 : i32
      %and3A_1784 = vector.broadcast %and3A_1783 : i32 to vector<128x128xi32>
      %and3A_1785 = arith.andi %bitcast_convert_type3A_1782, %and3A_1784 : vector<128x128xi32>
      %or3A_1786 = arith.ori %and3A_1785, %add3A_29 : vector<128x128xi32>
      %bitcast_convert_type3A_1787 = tpu.bitcast %or3A_1786 : vector<128x128xi32> -> vector<128x128xf32>
      %get3A_1788 = arith.constant 1536 : index
      %get3A_1789 = arith.constant 512 : index
      %get3A_1790 = vector.load %arg6[%get3A_1788, %get3A_1789] : memref<2048x1024xf32, #tpu.memory_space<vmem>>, vector<128x128xf32>
      %get3A_1791 = arith.constant 0 : index
      %get3A_1792 = arith.constant 0 : index
      %get3A_1793 = arith.constant 512 : index
      %get3A_1794 = vector.load %arg4[%get3A_1791, %get3A_1792, %get3A_1793] : memref<1x1x1024xf32, #tpu.memory_space<vmem>>, vector<1x1x128xf32>
      %get3A_1795 = vector.shape_cast %get3A_1794 : vector<1x1x128xf32> to vector<1x128xf32>
      %add3A_1796 = vector.broadcast %get3A_1795 : vector<1x128xf32> to vector<128x128xf32>
      %add3A_1797 = arith.addf %get3A_1790, %add3A_1796 : vector<128x128xf32>
      %bitcast_convert_type3A_1798 = tpu.bitcast %add3A_1797 : vector<128x128xf32> -> vector<128x128xi32>
      %and3A_1799 = arith.constant -1024 : i32
      %and3A_1800 = vector.broadcast %and3A_1799 : i32 to vector<128x128xi32>
      %and3A_1801 = arith.andi %bitcast_convert_type3A_1798, %and3A_1800 : vector<128x128xi32>
      %or3A_1802 = arith.ori %and3A_1801, %add3A_33 : vector<128x128xi32>
      %bitcast_convert_type3A_1803 = tpu.bitcast %or3A_1802 : vector<128x128xi32> -> vector<128x128xf32>
      %get3A_1804 = arith.constant 1536 : index
      %get3A_1805 = arith.constant 640 : index
      %get3A_1806 = vector.load %arg6[%get3A_1804, %get3A_1805] : memref<2048x1024xf32, #tpu.memory_space<vmem>>, vector<128x128xf32>
      %get3A_1807 = arith.constant 0 : index
      %get3A_1808 = arith.constant 0 : index
      %get3A_1809 = arith.constant 640 : index
      %get3A_1810 = vector.load %arg4[%get3A_1807, %get3A_1808, %get3A_1809] : memref<1x1x1024xf32, #tpu.memory_space<vmem>>, vector<1x1x128xf32>
      %get3A_1811 = vector.shape_cast %get3A_1810 : vector<1x1x128xf32> to vector<1x128xf32>
      %add3A_1812 = vector.broadcast %get3A_1811 : vector<1x128xf32> to vector<128x128xf32>
      %add3A_1813 = arith.addf %get3A_1806, %add3A_1812 : vector<128x128xf32>
      %bitcast_convert_type3A_1814 = tpu.bitcast %add3A_1813 : vector<128x128xf32> -> vector<128x128xi32>
      %and3A_1815 = arith.constant -1024 : i32
      %and3A_1816 = vector.broadcast %and3A_1815 : i32 to vector<128x128xi32>
      %and3A_1817 = arith.andi %bitcast_convert_type3A_1814, %and3A_1816 : vector<128x128xi32>
      %or3A_1818 = arith.ori %and3A_1817, %add3A_37 : vector<128x128xi32>
      %bitcast_convert_type3A_1819 = tpu.bitcast %or3A_1818 : vector<128x128xi32> -> vector<128x128xf32>
      %get3A_1820 = arith.constant 1536 : index
      %get3A_1821 = arith.constant 768 : index
      %get3A_1822 = vector.load %arg6[%get3A_1820, %get3A_1821] : memref<2048x1024xf32, #tpu.memory_space<vmem>>, vector<128x128xf32>
      %get3A_1823 = arith.constant 0 : index
      %get3A_1824 = arith.constant 0 : index
      %get3A_1825 = arith.constant 768 : index
      %get3A_1826 = vector.load %arg4[%get3A_1823, %get3A_1824, %get3A_1825] : memref<1x1x1024xf32, #tpu.memory_space<vmem>>, vector<1x1x128xf32>
      %get3A_1827 = vector.shape_cast %get3A_1826 : vector<1x1x128xf32> to vector<1x128xf32>
      %add3A_1828 = vector.broadcast %get3A_1827 : vector<1x128xf32> to vector<128x128xf32>
      %add3A_1829 = arith.addf %get3A_1822, %add3A_1828 : vector<128x128xf32>
      %bitcast_convert_type3A_1830 = tpu.bitcast %add3A_1829 : vector<128x128xf32> -> vector<128x128xi32>
      %and3A_1831 = arith.constant -1024 : i32
      %and3A_1832 = vector.broadcast %and3A_1831 : i32 to vector<128x128xi32>
      %and3A_1833 = arith.andi %bitcast_convert_type3A_1830, %and3A_1832 : vector<128x128xi32>
      %or3A_1834 = arith.ori %and3A_1833, %add3A_41 : vector<128x128xi32>
      %bitcast_convert_type3A_1835 = tpu.bitcast %or3A_1834 : vector<128x128xi32> -> vector<128x128xf32>
      %get3A_1836 = arith.constant 1536 : index
      %get3A_1837 = arith.constant 896 : index
      %get3A_1838 = vector.load %arg6[%get3A_1836, %get3A_1837] : memref<2048x1024xf32, #tpu.memory_space<vmem>>, vector<128x128xf32>
      %get3A_1839 = arith.constant 0 : index
      %get3A_1840 = arith.constant 0 : index
      %get3A_1841 = arith.constant 896 : index
      %get3A_1842 = vector.load %arg4[%get3A_1839, %get3A_1840, %get3A_1841] : memref<1x1x1024xf32, #tpu.memory_space<vmem>>, vector<1x1x128xf32>
      %get3A_1843 = vector.shape_cast %get3A_1842 : vector<1x1x128xf32> to vector<1x128xf32>
      %add3A_1844 = vector.broadcast %get3A_1843 : vector<1x128xf32> to vector<128x128xf32>
      %add3A_1845 = arith.addf %get3A_1838, %add3A_1844 : vector<128x128xf32>
      %bitcast_convert_type3A_1846 = tpu.bitcast %add3A_1845 : vector<128x128xf32> -> vector<128x128xi32>
      %and3A_1847 = arith.constant -1024 : i32
      %and3A_1848 = vector.broadcast %and3A_1847 : i32 to vector<128x128xi32>
      %and3A_1849 = arith.andi %bitcast_convert_type3A_1846, %and3A_1848 : vector<128x128xi32>
      %or3A_1850 = arith.ori %and3A_1849, %add3A_45 : vector<128x128xi32>
      %bitcast_convert_type3A_1851 = tpu.bitcast %or3A_1850 : vector<128x128xi32> -> vector<128x128xf32>
      %min3A_1852 = arith.minimumf %bitcast_convert_type3A_1739, %bitcast_convert_type3A_1755 : vector<128x128xf32>
      %min3A_1853 = arith.minimumf %bitcast_convert_type3A_1771, %bitcast_convert_type3A_1787 : vector<128x128xf32>
      %min3A_1854 = arith.minimumf %bitcast_convert_type3A_1803, %bitcast_convert_type3A_1819 : vector<128x128xf32>
      %min3A_1855 = arith.minimumf %bitcast_convert_type3A_1835, %bitcast_convert_type3A_1851 : vector<128x128xf32>
      %min3A_1856 = arith.minimumf %min3A_1852, %min3A_1853 : vector<128x128xf32>
      %min3A_1857 = arith.minimumf %min3A_1854, %min3A_1855 : vector<128x128xf32>
      %min3A_1858 = arith.minimumf %min3A_1856, %min3A_1857 : vector<128x128xf32>
      %reduce_min3A_1859 = arith.constant dense<0x7F800000> : vector<128xf32>
      %reduce_min3A_1860 = vector.multi_reduction <minimumf>, %min3A_1858, %reduce_min3A_1859 [1] : vector<128x128xf32> to vector<128xf32>
      %get3A_1861 = arith.constant 1664 : index
      %get3A_1862 = arith.constant 0 : index
      %get3A_1863 = vector.load %arg6[%get3A_1861, %get3A_1862] : memref<2048x1024xf32, #tpu.memory_space<vmem>>, vector<128x128xf32>
      %get3A_1864 = arith.constant 0 : index
      %get3A_1865 = arith.constant 0 : index
      %get3A_1866 = arith.constant 0 : index
      %get3A_1867 = vector.load %arg4[%get3A_1864, %get3A_1865, %get3A_1866] : memref<1x1x1024xf32, #tpu.memory_space<vmem>>, vector<1x1x128xf32>
      %get3A_1868 = vector.shape_cast %get3A_1867 : vector<1x1x128xf32> to vector<1x128xf32>
      %add3A_1869 = vector.broadcast %get3A_1868 : vector<1x128xf32> to vector<128x128xf32>
      %add3A_1870 = arith.addf %get3A_1863, %add3A_1869 : vector<128x128xf32>
      %bitcast_convert_type3A_1871 = tpu.bitcast %add3A_1870 : vector<128x128xf32> -> vector<128x128xi32>
      %and3A_1872 = arith.constant -1024 : i32
      %and3A_1873 = vector.broadcast %and3A_1872 : i32 to vector<128x128xi32>
      %and3A_1874 = arith.andi %bitcast_convert_type3A_1871, %and3A_1873 : vector<128x128xi32>
      %or3A_1875 = arith.ori %and3A_1874, %add3A_17 : vector<128x128xi32>
      %bitcast_convert_type3A_1876 = tpu.bitcast %or3A_1875 : vector<128x128xi32> -> vector<128x128xf32>
      %get3A_1877 = arith.constant 1664 : index
      %get3A_1878 = arith.constant 128 : index
      %get3A_1879 = vector.load %arg6[%get3A_1877, %get3A_1878] : memref<2048x1024xf32, #tpu.memory_space<vmem>>, vector<128x128xf32>
      %get3A_1880 = arith.constant 0 : index
      %get3A_1881 = arith.constant 0 : index
      %get3A_1882 = arith.constant 128 : index
      %get3A_1883 = vector.load %arg4[%get3A_1880, %get3A_1881, %get3A_1882] : memref<1x1x1024xf32, #tpu.memory_space<vmem>>, vector<1x1x128xf32>
      %get3A_1884 = vector.shape_cast %get3A_1883 : vector<1x1x128xf32> to vector<1x128xf32>
      %add3A_1885 = vector.broadcast %get3A_1884 : vector<1x128xf32> to vector<128x128xf32>
      %add3A_1886 = arith.addf %get3A_1879, %add3A_1885 : vector<128x128xf32>
      %bitcast_convert_type3A_1887 = tpu.bitcast %add3A_1886 : vector<128x128xf32> -> vector<128x128xi32>
      %and3A_1888 = arith.constant -1024 : i32
      %and3A_1889 = vector.broadcast %and3A_1888 : i32 to vector<128x128xi32>
      %and3A_1890 = arith.andi %bitcast_convert_type3A_1887, %and3A_1889 : vector<128x128xi32>
      %or3A_1891 = arith.ori %and3A_1890, %add3A_21 : vector<128x128xi32>
      %bitcast_convert_type3A_1892 = tpu.bitcast %or3A_1891 : vector<128x128xi32> -> vector<128x128xf32>
      %get3A_1893 = arith.constant 1664 : index
      %get3A_1894 = arith.constant 256 : index
      %get3A_1895 = vector.load %arg6[%get3A_1893, %get3A_1894] : memref<2048x1024xf32, #tpu.memory_space<vmem>>, vector<128x128xf32>
      %get3A_1896 = arith.constant 0 : index
      %get3A_1897 = arith.constant 0 : index
      %get3A_1898 = arith.constant 256 : index
      %get3A_1899 = vector.load %arg4[%get3A_1896, %get3A_1897, %get3A_1898] : memref<1x1x1024xf32, #tpu.memory_space<vmem>>, vector<1x1x128xf32>
      %get3A_1900 = vector.shape_cast %get3A_1899 : vector<1x1x128xf32> to vector<1x128xf32>
      %add3A_1901 = vector.broadcast %get3A_1900 : vector<1x128xf32> to vector<128x128xf32>
      %add3A_1902 = arith.addf %get3A_1895, %add3A_1901 : vector<128x128xf32>
      %bitcast_convert_type3A_1903 = tpu.bitcast %add3A_1902 : vector<128x128xf32> -> vector<128x128xi32>
      %and3A_1904 = arith.constant -1024 : i32
      %and3A_1905 = vector.broadcast %and3A_1904 : i32 to vector<128x128xi32>
      %and3A_1906 = arith.andi %bitcast_convert_type3A_1903, %and3A_1905 : vector<128x128xi32>
      %or3A_1907 = arith.ori %and3A_1906, %add3A_25 : vector<128x128xi32>
      %bitcast_convert_type3A_1908 = tpu.bitcast %or3A_1907 : vector<128x128xi32> -> vector<128x128xf32>
      %get3A_1909 = arith.constant 1664 : index
      %get3A_1910 = arith.constant 384 : index
      %get3A_1911 = vector.load %arg6[%get3A_1909, %get3A_1910] : memref<2048x1024xf32, #tpu.memory_space<vmem>>, vector<128x128xf32>
      %get3A_1912 = arith.constant 0 : index
      %get3A_1913 = arith.constant 0 : index
      %get3A_1914 = arith.constant 384 : index
      %get3A_1915 = vector.load %arg4[%get3A_1912, %get3A_1913, %get3A_1914] : memref<1x1x1024xf32, #tpu.memory_space<vmem>>, vector<1x1x128xf32>
      %get3A_1916 = vector.shape_cast %get3A_1915 : vector<1x1x128xf32> to vector<1x128xf32>
      %add3A_1917 = vector.broadcast %get3A_1916 : vector<1x128xf32> to vector<128x128xf32>
      %add3A_1918 = arith.addf %get3A_1911, %add3A_1917 : vector<128x128xf32>
      %bitcast_convert_type3A_1919 = tpu.bitcast %add3A_1918 : vector<128x128xf32> -> vector<128x128xi32>
      %and3A_1920 = arith.constant -1024 : i32
      %and3A_1921 = vector.broadcast %and3A_1920 : i32 to vector<128x128xi32>
      %and3A_1922 = arith.andi %bitcast_convert_type3A_1919, %and3A_1921 : vector<128x128xi32>
      %or3A_1923 = arith.ori %and3A_1922, %add3A_29 : vector<128x128xi32>
      %bitcast_convert_type3A_1924 = tpu.bitcast %or3A_1923 : vector<128x128xi32> -> vector<128x128xf32>
      %get3A_1925 = arith.constant 1664 : index
      %get3A_1926 = arith.constant 512 : index
      %get3A_1927 = vector.load %arg6[%get3A_1925, %get3A_1926] : memref<2048x1024xf32, #tpu.memory_space<vmem>>, vector<128x128xf32>
      %get3A_1928 = arith.constant 0 : index
      %get3A_1929 = arith.constant 0 : index
      %get3A_1930 = arith.constant 512 : index
      %get3A_1931 = vector.load %arg4[%get3A_1928, %get3A_1929, %get3A_1930] : memref<1x1x1024xf32, #tpu.memory_space<vmem>>, vector<1x1x128xf32>
      %get3A_1932 = vector.shape_cast %get3A_1931 : vector<1x1x128xf32> to vector<1x128xf32>
      %add3A_1933 = vector.broadcast %get3A_1932 : vector<1x128xf32> to vector<128x128xf32>
      %add3A_1934 = arith.addf %get3A_1927, %add3A_1933 : vector<128x128xf32>
      %bitcast_convert_type3A_1935 = tpu.bitcast %add3A_1934 : vector<128x128xf32> -> vector<128x128xi32>
      %and3A_1936 = arith.constant -1024 : i32
      %and3A_1937 = vector.broadcast %and3A_1936 : i32 to vector<128x128xi32>
      %and3A_1938 = arith.andi %bitcast_convert_type3A_1935, %and3A_1937 : vector<128x128xi32>
      %or3A_1939 = arith.ori %and3A_1938, %add3A_33 : vector<128x128xi32>
      %bitcast_convert_type3A_1940 = tpu.bitcast %or3A_1939 : vector<128x128xi32> -> vector<128x128xf32>
      %get3A_1941 = arith.constant 1664 : index
      %get3A_1942 = arith.constant 640 : index
      %get3A_1943 = vector.load %arg6[%get3A_1941, %get3A_1942] : memref<2048x1024xf32, #tpu.memory_space<vmem>>, vector<128x128xf32>
      %get3A_1944 = arith.constant 0 : index
      %get3A_1945 = arith.constant 0 : index
      %get3A_1946 = arith.constant 640 : index
      %get3A_1947 = vector.load %arg4[%get3A_1944, %get3A_1945, %get3A_1946] : memref<1x1x1024xf32, #tpu.memory_space<vmem>>, vector<1x1x128xf32>
      %get3A_1948 = vector.shape_cast %get3A_1947 : vector<1x1x128xf32> to vector<1x128xf32>
      %add3A_1949 = vector.broadcast %get3A_1948 : vector<1x128xf32> to vector<128x128xf32>
      %add3A_1950 = arith.addf %get3A_1943, %add3A_1949 : vector<128x128xf32>
      %bitcast_convert_type3A_1951 = tpu.bitcast %add3A_1950 : vector<128x128xf32> -> vector<128x128xi32>
      %and3A_1952 = arith.constant -1024 : i32
      %and3A_1953 = vector.broadcast %and3A_1952 : i32 to vector<128x128xi32>
      %and3A_1954 = arith.andi %bitcast_convert_type3A_1951, %and3A_1953 : vector<128x128xi32>
      %or3A_1955 = arith.ori %and3A_1954, %add3A_37 : vector<128x128xi32>
      %bitcast_convert_type3A_1956 = tpu.bitcast %or3A_1955 : vector<128x128xi32> -> vector<128x128xf32>
      %get3A_1957 = arith.constant 1664 : index
      %get3A_1958 = arith.constant 768 : index
      %get3A_1959 = vector.load %arg6[%get3A_1957, %get3A_1958] : memref<2048x1024xf32, #tpu.memory_space<vmem>>, vector<128x128xf32>
      %get3A_1960 = arith.constant 0 : index
      %get3A_1961 = arith.constant 0 : index
      %get3A_1962 = arith.constant 768 : index
      %get3A_1963 = vector.load %arg4[%get3A_1960, %get3A_1961, %get3A_1962] : memref<1x1x1024xf32, #tpu.memory_space<vmem>>, vector<1x1x128xf32>
      %get3A_1964 = vector.shape_cast %get3A_1963 : vector<1x1x128xf32> to vector<1x128xf32>
      %add3A_1965 = vector.broadcast %get3A_1964 : vector<1x128xf32> to vector<128x128xf32>
      %add3A_1966 = arith.addf %get3A_1959, %add3A_1965 : vector<128x128xf32>
      %bitcast_convert_type3A_1967 = tpu.bitcast %add3A_1966 : vector<128x128xf32> -> vector<128x128xi32>
      %and3A_1968 = arith.constant -1024 : i32
      %and3A_1969 = vector.broadcast %and3A_1968 : i32 to vector<128x128xi32>
      %and3A_1970 = arith.andi %bitcast_convert_type3A_1967, %and3A_1969 : vector<128x128xi32>
      %or3A_1971 = arith.ori %and3A_1970, %add3A_41 : vector<128x128xi32>
      %bitcast_convert_type3A_1972 = tpu.bitcast %or3A_1971 : vector<128x128xi32> -> vector<128x128xf32>
      %get3A_1973 = arith.constant 1664 : index
      %get3A_1974 = arith.constant 896 : index
      %get3A_1975 = vector.load %arg6[%get3A_1973, %get3A_1974] : memref<2048x1024xf32, #tpu.memory_space<vmem>>, vector<128x128xf32>
      %get3A_1976 = arith.constant 0 : index
      %get3A_1977 = arith.constant 0 : index
      %get3A_1978 = arith.constant 896 : index
      %get3A_1979 = vector.load %arg4[%get3A_1976, %get3A_1977, %get3A_1978] : memref<1x1x1024xf32, #tpu.memory_space<vmem>>, vector<1x1x128xf32>
      %get3A_1980 = vector.shape_cast %get3A_1979 : vector<1x1x128xf32> to vector<1x128xf32>
      %add3A_1981 = vector.broadcast %get3A_1980 : vector<1x128xf32> to vector<128x128xf32>
      %add3A_1982 = arith.addf %get3A_1975, %add3A_1981 : vector<128x128xf32>
      %bitcast_convert_type3A_1983 = tpu.bitcast %add3A_1982 : vector<128x128xf32> -> vector<128x128xi32>
      %and3A_1984 = arith.constant -1024 : i32
      %and3A_1985 = vector.broadcast %and3A_1984 : i32 to vector<128x128xi32>
      %and3A_1986 = arith.andi %bitcast_convert_type3A_1983, %and3A_1985 : vector<128x128xi32>
      %or3A_1987 = arith.ori %and3A_1986, %add3A_45 : vector<128x128xi32>
      %bitcast_convert_type3A_1988 = tpu.bitcast %or3A_1987 : vector<128x128xi32> -> vector<128x128xf32>
      %min3A_1989 = arith.minimumf %bitcast_convert_type3A_1876, %bitcast_convert_type3A_1892 : vector<128x128xf32>
      %min3A_1990 = arith.minimumf %bitcast_convert_type3A_1908, %bitcast_convert_type3A_1924 : vector<128x128xf32>
      %min3A_1991 = arith.minimumf %bitcast_convert_type3A_1940, %bitcast_convert_type3A_1956 : vector<128x128xf32>
      %min3A_1992 = arith.minimumf %bitcast_convert_type3A_1972, %bitcast_convert_type3A_1988 : vector<128x128xf32>
      %min3A_1993 = arith.minimumf %min3A_1989, %min3A_1990 : vector<128x128xf32>
      %min3A_1994 = arith.minimumf %min3A_1991, %min3A_1992 : vector<128x128xf32>
      %min3A_1995 = arith.minimumf %min3A_1993, %min3A_1994 : vector<128x128xf32>
      %reduce_min3A_1996 = arith.constant dense<0x7F800000> : vector<128xf32>
      %reduce_min3A_1997 = vector.multi_reduction <minimumf>, %min3A_1995, %reduce_min3A_1996 [1] : vector<128x128xf32> to vector<128xf32>
      %slice3A_1998 = vector.extract_strided_slice %get3A_12 {offsets = [896, 0], sizes = [128, 512], strides = [1, 1]} : vector<1024x512xbf16> to vector<128x512xbf16>
      %dot_general3A_1999 = arith.constant dense<0.000000e+00> : vector<2048x128xf32>
      %dot_general3A_2000 = tpu.matmul %get3A_9, %slice3A_1998, %dot_general3A_1999 {dimension_numbers = #tpu.dot_dimension_numbers<[1], [1], [0], [0], [0, 0, 1, 0], [], []>, transpose_lhs_hint = false} : vector<2048x512xbf16>, vector<128x512xbf16>, vector<2048x128xf32> -> vector<2048x128xf32>
      %swap3A_2001 = arith.constant 0 : index
      %swap3A_2002 = arith.constant 896 : index
      %swap3A_2003 = vector.load %arg7[%swap3A_2001, %swap3A_2002] : memref<2048x1024xf32, #tpu.memory_space<vmem>>, vector<2048x128xf32>
      tpu.vector_store %arg7[%swap3A_2001, %swap3A_2002], %dot_general3A_2000 {strides = array<i32>} : memref<2048x1024xf32, #tpu.memory_space<vmem>>, vector<2048x128xf32>,
      %get3A_2004 = arith.constant 1792 : index
      %get3A_2005 = arith.constant 0 : index
      %get3A_2006 = vector.load %arg6[%get3A_2004, %get3A_2005] : memref<2048x1024xf32, #tpu.memory_space<vmem>>, vector<128x128xf32>
      %get3A_2007 = arith.constant 0 : index
      %get3A_2008 = arith.constant 0 : index
      %get3A_2009 = arith.constant 0 : index
      %get3A_2010 = vector.load %arg4[%get3A_2007, %get3A_2008, %get3A_2009] : memref<1x1x1024xf32, #tpu.memory_space<vmem>>, vector<1x1x128xf32>
      %get3A_2011 = vector.shape_cast %get3A_2010 : vector<1x1x128xf32> to vector<1x128xf32>
      %add3A_2012 = vector.broadcast %get3A_2011 : vector<1x128xf32> to vector<128x128xf32>
      %add3A_2013 = arith.addf %get3A_2006, %add3A_2012 : vector<128x128xf32>
      %bitcast_convert_type3A_2014 = tpu.bitcast %add3A_2013 : vector<128x128xf32> -> vector<128x128xi32>
      %and3A_2015 = arith.constant -1024 : i32
      %and3A_2016 = vector.broadcast %and3A_2015 : i32 to vector<128x128xi32>
      %and3A_2017 = arith.andi %bitcast_convert_type3A_2014, %and3A_2016 : vector<128x128xi32>
      %or3A_2018 = arith.ori %and3A_2017, %add3A_17 : vector<128x128xi32>
      %bitcast_convert_type3A_2019 = tpu.bitcast %or3A_2018 : vector<128x128xi32> -> vector<128x128xf32>
      %get3A_2020 = arith.constant 1792 : index
      %get3A_2021 = arith.constant 128 : index
      %get3A_2022 = vector.load %arg6[%get3A_2020, %get3A_2021] : memref<2048x1024xf32, #tpu.memory_space<vmem>>, vector<128x128xf32>
      %get3A_2023 = arith.constant 0 : index
      %get3A_2024 = arith.constant 0 : index
      %get3A_2025 = arith.constant 128 : index
      %get3A_2026 = vector.load %arg4[%get3A_2023, %get3A_2024, %get3A_2025] : memref<1x1x1024xf32, #tpu.memory_space<vmem>>, vector<1x1x128xf32>
      %get3A_2027 = vector.shape_cast %get3A_2026 : vector<1x1x128xf32> to vector<1x128xf32>
      %add3A_2028 = vector.broadcast %get3A_2027 : vector<1x128xf32> to vector<128x128xf32>
      %add3A_2029 = arith.addf %get3A_2022, %add3A_2028 : vector<128x128xf32>
      %bitcast_convert_type3A_2030 = tpu.bitcast %add3A_2029 : vector<128x128xf32> -> vector<128x128xi32>
      %and3A_2031 = arith.constant -1024 : i32
      %and3A_2032 = vector.broadcast %and3A_2031 : i32 to vector<128x128xi32>
      %and3A_2033 = arith.andi %bitcast_convert_type3A_2030, %and3A_2032 : vector<128x128xi32>
      %or3A_2034 = arith.ori %and3A_2033, %add3A_21 : vector<128x128xi32>
      %bitcast_convert_type3A_2035 = tpu.bitcast %or3A_2034 : vector<128x128xi32> -> vector<128x128xf32>
      %get3A_2036 = arith.constant 1792 : index
      %get3A_2037 = arith.constant 256 : index
      %get3A_2038 = vector.load %arg6[%get3A_2036, %get3A_2037] : memref<2048x1024xf32, #tpu.memory_space<vmem>>, vector<128x128xf32>
      %get3A_2039 = arith.constant 0 : index
      %get3A_2040 = arith.constant 0 : index
      %get3A_2041 = arith.constant 256 : index
      %get3A_2042 = vector.load %arg4[%get3A_2039, %get3A_2040, %get3A_2041] : memref<1x1x1024xf32, #tpu.memory_space<vmem>>, vector<1x1x128xf32>
      %get3A_2043 = vector.shape_cast %get3A_2042 : vector<1x1x128xf32> to vector<1x128xf32>
      %add3A_2044 = vector.broadcast %get3A_2043 : vector<1x128xf32> to vector<128x128xf32>
      %add3A_2045 = arith.addf %get3A_2038, %add3A_2044 : vector<128x128xf32>
      %bitcast_convert_type3A_2046 = tpu.bitcast %add3A_2045 : vector<128x128xf32> -> vector<128x128xi32>
      %and3A_2047 = arith.constant -1024 : i32
      %and3A_2048 = vector.broadcast %and3A_2047 : i32 to vector<128x128xi32>
      %and3A_2049 = arith.andi %bitcast_convert_type3A_2046, %and3A_2048 : vector<128x128xi32>
      %or3A_2050 = arith.ori %and3A_2049, %add3A_25 : vector<128x128xi32>
      %bitcast_convert_type3A_2051 = tpu.bitcast %or3A_2050 : vector<128x128xi32> -> vector<128x128xf32>
      %get3A_2052 = arith.constant 1792 : index
      %get3A_2053 = arith.constant 384 : index
      %get3A_2054 = vector.load %arg6[%get3A_2052, %get3A_2053] : memref<2048x1024xf32, #tpu.memory_space<vmem>>, vector<128x128xf32>
      %get3A_2055 = arith.constant 0 : index
      %get3A_2056 = arith.constant 0 : index
      %get3A_2057 = arith.constant 384 : index
      %get3A_2058 = vector.load %arg4[%get3A_2055, %get3A_2056, %get3A_2057] : memref<1x1x1024xf32, #tpu.memory_space<vmem>>, vector<1x1x128xf32>
      %get3A_2059 = vector.shape_cast %get3A_2058 : vector<1x1x128xf32> to vector<1x128xf32>
      %add3A_2060 = vector.broadcast %get3A_2059 : vector<1x128xf32> to vector<128x128xf32>
      %add3A_2061 = arith.addf %get3A_2054, %add3A_2060 : vector<128x128xf32>
      %bitcast_convert_type3A_2062 = tpu.bitcast %add3A_2061 : vector<128x128xf32> -> vector<128x128xi32>
      %and3A_2063 = arith.constant -1024 : i32
      %and3A_2064 = vector.broadcast %and3A_2063 : i32 to vector<128x128xi32>
      %and3A_2065 = arith.andi %bitcast_convert_type3A_2062, %and3A_2064 : vector<128x128xi32>
      %or3A_2066 = arith.ori %and3A_2065, %add3A_29 : vector<128x128xi32>
      %bitcast_convert_type3A_2067 = tpu.bitcast %or3A_2066 : vector<128x128xi32> -> vector<128x128xf32>
      %get3A_2068 = arith.constant 1792 : index
      %get3A_2069 = arith.constant 512 : index
      %get3A_2070 = vector.load %arg6[%get3A_2068, %get3A_2069] : memref<2048x1024xf32, #tpu.memory_space<vmem>>, vector<128x128xf32>
      %get3A_2071 = arith.constant 0 : index
      %get3A_2072 = arith.constant 0 : index
      %get3A_2073 = arith.constant 512 : index
      %get3A_2074 = vector.load %arg4[%get3A_2071, %get3A_2072, %get3A_2073] : memref<1x1x1024xf32, #tpu.memory_space<vmem>>, vector<1x1x128xf32>
      %get3A_2075 = vector.shape_cast %get3A_2074 : vector<1x1x128xf32> to vector<1x128xf32>
      %add3A_2076 = vector.broadcast %get3A_2075 : vector<1x128xf32> to vector<128x128xf32>
      %add3A_2077 = arith.addf %get3A_2070, %add3A_2076 : vector<128x128xf32>
      %bitcast_convert_type3A_2078 = tpu.bitcast %add3A_2077 : vector<128x128xf32> -> vector<128x128xi32>
      %and3A_2079 = arith.constant -1024 : i32
      %and3A_2080 = vector.broadcast %and3A_2079 : i32 to vector<128x128xi32>
      %and3A_2081 = arith.andi %bitcast_convert_type3A_2078, %and3A_2080 : vector<128x128xi32>
      %or3A_2082 = arith.ori %and3A_2081, %add3A_33 : vector<128x128xi32>
      %bitcast_convert_type3A_2083 = tpu.bitcast %or3A_2082 : vector<128x128xi32> -> vector<128x128xf32>
      %get3A_2084 = arith.constant 1792 : index
      %get3A_2085 = arith.constant 640 : index
      %get3A_2086 = vector.load %arg6[%get3A_2084, %get3A_2085] : memref<2048x1024xf32, #tpu.memory_space<vmem>>, vector<128x128xf32>
      %get3A_2087 = arith.constant 0 : index
      %get3A_2088 = arith.constant 0 : index
      %get3A_2089 = arith.constant 640 : index
      %get3A_2090 = vector.load %arg4[%get3A_2087, %get3A_2088, %get3A_2089] : memref<1x1x1024xf32, #tpu.memory_space<vmem>>, vector<1x1x128xf32>
      %get3A_2091 = vector.shape_cast %get3A_2090 : vector<1x1x128xf32> to vector<1x128xf32>
      %add3A_2092 = vector.broadcast %get3A_2091 : vector<1x128xf32> to vector<128x128xf32>
      %add3A_2093 = arith.addf %get3A_2086, %add3A_2092 : vector<128x128xf32>
      %bitcast_convert_type3A_2094 = tpu.bitcast %add3A_2093 : vector<128x128xf32> -> vector<128x128xi32>
      %and3A_2095 = arith.constant -1024 : i32
      %and3A_2096 = vector.broadcast %and3A_2095 : i32 to vector<128x128xi32>
      %and3A_2097 = arith.andi %bitcast_convert_type3A_2094, %and3A_2096 : vector<128x128xi32>
      %or3A_2098 = arith.ori %and3A_2097, %add3A_37 : vector<128x128xi32>
      %bitcast_convert_type3A_2099 = tpu.bitcast %or3A_2098 : vector<128x128xi32> -> vector<128x128xf32>
      %get3A_2100 = arith.constant 1792 : index
      %get3A_2101 = arith.constant 768 : index
      %get3A_2102 = vector.load %arg6[%get3A_2100, %get3A_2101] : memref<2048x1024xf32, #tpu.memory_space<vmem>>, vector<128x128xf32>
      %get3A_2103 = arith.constant 0 : index
      %get3A_2104 = arith.constant 0 : index
      %get3A_2105 = arith.constant 768 : index
      %get3A_2106 = vector.load %arg4[%get3A_2103, %get3A_2104, %get3A_2105] : memref<1x1x1024xf32, #tpu.memory_space<vmem>>, vector<1x1x128xf32>
      %get3A_2107 = vector.shape_cast %get3A_2106 : vector<1x1x128xf32> to vector<1x128xf32>
      %add3A_2108 = vector.broadcast %get3A_2107 : vector<1x128xf32> to vector<128x128xf32>
      %add3A_2109 = arith.addf %get3A_2102, %add3A_2108 : vector<128x128xf32>
      %bitcast_convert_type3A_2110 = tpu.bitcast %add3A_2109 : vector<128x128xf32> -> vector<128x128xi32>
      %and3A_2111 = arith.constant -1024 : i32
      %and3A_2112 = vector.broadcast %and3A_2111 : i32 to vector<128x128xi32>
      %and3A_2113 = arith.andi %bitcast_convert_type3A_2110, %and3A_2112 : vector<128x128xi32>
      %or3A_2114 = arith.ori %and3A_2113, %add3A_41 : vector<128x128xi32>
      %bitcast_convert_type3A_2115 = tpu.bitcast %or3A_2114 : vector<128x128xi32> -> vector<128x128xf32>
      %get3A_2116 = arith.constant 1792 : index
      %get3A_2117 = arith.constant 896 : index
      %get3A_2118 = vector.load %arg6[%get3A_2116, %get3A_2117] : memref<2048x1024xf32, #tpu.memory_space<vmem>>, vector<128x128xf32>
      %get3A_2119 = arith.constant 0 : index
      %get3A_2120 = arith.constant 0 : index
      %get3A_2121 = arith.constant 896 : index
      %get3A_2122 = vector.load %arg4[%get3A_2119, %get3A_2120, %get3A_2121] : memref<1x1x1024xf32, #tpu.memory_space<vmem>>, vector<1x1x128xf32>
      %get3A_2123 = vector.shape_cast %get3A_2122 : vector<1x1x128xf32> to vector<1x128xf32>
      %add3A_2124 = vector.broadcast %get3A_2123 : vector<1x128xf32> to vector<128x128xf32>
      %add3A_2125 = arith.addf %get3A_2118, %add3A_2124 : vector<128x128xf32>
      %bitcast_convert_type3A_2126 = tpu.bitcast %add3A_2125 : vector<128x128xf32> -> vector<128x128xi32>
      %and3A_2127 = arith.constant -1024 : i32
      %and3A_2128 = vector.broadcast %and3A_2127 : i32 to vector<128x128xi32>
      %and3A_2129 = arith.andi %bitcast_convert_type3A_2126, %and3A_2128 : vector<128x128xi32>
      %or3A_2130 = arith.ori %and3A_2129, %add3A_45 : vector<128x128xi32>
      %bitcast_convert_type3A_2131 = tpu.bitcast %or3A_2130 : vector<128x128xi32> -> vector<128x128xf32>
      %min3A_2132 = arith.minimumf %bitcast_convert_type3A_2019, %bitcast_convert_type3A_2035 : vector<128x128xf32>
      %min3A_2133 = arith.minimumf %bitcast_convert_type3A_2051, %bitcast_convert_type3A_2067 : vector<128x128xf32>
      %min3A_2134 = arith.minimumf %bitcast_convert_type3A_2083, %bitcast_convert_type3A_2099 : vector<128x128xf32>
      %min3A_2135 = arith.minimumf %bitcast_convert_type3A_2115, %bitcast_convert_type3A_2131 : vector<128x128xf32>
      %min3A_2136 = arith.minimumf %min3A_2132, %min3A_2133 : vector<128x128xf32>
      %min3A_2137 = arith.minimumf %min3A_2134, %min3A_2135 : vector<128x128xf32>
      %min3A_2138 = arith.minimumf %min3A_2136, %min3A_2137 : vector<128x128xf32>
      %reduce_min3A_2139 = arith.constant dense<0x7F800000> : vector<128xf32>
      %reduce_min3A_2140 = vector.multi_reduction <minimumf>, %min3A_2138, %reduce_min3A_2139 [1] : vector<128x128xf32> to vector<128xf32>
      %get3A_2141 = arith.constant 1920 : index
      %get3A_2142 = arith.constant 0 : index
      %get3A_2143 = vector.load %arg6[%get3A_2141, %get3A_2142] : memref<2048x1024xf32, #tpu.memory_space<vmem>>, vector<128x128xf32>
      %get3A_2144 = arith.constant 0 : index
      %get3A_2145 = arith.constant 0 : index
      %get3A_2146 = arith.constant 0 : index
      %get3A_2147 = vector.load %arg4[%get3A_2144, %get3A_2145, %get3A_2146] : memref<1x1x1024xf32, #tpu.memory_space<vmem>>, vector<1x1x128xf32>
      %get3A_2148 = vector.shape_cast %get3A_2147 : vector<1x1x128xf32> to vector<1x128xf32>
      %add3A_2149 = vector.broadcast %get3A_2148 : vector<1x128xf32> to vector<128x128xf32>
      %add3A_2150 = arith.addf %get3A_2143, %add3A_2149 : vector<128x128xf32>
      %bitcast_convert_type3A_2151 = tpu.bitcast %add3A_2150 : vector<128x128xf32> -> vector<128x128xi32>
      %and3A_2152 = arith.constant -1024 : i32
      %and3A_2153 = vector.broadcast %and3A_2152 : i32 to vector<128x128xi32>
      %and3A_2154 = arith.andi %bitcast_convert_type3A_2151, %and3A_2153 : vector<128x128xi32>
      %or3A_2155 = arith.ori %and3A_2154, %add3A_17 : vector<128x128xi32>
      %bitcast_convert_type3A_2156 = tpu.bitcast %or3A_2155 : vector<128x128xi32> -> vector<128x128xf32>
      %get3A_2157 = arith.constant 1920 : index
      %get3A_2158 = arith.constant 128 : index
      %get3A_2159 = vector.load %arg6[%get3A_2157, %get3A_2158] : memref<2048x1024xf32, #tpu.memory_space<vmem>>, vector<128x128xf32>
      %get3A_2160 = arith.constant 0 : index
      %get3A_2161 = arith.constant 0 : index
      %get3A_2162 = arith.constant 128 : index
      %get3A_2163 = vector.load %arg4[%get3A_2160, %get3A_2161, %get3A_2162] : memref<1x1x1024xf32, #tpu.memory_space<vmem>>, vector<1x1x128xf32>
      %get3A_2164 = vector.shape_cast %get3A_2163 : vector<1x1x128xf32> to vector<1x128xf32>
      %add3A_2165 = vector.broadcast %get3A_2164 : vector<1x128xf32> to vector<128x128xf32>
      %add3A_2166 = arith.addf %get3A_2159, %add3A_2165 : vector<128x128xf32>
      %bitcast_convert_type3A_2167 = tpu.bitcast %add3A_2166 : vector<128x128xf32> -> vector<128x128xi32>
      %and3A_2168 = arith.constant -1024 : i32
      %and3A_2169 = vector.broadcast %and3A_2168 : i32 to vector<128x128xi32>
      %and3A_2170 = arith.andi %bitcast_convert_type3A_2167, %and3A_2169 : vector<128x128xi32>
      %or3A_2171 = arith.ori %and3A_2170, %add3A_21 : vector<128x128xi32>
      %bitcast_convert_type3A_2172 = tpu.bitcast %or3A_2171 : vector<128x128xi32> -> vector<128x128xf32>
      %get3A_2173 = arith.constant 1920 : index
      %get3A_2174 = arith.constant 256 : index
      %get3A_2175 = vector.load %arg6[%get3A_2173, %get3A_2174] : memref<2048x1024xf32, #tpu.memory_space<vmem>>, vector<128x128xf32>
      %get3A_2176 = arith.constant 0 : index
      %get3A_2177 = arith.constant 0 : index
      %get3A_2178 = arith.constant 256 : index
      %get3A_2179 = vector.load %arg4[%get3A_2176, %get3A_2177, %get3A_2178] : memref<1x1x1024xf32, #tpu.memory_space<vmem>>, vector<1x1x128xf32>
      %get3A_2180 = vector.shape_cast %get3A_2179 : vector<1x1x128xf32> to vector<1x128xf32>
      %add3A_2181 = vector.broadcast %get3A_2180 : vector<1x128xf32> to vector<128x128xf32>
      %add3A_2182 = arith.addf %get3A_2175, %add3A_2181 : vector<128x128xf32>
      %bitcast_convert_type3A_2183 = tpu.bitcast %add3A_2182 : vector<128x128xf32> -> vector<128x128xi32>
      %and3A_2184 = arith.constant -1024 : i32
      %and3A_2185 = vector.broadcast %and3A_2184 : i32 to vector<128x128xi32>
      %and3A_2186 = arith.andi %bitcast_convert_type3A_2183, %and3A_2185 : vector<128x128xi32>
      %or3A_2187 = arith.ori %and3A_2186, %add3A_25 : vector<128x128xi32>
      %bitcast_convert_type3A_2188 = tpu.bitcast %or3A_2187 : vector<128x128xi32> -> vector<128x128xf32>
      %get3A_2189 = arith.constant 1920 : index
      %get3A_2190 = arith.constant 384 : index
      %get3A_2191 = vector.load %arg6[%get3A_2189, %get3A_2190] : memref<2048x1024xf32, #tpu.memory_space<vmem>>, vector<128x128xf32>
      %get3A_2192 = arith.constant 0 : index
      %get3A_2193 = arith.constant 0 : index
      %get3A_2194 = arith.constant 384 : index
      %get3A_2195 = vector.load %arg4[%get3A_2192, %get3A_2193, %get3A_2194] : memref<1x1x1024xf32, #tpu.memory_space<vmem>>, vector<1x1x128xf32>
      %get3A_2196 = vector.shape_cast %get3A_2195 : vector<1x1x128xf32> to vector<1x128xf32>
      %add3A_2197 = vector.broadcast %get3A_2196 : vector<1x128xf32> to vector<128x128xf32>
      %add3A_2198 = arith.addf %get3A_2191, %add3A_2197 : vector<128x128xf32>
      %bitcast_convert_type3A_2199 = tpu.bitcast %add3A_2198 : vector<128x128xf32> -> vector<128x128xi32>
      %and3A_2200 = arith.constant -1024 : i32
      %and3A_2201 = vector.broadcast %and3A_2200 : i32 to vector<128x128xi32>
      %and3A_2202 = arith.andi %bitcast_convert_type3A_2199, %and3A_2201 : vector<128x128xi32>
      %or3A_2203 = arith.ori %and3A_2202, %add3A_29 : vector<128x128xi32>
      %bitcast_convert_type3A_2204 = tpu.bitcast %or3A_2203 : vector<128x128xi32> -> vector<128x128xf32>
      %get3A_2205 = arith.constant 1920 : index
      %get3A_2206 = arith.constant 512 : index
      %get3A_2207 = vector.load %arg6[%get3A_2205, %get3A_2206] : memref<2048x1024xf32, #tpu.memory_space<vmem>>, vector<128x128xf32>
      %get3A_2208 = arith.constant 0 : index
      %get3A_2209 = arith.constant 0 : index
      %get3A_2210 = arith.constant 512 : index
      %get3A_2211 = vector.load %arg4[%get3A_2208, %get3A_2209, %get3A_2210] : memref<1x1x1024xf32, #tpu.memory_space<vmem>>, vector<1x1x128xf32>
      %get3A_2212 = vector.shape_cast %get3A_2211 : vector<1x1x128xf32> to vector<1x128xf32>
      %add3A_2213 = vector.broadcast %get3A_2212 : vector<1x128xf32> to vector<128x128xf32>
      %add3A_2214 = arith.addf %get3A_2207, %add3A_2213 : vector<128x128xf32>
      %bitcast_convert_type3A_2215 = tpu.bitcast %add3A_2214 : vector<128x128xf32> -> vector<128x128xi32>
      %and3A_2216 = arith.constant -1024 : i32
      %and3A_2217 = vector.broadcast %and3A_2216 : i32 to vector<128x128xi32>
      %and3A_2218 = arith.andi %bitcast_convert_type3A_2215, %and3A_2217 : vector<128x128xi32>
      %or3A_2219 = arith.ori %and3A_2218, %add3A_33 : vector<128x128xi32>
      %bitcast_convert_type3A_2220 = tpu.bitcast %or3A_2219 : vector<128x128xi32> -> vector<128x128xf32>
      %get3A_2221 = arith.constant 1920 : index
      %get3A_2222 = arith.constant 640 : index
      %get3A_2223 = vector.load %arg6[%get3A_2221, %get3A_2222] : memref<2048x1024xf32, #tpu.memory_space<vmem>>, vector<128x128xf32>
      %get3A_2224 = arith.constant 0 : index
      %get3A_2225 = arith.constant 0 : index
      %get3A_2226 = arith.constant 640 : index
      %get3A_2227 = vector.load %arg4[%get3A_2224, %get3A_2225, %get3A_2226] : memref<1x1x1024xf32, #tpu.memory_space<vmem>>, vector<1x1x128xf32>
      %get3A_2228 = vector.shape_cast %get3A_2227 : vector<1x1x128xf32> to vector<1x128xf32>
      %add3A_2229 = vector.broadcast %get3A_2228 : vector<1x128xf32> to vector<128x128xf32>
      %add3A_2230 = arith.addf %get3A_2223, %add3A_2229 : vector<128x128xf32>
      %bitcast_convert_type3A_2231 = tpu.bitcast %add3A_2230 : vector<128x128xf32> -> vector<128x128xi32>
      %and3A_2232 = arith.constant -1024 : i32
      %and3A_2233 = vector.broadcast %and3A_2232 : i32 to vector<128x128xi32>
      %and3A_2234 = arith.andi %bitcast_convert_type3A_2231, %and3A_2233 : vector<128x128xi32>
      %or3A_2235 = arith.ori %and3A_2234, %add3A_37 : vector<128x128xi32>
      %bitcast_convert_type3A_2236 = tpu.bitcast %or3A_2235 : vector<128x128xi32> -> vector<128x128xf32>
      %get3A_2237 = arith.constant 1920 : index
      %get3A_2238 = arith.constant 768 : index
      %get3A_2239 = vector.load %arg6[%get3A_2237, %get3A_2238] : memref<2048x1024xf32, #tpu.memory_space<vmem>>, vector<128x128xf32>
      %get3A_2240 = arith.constant 0 : index
      %get3A_2241 = arith.constant 0 : index
      %get3A_2242 = arith.constant 768 : index
      %get3A_2243 = vector.load %arg4[%get3A_2240, %get3A_2241, %get3A_2242] : memref<1x1x1024xf32, #tpu.memory_space<vmem>>, vector<1x1x128xf32>
      %get3A_2244 = vector.shape_cast %get3A_2243 : vector<1x1x128xf32> to vector<1x128xf32>
      %add3A_2245 = vector.broadcast %get3A_2244 : vector<1x128xf32> to vector<128x128xf32>
      %add3A_2246 = arith.addf %get3A_2239, %add3A_2245 : vector<128x128xf32>
      %bitcast_convert_type3A_2247 = tpu.bitcast %add3A_2246 : vector<128x128xf32> -> vector<128x128xi32>
      %and3A_2248 = arith.constant -1024 : i32
      %and3A_2249 = vector.broadcast %and3A_2248 : i32 to vector<128x128xi32>
      %and3A_2250 = arith.andi %bitcast_convert_type3A_2247, %and3A_2249 : vector<128x128xi32>
      %or3A_2251 = arith.ori %and3A_2250, %add3A_41 : vector<128x128xi32>
      %bitcast_convert_type3A_2252 = tpu.bitcast %or3A_2251 : vector<128x128xi32> -> vector<128x128xf32>
      %get3A_2253 = arith.constant 1920 : index
      %get3A_2254 = arith.constant 896 : index
      %get3A_2255 = vector.load %arg6[%get3A_2253, %get3A_2254] : memref<2048x1024xf32, #tpu.memory_space<vmem>>, vector<128x128xf32>
      %get3A_2256 = arith.constant 0 : index
      %get3A_2257 = arith.constant 0 : index
      %get3A_2258 = arith.constant 896 : index
      %get3A_2259 = vector.load %arg4[%get3A_2256, %get3A_2257, %get3A_2258] : memref<1x1x1024xf32, #tpu.memory_space<vmem>>, vector<1x1x128xf32>
      %get3A_2260 = vector.shape_cast %get3A_2259 : vector<1x1x128xf32> to vector<1x128xf32>
      %add3A_2261 = vector.broadcast %get3A_2260 : vector<1x128xf32> to vector<128x128xf32>
      %add3A_2262 = arith.addf %get3A_2255, %add3A_2261 : vector<128x128xf32>
      %bitcast_convert_type3A_2263 = tpu.bitcast %add3A_2262 : vector<128x128xf32> -> vector<128x128xi32>
      %and3A_2264 = arith.constant -1024 : i32
      %and3A_2265 = vector.broadcast %and3A_2264 : i32 to vector<128x128xi32>
      %and3A_2266 = arith.andi %bitcast_convert_type3A_2263, %and3A_2265 : vector<128x128xi32>
      %or3A_2267 = arith.ori %and3A_2266, %add3A_45 : vector<128x128xi32>
      %bitcast_convert_type3A_2268 = tpu.bitcast %or3A_2267 : vector<128x128xi32> -> vector<128x128xf32>
      %min3A_2269 = arith.minimumf %bitcast_convert_type3A_2156, %bitcast_convert_type3A_2172 : vector<128x128xf32>
      %min3A_2270 = arith.minimumf %bitcast_convert_type3A_2188, %bitcast_convert_type3A_2204 : vector<128x128xf32>
      %min3A_2271 = arith.minimumf %bitcast_convert_type3A_2220, %bitcast_convert_type3A_2236 : vector<128x128xf32>
      %min3A_2272 = arith.minimumf %bitcast_convert_type3A_2252, %bitcast_convert_type3A_2268 : vector<128x128xf32>
      %min3A_2273 = arith.minimumf %min3A_2269, %min3A_2270 : vector<128x128xf32>
      %min3A_2274 = arith.minimumf %min3A_2271, %min3A_2272 : vector<128x128xf32>
      %min3A_2275 = arith.minimumf %min3A_2273, %min3A_2274 : vector<128x128xf32>
      %reduce_min3A_2276 = arith.constant dense<0x7F800000> : vector<128xf32>
      %reduce_min3A_2277 = vector.multi_reduction <minimumf>, %min3A_2275, %reduce_min3A_2276 [1] : vector<128x128xf32> to vector<128xf32>
      %stack3A = vector.shape_cast %reduce_min3A_180 : vector<128xf32> to vector<1x128xf32>
      %stack3A_2278 = vector.shape_cast %reduce_min3A_317 : vector<128xf32> to vector<1x128xf32>
      %stack3A_2279 = vector.shape_cast %reduce_min3A_460 : vector<128xf32> to vector<1x128xf32>
      %stack3A_2280 = vector.shape_cast %reduce_min3A_597 : vector<128xf32> to vector<1x128xf32>
      %stack3A_2281 = vector.shape_cast %reduce_min3A_740 : vector<128xf32> to vector<1x128xf32>
      %stack3A_2282 = vector.shape_cast %reduce_min3A_877 : vector<128xf32> to vector<1x128xf32>
      %stack3A_2283 = vector.shape_cast %reduce_min3A_1020 : vector<128xf32> to vector<1x128xf32>
      %stack3A_2284 = vector.shape_cast %reduce_min3A_1157 : vector<128xf32> to vector<1x128xf32>
      %stack3A_2285 = vector.shape_cast %reduce_min3A_1300 : vector<128xf32> to vector<1x128xf32>
      %stack3A_2286 = vector.shape_cast %reduce_min3A_1437 : vector<128xf32> to vector<1x128xf32>
      %stack3A_2287 = vector.shape_cast %reduce_min3A_1580 : vector<128xf32> to vector<1x128xf32>
      %stack3A_2288 = vector.shape_cast %reduce_min3A_1717 : vector<128xf32> to vector<1x128xf32>
      %stack3A_2289 = vector.shape_cast %reduce_min3A_1860 : vector<128xf32> to vector<1x128xf32>
      %stack3A_2290 = vector.shape_cast %reduce_min3A_1997 : vector<128xf32> to vector<1x128xf32>
      %stack3A_2291 = vector.shape_cast %reduce_min3A_2140 : vector<128xf32> to vector<1x128xf32>
      %stack3A_2292 = vector.shape_cast %reduce_min3A_2277 : vector<128xf32> to vector<1x128xf32>
      %stack3A_2293 = tpu.concatenate %stack3A, %stack3A_2278, %stack3A_2279, %stack3A_2280, %stack3A_2281, %stack3A_2282, %stack3A_2283, %stack3A_2284, %stack3A_2285, %stack3A_2286, %stack3A_2287, %stack3A_2288, %stack3A_2289, %stack3A_2290, %stack3A_2291, %stack3A_2292 in 0 : vector<1x128xf32>, vector<1x128xf32>, vector<1x128xf32>, vector<1x128xf32>, vector<1x128xf32>, vector<1x128xf32>, vector<1x128xf32>, vector<1x128xf32>, vector<1x128xf32>, vector<1x128xf32>, vector<1x128xf32>, vector<1x128xf32>, vector<1x128xf32>, vector<1x128xf32>, vector<1x128xf32>, vector<1x128xf32> -> vector<16x128xf32>
      %bitcast_convert_type3A_2294 = tpu.bitcast %stack3A_2293 : vector<16x128xf32> -> vector<16x128xi32>
      %and3A_2295 = arith.constant 1023 : i32
      %and3A_2296 = vector.broadcast %and3A_2295 : i32 to vector<16x128xi32>
      %and3A_2297 = arith.andi %bitcast_convert_type3A_2294, %and3A_2296 : vector<16x128xi32>
      %mul3A = arith.constant 1024 : i32
      %mul3A_2298 = arith.muli %sub3A_13, %mul3A : i32
      %add3A_2299 = vector.broadcast %mul3A_2298 : i32 to vector<16x128xi32>
      %add3A_2300 = arith.addi %and3A_2297, %add3A_2299 : vector<16x128xi32>
      %gt3A = arith.constant 0 : i32
      %gt3A_2301 = arith.cmpi sgt, %arg1, %gt3A : i32
      %convert_element_type3A_2302 = arith.extui %gt3A_2301 : i1 to i32
      %cond3A_2303 = arith.constant 0 : i32
      %cond3A_2304 = arith.cmpi ne, %convert_element_type3A_2302, %cond3A_2303 : i32
      scf.if %cond3A_2304 {
        %get3A_2310 = arith.constant 0 : index
        %get3A_2311 = arith.constant 0 : index
        %get3A_2312 = vector.load %arg8[%get3A_2310, %get3A_2311] : memref<16x128xf32, #tpu.memory_space<vmem>>, vector<16x128xf32>
        %lt3A = arith.cmpf olt, %stack3A_2293, %get3A_2312 : vector<16x128xf32>
        %or3A_2313 = vector.broadcast %eq3A_15 : i1 to vector<16x128xi1>
        %or3A_2314 = arith.ori %lt3A, %or3A_2313 : vector<16x128xi1>
        %get3A_2315 = arith.constant 0 : index
        %get3A_2316 = arith.constant 0 : index
        %get3A_2317 = vector.load %arg9[%get3A_2315, %get3A_2316] : memref<16x128xi32, #tpu.memory_space<vmem>>, vector<16x128xi32>
        %select_n3A = arith.select %or3A_2314, %add3A_2300, %get3A_2317 : vector<16x128xi1>, vector<16x128xi32>
        %swap3A_2318 = arith.constant 0 : index
        %swap3A_2319 = arith.constant 0 : index
        %swap3A_2320 = vector.load %arg9[%swap3A_2318, %swap3A_2319] : memref<16x128xi32, #tpu.memory_space<vmem>>, vector<16x128xi32>
        tpu.vector_store %arg9[%swap3A_2318, %swap3A_2319], %select_n3A {strides = array<i32>} : memref<16x128xi32, #tpu.memory_space<vmem>>, vector<16x128xi32>,
        %get3A_2321 = arith.constant 0 : index
        %get3A_2322 = arith.constant 0 : index
        %get3A_2323 = vector.load %arg8[%get3A_2321, %get3A_2322] : memref<16x128xf32, #tpu.memory_space<vmem>>, vector<16x128xf32>
        %select_n3A_2324 = arith.select %or3A_2314, %stack3A_2293, %get3A_2323 : vector<16x128xi1>, vector<16x128xf32>
        %swap3A_2325 = arith.constant 0 : index
        %swap3A_2326 = arith.constant 0 : index
        %swap3A_2327 = vector.load %arg8[%swap3A_2325, %swap3A_2326] : memref<16x128xf32, #tpu.memory_space<vmem>>, vector<16x128xf32>
        tpu.vector_store %arg8[%swap3A_2325, %swap3A_2326], %select_n3A_2324 {strides = array<i32>} : memref<16x128xf32, #tpu.memory_space<vmem>>, vector<16x128xf32>,
      } else {
      }
      %eq3A_2305 = arith.constant 49 : i32
      %eq3A_2306 = arith.cmpi eq, %arg1, %eq3A_2305 : i32
      %convert_element_type3A_2307 = arith.extui %eq3A_2306 : i1 to i32
      %cond3A_2308 = arith.constant 0 : i32
      %cond3A_2309 = arith.cmpi ne, %convert_element_type3A_2307, %cond3A_2308 : i32
      scf.if %cond3A_2309 {
        %get3A_2310 = arith.constant 0 : index
        %get3A_2311 = arith.constant 0 : index
        %get3A_2312 = vector.load %arg9[%get3A_2310, %get3A_2311] : memref<16x128xi32, #tpu.memory_space<vmem>>, vector<16x128xi32>
        %swap3A_2313 = arith.constant 0 : index
        %swap3A_2314 = arith.constant 0 : index
        %swap3A_2315 = arith.constant 0 : index
        %swap3A_2316 = vector.load %arg5[%swap3A_2313, %swap3A_2314, %swap3A_2315] : memref<1x16x128xi32, #tpu.memory_space<vmem>>, vector<1x16x128xi32>
        %swap3A_2317 = vector.shape_cast %swap3A_2316 : vector<1x16x128xi32> to vector<16x128xi32>
        %swap3A_2318 = vector.shape_cast %get3A_2312 : vector<16x128xi32> to vector<1x16x128xi32>
        tpu.vector_store %arg5[%swap3A_2313, %swap3A_2314, %swap3A_2315], %swap3A_2318 {strides = array<i32>} : memref<1x16x128xi32, #tpu.memory_space<vmem>>, vector<1x16x128xi32>,
      } else {
      }
    } else {
    }
    return
  }
  func.func @transform_0(%arg0: i32, %arg1: i32) -> (i32, i32) {
    %c0_i32 = arith.constant 0 : i32
    %c0_i32_0 = arith.constant 0 : i32
    return %arg0, %c0_i32 : i32, i32
  }
  func.func @transform_1(%arg0: i32, %arg1: i32) -> (i32, i32) {
    %min3A = arith.constant 48 : i32
    %min3A_0 = arith.minsi %arg1, %min3A : i32
    %c0_i32 = arith.constant 0 : i32
    %c0_i32_1 = arith.constant 0 : i32
    return %min3A_0, %c0_i32 : i32, i32
  }
  func.func @transform_2(%arg0: i32, %arg1: i32) -> (i32, i32, i32) {
    %sub3A = arith.constant 1 : i32
    %sub3A_0 = arith.subi %arg1, %sub3A : i32
    %max3A = arith.constant 0 : i32
    %max3A_1 = arith.maxsi %sub3A_0, %max3A : i32
    %c0_i32 = arith.constant 0 : i32
    %c0_i32_2 = arith.constant 0 : i32
    %c0_i32_3 = arith.constant 0 : i32
    return %max3A_1, %c0_i32, %c0_i32_2 : i32, i32, i32
  }
  func.func @transform_3(%arg0: i32, %arg1: i32) -> (i32, i32, i32) {
    %c0_i32 = arith.constant 0 : i32
    %c0_i32_0 = arith.constant 0 : i32
    %c0_i32_1 = arith.constant 0 : i32
    return %arg0, %c0_i32, %c0_i32_0 : i32, i32, i32
  }
}

</mosaic_0001>

<sc_bundles>
// kernel: kernel.5.cloned.1.call-start
scs
__scs_entry_jumppad:
0x0: {  	(pc) =	sbr.rel $0x88, $3  }
0x1: {  	(tag) =	ssettag $0x0;
	lr =	simm.s32 $0x1  }
0x2: {  	[smem:$0x3F9D] =	sst lr;
	_ =	strace $0xD0000000  }
0x3: {  	_ = 	snop  }
0x4: {  	_ = 	snop  }
0x5: {  	_ = 	snop  }
0x6: {  	_ = 	snop  }
0x7: {  	_ = 	snop  }
__scs_overlays_trampoline_lowered:
0x8: {  	[smem:$0x3FAC] =	sst s0  }
0x9: {  	[smem:$0x3FAD] =	sst s1  }
0xa: {  	[smem:$0x3FAE] =	sst s2  }
0xb: {  	[smem:$0x3FAF] =	sst s3  }
0xc: {  	[smem:$0x3FB0] =	sst s4  }
0xd: {  	[smem:$0x3FB1] =	sst s5  }
0xe: {  	[smem:$0x3FB2] =	sst s6  }
0xf: {  	[smem:$0x3FB3] =	sst s7  }
0x10: {  	[smem:$0x3FB4] =	sst s8  }
0x11: {  	[smem:$0x3FB5] =	sst s9;
	s0 =	simm.s32 @!p0 $0x0  }
0x12: {  	s1 =	sld [smem:$0x3F9B];
	s0 =	simm.s32 @p0 $0x1  }
0x13: {  	[smem:$0x3FB6] =	sst s0;
	s0 =	simm.s32 @!p1 $0x0  }
0x14: {  	s2 =	sld [smem:$0x3F9A];
	s0 =	simm.s32 @p1 $0x1  }
0x15: {  	[smem:$0x3FB7] =	sst s0;
	s0 =	simm.s32 @!p2 $0x0  }
0x16: {  	s3 =	sld [smem:$0x3FDB];
	s0 =	simm.s32 @p2 $0x1  }
0x17: {  	s4 =	simm.s32 $0x1BF5;
	[smem:$0x3FB9] =	sst s0  }
0x18: {  	s0 =	sld [smem:$0x3F9C];
	_ =	swait.ge [sflag:s4], $0x0  }
0x19: {  	s7 =	sld [smem:$0x3F9D]  }
0x1a: {  	s8 =	sadd.s32 $0xFFFFE003, lr  }
0x1b: {  	s9 =	sadd.s32 $0xFFFFFEF7, lr;
	s5 =	simm.s32 $0xFFFFFFFF;
	p2 =	slt.u32 s8, $0xFFFFF086  }
0x1c: {  	p1 =	slt.u32 s9, $0xF7A;
	s5 =	simm.s32 @!p2 $0x0  }
0x1d: {  	s5 =	simm.s32 @p1 $0x1;
	p0 =	seq.s32 s7, s2  }
0x1e: {  	s7 =	smul.u32 @!p0 $0xF7A, s2;
	p2 =	seq.s32 @!p0 s5, $0x0  }
0x1f: {  	s9 =	smul.u32 $0xF7A, s1;
	s8 =	simm.s32 @!p0 $0x1BF5;
	p2 =	por !p2, p0  }
0x20: {  	[sflag:s8] =	ssyncset.s32 @!p0 $0xFFFFF086;
	s6 =	sadd.s32 @!p0 s3, s7;
	s7 =	simm.s32 @!p0 $0x108  }
0x21: {  	s3 =	sadd.s32 s3, s9;
	s6 =	sadd.s32 @!p0 $0x88, s6;
	s7 =	simm.s32 @p2 $0x1082  }
0x22: {  	[simem:s7], [sflag:s8] =	dma.local @!p0 [hbm:s6], $0xF7A  }
0x23: {  	s9 =	sor.u32 $0xD0000000, s2;
	s6 =	simm.s32 $0x108;
	_ =	swait.ge @!p0 [sflag:s8], $0x0  }
0x24: {  	s3 =	sadd.s32 $0x88, s3;
	s6 =	simm.s32 @!p1 $0x1082;
	[sflag:s4] =	ssyncset.s32 $0xFFFFF086  }
0x25: {  	[simem:s6], [sflag:s4] =	dma.local [hbm:s3], $0xF7A  }
0x26: {  	[smem:$0x3F9D] =	sst s1;
	(tag) =	ssettag s2;
	_ =	strace s9  }
0x27: {  	s1 =	sld [smem:$0x3FAD]  }
0x28: {  	s2 =	sld [smem:$0x3FAE]  }
0x29: {  	s4 =	sld [smem:$0x3FB0]  }
0x2a: {  	p0 =	seq.s32 s5, $0x0;
	s5 =	sld [smem:$0x3FB1]  }
0x2b: {  	s6 =	sld [smem:$0x3FB2]  }
0x2c: {  	s7 =	sld [smem:$0x3FB3]  }
0x2d: {  	s3 =	simm.s32 $0x108;
	s8 =	sld [smem:$0x3FB4]  }
0x2e: {  	s3 =	simm.s32 @!p0 $0x1082;
	s9 =	sld [smem:$0x3FB5]  }
0x2f: {  	lr =	sadd.s32 s0, s3;
	s0 =	sld [smem:$0x3FAC]  }
0x30: {  	s3 =	sld [smem:$0x3FAF]  }
0x31: {  	[smem:$0x3FB8] =	sst s10  }
0x32: {  	s10 =	sld [smem:$0x3FB6];
	_ =	sdelay $0x3  }
0x33: {  	p0 =	seq.s32 s10, $0x1;
	s10 =	sld [smem:$0x3FB8];
	_ =	sdelay $0x3  }
0x34: {  	[smem:$0x3FB8] =	sst s10  }
0x35: {  	s10 =	sld [smem:$0x3FB7];
	_ =	sdelay $0x3  }
0x36: {  	p1 =	seq.s32 s10, $0x1;
	s10 =	sld [smem:$0x3FB8];
	_ =	sdelay $0x3  }
0x37: {  	[smem:$0x3FB8] =	sst s10  }
0x38: {  	s10 =	sld [smem:$0x3FB9]  }
0x39: {  	_ = 	snop;
	(pc) =	sbr.ind lr, $3  }
0x3a: {  	_ = 	snop  }
0x3b: {  	_ = 	snop  }
0x3c: {  	p2 =	seq.s32 s10, $0x1;
	s10 =	sld [smem:$0x3FB8]  }
0x3d: {  	_ =	shalt  }
0x3e: {  	_ =	shalt  }
0x3f: {  	_ =	shalt  }
0x40: {  	_ =	shalt  }
0x41: {  	_ =	shalt  }
0x42: {  	_ =	shalt  }
0x43: {  	_ =	shalt  }
0x44: {  	_ =	shalt  }
0x45: {  	_ =	shalt  }
0x46: {  	_ =	shalt  }
0x47: {  	_ =	shalt  }
0x48: {  	_ =	shalt  }
0x49: {  	_ =	shalt  }
0x4a: {  	_ =	shalt  }
0x4b: {  	_ =	shalt  }
0x4c: {  	_ =	shalt  }
0x4d: {  	_ =	shalt  }
0x4e: {  	_ =	shalt  }
0x4f: {  	_ =	shalt  }
0x50: {  	_ =	shalt  }
0x51: {  	_ =	shalt  }
0x52: {  	_ =	shalt  }
0x53: {  	_ =	shalt  }
0x54: {  	_ =	shalt  }
0x55: {  	_ =	shalt  }
0x56: {  	_ =	shalt  }
0x57: {  	_ =	shalt  }
0x58: {  	_ =	shalt  }
0x59: {  	_ =	shalt  }
0x5a: {  	_ =	shalt  }
0x5b: {  	_ =	shalt  }
0x5c: {  	_ =	shalt  }
0x5d: {  	_ =	shalt  }
0x5e: {  	_ =	shalt  }
0x5f: {  	_ =	shalt  }
0x60: {  	_ =	shalt  }
0x61: {  	_ =	shalt  }
0x62: {  	_ =	shalt  }
0x63: {  	_ =	shalt  }
0x64: {  	_ =	shalt  }
0x65: {  	_ =	shalt  }
0x66: {  	_ =	shalt  }
0x67: {  	_ =	shalt  }
0x68: {  	_ =	shalt  }
0x69: {  	_ =	shalt  }
0x6a: {  	_ =	shalt  }
0x6b: {  	_ =	shalt  }
0x6c: {  	_ =	shalt  }
0x6d: {  	_ =	shalt  }
0x6e: {  	_ =	shalt  }
0x6f: {  	_ =	shalt  }
0x70: {  	_ =	shalt  }
0x71: {  	_ =	shalt  }
0x72: {  	_ =	shalt  }
0x73: {  	_ =	shalt  }
0x74: {  	_ =	shalt  }
0x75: {  	_ =	shalt  }
0x76: {  	_ =	shalt  }
0x77: {  	_ =	shalt  }
0x78: {  	_ =	shalt  }
0x79: {  	_ =	shalt  }
0x7a: {  	_ =	shalt  }
0x7b: {  	_ =	shalt  }
0x7c: {  	_ =	shalt  }
0x7d: {  	_ =	shalt  }
0x7e: {  	_ =	shalt  }
0x7f: {  	_ =	shalt  }
0x80: {  	_ =	shalt  }
0x81: {  	_ =	shalt  }
0x82: {  	_ =	shalt  }
0x83: {  	_ =	shalt  }
0x84: {  	_ =	shalt  }
0x85: {  	_ =	shalt  }
0x86: {  	_ =	shalt  }
0x87: {  	_ =	shalt  }
.Lfunc_end0:
.L_simem_size_0:
called_computation_lowered:
.L_overlay_start_0:
0x88: {  	s2 =	sld [smem:$0x3FD9]  }
0x89: {  	s3 =	sld [smem:$0x3FFE];
	_ =	sdelay $0x1  }
0x8a: {  	s1 =	srdreg.scid  }
0x8b: {  	s0 =	sand.u32 $0x1, s1  }
0x8c: {  	s17 =	sshll.u32 s0, $0xA;
	s2 =	sadd.s32 s3, s2  }
0x8d: {  	s2 =	sadd.s32 s2, s17  }
0x8e: {  	[smem:$0x3FC4] =	sst s2  }
0x8f: {  	_ = 	snop  }
0x90: {  	s2 =	sld [smem:$0x3FC8]  }
0x91: {  	s18 =	sld [smem:$0x3FD0];
	(tm) =	ssettm $0x1  }
0x92: {  	s4 =	sld [smem:$0x3FFB];
	_ =	sdelay $0x3  }
0x93: {  	_ =	strace s4  }
0x94: {  	s4 =	sld [smem:$0x3FFC];
	_ =	sdelay $0x3  }
0x95: {  	_ =	strace s4  }
0x96: {  	s4 =	sld [smem:$0x3FFD];
	_ =	sdelay $0x3  }
0x97: {  	_ =	strace s4  }
0x98: {  	_ =	strace $0x8FFFFFFF  }
0x99: {  	s19 =	sld [smem:$0x3FDB];
	_ =	sdelay $0x1  }
0x9a: {  	s5 =	simm.s32 $_scs_section_size  }
0x9b: {  	s6 =	simm.s32 $_size__tile_overlayer_lowered;
	s7 =	simm.s32 $_tile_overlayer_lowered  }
0x9c: {  	s22 =	simm.s32 $0x1BFF;
	s21 =	sshll.u32 s7, $0x1;
	s4 =	sadd.s32 s5, s19  }
0x9d: {  	s8 =	simm.s32 $0x0;
	s20 =	sshll.u32 s6, $0x1;
	s6 =	sadd.s32 s21, s4  }
0x9e: {  	[timem:s8], [sflag:s22] =	dma.local [hbm:s6], s20  }
0x9f: {  	_ =	swait.ge [sflag:s22], s20  }
0xa0: {  	s5 =	ssub.s32 $0x0, s20;
	[sflag:s22] =	ssyncset.done $0x0  }
0xa1: {  	[sflag:s22] =	ssyncadd.s32 s5;
	_ =	sdelay $0x1  }
0xa2: {  	s23 =	simm.s32 $0x1B8B  }
0xa3: {  	_ =	swait.ge [sflag:s23], $0x1  }
0xa4: {  	[sflag:s23] =	ssyncset.done $0x0  }
0xa5: {  	s25 =	simm.s32 $0x1B8E;
	s24 =	sld [smem:$0x3FFE];
	[sflag:s23] =	ssyncadd.s32 $0xFFFFFFFF  }
0xa6: {  	s26 =	simm.s32 $execute0_lowered;
	[smem:$0x3FD2] =	sst s25  }
0xa7: {  	s6 =	sshll.u32 s26, $0x1;
	_ =	strace $0x80000046;
	[dreg:$0x1] =	wrdreg $0xFFFFFFFF  }
0xa8: {  	s28 =	simm.s32 $_size_execute0_lowered;
	s4 =	sadd.s32 s4, s6;
	[dreg:$0x0] =	wrdreg $0x0  }
0xa9: {  	s6 =	sshll.u32 s28, $0x1;
	[dreg:$0x2] =	wrdreg s4  }
0xaa: {  	[dreg:$0x3] =	wrdreg s6  }
0xab: {  	[dreg:$0x4] =	wrdreg $0xC0  }
0xac: {  	_ =	task [dreg:s8], $0x5FFFF  }
0xad: {  	[dreg:$0x1] =	wrdreg $0xFFFFFFFF  }
0xae: {  	[dreg:$0x0] =	wrdreg $0x60  }
0xaf: {  	[dreg:$0x2] =	wrdreg s2  }
0xb0: {  	[dreg:$0x3] =	wrdreg s24  }
0xb1: {  	[dreg:$0x4] =	wrdreg s18  }
0xb2: {  	[dreg:$0x5] =	wrdreg $0x9  }
0xb3: {  	_ =	task.clear_ibuf [dreg:s8], $0x6FFFF;
	_ =	strace $0x90000046  }
0xb4: {  	s29 =	simm.s32 $0x9;
	_ =	strace $0x80000048  }
0xb5: {  	_ =	swait.ge [sflag:s29], $0x1  }
0xb6: {  	[sflag:s29] =	ssyncadd.s32 $0xFFFFFFFF  }
0xb7: {  	_ =	strace $0x90000048  }
0xb8: {  	_ =	sfence  }
0xb9: {  	s30 =	sld [smem:$0x0];
	_ =	sdelay $0x2  }
0xba: {  	s31 =	sshll.u32 s1, $0xD;
	s1 =	sshrl.u32 s1, $0x2  }
0xbb: {  	s3 =	sand.u32 $0x4000, s31;
	s1 =	sadd.s32 s1, s30  }
0xbc: {  	s0 =	sor.u32 s3, s0;
	s1 =	sshll.u32 s1, $0x11  }
0xbd: {  	s0 =	sor.u32 s1, s0  }
0xbe: {  	s0 =	sadd.s32 $0x8F2B, s0  }
0xbf: {  	[sflag:s0] =	ssyncadd.remote.s32 $0x1  }
0xc0: {  	_ =	sfence.sel $0xFFFF  }
0xc1: {  	[dreg:$0x0] =	wrdreg $0xFFFFFFFF;
	(pc) =	sbr.abs _section_cstart, $3  }
0xc2: {  	[dreg:$0x1] =	wrdreg $0xFFFFFFFF  }
0xc3: {  	_ =	task.clear_ibuf [dreg:s8], $0x2FFFF;
	_ =	strace $0x9FFFFFFF  }
0xc4: {  	(tm) =	ssettm $0x7FFFFFFF  }
0xc5: {  	_ =	shalt  }
tec
execute0_lowered:
.L_overlay_start_1:
0x0: {  	(tag) =	ssettag $0x1  }
0x1: {  	s1 =	rddreg [dreg:$0x0]  }
0x2: {  	s0 =	rddreg [dreg:$0x1]  }
0x3: {  	s2 =	rddreg [dreg:$0x2]  }
0x4: {  	s4 =	srdreg.scid;
	s3 =	simm.s32 $0x0;
	s5 =	stileid.u32  }
0x5: {  	s14 =	simm.s32 $0x1;
	s4 =	sand.u32 $0x1, s4;
	[smem:$0x7FF] =	sst s3  }
0x6: {  	s5 =	sshll.u32 s5, $0xA;
	s0 =	sadd.s32 $0xC00, s0;
	s6 =	sshll.u32 s4, $0x9  }
0x7: {  	_ =	strace $0x80000047;
	s4 =	ssub.s32 $0x2, s4;
	s5 =	sor.u32 s6, s5  }
0x8: {  	s19 =	sshrl.u32 s4, $0x1;
	s7 =	sshrl.u32 s5, $0x3;
	s8 =	sshll.u32 s5, $0x6  }
0x9: {  	s9 =	sor.u32 $0x80, s5;
	s25 =	sor.u32 $0x100, s5;
	s6 =	ssub.s32 s4, s19  }
0xa: {  	s5 =	sor.u32 $0x180, s5;
	s7 =	sadd.s32 s0, s7;
	s20 =	sadd.s32 s2, s8  }
0xb: {  	s21 =	sshrl.u32 s9, $0x3;
	s23 =	sshll.u32 s9, $0x6;
	[dreg:$0x4] =	wrdreg s7  }
0xc: {  	s26 =	sshrl.u32 s25, $0x3;
	[dreg:$0x5] =	wrdreg s20;
	s22 =	sadd.s32 s0, s21  }
0xd: {  	s28 =	sshll.u32 s25, $0x6;
	s24 =	sadd.s32 s2, s23;
	[dreg:$0x6] =	wrdreg s22  }
0xe: {  	s30 =	sshrl.u32 s5, $0x3;
	s4 =	sadd.s32 s0, s26;
	[dreg:$0x7] =	wrdreg s24  }
0xf: {  	s5 =	sshll.u32 s5, $0x6;
	s29 =	sadd.s32 s2, s28;
	[dreg:$0x8] =	wrdreg s4  }
0x10: {  	v2 =	vlaneseq.u32;
	s25 =	simm.s32 $0x80;
	s0 =	sadd.s32 s0, s30;
	[dreg:$0x9] =	wrdreg s29  }
0x11: {  	vm0 =	vmmov $0xffff;
	v1 =	vshrl.u32 v2, $0x3;
	s31 =	sadd.s32 s2, s5;
	s5 =	smax.u32 s6, $0x1;
	[dreg:$0xa] =	wrdreg s0  }
0x12: {  	v0 =	vand.u32 $0x7, v2;
	v2 =	vor.u32 $0x8, v2;
	v1 =	vmul.u32 $0x8, v1;
	s6 =	simm.s32 $0x2;
	s4 =	sadd.s32 $0x100, s1;
	[dreg:$0xb] =	wrdreg s31  }
.LBB2_1:
0x13: {  	s15 =	rddreg [dreg:$0x4]  }
0x14: {  	[tilespmem:s3], [sflag:$0x2] =	stream.linear.gather [hbm4b:s15+s3], $0x80, $0x38;
	[tilespmem:$0x10080] =	vst v63  }
0x15: {  	_ =	swait.ge [sflag:s6], $0x80  }
0x16: {  	[sflag:s6] =	ssyncset.done $0x0  }
0x17: {  	[sflag:s6] =	ssyncadd.s32 $0xFFFFFF80  }
0x18: {  	v3 =	vld [tilespmem:$0x0];
	_ =	sdelay $0x4  }
0x19: {  	v4 =	vshll.u32 v3, $0x2  }
0x1a: {  	v3 =	vand.u32 $0x7, v3;
	v4 =	vand.u32 $0xFFFFFFE0, v4  }
0x1b: {  	v3 =	vor.u32 v3, v4  }
0x1c: {  	v4 =	vperm.xlane v3, v0;
	_ =	sdelay $0x1  }
0x1d: {  	v4 =	vadd.s32 v1, v4;
	_ =	sdelay $0x1  }
0x1e: {  	v3 =	vperm.xlane v3, v2;
	_ =	sdelay $0x1  }
0x1f: {  	v3 =	vadd.s32 v1, v3  }
0x20: {  	[tilespmem:s25], [sflag:$0x1] =	stream.indirect_vreg.gather [hbm4b:s1+s3], $0x80, v4, vm0, $0xb8;
	[tilespmem:$0x10080] =	vst v63  }
0x21: {  	s0 =	simm.s32 $0x880  }
0x22: {  	[tilespmem:s0], [sflag:$0x1] =	stream.indirect_vreg.gather [hbm4b:s4+s3], $0x80, v4, vm0, $0xb8;
	[tilespmem:$0x10080] =	vst v63  }
0x23: {  	s7 =	simm.s32 $0x1080  }
0x24: {  	[tilespmem:s7], [sflag:$0x1] =	stream.indirect_vreg.gather [hbm4b:s1+s3], $0x80, v3, vm0, $0xb8;
	[tilespmem:$0x10080] =	vst v63  }
0x25: {  	s8 =	simm.s32 $0x1880  }
0x26: {  	[tilespmem:s8], [sflag:$0x1] =	stream.indirect_vreg.gather [hbm4b:s4+s3], $0x80, v3, vm0, $0xb8;
	[tilespmem:$0x10080] =	vst v63  }
0x27: {  	v3 =	vld [tilespmem:$0x10];
	_ =	sdelay $0x4  }
0x28: {  	v33 =	vshll.u32 v3, $0x2  }
0x29: {  	v3 =	vand.u32 $0x7, v3;
	v4 =	vand.u32 $0xFFFFFFE0, v33  }
0x2a: {  	v3 =	vor.u32 v3, v4  }
0x2b: {  	v4 =	vperm.xlane v3, v0;
	_ =	sdelay $0x1  }
0x2c: {  	v4 =	vadd.s32 v1, v4;
	_ =	sdelay $0x1  }
0x2d: {  	v3 =	vperm.xlane v3, v2;
	_ =	sdelay $0x1  }
0x2e: {  	s9 =	simm.s32 $0x2080;
	v3 =	vadd.s32 v1, v3  }
0x2f: {  	[tilespmem:s9], [sflag:$0x1] =	stream.indirect_vreg.gather [hbm4b:s1+s3], $0x80, v4, vm0, $0xb8;
	[tilespmem:$0x10080] =	vst v63  }
0x30: {  	s10 =	simm.s32 $0x2880  }
0x31: {  	[tilespmem:s10], [sflag:$0x1] =	stream.indirect_vreg.gather [hbm4b:s4+s3], $0x80, v4, vm0, $0xb8;
	[tilespmem:$0x10080] =	vst v63  }
0x32: {  	s11 =	simm.s32 $0x3080  }
0x33: {  	[tilespmem:s11], [sflag:$0x1] =	stream.indirect_vreg.gather [hbm4b:s1+s3], $0x80, v3, vm0, $0xb8;
	[tilespmem:$0x10080] =	vst v63  }
0x34: {  	s12 =	simm.s32 $0x3880  }
0x35: {  	[tilespmem:s12], [sflag:$0x1] =	stream.indirect_vreg.gather [hbm4b:s4+s3], $0x80, v3, vm0, $0xb8;
	[tilespmem:$0x10080] =	vst v63  }
0x36: {  	v3 =	vld [tilespmem:$0x20];
	_ =	sdelay $0x4  }
0x37: {  	v34 =	vshll.u32 v3, $0x2  }
0x38: {  	v3 =	vand.u32 $0x7, v3;
	v4 =	vand.u32 $0xFFFFFFE0, v34  }
0x39: {  	v3 =	vor.u32 v3, v4  }
0x3a: {  	v4 =	vperm.xlane v3, v0;
	_ =	sdelay $0x1  }
0x3b: {  	v4 =	vadd.s32 v1, v4;
	_ =	sdelay $0x1  }
0x3c: {  	v3 =	vperm.xlane v3, v2;
	_ =	sdelay $0x1  }
0x3d: {  	s13 =	simm.s32 $0x4080;
	v3 =	vadd.s32 v1, v3  }
0x3e: {  	[tilespmem:s13], [sflag:$0x1] =	stream.indirect_vreg.gather [hbm4b:s1+s3], $0x80, v4, vm0, $0xb8;
	[tilespmem:$0x10080] =	vst v63  }
0x3f: {  	s15 =	simm.s32 $0x4880  }
0x40: {  	[tilespmem:s15], [sflag:$0x1] =	stream.indirect_vreg.gather [hbm4b:s4+s3], $0x80, v4, vm0, $0xb8;
	[tilespmem:$0x10080] =	vst v63  }
0x41: {  	s16 =	simm.s32 $0x5080  }
0x42: {  	[tilespmem:s16], [sflag:$0x1] =	stream.indirect_vreg.gather [hbm4b:s1+s3], $0x80, v3, vm0, $0xb8;
	[tilespmem:$0x10080] =	vst v63  }
0x43: {  	s17 =	simm.s32 $0x5880  }
0x44: {  	[tilespmem:s17], [sflag:$0x1] =	stream.indirect_vreg.gather [hbm4b:s4+s3], $0x80, v3, vm0, $0xb8;
	[tilespmem:$0x10080] =	vst v63  }
0x45: {  	v3 =	vld [tilespmem:$0x30];
	_ =	sdelay $0x4  }
0x46: {  	v35 =	vshll.u32 v3, $0x2  }
0x47: {  	v3 =	vand.u32 $0x7, v3;
	v4 =	vand.u32 $0xFFFFFFE0, v35  }
0x48: {  	v3 =	vor.u32 v3, v4  }
0x49: {  	v4 =	vperm.xlane v3, v0;
	_ =	sdelay $0x1  }
0x4a: {  	v4 =	vadd.s32 v1, v4;
	_ =	sdelay $0x1  }
0x4b: {  	v3 =	vperm.xlane v3, v2;
	_ =	sdelay $0x1  }
0x4c: {  	s18 =	simm.s32 $0x6080;
	v3 =	vadd.s32 v1, v3  }
0x4d: {  	[tilespmem:s18], [sflag:$0x1] =	stream.indirect_vreg.gather [hbm4b:s1+s3], $0x80, v4, vm0, $0xb8;
	[tilespmem:$0x10080] =	vst v63  }
0x4e: {  	s19 =	simm.s32 $0x6880  }
0x4f: {  	[tilespmem:s19], [sflag:$0x1] =	stream.indirect_vreg.gather [hbm4b:s4+s3], $0x80, v4, vm0, $0xb8;
	[tilespmem:$0x10080] =	vst v63  }
0x50: {  	s20 =	simm.s32 $0x7080  }
0x51: {  	[tilespmem:s20], [sflag:$0x1] =	stream.indirect_vreg.gather [hbm4b:s1+s3], $0x80, v3, vm0, $0xb8;
	[tilespmem:$0x10080] =	vst v63  }
0x52: {  	s21 =	simm.s32 $0x7880  }
0x53: {  	[tilespmem:s21], [sflag:$0x1] =	stream.indirect_vreg.gather [hbm4b:s4+s3], $0x80, v3, vm0, $0xb8;
	[tilespmem:$0x10080] =	vst v63  }
0x54: {  	v3 =	vld [tilespmem:$0x40];
	_ =	sdelay $0x4  }
0x55: {  	v36 =	vshll.u32 v3, $0x2  }
0x56: {  	v3 =	vand.u32 $0x7, v3;
	v4 =	vand.u32 $0xFFFFFFE0, v36  }
0x57: {  	v3 =	vor.u32 v3, v4  }
0x58: {  	v4 =	vperm.xlane v3, v0;
	_ =	sdelay $0x1  }
0x59: {  	v4 =	vadd.s32 v1, v4;
	_ =	sdelay $0x1  }
0x5a: {  	v3 =	vperm.xlane v3, v2;
	_ =	sdelay $0x1  }
0x5b: {  	s22 =	simm.s32 $0x8080;
	v3 =	vadd.s32 v1, v3  }
0x5c: {  	[tilespmem:s22], [sflag:$0x1] =	stream.indirect_vreg.gather [hbm4b:s1+s3], $0x80, v4, vm0, $0xb8;
	[tilespmem:$0x10080] =	vst v63  }
0x5d: {  	s23 =	simm.s32 $0x8880  }
0x5e: {  	[tilespmem:s23], [sflag:$0x1] =	stream.indirect_vreg.gather [hbm4b:s4+s3], $0x80, v4, vm0, $0xb8;
	[tilespmem:$0x10080] =	vst v63  }
0x5f: {  	s24 =	simm.s32 $0x9080  }
0x60: {  	[tilespmem:s24], [sflag:$0x1] =	stream.indirect_vreg.gather [hbm4b:s1+s3], $0x80, v3, vm0, $0xb8;
	[tilespmem:$0x10080] =	vst v63  }
0x61: {  	s26 =	simm.s32 $0x9880  }
0x62: {  	[tilespmem:s26], [sflag:$0x1] =	stream.indirect_vreg.gather [hbm4b:s4+s3], $0x80, v3, vm0, $0xb8;
	[tilespmem:$0x10080] =	vst v63  }
0x63: {  	v3 =	vld [tilespmem:$0x50];
	_ =	sdelay $0x4  }
0x64: {  	v37 =	vshll.u32 v3, $0x2  }
0x65: {  	v3 =	vand.u32 $0x7, v3;
	v4 =	vand.u32 $0xFFFFFFE0, v37  }
0x66: {  	v3 =	vor.u32 v3, v4  }
0x67: {  	v4 =	vperm.xlane v3, v0;
	_ =	sdelay $0x1  }
0x68: {  	v4 =	vadd.s32 v1, v4;
	_ =	sdelay $0x1  }
0x69: {  	v3 =	vperm.xlane v3, v2;
	_ =	sdelay $0x1  }
0x6a: {  	s28 =	simm.s32 $0xA080;
	v3 =	vadd.s32 v1, v3  }
0x6b: {  	[tilespmem:s28], [sflag:$0x1] =	stream.indirect_vreg.gather [hbm4b:s1+s3], $0x80, v4, vm0, $0xb8;
	[tilespmem:$0x10080] =	vst v63  }
0x6c: {  	s29 =	simm.s32 $0xA880  }
0x6d: {  	[tilespmem:s29], [sflag:$0x1] =	stream.indirect_vreg.gather [hbm4b:s4+s3], $0x80, v4, vm0, $0xb8;
	[tilespmem:$0x10080] =	vst v63  }
0x6e: {  	s30 =	simm.s32 $0xB080  }
0x6f: {  	[tilespmem:s30], [sflag:$0x1] =	stream.indirect_vreg.gather [hbm4b:s1+s3], $0x80, v3, vm0, $0xb8;
	[tilespmem:$0x10080] =	vst v63  }
0x70: {  	s31 =	simm.s32 $0xB880  }
0x71: {  	[tilespmem:s31], [sflag:$0x1] =	stream.indirect_vreg.gather [hbm4b:s4+s3], $0x80, v3, vm0, $0xb8;
	[tilespmem:$0x10080] =	vst v63  }
0x72: {  	v3 =	vld [tilespmem:$0x60];
	_ =	sdelay $0x4  }
0x73: {  	v38 =	vshll.u32 v3, $0x2  }
0x74: {  	v3 =	vand.u32 $0x7, v3;
	v4 =	vand.u32 $0xFFFFFFE0, v38  }
0x75: {  	v3 =	vor.u32 v3, v4  }
0x76: {  	v4 =	vperm.xlane v3, v0;
	_ =	sdelay $0x1  }
0x77: {  	v4 =	vadd.s32 v1, v4;
	_ =	sdelay $0x1  }
0x78: {  	v3 =	vperm.xlane v3, v2;
	_ =	sdelay $0x1  }
0x79: {  	s0 =	simm.s32 $0xC080;
	v3 =	vadd.s32 v1, v3  }
0x7a: {  	[tilespmem:s0], [sflag:$0x1] =	stream.indirect_vreg.gather [hbm4b:s1+s3], $0x80, v4, vm0, $0xb8;
	[tilespmem:$0x10080] =	vst v63  }
0x7b: {  	s13 =	simm.s32 $0xC880  }
0x7c: {  	[tilespmem:s13], [sflag:$0x1] =	stream.indirect_vreg.gather [hbm4b:s4+s3], $0x80, v4, vm0, $0xb8;
	[tilespmem:$0x10080] =	vst v63  }
0x7d: {  	s16 =	simm.s32 $0xD080  }
0x7e: {  	[tilespmem:s16], [sflag:$0x1] =	stream.indirect_vreg.gather [hbm4b:s1+s3], $0x80, v3, vm0, $0xb8;
	[tilespmem:$0x10080] =	vst v63  }
0x7f: {  	s17 =	simm.s32 $0xD880  }
0x80: {  	[tilespmem:s17], [sflag:$0x1] =	stream.indirect_vreg.gather [hbm4b:s4+s3], $0x80, v3, vm0, $0xb8;
	[tilespmem:$0x10080] =	vst v63  }
0x81: {  	v3 =	vld [tilespmem:$0x70];
	_ =	sdelay $0x4  }
0x82: {  	v39 =	vshll.u32 v3, $0x2  }
0x83: {  	v3 =	vand.u32 $0x7, v3;
	v4 =	vand.u32 $0xFFFFFFE0, v39  }
0x84: {  	v3 =	vor.u32 v3, v4  }
0x85: {  	v4 =	vperm.xlane v3, v0;
	_ =	sdelay $0x1  }
0x86: {  	v4 =	vadd.s32 v1, v4;
	_ =	sdelay $0x1  }
0x87: {  	v3 =	vperm.xlane v3, v2;
	_ =	sdelay $0x1  }
0x88: {  	s18 =	simm.s32 $0xE080;
	v3 =	vadd.s32 v1, v3  }
0x89: {  	[tilespmem:s18], [sflag:$0x1] =	stream.indirect_vreg.gather [hbm4b:s1+s3], $0x80, v4, vm0, $0xb8;
	[tilespmem:$0x10080] =	vst v63  }
0x8a: {  	s19 =	simm.s32 $0xE880  }
0x8b: {  	[tilespmem:s19], [sflag:$0x1] =	stream.indirect_vreg.gather [hbm4b:s4+s3], $0x80, v4, vm0, $0xb8;
	[tilespmem:$0x10080] =	vst v63  }
0x8c: {  	s20 =	simm.s32 $0xF080  }
0x8d: {  	[tilespmem:s20], [sflag:$0x1] =	stream.indirect_vreg.gather [hbm4b:s1+s3], $0x80, v3, vm0, $0xb8;
	[tilespmem:$0x10080] =	vst v63  }
0x8e: {  	s21 =	simm.s32 $0xF880  }
0x8f: {  	[tilespmem:s21], [sflag:$0x1] =	stream.indirect_vreg.gather [hbm4b:s4+s3], $0x80, v3, vm0, $0xb8;
	[tilespmem:$0x10080] =	vst v63  }
0x90: {  	_ =	swait.ge [sflag:s14], $0x10000  }
0x91: {  	[sflag:s14] =	ssyncset.done $0x0  }
0x92: {  	s24 =	rddreg [dreg:$0x5];
	[sflag:s14] =	ssyncadd.s32 $0xFFFF0000  }
0x93: {  	[hbm4b:s24+s3] =	stream.linear.scatter [tilespmem:s25], [sflag:$0x2], $0x10000, $0x38;
	[tilespmem:$0x10080] =	vst v63  }
0x94: {  	_ =	swait.ge [sflag:s6], $0x10000  }
0x95: {  	[sflag:s6] =	ssyncset.done $0x0  }
0x96: {  	s26 =	rddreg [dreg:$0x6];
	[sflag:s6] =	ssyncadd.s32 $0xFFFF0000  }
0x97: {  	[tilespmem:s3], [sflag:$0x2] =	stream.linear.gather [hbm4b:s26+s3], $0x80, $0x38;
	[tilespmem:$0x10080] =	vst v63  }
0x98: {  	_ =	swait.ge [sflag:s6], $0x80  }
0x99: {  	[sflag:s6] =	ssyncset.done $0x0  }
0x9a: {  	[sflag:s6] =	ssyncadd.s32 $0xFFFFFF80  }
0x9b: {  	v3 =	vld [tilespmem:$0x0];
	_ =	sdelay $0x4  }
0x9c: {  	v40 =	vshll.u32 v3, $0x2  }
0x9d: {  	v3 =	vand.u32 $0x7, v3;
	v4 =	vand.u32 $0xFFFFFFE0, v40  }
0x9e: {  	v3 =	vor.u32 v3, v4  }
0x9f: {  	v4 =	vperm.xlane v3, v0;
	_ =	sdelay $0x1  }
0xa0: {  	v4 =	vadd.s32 v1, v4;
	_ =	sdelay $0x1  }
0xa1: {  	v3 =	vperm.xlane v3, v2;
	_ =	sdelay $0x1  }
0xa2: {  	v3 =	vadd.s32 v1, v3  }
0xa3: {  	[tilespmem:s25], [sflag:$0x1] =	stream.indirect_vreg.gather [hbm4b:s1+s3], $0x80, v4, vm0, $0xb8;
	[tilespmem:$0x10080] =	vst v63  }
0xa4: {  	s2 =	simm.s32 $0x880  }
0xa5: {  	[tilespmem:s2], [sflag:$0x1] =	stream.indirect_vreg.gather [hbm4b:s4+s3], $0x80, v4, vm0, $0xb8;
	[tilespmem:$0x10080] =	vst v63  }
0xa6: {  	s7 =	simm.s32 $0x1080  }
0xa7: {  	[tilespmem:s7], [sflag:$0x1] =	stream.indirect_vreg.gather [hbm4b:s1+s3], $0x80, v3, vm0, $0xb8;
	[tilespmem:$0x10080] =	vst v63  }
0xa8: {  	s16 =	simm.s32 $0x1880  }
0xa9: {  	[tilespmem:s16], [sflag:$0x1] =	stream.indirect_vreg.gather [hbm4b:s4+s3], $0x80, v3, vm0, $0xb8;
	[tilespmem:$0x10080] =	vst v63  }
0xaa: {  	v3 =	vld [tilespmem:$0x10];
	_ =	sdelay $0x4  }
0xab: {  	v41 =	vshll.u32 v3, $0x2  }
0xac: {  	v3 =	vand.u32 $0x7, v3;
	v4 =	vand.u32 $0xFFFFFFE0, v41  }
0xad: {  	v3 =	vor.u32 v3, v4  }
0xae: {  	v4 =	vperm.xlane v3, v0;
	_ =	sdelay $0x1  }
0xaf: {  	v4 =	vadd.s32 v1, v4;
	_ =	sdelay $0x1  }
0xb0: {  	v3 =	vperm.xlane v3, v2;
	_ =	sdelay $0x1  }
0xb1: {  	s8 =	simm.s32 $0x2080;
	v3 =	vadd.s32 v1, v3  }
0xb2: {  	[tilespmem:s8], [sflag:$0x1] =	stream.indirect_vreg.gather [hbm4b:s1+s3], $0x80, v4, vm0, $0xb8;
	[tilespmem:$0x10080] =	vst v63  }
0xb3: {  	s9 =	simm.s32 $0x2880  }
0xb4: {  	[tilespmem:s9], [sflag:$0x1] =	stream.indirect_vreg.gather [hbm4b:s4+s3], $0x80, v4, vm0, $0xb8;
	[tilespmem:$0x10080] =	vst v63  }
0xb5: {  	s10 =	simm.s32 $0x3080  }
0xb6: {  	[tilespmem:s10], [sflag:$0x1] =	stream.indirect_vreg.gather [hbm4b:s1+s3], $0x80, v3, vm0, $0xb8;
	[tilespmem:$0x10080] =	vst v63  }
0xb7: {  	s12 =	simm.s32 $0x3880  }
0xb8: {  	[tilespmem:s12], [sflag:$0x1] =	stream.indirect_vreg.gather [hbm4b:s4+s3], $0x80, v3, vm0, $0xb8;
	[tilespmem:$0x10080] =	vst v63  }
0xb9: {  	v3 =	vld [tilespmem:$0x20];
	_ =	sdelay $0x4  }
0xba: {  	v42 =	vshll.u32 v3, $0x2  }
0xbb: {  	v3 =	vand.u32 $0x7, v3;
	v4 =	vand.u32 $0xFFFFFFE0, v42  }
0xbc: {  	v3 =	vor.u32 v3, v4  }
0xbd: {  	v4 =	vperm.xlane v3, v0;
	_ =	sdelay $0x1  }
0xbe: {  	v4 =	vadd.s32 v1, v4;
	_ =	sdelay $0x1  }
0xbf: {  	v3 =	vperm.xlane v3, v2;
	_ =	sdelay $0x1  }
0xc0: {  	s11 =	simm.s32 $0x4080;
	v3 =	vadd.s32 v1, v3  }
0xc1: {  	[tilespmem:s11], [sflag:$0x1] =	stream.indirect_vreg.gather [hbm4b:s1+s3], $0x80, v4, vm0, $0xb8;
	[tilespmem:$0x10080] =	vst v63  }
0xc2: {  	s24 =	simm.s32 $0x4880  }
0xc3: {  	[tilespmem:s24], [sflag:$0x1] =	stream.indirect_vreg.gather [hbm4b:s4+s3], $0x80, v4, vm0, $0xb8;
	[tilespmem:$0x10080] =	vst v63  }
0xc4: {  	s12 =	simm.s32 $0x5080  }
0xc5: {  	[tilespmem:s12], [sflag:$0x1] =	stream.indirect_vreg.gather [hbm4b:s1+s3], $0x80, v3, vm0, $0xb8;
	[tilespmem:$0x10080] =	vst v63  }
0xc6: {  	s13 =	simm.s32 $0x5880  }
0xc7: {  	[tilespmem:s13], [sflag:$0x1] =	stream.indirect_vreg.gather [hbm4b:s4+s3], $0x80, v3, vm0, $0xb8;
	[tilespmem:$0x10080] =	vst v63  }
0xc8: {  	v3 =	vld [tilespmem:$0x30];
	_ =	sdelay $0x4  }
0xc9: {  	v43 =	vshll.u32 v3, $0x2  }
0xca: {  	v3 =	vand.u32 $0x7, v3;
	v4 =	vand.u32 $0xFFFFFFE0, v43  }
0xcb: {  	v3 =	vor.u32 v3, v4  }
0xcc: {  	v4 =	vperm.xlane v3, v0;
	_ =	sdelay $0x1  }
0xcd: {  	v4 =	vadd.s32 v1, v4;
	_ =	sdelay $0x1  }
0xce: {  	v3 =	vperm.xlane v3, v2;
	_ =	sdelay $0x1  }
0xcf: {  	s17 =	simm.s32 $0x6080;
	v3 =	vadd.s32 v1, v3  }
0xd0: {  	[tilespmem:s17], [sflag:$0x1] =	stream.indirect_vreg.gather [hbm4b:s1+s3], $0x80, v4, vm0, $0xb8;
	[tilespmem:$0x10080] =	vst v63  }
0xd1: {  	s18 =	simm.s32 $0x6880  }
0xd2: {  	[tilespmem:s18], [sflag:$0x1] =	stream.indirect_vreg.gather [hbm4b:s4+s3], $0x80, v4, vm0, $0xb8;
	[tilespmem:$0x10080] =	vst v63  }
0xd3: {  	s19 =	simm.s32 $0x7080  }
0xd4: {  	[tilespmem:s19], [sflag:$0x1] =	stream.indirect_vreg.gather [hbm4b:s1+s3], $0x80, v3, vm0, $0xb8;
	[tilespmem:$0x10080] =	vst v63  }
0xd5: {  	s20 =	simm.s32 $0x7880  }
0xd6: {  	[tilespmem:s20], [sflag:$0x1] =	stream.indirect_vreg.gather [hbm4b:s4+s3], $0x80, v3, vm0, $0xb8;
	[tilespmem:$0x10080] =	vst v63  }
0xd7: {  	v3 =	vld [tilespmem:$0x40];
	_ =	sdelay $0x4  }
0xd8: {  	v44 =	vshll.u32 v3, $0x2  }
0xd9: {  	v3 =	vand.u32 $0x7, v3;
	v4 =	vand.u32 $0xFFFFFFE0, v44  }
0xda: {  	v3 =	vor.u32 v3, v4  }
0xdb: {  	v4 =	vperm.xlane v3, v0;
	_ =	sdelay $0x1  }
0xdc: {  	v4 =	vadd.s32 v1, v4;
	_ =	sdelay $0x1  }
0xdd: {  	v3 =	vperm.xlane v3, v2;
	_ =	sdelay $0x1  }
0xde: {  	s0 =	simm.s32 $0x8080;
	v3 =	vadd.s32 v1, v3  }
0xdf: {  	[tilespmem:s0], [sflag:$0x1] =	stream.indirect_vreg.gather [hbm4b:s1+s3], $0x80, v4, vm0, $0xb8;
	[tilespmem:$0x10080] =	vst v63  }
0xe0: {  	s2 =	simm.s32 $0x8880  }
0xe1: {  	[tilespmem:s2], [sflag:$0x1] =	stream.indirect_vreg.gather [hbm4b:s4+s3], $0x80, v4, vm0, $0xb8;
	[tilespmem:$0x10080] =	vst v63  }
0xe2: {  	s7 =	simm.s32 $0x9080  }
0xe3: {  	[tilespmem:s7], [sflag:$0x1] =	stream.indirect_vreg.gather [hbm4b:s1+s3], $0x80, v3, vm0, $0xb8;
	[tilespmem:$0x10080] =	vst v63  }
0xe4: {  	s11 =	simm.s32 $0x9880  }
0xe5: {  	[tilespmem:s11], [sflag:$0x1] =	stream.indirect_vreg.gather [hbm4b:s4+s3], $0x80, v3, vm0, $0xb8;
	[tilespmem:$0x10080] =	vst v63  }
0xe6: {  	v3 =	vld [tilespmem:$0x50];
	_ =	sdelay $0x4  }
0xe7: {  	v45 =	vshll.u32 v3, $0x2  }
0xe8: {  	v3 =	vand.u32 $0x7, v3;
	v4 =	vand.u32 $0xFFFFFFE0, v45  }
0xe9: {  	v3 =	vor.u32 v3, v4  }
0xea: {  	v4 =	vperm.xlane v3, v0;
	_ =	sdelay $0x1  }
0xeb: {  	v4 =	vadd.s32 v1, v4;
	_ =	sdelay $0x1  }
0xec: {  	v3 =	vperm.xlane v3, v2;
	_ =	sdelay $0x1  }
0xed: {  	s8 =	simm.s32 $0xA080;
	v3 =	vadd.s32 v1, v3  }
0xee: {  	[tilespmem:s8], [sflag:$0x1] =	stream.indirect_vreg.gather [hbm4b:s1+s3], $0x80, v4, vm0, $0xb8;
	[tilespmem:$0x10080] =	vst v63  }
0xef: {  	s9 =	simm.s32 $0xA880  }
0xf0: {  	[tilespmem:s9], [sflag:$0x1] =	stream.indirect_vreg.gather [hbm4b:s4+s3], $0x80, v4, vm0, $0xb8;
	[tilespmem:$0x10080] =	vst v63  }
0xf1: {  	s10 =	simm.s32 $0xB080  }
0xf2: {  	[tilespmem:s10], [sflag:$0x1] =	stream.indirect_vreg.gather [hbm4b:s1+s3], $0x80, v3, vm0, $0xb8;
	[tilespmem:$0x10080] =	vst v63  }
0xf3: {  	s23 =	simm.s32 $0xB880  }
0xf4: {  	[tilespmem:s23], [sflag:$0x1] =	stream.indirect_vreg.gather [hbm4b:s4+s3], $0x80, v3, vm0, $0xb8;
	[tilespmem:$0x10080] =	vst v63  }
0xf5: {  	v3 =	vld [tilespmem:$0x60];
	_ =	sdelay $0x4  }
0xf6: {  	v46 =	vshll.u32 v3, $0x2  }
0xf7: {  	v3 =	vand.u32 $0x7, v3;
	v4 =	vand.u32 $0xFFFFFFE0, v46  }
0xf8: {  	v3 =	vor.u32 v3, v4  }
0xf9: {  	v4 =	vperm.xlane v3, v0;
	_ =	sdelay $0x1  }
0xfa: {  	v4 =	vadd.s32 v1, v4;
	_ =	sdelay $0x1  }
0xfb: {  	v3 =	vperm.xlane v3, v2;
	_ =	sdelay $0x1  }
0xfc: {  	s30 =	simm.s32 $0xC080;
	v3 =	vadd.s32 v1, v3  }
0xfd: {  	[tilespmem:s30], [sflag:$0x1] =	stream.indirect_vreg.gather [hbm4b:s1+s3], $0x80, v4, vm0, $0xb8;
	[tilespmem:$0x10080] =	vst v63  }
0xfe: {  	s28 =	simm.s32 $0xC880  }
0xff: {  	[tilespmem:s28], [sflag:$0x1] =	stream.indirect_vreg.gather [hbm4b:s4+s3], $0x80, v4, vm0, $0xb8;
	[tilespmem:$0x10080] =	vst v63  }
0x100: {  	s29 =	simm.s32 $0xD080  }
0x101: {  	[tilespmem:s29], [sflag:$0x1] =	stream.indirect_vreg.gather [hbm4b:s1+s3], $0x80, v3, vm0, $0xb8;
	[tilespmem:$0x10080] =	vst v63  }
0x102: {  	s22 =	simm.s32 $0xD880  }
0x103: {  	[tilespmem:s22], [sflag:$0x1] =	stream.indirect_vreg.gather [hbm4b:s4+s3], $0x80, v3, vm0, $0xb8;
	[tilespmem:$0x10080] =	vst v63  }
0x104: {  	v3 =	vld [tilespmem:$0x70];
	_ =	sdelay $0x4  }
0x105: {  	v47 =	vshll.u32 v3, $0x2  }
0x106: {  	v3 =	vand.u32 $0x7, v3;
	v4 =	vand.u32 $0xFFFFFFE0, v47  }
0x107: {  	v3 =	vor.u32 v3, v4  }
0x108: {  	v4 =	vperm.xlane v3, v0;
	_ =	sdelay $0x1  }
0x109: {  	v4 =	vadd.s32 v1, v4;
	_ =	sdelay $0x1  }
0x10a: {  	v3 =	vperm.xlane v3, v2;
	_ =	sdelay $0x1  }
0x10b: {  	s28 =	simm.s32 $0xE080;
	v3 =	vadd.s32 v1, v3  }
0x10c: {  	[tilespmem:s28], [sflag:$0x1] =	stream.indirect_vreg.gather [hbm4b:s1+s3], $0x80, v4, vm0, $0xb8;
	[tilespmem:$0x10080] =	vst v63  }
0x10d: {  	s29 =	simm.s32 $0xE880  }
0x10e: {  	[tilespmem:s29], [sflag:$0x1] =	stream.indirect_vreg.gather [hbm4b:s4+s3], $0x80, v4, vm0, $0xb8;
	[tilespmem:$0x10080] =	vst v63  }
0x10f: {  	s30 =	simm.s32 $0xF080  }
0x110: {  	[tilespmem:s30], [sflag:$0x1] =	stream.indirect_vreg.gather [hbm4b:s1+s3], $0x80, v3, vm0, $0xb8;
	[tilespmem:$0x10080] =	vst v63  }
0x111: {  	s21 =	simm.s32 $0xF880  }
0x112: {  	[tilespmem:s21], [sflag:$0x1] =	stream.indirect_vreg.gather [hbm4b:s4+s3], $0x80, v3, vm0, $0xb8;
	[tilespmem:$0x10080] =	vst v63  }
0x113: {  	_ =	swait.ge [sflag:s14], $0x10000  }
0x114: {  	[sflag:s14] =	ssyncset.done $0x0  }
0x115: {  	s21 =	rddreg [dreg:$0x7];
	[sflag:s14] =	ssyncadd.s32 $0xFFFF0000  }
0x116: {  	[hbm4b:s21+s3] =	stream.linear.scatter [tilespmem:s25], [sflag:$0x2], $0x10000, $0x38;
	[tilespmem:$0x10080] =	vst v63  }
0x117: {  	_ =	swait.ge [sflag:s6], $0x10000  }
0x118: {  	[sflag:s6] =	ssyncset.done $0x0  }
0x119: {  	s22 =	rddreg [dreg:$0x8];
	[sflag:s6] =	ssyncadd.s32 $0xFFFF0000  }
0x11a: {  	[tilespmem:s3], [sflag:$0x2] =	stream.linear.gather [hbm4b:s22+s3], $0x80, $0x38;
	[tilespmem:$0x10080] =	vst v63  }
0x11b: {  	_ =	swait.ge [sflag:s6], $0x80  }
0x11c: {  	[sflag:s6] =	ssyncset.done $0x0  }
0x11d: {  	[sflag:s6] =	ssyncadd.s32 $0xFFFFFF80  }
0x11e: {  	v3 =	vld [tilespmem:$0x0];
	_ =	sdelay $0x4  }
0x11f: {  	v48 =	vshll.u32 v3, $0x2  }
0x120: {  	v3 =	vand.u32 $0x7, v3;
	v4 =	vand.u32 $0xFFFFFFE0, v48  }
0x121: {  	v3 =	vor.u32 v3, v4  }
0x122: {  	v4 =	vperm.xlane v3, v0;
	_ =	sdelay $0x1  }
0x123: {  	v4 =	vadd.s32 v1, v4;
	_ =	sdelay $0x1  }
0x124: {  	v3 =	vperm.xlane v3, v2;
	_ =	sdelay $0x1  }
0x125: {  	v3 =	vadd.s32 v1, v3  }
0x126: {  	[tilespmem:s25], [sflag:$0x1] =	stream.indirect_vreg.gather [hbm4b:s1+s3], $0x80, v4, vm0, $0xb8;
	[tilespmem:$0x10080] =	vst v63  }
0x127: {  	s26 =	simm.s32 $0x880  }
0x128: {  	[tilespmem:s26], [sflag:$0x1] =	stream.indirect_vreg.gather [hbm4b:s4+s3], $0x80, v4, vm0, $0xb8;
	[tilespmem:$0x10080] =	vst v63  }
0x129: {  	s26 =	simm.s32 $0x1080  }
0x12a: {  	[tilespmem:s26], [sflag:$0x1] =	stream.indirect_vreg.gather [hbm4b:s1+s3], $0x80, v3, vm0, $0xb8;
	[tilespmem:$0x10080] =	vst v63  }
0x12b: {  	_ = 	snop  }
0x12c: {  	[tilespmem:s16], [sflag:$0x1] =	stream.indirect_vreg.gather [hbm4b:s4+s3], $0x80, v3, vm0, $0xb8;
	[tilespmem:$0x10080] =	vst v63  }
0x12d: {  	v3 =	vld [tilespmem:$0x10];
	_ =	sdelay $0x4  }
0x12e: {  	v49 =	vshll.u32 v3, $0x2  }
0x12f: {  	v3 =	vand.u32 $0x7, v3;
	v4 =	vand.u32 $0xFFFFFFE0, v49  }
0x130: {  	v3 =	vor.u32 v3, v4  }
0x131: {  	v4 =	vperm.xlane v3, v0;
	_ =	sdelay $0x1  }
0x132: {  	v4 =	vadd.s32 v1, v4;
	_ =	sdelay $0x1  }
0x133: {  	v3 =	vperm.xlane v3, v2;
	_ =	sdelay $0x1  }
0x134: {  	s16 =	simm.s32 $0x2080;
	v3 =	vadd.s32 v1, v3  }
0x135: {  	[tilespmem:s16], [sflag:$0x1] =	stream.indirect_vreg.gather [hbm4b:s1+s3], $0x80, v4, vm0, $0xb8;
	[tilespmem:$0x10080] =	vst v63  }
0x136: {  	s26 =	simm.s32 $0x2880  }
0x137: {  	[tilespmem:s26], [sflag:$0x1] =	stream.indirect_vreg.gather [hbm4b:s4+s3], $0x80, v4, vm0, $0xb8;
	[tilespmem:$0x10080] =	vst v63  }
0x138: {  	s16 =	simm.s32 $0x3080  }
0x139: {  	[tilespmem:s16], [sflag:$0x1] =	stream.indirect_vreg.gather [hbm4b:s1+s3], $0x80, v3, vm0, $0xb8;
	[tilespmem:$0x10080] =	vst v63  }
0x13a: {  	s26 =	simm.s32 $0x3880  }
0x13b: {  	[tilespmem:s26], [sflag:$0x1] =	stream.indirect_vreg.gather [hbm4b:s4+s3], $0x80, v3, vm0, $0xb8;
	[tilespmem:$0x10080] =	vst v63  }
0x13c: {  	v3 =	vld [tilespmem:$0x20];
	_ =	sdelay $0x4  }
0x13d: {  	v50 =	vshll.u32 v3, $0x2  }
0x13e: {  	v3 =	vand.u32 $0x7, v3;
	v4 =	vand.u32 $0xFFFFFFE0, v50  }
0x13f: {  	v3 =	vor.u32 v3, v4  }
0x140: {  	v4 =	vperm.xlane v3, v0;
	_ =	sdelay $0x1  }
0x141: {  	v4 =	vadd.s32 v1, v4;
	_ =	sdelay $0x1  }
0x142: {  	v3 =	vperm.xlane v3, v2;
	_ =	sdelay $0x1  }
0x143: {  	s16 =	simm.s32 $0x4080;
	v3 =	vadd.s32 v1, v3  }
0x144: {  	[tilespmem:s16], [sflag:$0x1] =	stream.indirect_vreg.gather [hbm4b:s1+s3], $0x80, v4, vm0, $0xb8;
	[tilespmem:$0x10080] =	vst v63  }
0x145: {  	_ = 	snop  }
0x146: {  	[tilespmem:s24], [sflag:$0x1] =	stream.indirect_vreg.gather [hbm4b:s4+s3], $0x80, v4, vm0, $0xb8;
	[tilespmem:$0x10080] =	vst v63  }
0x147: {  	_ = 	snop  }
0x148: {  	[tilespmem:s12], [sflag:$0x1] =	stream.indirect_vreg.gather [hbm4b:s1+s3], $0x80, v3, vm0, $0xb8;
	[tilespmem:$0x10080] =	vst v63  }
0x149: {  	_ = 	snop  }
0x14a: {  	[tilespmem:s13], [sflag:$0x1] =	stream.indirect_vreg.gather [hbm4b:s4+s3], $0x80, v3, vm0, $0xb8;
	[tilespmem:$0x10080] =	vst v63  }
0x14b: {  	v3 =	vld [tilespmem:$0x30];
	_ =	sdelay $0x4  }
0x14c: {  	v51 =	vshll.u32 v3, $0x2  }
0x14d: {  	v3 =	vand.u32 $0x7, v3;
	v4 =	vand.u32 $0xFFFFFFE0, v51  }
0x14e: {  	v3 =	vor.u32 v3, v4  }
0x14f: {  	v4 =	vperm.xlane v3, v0;
	_ =	sdelay $0x1  }
0x150: {  	v4 =	vadd.s32 v1, v4;
	_ =	sdelay $0x1  }
0x151: {  	v3 =	vperm.xlane v3, v2;
	_ =	sdelay $0x1  }
0x152: {  	v3 =	vadd.s32 v1, v3  }
0x153: {  	[tilespmem:s17], [sflag:$0x1] =	stream.indirect_vreg.gather [hbm4b:s1+s3], $0x80, v4, vm0, $0xb8;
	[tilespmem:$0x10080] =	vst v63  }
0x154: {  	_ = 	snop  }
0x155: {  	[tilespmem:s18], [sflag:$0x1] =	stream.indirect_vreg.gather [hbm4b:s4+s3], $0x80, v4, vm0, $0xb8;
	[tilespmem:$0x10080] =	vst v63  }
0x156: {  	_ = 	snop  }
0x157: {  	[tilespmem:s19], [sflag:$0x1] =	stream.indirect_vreg.gather [hbm4b:s1+s3], $0x80, v3, vm0, $0xb8;
	[tilespmem:$0x10080] =	vst v63  }
0x158: {  	_ = 	snop  }
0x159: {  	[tilespmem:s20], [sflag:$0x1] =	stream.indirect_vreg.gather [hbm4b:s4+s3], $0x80, v3, vm0, $0xb8;
	[tilespmem:$0x10080] =	vst v63  }
0x15a: {  	v3 =	vld [tilespmem:$0x40];
	_ =	sdelay $0x4  }
0x15b: {  	v52 =	vshll.u32 v3, $0x2  }
0x15c: {  	v3 =	vand.u32 $0x7, v3;
	v4 =	vand.u32 $0xFFFFFFE0, v52  }
0x15d: {  	v3 =	vor.u32 v3, v4  }
0x15e: {  	v4 =	vperm.xlane v3, v0;
	_ =	sdelay $0x1  }
0x15f: {  	v4 =	vadd.s32 v1, v4;
	_ =	sdelay $0x1  }
0x160: {  	v3 =	vperm.xlane v3, v2;
	_ =	sdelay $0x1  }
0x161: {  	v3 =	vadd.s32 v1, v3  }
0x162: {  	[tilespmem:s0], [sflag:$0x1] =	stream.indirect_vreg.gather [hbm4b:s1+s3], $0x80, v4, vm0, $0xb8;
	[tilespmem:$0x10080] =	vst v63  }
0x163: {  	_ = 	snop  }
0x164: {  	[tilespmem:s2], [sflag:$0x1] =	stream.indirect_vreg.gather [hbm4b:s4+s3], $0x80, v4, vm0, $0xb8;
	[tilespmem:$0x10080] =	vst v63  }
0x165: {  	_ = 	snop  }
0x166: {  	[tilespmem:s7], [sflag:$0x1] =	stream.indirect_vreg.gather [hbm4b:s1+s3], $0x80, v3, vm0, $0xb8;
	[tilespmem:$0x10080] =	vst v63  }
0x167: {  	_ = 	snop  }
0x168: {  	[tilespmem:s11], [sflag:$0x1] =	stream.indirect_vreg.gather [hbm4b:s4+s3], $0x80, v3, vm0, $0xb8;
	[tilespmem:$0x10080] =	vst v63  }
0x169: {  	v3 =	vld [tilespmem:$0x50];
	_ =	sdelay $0x4  }
0x16a: {  	v53 =	vshll.u32 v3, $0x2  }
0x16b: {  	v3 =	vand.u32 $0x7, v3;
	v4 =	vand.u32 $0xFFFFFFE0, v53  }
0x16c: {  	v3 =	vor.u32 v3, v4  }
0x16d: {  	v4 =	vperm.xlane v3, v0;
	_ =	sdelay $0x1  }
0x16e: {  	v4 =	vadd.s32 v1, v4;
	_ =	sdelay $0x1  }
0x16f: {  	v3 =	vperm.xlane v3, v2;
	_ =	sdelay $0x1  }
0x170: {  	v3 =	vadd.s32 v1, v3  }
0x171: {  	[tilespmem:s8], [sflag:$0x1] =	stream.indirect_vreg.gather [hbm4b:s1+s3], $0x80, v4, vm0, $0xb8;
	[tilespmem:$0x10080] =	vst v63  }
0x172: {  	_ = 	snop  }
0x173: {  	[tilespmem:s9], [sflag:$0x1] =	stream.indirect_vreg.gather [hbm4b:s4+s3], $0x80, v4, vm0, $0xb8;
	[tilespmem:$0x10080] =	vst v63  }
0x174: {  	_ = 	snop  }
0x175: {  	[tilespmem:s10], [sflag:$0x1] =	stream.indirect_vreg.gather [hbm4b:s1+s3], $0x80, v3, vm0, $0xb8;
	[tilespmem:$0x10080] =	vst v63  }
0x176: {  	s26 =	simm.s32 $0xB880  }
0x177: {  	[tilespmem:s26], [sflag:$0x1] =	stream.indirect_vreg.gather [hbm4b:s4+s3], $0x80, v3, vm0, $0xb8;
	[tilespmem:$0x10080] =	vst v63  }
0x178: {  	v3 =	vld [tilespmem:$0x60];
	_ =	sdelay $0x4  }
0x179: {  	v54 =	vshll.u32 v3, $0x2  }
0x17a: {  	v3 =	vand.u32 $0x7, v3;
	v4 =	vand.u32 $0xFFFFFFE0, v54  }
0x17b: {  	v3 =	vor.u32 v3, v4  }
0x17c: {  	v4 =	vperm.xlane v3, v0;
	_ =	sdelay $0x1  }
0x17d: {  	v4 =	vadd.s32 v1, v4;
	_ =	sdelay $0x1  }
0x17e: {  	v3 =	vperm.xlane v3, v2;
	_ =	sdelay $0x1  }
0x17f: {  	s31 =	simm.s32 $0xC080;
	v3 =	vadd.s32 v1, v3  }
0x180: {  	[tilespmem:s31], [sflag:$0x1] =	stream.indirect_vreg.gather [hbm4b:s1+s3], $0x80, v4, vm0, $0xb8;
	[tilespmem:$0x10080] =	vst v63  }
0x181: {  	s24 =	simm.s32 $0xC880  }
0x182: {  	[tilespmem:s24], [sflag:$0x1] =	stream.indirect_vreg.gather [hbm4b:s4+s3], $0x80, v4, vm0, $0xb8;
	[tilespmem:$0x10080] =	vst v63  }
0x183: {  	s23 =	simm.s32 $0xD080  }
0x184: {  	[tilespmem:s23], [sflag:$0x1] =	stream.indirect_vreg.gather [hbm4b:s1+s3], $0x80, v3, vm0, $0xb8;
	[tilespmem:$0x10080] =	vst v63  }
0x185: {  	s26 =	simm.s32 $0xD880  }
0x186: {  	[tilespmem:s26], [sflag:$0x1] =	stream.indirect_vreg.gather [hbm4b:s4+s3], $0x80, v3, vm0, $0xb8;
	[tilespmem:$0x10080] =	vst v63  }
0x187: {  	v3 =	vld [tilespmem:$0x70];
	_ =	sdelay $0x4  }
0x188: {  	v55 =	vshll.u32 v3, $0x2  }
0x189: {  	v3 =	vand.u32 $0x7, v3;
	v4 =	vand.u32 $0xFFFFFFE0, v55  }
0x18a: {  	v3 =	vor.u32 v3, v4  }
0x18b: {  	v4 =	vperm.xlane v3, v0;
	_ =	sdelay $0x1  }
0x18c: {  	v4 =	vadd.s32 v1, v4;
	_ =	sdelay $0x1  }
0x18d: {  	v3 =	vperm.xlane v3, v2;
	_ =	sdelay $0x1  }
0x18e: {  	s28 =	simm.s32 $0xE080;
	v3 =	vadd.s32 v1, v3  }
0x18f: {  	[tilespmem:s28], [sflag:$0x1] =	stream.indirect_vreg.gather [hbm4b:s1+s3], $0x80, v4, vm0, $0xb8;
	[tilespmem:$0x10080] =	vst v63  }
0x190: {  	s29 =	simm.s32 $0xE880  }
0x191: {  	[tilespmem:s29], [sflag:$0x1] =	stream.indirect_vreg.gather [hbm4b:s4+s3], $0x80, v4, vm0, $0xb8;
	[tilespmem:$0x10080] =	vst v63  }
0x192: {  	s30 =	simm.s32 $0xF080  }
0x193: {  	[tilespmem:s30], [sflag:$0x1] =	stream.indirect_vreg.gather [hbm4b:s1+s3], $0x80, v3, vm0, $0xb8;
	[tilespmem:$0x10080] =	vst v63  }
0x194: {  	s29 =	simm.s32 $0xF880  }
0x195: {  	[tilespmem:s29], [sflag:$0x1] =	stream.indirect_vreg.gather [hbm4b:s4+s3], $0x80, v3, vm0, $0xb8;
	[tilespmem:$0x10080] =	vst v63  }
0x196: {  	_ =	swait.ge [sflag:s14], $0x10000  }
0x197: {  	[sflag:s14] =	ssyncset.done $0x0  }
0x198: {  	s30 =	rddreg [dreg:$0x9];
	[sflag:s14] =	ssyncadd.s32 $0xFFFF0000  }
0x199: {  	[hbm4b:s30+s3] =	stream.linear.scatter [tilespmem:s25], [sflag:$0x2], $0x10000, $0x38;
	[tilespmem:$0x10080] =	vst v63  }
0x19a: {  	_ =	swait.ge [sflag:s6], $0x10000  }
0x19b: {  	[sflag:s6] =	ssyncset.done $0x0  }
0x19c: {  	s30 =	rddreg [dreg:$0xa];
	[sflag:s6] =	ssyncadd.s32 $0xFFFF0000  }
0x19d: {  	[tilespmem:s3], [sflag:$0x2] =	stream.linear.gather [hbm4b:s30+s3], $0x80, $0x38;
	[tilespmem:$0x10080] =	vst v63  }
0x19e: {  	_ =	swait.ge [sflag:s6], $0x80  }
0x19f: {  	[sflag:s6] =	ssyncset.done $0x0  }
0x1a0: {  	[sflag:s6] =	ssyncadd.s32 $0xFFFFFF80  }
0x1a1: {  	v3 =	vld [tilespmem:$0x0];
	_ =	sdelay $0x4  }
0x1a2: {  	v56 =	vshll.u32 v3, $0x2  }
0x1a3: {  	v3 =	vand.u32 $0x7, v3;
	v4 =	vand.u32 $0xFFFFFFE0, v56  }
0x1a4: {  	v3 =	vor.u32 v3, v4  }
0x1a5: {  	v4 =	vperm.xlane v3, v0;
	_ =	sdelay $0x1  }
0x1a6: {  	v4 =	vadd.s32 v1, v4;
	_ =	sdelay $0x1  }
0x1a7: {  	v3 =	vperm.xlane v3, v2;
	_ =	sdelay $0x1  }
0x1a8: {  	v3 =	vadd.s32 v1, v3  }
0x1a9: {  	[tilespmem:s25], [sflag:$0x1] =	stream.indirect_vreg.gather [hbm4b:s1+s3], $0x80, v4, vm0, $0xb8;
	[tilespmem:$0x10080] =	vst v63  }
0x1aa: {  	s22 =	simm.s32 $0x880  }
0x1ab: {  	[tilespmem:s22], [sflag:$0x1] =	stream.indirect_vreg.gather [hbm4b:s4+s3], $0x80, v4, vm0, $0xb8;
	[tilespmem:$0x10080] =	vst v63  }
0x1ac: {  	s30 =	simm.s32 $0x1080  }
0x1ad: {  	[tilespmem:s30], [sflag:$0x1] =	stream.indirect_vreg.gather [hbm4b:s1+s3], $0x80, v3, vm0, $0xb8;
	[tilespmem:$0x10080] =	vst v63  }
0x1ae: {  	s21 =	simm.s32 $0x1880  }
0x1af: {  	[tilespmem:s21], [sflag:$0x1] =	stream.indirect_vreg.gather [hbm4b:s4+s3], $0x80, v3, vm0, $0xb8;
	[tilespmem:$0x10080] =	vst v63  }
0x1b0: {  	v3 =	vld [tilespmem:$0x10];
	_ =	sdelay $0x4  }
0x1b1: {  	v57 =	vshll.u32 v3, $0x2  }
0x1b2: {  	v3 =	vand.u32 $0x7, v3;
	v4 =	vand.u32 $0xFFFFFFE0, v57  }
0x1b3: {  	v3 =	vor.u32 v3, v4  }
0x1b4: {  	v4 =	vperm.xlane v3, v0;
	_ =	sdelay $0x1  }
0x1b5: {  	v4 =	vadd.s32 v1, v4;
	_ =	sdelay $0x1  }
0x1b6: {  	v3 =	vperm.xlane v3, v2;
	_ =	sdelay $0x1  }
0x1b7: {  	s22 =	simm.s32 $0x2080;
	v3 =	vadd.s32 v1, v3  }
0x1b8: {  	[tilespmem:s22], [sflag:$0x1] =	stream.indirect_vreg.gather [hbm4b:s1+s3], $0x80, v4, vm0, $0xb8;
	[tilespmem:$0x10080] =	vst v63  }
0x1b9: {  	s30 =	simm.s32 $0x2880  }
0x1ba: {  	[tilespmem:s30], [sflag:$0x1] =	stream.indirect_vreg.gather [hbm4b:s4+s3], $0x80, v4, vm0, $0xb8;
	[tilespmem:$0x10080] =	vst v63  }
0x1bb: {  	s21 =	simm.s32 $0x3080  }
0x1bc: {  	[tilespmem:s21], [sflag:$0x1] =	stream.indirect_vreg.gather [hbm4b:s1+s3], $0x80, v3, vm0, $0xb8;
	[tilespmem:$0x10080] =	vst v63  }
0x1bd: {  	s22 =	simm.s32 $0x3880  }
0x1be: {  	[tilespmem:s22], [sflag:$0x1] =	stream.indirect_vreg.gather [hbm4b:s4+s3], $0x80, v3, vm0, $0xb8;
	[tilespmem:$0x10080] =	vst v63  }
0x1bf: {  	v3 =	vld [tilespmem:$0x20];
	_ =	sdelay $0x4  }
0x1c0: {  	v58 =	vshll.u32 v3, $0x2  }
0x1c1: {  	v3 =	vand.u32 $0x7, v3;
	v4 =	vand.u32 $0xFFFFFFE0, v58  }
0x1c2: {  	v3 =	vor.u32 v3, v4  }
0x1c3: {  	v4 =	vperm.xlane v3, v0;
	_ =	sdelay $0x1  }
0x1c4: {  	v4 =	vadd.s32 v1, v4;
	_ =	sdelay $0x1  }
0x1c5: {  	v3 =	vperm.xlane v3, v2;
	_ =	sdelay $0x1  }
0x1c6: {  	s30 =	simm.s32 $0x4080;
	v3 =	vadd.s32 v1, v3  }
0x1c7: {  	[tilespmem:s30], [sflag:$0x1] =	stream.indirect_vreg.gather [hbm4b:s1+s3], $0x80, v4, vm0, $0xb8;
	[tilespmem:$0x10080] =	vst v63  }
0x1c8: {  	s16 =	simm.s32 $0x4880  }
0x1c9: {  	[tilespmem:s16], [sflag:$0x1] =	stream.indirect_vreg.gather [hbm4b:s4+s3], $0x80, v4, vm0, $0xb8;
	[tilespmem:$0x10080] =	vst v63  }
0x1ca: {  	s12 =	simm.s32 $0x5080  }
0x1cb: {  	[tilespmem:s12], [sflag:$0x1] =	stream.indirect_vreg.gather [hbm4b:s1+s3], $0x80, v3, vm0, $0xb8;
	[tilespmem:$0x10080] =	vst v63  }
0x1cc: {  	s13 =	simm.s32 $0x5880  }
0x1cd: {  	[tilespmem:s13], [sflag:$0x1] =	stream.indirect_vreg.gather [hbm4b:s4+s3], $0x80, v3, vm0, $0xb8;
	[tilespmem:$0x10080] =	vst v63  }
0x1ce: {  	v3 =	vld [tilespmem:$0x30];
	_ =	sdelay $0x4  }
0x1cf: {  	v59 =	vshll.u32 v3, $0x2  }
0x1d0: {  	v3 =	vand.u32 $0x7, v3;
	v4 =	vand.u32 $0xFFFFFFE0, v59  }
0x1d1: {  	v3 =	vor.u32 v3, v4  }
0x1d2: {  	v4 =	vperm.xlane v3, v0;
	_ =	sdelay $0x1  }
0x1d3: {  	v4 =	vadd.s32 v1, v4;
	_ =	sdelay $0x1  }
0x1d4: {  	v3 =	vperm.xlane v3, v2;
	_ =	sdelay $0x1  }
0x1d5: {  	s17 =	simm.s32 $0x6080;
	v3 =	vadd.s32 v1, v3  }
0x1d6: {  	[tilespmem:s17], [sflag:$0x1] =	stream.indirect_vreg.gather [hbm4b:s1+s3], $0x80, v4, vm0, $0xb8;
	[tilespmem:$0x10080] =	vst v63  }
0x1d7: {  	s18 =	simm.s32 $0x6880  }
0x1d8: {  	[tilespmem:s18], [sflag:$0x1] =	stream.indirect_vreg.gather [hbm4b:s4+s3], $0x80, v4, vm0, $0xb8;
	[tilespmem:$0x10080] =	vst v63  }
0x1d9: {  	s19 =	simm.s32 $0x7080  }
0x1da: {  	[tilespmem:s19], [sflag:$0x1] =	stream.indirect_vreg.gather [hbm4b:s1+s3], $0x80, v3, vm0, $0xb8;
	[tilespmem:$0x10080] =	vst v63  }
0x1db: {  	s20 =	simm.s32 $0x7880  }
0x1dc: {  	[tilespmem:s20], [sflag:$0x1] =	stream.indirect_vreg.gather [hbm4b:s4+s3], $0x80, v3, vm0, $0xb8;
	[tilespmem:$0x10080] =	vst v63  }
0x1dd: {  	v3 =	vld [tilespmem:$0x40];
	_ =	sdelay $0x4  }
0x1de: {  	v60 =	vshll.u32 v3, $0x2  }
0x1df: {  	v3 =	vand.u32 $0x7, v3;
	v4 =	vand.u32 $0xFFFFFFE0, v60  }
0x1e0: {  	v3 =	vor.u32 v3, v4  }
0x1e1: {  	v4 =	vperm.xlane v3, v0;
	_ =	sdelay $0x1  }
0x1e2: {  	v4 =	vadd.s32 v1, v4;
	_ =	sdelay $0x1  }
0x1e3: {  	v3 =	vperm.xlane v3, v2;
	_ =	sdelay $0x1  }
0x1e4: {  	s0 =	simm.s32 $0x8080;
	v3 =	vadd.s32 v1, v3  }
0x1e5: {  	[tilespmem:s0], [sflag:$0x1] =	stream.indirect_vreg.gather [hbm4b:s1+s3], $0x80, v4, vm0, $0xb8;
	[tilespmem:$0x10080] =	vst v63  }
0x1e6: {  	s2 =	simm.s32 $0x8880  }
0x1e7: {  	[tilespmem:s2], [sflag:$0x1] =	stream.indirect_vreg.gather [hbm4b:s4+s3], $0x80, v4, vm0, $0xb8;
	[tilespmem:$0x10080] =	vst v63  }
0x1e8: {  	s7 =	simm.s32 $0x9080  }
0x1e9: {  	[tilespmem:s7], [sflag:$0x1] =	stream.indirect_vreg.gather [hbm4b:s1+s3], $0x80, v3, vm0, $0xb8;
	[tilespmem:$0x10080] =	vst v63  }
0x1ea: {  	s11 =	simm.s32 $0x9880  }
0x1eb: {  	[tilespmem:s11], [sflag:$0x1] =	stream.indirect_vreg.gather [hbm4b:s4+s3], $0x80, v3, vm0, $0xb8;
	[tilespmem:$0x10080] =	vst v63  }
0x1ec: {  	v3 =	vld [tilespmem:$0x50];
	_ =	sdelay $0x4  }
0x1ed: {  	v61 =	vshll.u32 v3, $0x2  }
0x1ee: {  	v3 =	vand.u32 $0x7, v3;
	v4 =	vand.u32 $0xFFFFFFE0, v61  }
0x1ef: {  	v3 =	vor.u32 v3, v4  }
0x1f0: {  	v4 =	vperm.xlane v3, v0;
	_ =	sdelay $0x1  }
0x1f1: {  	v4 =	vadd.s32 v1, v4;
	_ =	sdelay $0x1  }
0x1f2: {  	v3 =	vperm.xlane v3, v2;
	_ =	sdelay $0x1  }
0x1f3: {  	s8 =	simm.s32 $0xA080;
	v3 =	vadd.s32 v1, v3  }
0x1f4: {  	[tilespmem:s8], [sflag:$0x1] =	stream.indirect_vreg.gather [hbm4b:s1+s3], $0x80, v4, vm0, $0xb8;
	[tilespmem:$0x10080] =	vst v63  }
0x1f5: {  	s9 =	simm.s32 $0xA880  }
0x1f6: {  	[tilespmem:s9], [sflag:$0x1] =	stream.indirect_vreg.gather [hbm4b:s4+s3], $0x80, v4, vm0, $0xb8;
	[tilespmem:$0x10080] =	vst v63  }
0x1f7: {  	s10 =	simm.s32 $0xB080  }
0x1f8: {  	[tilespmem:s10], [sflag:$0x1] =	stream.indirect_vreg.gather [hbm4b:s1+s3], $0x80, v3, vm0, $0xb8;
	[tilespmem:$0x10080] =	vst v63  }
0x1f9: {  	s21 =	simm.s32 $0xB880  }
0x1fa: {  	[tilespmem:s21], [sflag:$0x1] =	stream.indirect_vreg.gather [hbm4b:s4+s3], $0x80, v3, vm0, $0xb8;
	[tilespmem:$0x10080] =	vst v63  }
0x1fb: {  	v3 =	vld [tilespmem:$0x60];
	_ =	sdelay $0x4  }
0x1fc: {  	v62 =	vshll.u32 v3, $0x2  }
0x1fd: {  	v3 =	vand.u32 $0x7, v3;
	v4 =	vand.u32 $0xFFFFFFE0, v62  }
0x1fe: {  	v3 =	vor.u32 v3, v4  }
0x1ff: {  	v4 =	vperm.xlane v3, v0;
	_ =	sdelay $0x1  }
0x200: {  	v4 =	vadd.s32 v1, v4;
	_ =	sdelay $0x1  }
0x201: {  	v3 =	vperm.xlane v3, v2;
	_ =	sdelay $0x1  }
0x202: {  	s31 =	simm.s32 $0xC080;
	v3 =	vadd.s32 v1, v3  }
0x203: {  	[tilespmem:s31], [sflag:$0x1] =	stream.indirect_vreg.gather [hbm4b:s1+s3], $0x80, v4, vm0, $0xb8;
	[tilespmem:$0x10080] =	vst v63  }
0x204: {  	s22 =	simm.s32 $0xC880  }
0x205: {  	[tilespmem:s22], [sflag:$0x1] =	stream.indirect_vreg.gather [hbm4b:s4+s3], $0x80, v4, vm0, $0xb8;
	[tilespmem:$0x10080] =	vst v63  }
0x206: {  	s24 =	simm.s32 $0xD080  }
0x207: {  	[tilespmem:s24], [sflag:$0x1] =	stream.indirect_vreg.gather [hbm4b:s1+s3], $0x80, v3, vm0, $0xb8;
	[tilespmem:$0x10080] =	vst v63  }
0x208: {  	s30 =	simm.s32 $0xD880  }
0x209: {  	[tilespmem:s30], [sflag:$0x1] =	stream.indirect_vreg.gather [hbm4b:s4+s3], $0x80, v3, vm0, $0xb8;
	[tilespmem:$0x10080] =	vst v63  }
0x20a: {  	v3 =	vld [tilespmem:$0x70];
	_ =	sdelay $0x4  }
0x20b: {  	v63 =	vshll.u32 v3, $0x2  }
0x20c: {  	v3 =	vand.u32 $0x7, v3;
	v4 =	vand.u32 $0xFFFFFFE0, v63  }
0x20d: {  	v3 =	vor.u32 v3, v4  }
0x20e: {  	v4 =	vperm.xlane v3, v0;
	_ =	sdelay $0x1  }
0x20f: {  	v4 =	vadd.s32 v1, v4;
	_ =	sdelay $0x1  }
0x210: {  	v3 =	vperm.xlane v3, v2;
	_ =	sdelay $0x1  }
0x211: {  	s23 =	simm.s32 $0xE080;
	v3 =	vadd.s32 v1, v3  }
0x212: {  	[tilespmem:s23], [sflag:$0x1] =	stream.indirect_vreg.gather [hbm4b:s1+s3], $0x80, v4, vm0, $0xb8;
	[tilespmem:$0x10080] =	vst v63  }
0x213: {  	s26 =	simm.s32 $0xE880  }
0x214: {  	[tilespmem:s26], [sflag:$0x1] =	stream.indirect_vreg.gather [hbm4b:s4+s3], $0x80, v4, vm0, $0xb8;
	[tilespmem:$0x10080] =	vst v63  }
0x215: {  	s28 =	simm.s32 $0xF080  }
0x216: {  	[tilespmem:s28], [sflag:$0x1] =	stream.indirect_vreg.gather [hbm4b:s1+s3], $0x80, v3, vm0, $0xb8;
	[tilespmem:$0x10080] =	vst v63  }
0x217: {  	s29 =	simm.s32 $0xF880  }
0x218: {  	[tilespmem:s29], [sflag:$0x1] =	stream.indirect_vreg.gather [hbm4b:s4+s3], $0x80, v3, vm0, $0xb8;
	[tilespmem:$0x10080] =	vst v63  }
0x219: {  	_ =	swait.ge [sflag:s14], $0x10000  }
0x21a: {  	p0 =	sne.s32 s5, $0x1;
	[sflag:s14] =	ssyncset.done $0x0  }
.Ltmp0:
0x21b: {  	s31 =	rddreg [dreg:$0xb];
	[sflag:s14] =	ssyncadd.s32 $0xFFFF0000;
	(pc) =	sbr.rel @p0 .LBB2_1-.Ltmp0, $4  }
0x21c: {  	[hbm4b:s31+s3] =	stream.linear.scatter [tilespmem:s25], [sflag:$0x2], $0x10000, $0x38;
	[tilespmem:$0x10080] =	vst v63  }
0x21d: {  	_ =	swait.ge [sflag:s6], $0x10000  }
0x21e: {  	[sflag:s6] =	ssyncset.done $0x0  }
0x21f: {  	s5 =	sadd.s32 $0xFFFFFFFF, s5;
	[sflag:s6] =	ssyncadd.s32 $0xFFFF0000  }
0x220: {  	_ =	sfence.sel $0x180000  }
0x221: {  	[bflag:$0x0] =	sbarrier.arrive $0xFFFF  }
0x222: {  	_ =	strace $0x90000047  }
0x223: {  	s0 =	stileid.u32;
	[bflag:$0x2] =	sbarrier.arrive $0xFFFF  }
0x224: {  	p0 =	sne.s32 s0, $0x0;
	s0 =	rddreg [dreg:$0x3]  }
0x225: {  	s0 =	sadd.s32 @!p0 $0x100000, s0  }
0x226: {  	[sflag:s0] =	ssyncadd.tile.s32 @!p0 $0x1;
	_ =	shalt  }
.Lfunc_end2:
_tile_overlayer_lowered:
.L_overlay_start_2:
0x227: {  	(tag) =	ssettag $0x2  }
0x228: {  	s0 =	rddreg [dreg:$0x0];
	s2 =	stileid.u32  }
0x229: {  	s1 =	rddreg [dreg:$0x1];
	p0 =	sne.s32 s2, $0x0  }
0x22a: {  	s3 =	rddreg [dreg:$0x2];
	[bflag:$0x3] =	sbarrier.arrive $0xFFFF;
	s2 =	simm.s32 @!p0 $0x1C02  }
0x22b: {  	[timem:s3], [sflag:s2] =	dma.local @!p0 [hbm:s0], s1  }
0x22c: {  	s0 =	simm.s32 @!p0 $0x2  }
0x22d: {  	_ =	swait.ge @!p0 [sflag:s0], s1  }
0x22e: {  	s1 =	ssub.s32 @!p0 $0x0, s1;
	[sflag:s0] =	ssyncset.done @!p0 $0x0  }
0x22f: {  	[sflag:s0] =	ssyncadd.s32 @!p0 s1  }
0x230: {  	[bflag:$0x3] =	sbarrier.arrive $0xFFFF  }
0x231: {  	_ =	shalt  }

</sc_bundles>
